<compile_context>
chip_gen: v7x
topology: tpu7x:2x2x1
jax: 0.10.2.dev20260603
libtpu: 0.0.44.dev20260713+nightly
codegen_flags: <defaults>
</compile_context>

<pallas_src>
import functools

import jax
import jax.numpy as jnp
from jax import lax
from jax.experimental import pallas as pl
from jax.experimental.pallas import tpu as pltpu
from jax.experimental.pallas import tpu_sc as plsc

VOCAB = 1000
VPAD = 1024
BATCH = 4096
BLOCK = 8
N = BATCH * BLOCK
NC = 2
NS = 16
NW = NC * NS
ROWS_PER_W = N // NW
CHUNK = 16
NCHUNK = ROWS_PER_W // CHUNK
NBUF = 6

_mesh = plsc.VectorSubcoreMesh(core_axis_name="c", subcore_axis_name="s")


@functools.partial(
    pl.kernel,
    mesh=_mesh,
    out_type=jax.ShapeDtypeStruct((N, VPAD), jnp.float32),
    scratch_types=[
        pltpu.VMEM((ROWS_PER_W,), jnp.int32),
        pltpu.VMEM((CHUNK, VPAD), jnp.float32),
        pltpu.VMEM((CHUNK, VPAD), jnp.float32),
        pltpu.VMEM((CHUNK, VPAD), jnp.float32),
        pltpu.VMEM((CHUNK, VPAD), jnp.float32),
        pltpu.VMEM((CHUNK, VPAD), jnp.float32),
        pltpu.VMEM((CHUNK, VPAD), jnp.float32),
        pltpu.SemaphoreType.DMA,
        pltpu.SemaphoreType.DMA,
        pltpu.SemaphoreType.DMA,
        pltpu.SemaphoreType.DMA,
        pltpu.SemaphoreType.DMA,
        pltpu.SemaphoreType.DMA,
        pltpu.SemaphoreType.DMA,
        pltpu.SemaphoreType.DMA,
        pltpu.SemaphoreType.DMA,
        pltpu.SemaphoreType.DMA,
        pltpu.SemaphoreType.DMA,
        pltpu.SemaphoreType.DMA,
    ],
)
def _gather_kernel(
    w_hbm, idx_hbm, out_hbm, idx_v,
    b0, b1, b2, b3, b4, b5,
    gs0, gs1, gs2, gs3, gs4, gs5,
    ss0, ss1, ss2, ss3, ss4, ss5,
):
    wid = lax.axis_index("s") * NC + lax.axis_index("c")
    base = wid * ROWS_PER_W
    pltpu.sync_copy(idx_hbm.at[pl.ds(wid * ROWS_PER_W, ROWS_PER_W)], idx_v)
    bufs = (b0, b1, b2, b3, b4, b5)
    gsems = (gs0, gs1, gs2, gs3, gs4, gs5)
    ssems = (ss0, ss1, ss2, ss3, ss4, ss5)

    def gather(j):
        slot = j % NBUF
        return pltpu.async_copy(
            w_hbm.at[idx_v.at[pl.ds(j * CHUNK, CHUNK)]], bufs[slot], gsems[slot]
        )

    def scatter(j):
        slot = j % NBUF
        return pltpu.async_copy(
            bufs[slot], out_hbm.at[pl.ds(base + j * CHUNK, CHUNK)], ssems[slot]
        )

    g = [None] * NCHUNK
    s = [None] * NCHUNK
    waited = [False] * NCHUNK
    for j in range(min(NBUF - 1, NCHUNK)):
        g[j] = gather(j)
    for j in range(NCHUNK):
        if j + NBUF - 1 < NCHUNK:
            if j >= 1:
                s[j - 1].wait()
                waited[j - 1] = True
            g[j + NBUF - 1] = gather(j + NBUF - 1)
        g[j].wait()
        s[j] = scatter(j)
    for j in range(NCHUNK):
        if not waited[j]:
            s[j].wait()


def kernel(idx, W):
    w_pad = jnp.pad(W, ((0, 0), (0, VPAD - VOCAB)))
    flat = idx.reshape(N).astype(jnp.int32)
    out = _gather_kernel(w_pad, flat)
    return out[:, :VOCAB].reshape(BATCH, BLOCK, VOCAB)

# --- scband reference (transcript-rebuilt; emitter-appended) ---
"""Pipeline reference for scband-bigram-language-model-12283606468093 (READ-ONLY COPY).

The authoritative reference and input builder live on the scoring server;
editing this copy changes nothing except your own understanding.
"""

import jax, jax.numpy as jnp
import numpy as np

VOCAB_SIZE = 1000
BATCH = 4096
BLOCK_SIZE = 8

def setup_inputs(seed: int = 0) -> dict:
    key = jax.random.key(seed)
    k_idx, k_w = jax.random.split(key)
    idx = jax.random.randint(k_idx, (BATCH, BLOCK_SIZE), 0, VOCAB_SIZE, dtype=jnp.int64 if jax.config.jax_enable_x64 else jnp.int32)
    # Embedding table: [vocab_size, vocab_size] (output_dim == vocab_size in bigram LM)
    W = jax.random.normal(k_w, (VOCAB_SIZE, VOCAB_SIZE), dtype=jnp.float32) * 0.05
    return {"idx": idx, "W": W}

def reference(idx, W):
    # Bigram LM forward (targets=None branch): logits = embedding lookup
    # logits: [batch, block_size, vocab_size]
    logits = jnp.take(W, idx, axis=0)
    return logits

if __name__ == "__main__":
    import jax
    _d = setup_inputs()
    print(jax.jit(kernel)(*tuple(_d.values())))

</pallas_src>

<mosaic_0001>
#map = affine_map<(d0, d1) -> (0, 0)>
#map1 = affine_map<(d0, d1) -> (0)>
module attributes {stable_mosaic.version = 14 : i64} {
  func.func @_gather_kernel(%arg0: i32, %arg1: i32, %arg2: memref<1000x1024xf32, #tpu.memory_space<hbm>>, %arg3: memref<32768xi32, #tpu.memory_space<hbm>>, %arg4: memref<32768x1024xf32, #tpu.memory_space<hbm>>, %arg5: memref<1024xi32, #tpu.memory_space<vmem>>, %arg6: memref<16x1024xf32, #tpu.memory_space<vmem>>, %arg7: memref<16x1024xf32, #tpu.memory_space<vmem>>, %arg8: memref<16x1024xf32, #tpu.memory_space<vmem>>, %arg9: memref<16x1024xf32, #tpu.memory_space<vmem>>, %arg10: memref<16x1024xf32, #tpu.memory_space<vmem>>, %arg11: memref<16x1024xf32, #tpu.memory_space<vmem>>, %arg12: memref<!tpu.dma_semaphore, #tpu.memory_space<semaphore_mem>>, %arg13: memref<!tpu.dma_semaphore, #tpu.memory_space<semaphore_mem>>, %arg14: memref<!tpu.dma_semaphore, #tpu.memory_space<semaphore_mem>>, %arg15: memref<!tpu.dma_semaphore, #tpu.memory_space<semaphore_mem>>, %arg16: memref<!tpu.dma_semaphore, #tpu.memory_space<semaphore_mem>>, %arg17: memref<!tpu.dma_semaphore, #tpu.memory_space<semaphore_mem>>, %arg18: memref<!tpu.dma_semaphore, #tpu.memory_space<semaphore_mem>>, %arg19: memref<!tpu.dma_semaphore, #tpu.memory_space<semaphore_mem>>, %arg20: memref<!tpu.dma_semaphore, #tpu.memory_space<semaphore_mem>>, %arg21: memref<!tpu.dma_semaphore, #tpu.memory_space<semaphore_mem>>, %arg22: memref<!tpu.dma_semaphore, #tpu.memory_space<semaphore_mem>>, %arg23: memref<!tpu.dma_semaphore, #tpu.memory_space<semaphore_mem>>) attributes {dimension_semantics = [#tpu.dimension_semantics<core_parallel>, #tpu.dimension_semantics<subcore_parallel>], iteration_bounds = array<i64: 2, 16>, scalar_prefetch = 0 : i64, scratch_operands = 19 : i64, tpu.core_type = #tpu.core_type<sc_vector_subcore>, window_params = [{transform_indices = #map}, {transform_indices = #map1}, {transform_indices = #map}]} {
    %mul3A = arith.constant 2 : i32
    %mul3A_0 = arith.muli %arg1, %mul3A : i32
    %add3A = arith.addi %mul3A_0, %arg0 : i32
    %mul3A_1 = arith.constant 1024 : i32
    %mul3A_2 = arith.muli %add3A, %mul3A_1 : i32
    %mul3A_3 = arith.constant 1024 : i32
    %mul3A_4 = arith.muli %add3A, %mul3A_3 : i32
    "tpu.region"() ({
      %run_scoped3A = tpu.sem_alloc : memref<!tpu.dma_semaphore, #tpu.memory_space<semaphore_mem>>
      %dma_start3A_1283 = tpu.memref_slice %arg3[%mul3A_4] : memref<32768xi32, #tpu.memory_space<hbm>> -> memref<1024xi32, #tpu.memory_space<hbm>>
      %dma_start3A_1284 = tpu.memref_slice %arg3[%mul3A_4] : memref<32768xi32, #tpu.memory_space<hbm>> -> memref<1024xi32, #tpu.memory_space<hbm>>
      tpu.enqueue_dma source(%dma_start3A_1284 : memref<1024xi32, #tpu.memory_space<hbm>>) target(%arg5 : memref<1024xi32, #tpu.memory_space<vmem>>) target_semaphore(%run_scoped3A : memref<!tpu.dma_semaphore, #tpu.memory_space<semaphore_mem>>)
      %dma_wait3A_1285 = tpu.memref_slice %arg3[%mul3A_4] : memref<32768xi32, #tpu.memory_space<hbm>> -> memref<1024xi32, #tpu.memory_space<hbm>>
      %dma_wait3A_1286 = tpu.memref_slice %arg3[%mul3A_4] : memref<32768xi32, #tpu.memory_space<hbm>> -> memref<1024xi32, #tpu.memory_space<hbm>>
      tpu.wait_dma2 semaphore(%run_scoped3A : memref<!tpu.dma_semaphore, #tpu.memory_space<semaphore_mem>>) src(%dma_wait3A_1286 : memref<1024xi32, #tpu.memory_space<hbm>>) dst(%arg5 : memref<1024xi32, #tpu.memory_space<vmem>>)
      tpu.yield
    }) : () -> ()
    %dma_start3A = arith.constant 0 : i32
    %dma_start3A_5 = tpu.memref_slice %arg5[%dma_start3A] : memref<1024xi32, #tpu.memory_space<vmem>> -> memref<16xi32, #tpu.memory_space<vmem>>
    %dma_start3A_6 = arith.constant 0 : i32
    %dma_start3A_7 = arith.constant 0 : i32
    %dma_start3A_8 = tpu.memref_slice %arg2[%dma_start3A_6, %dma_start3A_7] : memref<1000x1024xf32, #tpu.memory_space<hbm>> -> memref<1000x1024xf32, #tpu.memory_space<hbm>>
    tpu.enqueue_indirect_dma source(%dma_start3A_8 : memref<1000x1024xf32, #tpu.memory_space<hbm>>) target(%arg6 : memref<16x1024xf32, #tpu.memory_space<vmem>>) offsets(%dma_start3A_5 : memref<16xi32, #tpu.memory_space<vmem>>) semaphore(%arg12 : memref<!tpu.dma_semaphore, #tpu.memory_space<semaphore_mem>>)
    %dma_start3A_9 = arith.constant 16 : i32
    %dma_start3A_10 = tpu.memref_slice %arg5[%dma_start3A_9] : memref<1024xi32, #tpu.memory_space<vmem>> -> memref<16xi32, #tpu.memory_space<vmem>>
    %dma_start3A_11 = arith.constant 0 : i32
    %dma_start3A_12 = arith.constant 0 : i32
    %dma_start3A_13 = tpu.memref_slice %arg2[%dma_start3A_11, %dma_start3A_12] : memref<1000x1024xf32, #tpu.memory_space<hbm>> -> memref<1000x1024xf32, #tpu.memory_space<hbm>>
    tpu.enqueue_indirect_dma source(%dma_start3A_13 : memref<1000x1024xf32, #tpu.memory_space<hbm>>) target(%arg7 : memref<16x1024xf32, #tpu.memory_space<vmem>>) offsets(%dma_start3A_10 : memref<16xi32, #tpu.memory_space<vmem>>) semaphore(%arg13 : memref<!tpu.dma_semaphore, #tpu.memory_space<semaphore_mem>>)
    %dma_start3A_14 = arith.constant 32 : i32
    %dma_start3A_15 = tpu.memref_slice %arg5[%dma_start3A_14] : memref<1024xi32, #tpu.memory_space<vmem>> -> memref<16xi32, #tpu.memory_space<vmem>>
    %dma_start3A_16 = arith.constant 0 : i32
    %dma_start3A_17 = arith.constant 0 : i32
    %dma_start3A_18 = tpu.memref_slice %arg2[%dma_start3A_16, %dma_start3A_17] : memref<1000x1024xf32, #tpu.memory_space<hbm>> -> memref<1000x1024xf32, #tpu.memory_space<hbm>>
    tpu.enqueue_indirect_dma source(%dma_start3A_18 : memref<1000x1024xf32, #tpu.memory_space<hbm>>) target(%arg8 : memref<16x1024xf32, #tpu.memory_space<vmem>>) offsets(%dma_start3A_15 : memref<16xi32, #tpu.memory_space<vmem>>) semaphore(%arg14 : memref<!tpu.dma_semaphore, #tpu.memory_space<semaphore_mem>>)
    %dma_start3A_19 = arith.constant 48 : i32
    %dma_start3A_20 = tpu.memref_slice %arg5[%dma_start3A_19] : memref<1024xi32, #tpu.memory_space<vmem>> -> memref<16xi32, #tpu.memory_space<vmem>>
    %dma_start3A_21 = arith.constant 0 : i32
    %dma_start3A_22 = arith.constant 0 : i32
    %dma_start3A_23 = tpu.memref_slice %arg2[%dma_start3A_21, %dma_start3A_22] : memref<1000x1024xf32, #tpu.memory_space<hbm>> -> memref<1000x1024xf32, #tpu.memory_space<hbm>>
    tpu.enqueue_indirect_dma source(%dma_start3A_23 : memref<1000x1024xf32, #tpu.memory_space<hbm>>) target(%arg9 : memref<16x1024xf32, #tpu.memory_space<vmem>>) offsets(%dma_start3A_20 : memref<16xi32, #tpu.memory_space<vmem>>) semaphore(%arg15 : memref<!tpu.dma_semaphore, #tpu.memory_space<semaphore_mem>>)
    %dma_start3A_24 = arith.constant 64 : i32
    %dma_start3A_25 = tpu.memref_slice %arg5[%dma_start3A_24] : memref<1024xi32, #tpu.memory_space<vmem>> -> memref<16xi32, #tpu.memory_space<vmem>>
    %dma_start3A_26 = arith.constant 0 : i32
    %dma_start3A_27 = arith.constant 0 : i32
    %dma_start3A_28 = tpu.memref_slice %arg2[%dma_start3A_26, %dma_start3A_27] : memref<1000x1024xf32, #tpu.memory_space<hbm>> -> memref<1000x1024xf32, #tpu.memory_space<hbm>>
    tpu.enqueue_indirect_dma source(%dma_start3A_28 : memref<1000x1024xf32, #tpu.memory_space<hbm>>) target(%arg10 : memref<16x1024xf32, #tpu.memory_space<vmem>>) offsets(%dma_start3A_25 : memref<16xi32, #tpu.memory_space<vmem>>) semaphore(%arg16 : memref<!tpu.dma_semaphore, #tpu.memory_space<semaphore_mem>>)
    %dma_start3A_29 = arith.constant 80 : i32
    %dma_start3A_30 = tpu.memref_slice %arg5[%dma_start3A_29] : memref<1024xi32, #tpu.memory_space<vmem>> -> memref<16xi32, #tpu.memory_space<vmem>>
    %dma_start3A_31 = arith.constant 0 : i32
    %dma_start3A_32 = arith.constant 0 : i32
    %dma_start3A_33 = tpu.memref_slice %arg2[%dma_start3A_31, %dma_start3A_32] : memref<1000x1024xf32, #tpu.memory_space<hbm>> -> memref<1000x1024xf32, #tpu.memory_space<hbm>>
    tpu.enqueue_indirect_dma source(%dma_start3A_33 : memref<1000x1024xf32, #tpu.memory_space<hbm>>) target(%arg11 : memref<16x1024xf32, #tpu.memory_space<vmem>>) offsets(%dma_start3A_30 : memref<16xi32, #tpu.memory_space<vmem>>) semaphore(%arg17 : memref<!tpu.dma_semaphore, #tpu.memory_space<semaphore_mem>>)
    %dma_wait3A = arith.constant 0 : i32
    %dma_wait3A_34 = tpu.memref_slice %arg5[%dma_wait3A] : memref<1024xi32, #tpu.memory_space<vmem>> -> memref<16xi32, #tpu.memory_space<vmem>>
    %dma_wait3A_35 = arith.constant 0 : i32
    %dma_wait3A_36 = arith.constant 0 : i32
    %dma_wait3A_37 = tpu.memref_slice %arg2[%dma_wait3A_35, %dma_wait3A_36] : memref<1000x1024xf32, #tpu.memory_space<hbm>> -> memref<1000x1024xf32, #tpu.memory_space<hbm>>
    tpu.wait_indirect_dma semaphore(%arg12 : memref<!tpu.dma_semaphore, #tpu.memory_space<semaphore_mem>>) src(%dma_wait3A_37 : memref<1000x1024xf32, #tpu.memory_space<hbm>>) dst(%arg6 : memref<16x1024xf32, #tpu.memory_space<vmem>>)
    %add3A_38 = arith.constant 0 : i32
    %add3A_39 = arith.addi %mul3A_2, %add3A_38 : i32
    %dma_start3A_40 = arith.constant 0 : i32
    %dma_start3A_41 = tpu.memref_slice %arg4[%add3A_39, %dma_start3A_40] : memref<32768x1024xf32, #tpu.memory_space<hbm>> -> memref<16x1024xf32, #tpu.memory_space<hbm>>
    %dma_start3A_42 = arith.constant 0 : i32
    %dma_start3A_43 = tpu.memref_slice %arg4[%add3A_39, %dma_start3A_42] : memref<32768x1024xf32, #tpu.memory_space<hbm>> -> memref<16x1024xf32, #tpu.memory_space<hbm>>
    tpu.enqueue_dma source(%arg6 : memref<16x1024xf32, #tpu.memory_space<vmem>>) target(%dma_start3A_43 : memref<16x1024xf32, #tpu.memory_space<hbm>>) target_semaphore(%arg18 : memref<!tpu.dma_semaphore, #tpu.memory_space<semaphore_mem>>)
    %dma_wait3A_44 = arith.constant 0 : i32
    %dma_wait3A_45 = tpu.memref_slice %arg4[%add3A_39, %dma_wait3A_44] : memref<32768x1024xf32, #tpu.memory_space<hbm>> -> memref<16x1024xf32, #tpu.memory_space<hbm>>
    %dma_wait3A_46 = arith.constant 0 : i32
    %dma_wait3A_47 = tpu.memref_slice %arg4[%add3A_39, %dma_wait3A_46] : memref<32768x1024xf32, #tpu.memory_space<hbm>> -> memref<16x1024xf32, #tpu.memory_space<hbm>>
    tpu.wait_dma2 semaphore(%arg18 : memref<!tpu.dma_semaphore, #tpu.memory_space<semaphore_mem>>) src(%arg6 : memref<16x1024xf32, #tpu.memory_space<vmem>>) dst(%dma_wait3A_47 : memref<16x1024xf32, #tpu.memory_space<hbm>>)
    %dma_start3A_48 = arith.constant 96 : i32
    %dma_start3A_49 = tpu.memref_slice %arg5[%dma_start3A_48] : memref<1024xi32, #tpu.memory_space<vmem>> -> memref<16xi32, #tpu.memory_space<vmem>>
    %dma_start3A_50 = arith.constant 0 : i32
    %dma_start3A_51 = arith.constant 0 : i32
    %dma_start3A_52 = tpu.memref_slice %arg2[%dma_start3A_50, %dma_start3A_51] : memref<1000x1024xf32, #tpu.memory_space<hbm>> -> memref<1000x1024xf32, #tpu.memory_space<hbm>>
    tpu.enqueue_indirect_dma source(%dma_start3A_52 : memref<1000x1024xf32, #tpu.memory_space<hbm>>) target(%arg6 : memref<16x1024xf32, #tpu.memory_space<vmem>>) offsets(%dma_start3A_49 : memref<16xi32, #tpu.memory_space<vmem>>) semaphore(%arg12 : memref<!tpu.dma_semaphore, #tpu.memory_space<semaphore_mem>>)
    %dma_wait3A_53 = arith.constant 16 : i32
    %dma_wait3A_54 = tpu.memref_slice %arg5[%dma_wait3A_53] : memref<1024xi32, #tpu.memory_space<vmem>> -> memref<16xi32, #tpu.memory_space<vmem>>
    %dma_wait3A_55 = arith.constant 0 : i32
    %dma_wait3A_56 = arith.constant 0 : i32
    %dma_wait3A_57 = tpu.memref_slice %arg2[%dma_wait3A_55, %dma_wait3A_56] : memref<1000x1024xf32, #tpu.memory_space<hbm>> -> memref<1000x1024xf32, #tpu.memory_space<hbm>>
    tpu.wait_indirect_dma semaphore(%arg13 : memref<!tpu.dma_semaphore, #tpu.memory_space<semaphore_mem>>) src(%dma_wait3A_57 : memref<1000x1024xf32, #tpu.memory_space<hbm>>) dst(%arg7 : memref<16x1024xf32, #tpu.memory_space<vmem>>)
    %add3A_58 = arith.constant 16 : i32
    %add3A_59 = arith.addi %mul3A_2, %add3A_58 : i32
    %dma_start3A_60 = arith.constant 0 : i32
    %dma_start3A_61 = tpu.memref_slice %arg4[%add3A_59, %dma_start3A_60] : memref<32768x1024xf32, #tpu.memory_space<hbm>> -> memref<16x1024xf32, #tpu.memory_space<hbm>>
    %dma_start3A_62 = arith.constant 0 : i32
    %dma_start3A_63 = tpu.memref_slice %arg4[%add3A_59, %dma_start3A_62] : memref<32768x1024xf32, #tpu.memory_space<hbm>> -> memref<16x1024xf32, #tpu.memory_space<hbm>>
    tpu.enqueue_dma source(%arg7 : memref<16x1024xf32, #tpu.memory_space<vmem>>) target(%dma_start3A_63 : memref<16x1024xf32, #tpu.memory_space<hbm>>) target_semaphore(%arg19 : memref<!tpu.dma_semaphore, #tpu.memory_space<semaphore_mem>>)
    %dma_wait3A_64 = arith.constant 0 : i32
    %dma_wait3A_65 = tpu.memref_slice %arg4[%add3A_59, %dma_wait3A_64] : memref<32768x1024xf32, #tpu.memory_space<hbm>> -> memref<16x1024xf32, #tpu.memory_space<hbm>>
    %dma_wait3A_66 = arith.constant 0 : i32
    %dma_wait3A_67 = tpu.memref_slice %arg4[%add3A_59, %dma_wait3A_66] : memref<32768x1024xf32, #tpu.memory_space<hbm>> -> memref<16x1024xf32, #tpu.memory_space<hbm>>
    tpu.wait_dma2 semaphore(%arg19 : memref<!tpu.dma_semaphore, #tpu.memory_space<semaphore_mem>>) src(%arg7 : memref<16x1024xf32, #tpu.memory_space<vmem>>) dst(%dma_wait3A_67 : memref<16x1024xf32, #tpu.memory_space<hbm>>)
    %dma_start3A_68 = arith.constant 112 : i32
    %dma_start3A_69 = tpu.memref_slice %arg5[%dma_start3A_68] : memref<1024xi32, #tpu.memory_space<vmem>> -> memref<16xi32, #tpu.memory_space<vmem>>
    %dma_start3A_70 = arith.constant 0 : i32
    %dma_start3A_71 = arith.constant 0 : i32
    %dma_start3A_72 = tpu.memref_slice %arg2[%dma_start3A_70, %dma_start3A_71] : memref<1000x1024xf32, #tpu.memory_space<hbm>> -> memref<1000x1024xf32, #tpu.memory_space<hbm>>
    tpu.enqueue_indirect_dma source(%dma_start3A_72 : memref<1000x1024xf32, #tpu.memory_space<hbm>>) target(%arg7 : memref<16x1024xf32, #tpu.memory_space<vmem>>) offsets(%dma_start3A_69 : memref<16xi32, #tpu.memory_space<vmem>>) semaphore(%arg13 : memref<!tpu.dma_semaphore, #tpu.memory_space<semaphore_mem>>)
    %dma_wait3A_73 = arith.constant 32 : i32
    %dma_wait3A_74 = tpu.memref_slice %arg5[%dma_wait3A_73] : memref<1024xi32, #tpu.memory_space<vmem>> -> memref<16xi32, #tpu.memory_space<vmem>>
    %dma_wait3A_75 = arith.constant 0 : i32
    %dma_wait3A_76 = arith.constant 0 : i32
    %dma_wait3A_77 = tpu.memref_slice %arg2[%dma_wait3A_75, %dma_wait3A_76] : memref<1000x1024xf32, #tpu.memory_space<hbm>> -> memref<1000x1024xf32, #tpu.memory_space<hbm>>
    tpu.wait_indirect_dma semaphore(%arg14 : memref<!tpu.dma_semaphore, #tpu.memory_space<semaphore_mem>>) src(%dma_wait3A_77 : memref<1000x1024xf32, #tpu.memory_space<hbm>>) dst(%arg8 : memref<16x1024xf32, #tpu.memory_space<vmem>>)
    %add3A_78 = arith.constant 32 : i32
    %add3A_79 = arith.addi %mul3A_2, %add3A_78 : i32
    %dma_start3A_80 = arith.constant 0 : i32
    %dma_start3A_81 = tpu.memref_slice %arg4[%add3A_79, %dma_start3A_80] : memref<32768x1024xf32, #tpu.memory_space<hbm>> -> memref<16x1024xf32, #tpu.memory_space<hbm>>
    %dma_start3A_82 = arith.constant 0 : i32
    %dma_start3A_83 = tpu.memref_slice %arg4[%add3A_79, %dma_start3A_82] : memref<32768x1024xf32, #tpu.memory_space<hbm>> -> memref<16x1024xf32, #tpu.memory_space<hbm>>
    tpu.enqueue_dma source(%arg8 : memref<16x1024xf32, #tpu.memory_space<vmem>>) target(%dma_start3A_83 : memref<16x1024xf32, #tpu.memory_space<hbm>>) target_semaphore(%arg20 : memref<!tpu.dma_semaphore, #tpu.memory_space<semaphore_mem>>)
    %dma_wait3A_84 = arith.constant 0 : i32
    %dma_wait3A_85 = tpu.memref_slice %arg4[%add3A_79, %dma_wait3A_84] : memref<32768x1024xf32, #tpu.memory_space<hbm>> -> memref<16x1024xf32, #tpu.memory_space<hbm>>
    %dma_wait3A_86 = arith.constant 0 : i32
    %dma_wait3A_87 = tpu.memref_slice %arg4[%add3A_79, %dma_wait3A_86] : memref<32768x1024xf32, #tpu.memory_space<hbm>> -> memref<16x1024xf32, #tpu.memory_space<hbm>>
    tpu.wait_dma2 semaphore(%arg20 : memref<!tpu.dma_semaphore, #tpu.memory_space<semaphore_mem>>) src(%arg8 : memref<16x1024xf32, #tpu.memory_space<vmem>>) dst(%dma_wait3A_87 : memref<16x1024xf32, #tpu.memory_space<hbm>>)
    %dma_start3A_88 = arith.constant 128 : i32
    %dma_start3A_89 = tpu.memref_slice %arg5[%dma_start3A_88] : memref<1024xi32, #tpu.memory_space<vmem>> -> memref<16xi32, #tpu.memory_space<vmem>>
    %dma_start3A_90 = arith.constant 0 : i32
    %dma_start3A_91 = arith.constant 0 : i32
    %dma_start3A_92 = tpu.memref_slice %arg2[%dma_start3A_90, %dma_start3A_91] : memref<1000x1024xf32, #tpu.memory_space<hbm>> -> memref<1000x1024xf32, #tpu.memory_space<hbm>>
    tpu.enqueue_indirect_dma source(%dma_start3A_92 : memref<1000x1024xf32, #tpu.memory_space<hbm>>) target(%arg8 : memref<16x1024xf32, #tpu.memory_space<vmem>>) offsets(%dma_start3A_89 : memref<16xi32, #tpu.memory_space<vmem>>) semaphore(%arg14 : memref<!tpu.dma_semaphore, #tpu.memory_space<semaphore_mem>>)
    %dma_wait3A_93 = arith.constant 48 : i32
    %dma_wait3A_94 = tpu.memref_slice %arg5[%dma_wait3A_93] : memref<1024xi32, #tpu.memory_space<vmem>> -> memref<16xi32, #tpu.memory_space<vmem>>
    %dma_wait3A_95 = arith.constant 0 : i32
    %dma_wait3A_96 = arith.constant 0 : i32
    %dma_wait3A_97 = tpu.memref_slice %arg2[%dma_wait3A_95, %dma_wait3A_96] : memref<1000x1024xf32, #tpu.memory_space<hbm>> -> memref<1000x1024xf32, #tpu.memory_space<hbm>>
    tpu.wait_indirect_dma semaphore(%arg15 : memref<!tpu.dma_semaphore, #tpu.memory_space<semaphore_mem>>) src(%dma_wait3A_97 : memref<1000x1024xf32, #tpu.memory_space<hbm>>) dst(%arg9 : memref<16x1024xf32, #tpu.memory_space<vmem>>)
    %add3A_98 = arith.constant 48 : i32
    %add3A_99 = arith.addi %mul3A_2, %add3A_98 : i32
    %dma_start3A_100 = arith.constant 0 : i32
    %dma_start3A_101 = tpu.memref_slice %arg4[%add3A_99, %dma_start3A_100] : memref<32768x1024xf32, #tpu.memory_space<hbm>> -> memref<16x1024xf32, #tpu.memory_space<hbm>>
    %dma_start3A_102 = arith.constant 0 : i32
    %dma_start3A_103 = tpu.memref_slice %arg4[%add3A_99, %dma_start3A_102] : memref<32768x1024xf32, #tpu.memory_space<hbm>> -> memref<16x1024xf32, #tpu.memory_space<hbm>>
    tpu.enqueue_dma source(%arg9 : memref<16x1024xf32, #tpu.memory_space<vmem>>) target(%dma_start3A_103 : memref<16x1024xf32, #tpu.memory_space<hbm>>) target_semaphore(%arg21 : memref<!tpu.dma_semaphore, #tpu.memory_space<semaphore_mem>>)
    %dma_wait3A_104 = arith.constant 0 : i32
    %dma_wait3A_105 = tpu.memref_slice %arg4[%add3A_99, %dma_wait3A_104] : memref<32768x1024xf32, #tpu.memory_space<hbm>> -> memref<16x1024xf32, #tpu.memory_space<hbm>>
    %dma_wait3A_106 = arith.constant 0 : i32
    %dma_wait3A_107 = tpu.memref_slice %arg4[%add3A_99, %dma_wait3A_106] : memref<32768x1024xf32, #tpu.memory_space<hbm>> -> memref<16x1024xf32, #tpu.memory_space<hbm>>
    tpu.wait_dma2 semaphore(%arg21 : memref<!tpu.dma_semaphore, #tpu.memory_space<semaphore_mem>>) src(%arg9 : memref<16x1024xf32, #tpu.memory_space<vmem>>) dst(%dma_wait3A_107 : memref<16x1024xf32, #tpu.memory_space<hbm>>)
    %dma_start3A_108 = arith.constant 144 : i32
    %dma_start3A_109 = tpu.memref_slice %arg5[%dma_start3A_108] : memref<1024xi32, #tpu.memory_space<vmem>> -> memref<16xi32, #tpu.memory_space<vmem>>
    %dma_start3A_110 = arith.constant 0 : i32
    %dma_start3A_111 = arith.constant 0 : i32
    %dma_start3A_112 = tpu.memref_slice %arg2[%dma_start3A_110, %dma_start3A_111] : memref<1000x1024xf32, #tpu.memory_space<hbm>> -> memref<1000x1024xf32, #tpu.memory_space<hbm>>
    tpu.enqueue_indirect_dma source(%dma_start3A_112 : memref<1000x1024xf32, #tpu.memory_space<hbm>>) target(%arg9 : memref<16x1024xf32, #tpu.memory_space<vmem>>) offsets(%dma_start3A_109 : memref<16xi32, #tpu.memory_space<vmem>>) semaphore(%arg15 : memref<!tpu.dma_semaphore, #tpu.memory_space<semaphore_mem>>)
    %dma_wait3A_113 = arith.constant 64 : i32
    %dma_wait3A_114 = tpu.memref_slice %arg5[%dma_wait3A_113] : memref<1024xi32, #tpu.memory_space<vmem>> -> memref<16xi32, #tpu.memory_space<vmem>>
    %dma_wait3A_115 = arith.constant 0 : i32
    %dma_wait3A_116 = arith.constant 0 : i32
    %dma_wait3A_117 = tpu.memref_slice %arg2[%dma_wait3A_115, %dma_wait3A_116] : memref<1000x1024xf32, #tpu.memory_space<hbm>> -> memref<1000x1024xf32, #tpu.memory_space<hbm>>
    tpu.wait_indirect_dma semaphore(%arg16 : memref<!tpu.dma_semaphore, #tpu.memory_space<semaphore_mem>>) src(%dma_wait3A_117 : memref<1000x1024xf32, #tpu.memory_space<hbm>>) dst(%arg10 : memref<16x1024xf32, #tpu.memory_space<vmem>>)
    %add3A_118 = arith.constant 64 : i32
    %add3A_119 = arith.addi %mul3A_2, %add3A_118 : i32
    %dma_start3A_120 = arith.constant 0 : i32
    %dma_start3A_121 = tpu.memref_slice %arg4[%add3A_119, %dma_start3A_120] : memref<32768x1024xf32, #tpu.memory_space<hbm>> -> memref<16x1024xf32, #tpu.memory_space<hbm>>
    %dma_start3A_122 = arith.constant 0 : i32
    %dma_start3A_123 = tpu.memref_slice %arg4[%add3A_119, %dma_start3A_122] : memref<32768x1024xf32, #tpu.memory_space<hbm>> -> memref<16x1024xf32, #tpu.memory_space<hbm>>
    tpu.enqueue_dma source(%arg10 : memref<16x1024xf32, #tpu.memory_space<vmem>>) target(%dma_start3A_123 : memref<16x1024xf32, #tpu.memory_space<hbm>>) target_semaphore(%arg22 : memref<!tpu.dma_semaphore, #tpu.memory_space<semaphore_mem>>)
    %dma_wait3A_124 = arith.constant 0 : i32
    %dma_wait3A_125 = tpu.memref_slice %arg4[%add3A_119, %dma_wait3A_124] : memref<32768x1024xf32, #tpu.memory_space<hbm>> -> memref<16x1024xf32, #tpu.memory_space<hbm>>
    %dma_wait3A_126 = arith.constant 0 : i32
    %dma_wait3A_127 = tpu.memref_slice %arg4[%add3A_119, %dma_wait3A_126] : memref<32768x1024xf32, #tpu.memory_space<hbm>> -> memref<16x1024xf32, #tpu.memory_space<hbm>>
    tpu.wait_dma2 semaphore(%arg22 : memref<!tpu.dma_semaphore, #tpu.memory_space<semaphore_mem>>) src(%arg10 : memref<16x1024xf32, #tpu.memory_space<vmem>>) dst(%dma_wait3A_127 : memref<16x1024xf32, #tpu.memory_space<hbm>>)
    %dma_start3A_128 = arith.constant 160 : i32
    %dma_start3A_129 = tpu.memref_slice %arg5[%dma_start3A_128] : memref<1024xi32, #tpu.memory_space<vmem>> -> memref<16xi32, #tpu.memory_space<vmem>>
    %dma_start3A_130 = arith.constant 0 : i32
    %dma_start3A_131 = arith.constant 0 : i32
    %dma_start3A_132 = tpu.memref_slice %arg2[%dma_start3A_130, %dma_start3A_131] : memref<1000x1024xf32, #tpu.memory_space<hbm>> -> memref<1000x1024xf32, #tpu.memory_space<hbm>>
    tpu.enqueue_indirect_dma source(%dma_start3A_132 : memref<1000x1024xf32, #tpu.memory_space<hbm>>) target(%arg10 : memref<16x1024xf32, #tpu.memory_space<vmem>>) offsets(%dma_start3A_129 : memref<16xi32, #tpu.memory_space<vmem>>) semaphore(%arg16 : memref<!tpu.dma_semaphore, #tpu.memory_space<semaphore_mem>>)
    %dma_wait3A_133 = arith.constant 80 : i32
    %dma_wait3A_134 = tpu.memref_slice %arg5[%dma_wait3A_133] : memref<1024xi32, #tpu.memory_space<vmem>> -> memref<16xi32, #tpu.memory_space<vmem>>
    %dma_wait3A_135 = arith.constant 0 : i32
    %dma_wait3A_136 = arith.constant 0 : i32
    %dma_wait3A_137 = tpu.memref_slice %arg2[%dma_wait3A_135, %dma_wait3A_136] : memref<1000x1024xf32, #tpu.memory_space<hbm>> -> memref<1000x1024xf32, #tpu.memory_space<hbm>>
    tpu.wait_indirect_dma semaphore(%arg17 : memref<!tpu.dma_semaphore, #tpu.memory_space<semaphore_mem>>) src(%dma_wait3A_137 : memref<1000x1024xf32, #tpu.memory_space<hbm>>) dst(%arg11 : memref<16x1024xf32, #tpu.memory_space<vmem>>)
    %add3A_138 = arith.constant 80 : i32
    %add3A_139 = arith.addi %mul3A_2, %add3A_138 : i32
    %dma_start3A_140 = arith.constant 0 : i32
    %dma_start3A_141 = tpu.memref_slice %arg4[%add3A_139, %dma_start3A_140] : memref<32768x1024xf32, #tpu.memory_space<hbm>> -> memref<16x1024xf32, #tpu.memory_space<hbm>>
    %dma_start3A_142 = arith.constant 0 : i32
    %dma_start3A_143 = tpu.memref_slice %arg4[%add3A_139, %dma_start3A_142] : memref<32768x1024xf32, #tpu.memory_space<hbm>> -> memref<16x1024xf32, #tpu.memory_space<hbm>>
    tpu.enqueue_dma source(%arg11 : memref<16x1024xf32, #tpu.memory_space<vmem>>) target(%dma_start3A_143 : memref<16x1024xf32, #tpu.memory_space<hbm>>) target_semaphore(%arg23 : memref<!tpu.dma_semaphore, #tpu.memory_space<semaphore_mem>>)
    %dma_wait3A_144 = arith.constant 0 : i32
    %dma_wait3A_145 = tpu.memref_slice %arg4[%add3A_139, %dma_wait3A_144] : memref<32768x1024xf32, #tpu.memory_space<hbm>> -> memref<16x1024xf32, #tpu.memory_space<hbm>>
    %dma_wait3A_146 = arith.constant 0 : i32
    %dma_wait3A_147 = tpu.memref_slice %arg4[%add3A_139, %dma_wait3A_146] : memref<32768x1024xf32, #tpu.memory_space<hbm>> -> memref<16x1024xf32, #tpu.memory_space<hbm>>
    tpu.wait_dma2 semaphore(%arg23 : memref<!tpu.dma_semaphore, #tpu.memory_space<semaphore_mem>>) src(%arg11 : memref<16x1024xf32, #tpu.memory_space<vmem>>) dst(%dma_wait3A_147 : memref<16x1024xf32, #tpu.memory_space<hbm>>)
    %dma_start3A_148 = arith.constant 176 : i32
    %dma_start3A_149 = tpu.memref_slice %arg5[%dma_start3A_148] : memref<1024xi32, #tpu.memory_space<vmem>> -> memref<16xi32, #tpu.memory_space<vmem>>
    %dma_start3A_150 = arith.constant 0 : i32
    %dma_start3A_151 = arith.constant 0 : i32
    %dma_start3A_152 = tpu.memref_slice %arg2[%dma_start3A_150, %dma_start3A_151] : memref<1000x1024xf32, #tpu.memory_space<hbm>> -> memref<1000x1024xf32, #tpu.memory_space<hbm>>
    tpu.enqueue_indirect_dma source(%dma_start3A_152 : memref<1000x1024xf32, #tpu.memory_space<hbm>>) target(%arg11 : memref<16x1024xf32, #tpu.memory_space<vmem>>) offsets(%dma_start3A_149 : memref<16xi32, #tpu.memory_space<vmem>>) semaphore(%arg17 : memref<!tpu.dma_semaphore, #tpu.memory_space<semaphore_mem>>)
    %dma_wait3A_153 = arith.constant 96 : i32
    %dma_wait3A_154 = tpu.memref_slice %arg5[%dma_wait3A_153] : memref<1024xi32, #tpu.memory_space<vmem>> -> memref<16xi32, #tpu.memory_space<vmem>>
    %dma_wait3A_155 = arith.constant 0 : i32
    %dma_wait3A_156 = arith.constant 0 : i32
    %dma_wait3A_157 = tpu.memref_slice %arg2[%dma_wait3A_155, %dma_wait3A_156] : memref<1000x1024xf32, #tpu.memory_space<hbm>> -> memref<1000x1024xf32, #tpu.memory_space<hbm>>
    tpu.wait_indirect_dma semaphore(%arg12 : memref<!tpu.dma_semaphore, #tpu.memory_space<semaphore_mem>>) src(%dma_wait3A_157 : memref<1000x1024xf32, #tpu.memory_space<hbm>>) dst(%arg6 : memref<16x1024xf32, #tpu.memory_space<vmem>>)
    %add3A_158 = arith.constant 96 : i32
    %add3A_159 = arith.addi %mul3A_2, %add3A_158 : i32
    %dma_start3A_160 = arith.constant 0 : i32
    %dma_start3A_161 = tpu.memref_slice %arg4[%add3A_159, %dma_start3A_160] : memref<32768x1024xf32, #tpu.memory_space<hbm>> -> memref<16x1024xf32, #tpu.memory_space<hbm>>
    %dma_start3A_162 = arith.constant 0 : i32
    %dma_start3A_163 = tpu.memref_slice %arg4[%add3A_159, %dma_start3A_162] : memref<32768x1024xf32, #tpu.memory_space<hbm>> -> memref<16x1024xf32, #tpu.memory_space<hbm>>
    tpu.enqueue_dma source(%arg6 : memref<16x1024xf32, #tpu.memory_space<vmem>>) target(%dma_start3A_163 : memref<16x1024xf32, #tpu.memory_space<hbm>>) target_semaphore(%arg18 : memref<!tpu.dma_semaphore, #tpu.memory_space<semaphore_mem>>)
    %dma_wait3A_164 = arith.constant 0 : i32
    %dma_wait3A_165 = tpu.memref_slice %arg4[%add3A_159, %dma_wait3A_164] : memref<32768x1024xf32, #tpu.memory_space<hbm>> -> memref<16x1024xf32, #tpu.memory_space<hbm>>
    %dma_wait3A_166 = arith.constant 0 : i32
    %dma_wait3A_167 = tpu.memref_slice %arg4[%add3A_159, %dma_wait3A_166] : memref<32768x1024xf32, #tpu.memory_space<hbm>> -> memref<16x1024xf32, #tpu.memory_space<hbm>>
    tpu.wait_dma2 semaphore(%arg18 : memref<!tpu.dma_semaphore, #tpu.memory_space<semaphore_mem>>) src(%arg6 : memref<16x1024xf32, #tpu.memory_space<vmem>>) dst(%dma_wait3A_167 : memref<16x1024xf32, #tpu.memory_space<hbm>>)
    %dma_start3A_168 = arith.constant 192 : i32
    %dma_start3A_169 = tpu.memref_slice %arg5[%dma_start3A_168] : memref<1024xi32, #tpu.memory_space<vmem>> -> memref<16xi32, #tpu.memory_space<vmem>>
    %dma_start3A_170 = arith.constant 0 : i32
    %dma_start3A_171 = arith.constant 0 : i32
    %dma_start3A_172 = tpu.memref_slice %arg2[%dma_start3A_170, %dma_start3A_171] : memref<1000x1024xf32, #tpu.memory_space<hbm>> -> memref<1000x1024xf32, #tpu.memory_space<hbm>>
    tpu.enqueue_indirect_dma source(%dma_start3A_172 : memref<1000x1024xf32, #tpu.memory_space<hbm>>) target(%arg6 : memref<16x1024xf32, #tpu.memory_space<vmem>>) offsets(%dma_start3A_169 : memref<16xi32, #tpu.memory_space<vmem>>) semaphore(%arg12 : memref<!tpu.dma_semaphore, #tpu.memory_space<semaphore_mem>>)
    %dma_wait3A_173 = arith.constant 112 : i32
    %dma_wait3A_174 = tpu.memref_slice %arg5[%dma_wait3A_173] : memref<1024xi32, #tpu.memory_space<vmem>> -> memref<16xi32, #tpu.memory_space<vmem>>
    %dma_wait3A_175 = arith.constant 0 : i32
    %dma_wait3A_176 = arith.constant 0 : i32
    %dma_wait3A_177 = tpu.memref_slice %arg2[%dma_wait3A_175, %dma_wait3A_176] : memref<1000x1024xf32, #tpu.memory_space<hbm>> -> memref<1000x1024xf32, #tpu.memory_space<hbm>>
    tpu.wait_indirect_dma semaphore(%arg13 : memref<!tpu.dma_semaphore, #tpu.memory_space<semaphore_mem>>) src(%dma_wait3A_177 : memref<1000x1024xf32, #tpu.memory_space<hbm>>) dst(%arg7 : memref<16x1024xf32, #tpu.memory_space<vmem>>)
    %add3A_178 = arith.constant 112 : i32
    %add3A_179 = arith.addi %mul3A_2, %add3A_178 : i32
    %dma_start3A_180 = arith.constant 0 : i32
    %dma_start3A_181 = tpu.memref_slice %arg4[%add3A_179, %dma_start3A_180] : memref<32768x1024xf32, #tpu.memory_space<hbm>> -> memref<16x1024xf32, #tpu.memory_space<hbm>>
    %dma_start3A_182 = arith.constant 0 : i32
    %dma_start3A_183 = tpu.memref_slice %arg4[%add3A_179, %dma_start3A_182] : memref<32768x1024xf32, #tpu.memory_space<hbm>> -> memref<16x1024xf32, #tpu.memory_space<hbm>>
    tpu.enqueue_dma source(%arg7 : memref<16x1024xf32, #tpu.memory_space<vmem>>) target(%dma_start3A_183 : memref<16x1024xf32, #tpu.memory_space<hbm>>) target_semaphore(%arg19 : memref<!tpu.dma_semaphore, #tpu.memory_space<semaphore_mem>>)
    %dma_wait3A_184 = arith.constant 0 : i32
    %dma_wait3A_185 = tpu.memref_slice %arg4[%add3A_179, %dma_wait3A_184] : memref<32768x1024xf32, #tpu.memory_space<hbm>> -> memref<16x1024xf32, #tpu.memory_space<hbm>>
    %dma_wait3A_186 = arith.constant 0 : i32
    %dma_wait3A_187 = tpu.memref_slice %arg4[%add3A_179, %dma_wait3A_186] : memref<32768x1024xf32, #tpu.memory_space<hbm>> -> memref<16x1024xf32, #tpu.memory_space<hbm>>
    tpu.wait_dma2 semaphore(%arg19 : memref<!tpu.dma_semaphore, #tpu.memory_space<semaphore_mem>>) src(%arg7 : memref<16x1024xf32, #tpu.memory_space<vmem>>) dst(%dma_wait3A_187 : memref<16x1024xf32, #tpu.memory_space<hbm>>)
    %dma_start3A_188 = arith.constant 208 : i32
    %dma_start3A_189 = tpu.memref_slice %arg5[%dma_start3A_188] : memref<1024xi32, #tpu.memory_space<vmem>> -> memref<16xi32, #tpu.memory_space<vmem>>
    %dma_start3A_190 = arith.constant 0 : i32
    %dma_start3A_191 = arith.constant 0 : i32
    %dma_start3A_192 = tpu.memref_slice %arg2[%dma_start3A_190, %dma_start3A_191] : memref<1000x1024xf32, #tpu.memory_space<hbm>> -> memref<1000x1024xf32, #tpu.memory_space<hbm>>
    tpu.enqueue_indirect_dma source(%dma_start3A_192 : memref<1000x1024xf32, #tpu.memory_space<hbm>>) target(%arg7 : memref<16x1024xf32, #tpu.memory_space<vmem>>) offsets(%dma_start3A_189 : memref<16xi32, #tpu.memory_space<vmem>>) semaphore(%arg13 : memref<!tpu.dma_semaphore, #tpu.memory_space<semaphore_mem>>)
    %dma_wait3A_193 = arith.constant 128 : i32
    %dma_wait3A_194 = tpu.memref_slice %arg5[%dma_wait3A_193] : memref<1024xi32, #tpu.memory_space<vmem>> -> memref<16xi32, #tpu.memory_space<vmem>>
    %dma_wait3A_195 = arith.constant 0 : i32
    %dma_wait3A_196 = arith.constant 0 : i32
    %dma_wait3A_197 = tpu.memref_slice %arg2[%dma_wait3A_195, %dma_wait3A_196] : memref<1000x1024xf32, #tpu.memory_space<hbm>> -> memref<1000x1024xf32, #tpu.memory_space<hbm>>
    tpu.wait_indirect_dma semaphore(%arg14 : memref<!tpu.dma_semaphore, #tpu.memory_space<semaphore_mem>>) src(%dma_wait3A_197 : memref<1000x1024xf32, #tpu.memory_space<hbm>>) dst(%arg8 : memref<16x1024xf32, #tpu.memory_space<vmem>>)
    %add3A_198 = arith.constant 128 : i32
    %add3A_199 = arith.addi %mul3A_2, %add3A_198 : i32
    %dma_start3A_200 = arith.constant 0 : i32
    %dma_start3A_201 = tpu.memref_slice %arg4[%add3A_199, %dma_start3A_200] : memref<32768x1024xf32, #tpu.memory_space<hbm>> -> memref<16x1024xf32, #tpu.memory_space<hbm>>
    %dma_start3A_202 = arith.constant 0 : i32
    %dma_start3A_203 = tpu.memref_slice %arg4[%add3A_199, %dma_start3A_202] : memref<32768x1024xf32, #tpu.memory_space<hbm>> -> memref<16x1024xf32, #tpu.memory_space<hbm>>
    tpu.enqueue_dma source(%arg8 : memref<16x1024xf32, #tpu.memory_space<vmem>>) target(%dma_start3A_203 : memref<16x1024xf32, #tpu.memory_space<hbm>>) target_semaphore(%arg20 : memref<!tpu.dma_semaphore, #tpu.memory_space<semaphore_mem>>)
    %dma_wait3A_204 = arith.constant 0 : i32
    %dma_wait3A_205 = tpu.memref_slice %arg4[%add3A_199, %dma_wait3A_204] : memref<32768x1024xf32, #tpu.memory_space<hbm>> -> memref<16x1024xf32, #tpu.memory_space<hbm>>
    %dma_wait3A_206 = arith.constant 0 : i32
    %dma_wait3A_207 = tpu.memref_slice %arg4[%add3A_199, %dma_wait3A_206] : memref<32768x1024xf32, #tpu.memory_space<hbm>> -> memref<16x1024xf32, #tpu.memory_space<hbm>>
    tpu.wait_dma2 semaphore(%arg20 : memref<!tpu.dma_semaphore, #tpu.memory_space<semaphore_mem>>) src(%arg8 : memref<16x1024xf32, #tpu.memory_space<vmem>>) dst(%dma_wait3A_207 : memref<16x1024xf32, #tpu.memory_space<hbm>>)
    %dma_start3A_208 = arith.constant 224 : i32
    %dma_start3A_209 = tpu.memref_slice %arg5[%dma_start3A_208] : memref<1024xi32, #tpu.memory_space<vmem>> -> memref<16xi32, #tpu.memory_space<vmem>>
    %dma_start3A_210 = arith.constant 0 : i32
    %dma_start3A_211 = arith.constant 0 : i32
    %dma_start3A_212 = tpu.memref_slice %arg2[%dma_start3A_210, %dma_start3A_211] : memref<1000x1024xf32, #tpu.memory_space<hbm>> -> memref<1000x1024xf32, #tpu.memory_space<hbm>>
    tpu.enqueue_indirect_dma source(%dma_start3A_212 : memref<1000x1024xf32, #tpu.memory_space<hbm>>) target(%arg8 : memref<16x1024xf32, #tpu.memory_space<vmem>>) offsets(%dma_start3A_209 : memref<16xi32, #tpu.memory_space<vmem>>) semaphore(%arg14 : memref<!tpu.dma_semaphore, #tpu.memory_space<semaphore_mem>>)
    %dma_wait3A_213 = arith.constant 144 : i32
    %dma_wait3A_214 = tpu.memref_slice %arg5[%dma_wait3A_213] : memref<1024xi32, #tpu.memory_space<vmem>> -> memref<16xi32, #tpu.memory_space<vmem>>
    %dma_wait3A_215 = arith.constant 0 : i32
    %dma_wait3A_216 = arith.constant 0 : i32
    %dma_wait3A_217 = tpu.memref_slice %arg2[%dma_wait3A_215, %dma_wait3A_216] : memref<1000x1024xf32, #tpu.memory_space<hbm>> -> memref<1000x1024xf32, #tpu.memory_space<hbm>>
    tpu.wait_indirect_dma semaphore(%arg15 : memref<!tpu.dma_semaphore, #tpu.memory_space<semaphore_mem>>) src(%dma_wait3A_217 : memref<1000x1024xf32, #tpu.memory_space<hbm>>) dst(%arg9 : memref<16x1024xf32, #tpu.memory_space<vmem>>)
    %add3A_218 = arith.constant 144 : i32
    %add3A_219 = arith.addi %mul3A_2, %add3A_218 : i32
    %dma_start3A_220 = arith.constant 0 : i32
    %dma_start3A_221 = tpu.memref_slice %arg4[%add3A_219, %dma_start3A_220] : memref<32768x1024xf32, #tpu.memory_space<hbm>> -> memref<16x1024xf32, #tpu.memory_space<hbm>>
    %dma_start3A_222 = arith.constant 0 : i32
    %dma_start3A_223 = tpu.memref_slice %arg4[%add3A_219, %dma_start3A_222] : memref<32768x1024xf32, #tpu.memory_space<hbm>> -> memref<16x1024xf32, #tpu.memory_space<hbm>>
    tpu.enqueue_dma source(%arg9 : memref<16x1024xf32, #tpu.memory_space<vmem>>) target(%dma_start3A_223 : memref<16x1024xf32, #tpu.memory_space<hbm>>) target_semaphore(%arg21 : memref<!tpu.dma_semaphore, #tpu.memory_space<semaphore_mem>>)
    %dma_wait3A_224 = arith.constant 0 : i32
    %dma_wait3A_225 = tpu.memref_slice %arg4[%add3A_219, %dma_wait3A_224] : memref<32768x1024xf32, #tpu.memory_space<hbm>> -> memref<16x1024xf32, #tpu.memory_space<hbm>>
    %dma_wait3A_226 = arith.constant 0 : i32
    %dma_wait3A_227 = tpu.memref_slice %arg4[%add3A_219, %dma_wait3A_226] : memref<32768x1024xf32, #tpu.memory_space<hbm>> -> memref<16x1024xf32, #tpu.memory_space<hbm>>
    tpu.wait_dma2 semaphore(%arg21 : memref<!tpu.dma_semaphore, #tpu.memory_space<semaphore_mem>>) src(%arg9 : memref<16x1024xf32, #tpu.memory_space<vmem>>) dst(%dma_wait3A_227 : memref<16x1024xf32, #tpu.memory_space<hbm>>)
    %dma_start3A_228 = arith.constant 240 : i32
    %dma_start3A_229 = tpu.memref_slice %arg5[%dma_start3A_228] : memref<1024xi32, #tpu.memory_space<vmem>> -> memref<16xi32, #tpu.memory_space<vmem>>
    %dma_start3A_230 = arith.constant 0 : i32
    %dma_start3A_231 = arith.constant 0 : i32
    %dma_start3A_232 = tpu.memref_slice %arg2[%dma_start3A_230, %dma_start3A_231] : memref<1000x1024xf32, #tpu.memory_space<hbm>> -> memref<1000x1024xf32, #tpu.memory_space<hbm>>
    tpu.enqueue_indirect_dma source(%dma_start3A_232 : memref<1000x1024xf32, #tpu.memory_space<hbm>>) target(%arg9 : memref<16x1024xf32, #tpu.memory_space<vmem>>) offsets(%dma_start3A_229 : memref<16xi32, #tpu.memory_space<vmem>>) semaphore(%arg15 : memref<!tpu.dma_semaphore, #tpu.memory_space<semaphore_mem>>)
    %dma_wait3A_233 = arith.constant 160 : i32
    %dma_wait3A_234 = tpu.memref_slice %arg5[%dma_wait3A_233] : memref<1024xi32, #tpu.memory_space<vmem>> -> memref<16xi32, #tpu.memory_space<vmem>>
    %dma_wait3A_235 = arith.constant 0 : i32
    %dma_wait3A_236 = arith.constant 0 : i32
    %dma_wait3A_237 = tpu.memref_slice %arg2[%dma_wait3A_235, %dma_wait3A_236] : memref<1000x1024xf32, #tpu.memory_space<hbm>> -> memref<1000x1024xf32, #tpu.memory_space<hbm>>
    tpu.wait_indirect_dma semaphore(%arg16 : memref<!tpu.dma_semaphore, #tpu.memory_space<semaphore_mem>>) src(%dma_wait3A_237 : memref<1000x1024xf32, #tpu.memory_space<hbm>>) dst(%arg10 : memref<16x1024xf32, #tpu.memory_space<vmem>>)
    %add3A_238 = arith.constant 160 : i32
    %add3A_239 = arith.addi %mul3A_2, %add3A_238 : i32
    %dma_start3A_240 = arith.constant 0 : i32
    %dma_start3A_241 = tpu.memref_slice %arg4[%add3A_239, %dma_start3A_240] : memref<32768x1024xf32, #tpu.memory_space<hbm>> -> memref<16x1024xf32, #tpu.memory_space<hbm>>
    %dma_start3A_242 = arith.constant 0 : i32
    %dma_start3A_243 = tpu.memref_slice %arg4[%add3A_239, %dma_start3A_242] : memref<32768x1024xf32, #tpu.memory_space<hbm>> -> memref<16x1024xf32, #tpu.memory_space<hbm>>
    tpu.enqueue_dma source(%arg10 : memref<16x1024xf32, #tpu.memory_space<vmem>>) target(%dma_start3A_243 : memref<16x1024xf32, #tpu.memory_space<hbm>>) target_semaphore(%arg22 : memref<!tpu.dma_semaphore, #tpu.memory_space<semaphore_mem>>)
    %dma_wait3A_244 = arith.constant 0 : i32
    %dma_wait3A_245 = tpu.memref_slice %arg4[%add3A_239, %dma_wait3A_244] : memref<32768x1024xf32, #tpu.memory_space<hbm>> -> memref<16x1024xf32, #tpu.memory_space<hbm>>
    %dma_wait3A_246 = arith.constant 0 : i32
    %dma_wait3A_247 = tpu.memref_slice %arg4[%add3A_239, %dma_wait3A_246] : memref<32768x1024xf32, #tpu.memory_space<hbm>> -> memref<16x1024xf32, #tpu.memory_space<hbm>>
    tpu.wait_dma2 semaphore(%arg22 : memref<!tpu.dma_semaphore, #tpu.memory_space<semaphore_mem>>) src(%arg10 : memref<16x1024xf32, #tpu.memory_space<vmem>>) dst(%dma_wait3A_247 : memref<16x1024xf32, #tpu.memory_space<hbm>>)
    %dma_start3A_248 = arith.constant 256 : i32
    %dma_start3A_249 = tpu.memref_slice %arg5[%dma_start3A_248] : memref<1024xi32, #tpu.memory_space<vmem>> -> memref<16xi32, #tpu.memory_space<vmem>>
    %dma_start3A_250 = arith.constant 0 : i32
    %dma_start3A_251 = arith.constant 0 : i32
    %dma_start3A_252 = tpu.memref_slice %arg2[%dma_start3A_250, %dma_start3A_251] : memref<1000x1024xf32, #tpu.memory_space<hbm>> -> memref<1000x1024xf32, #tpu.memory_space<hbm>>
    tpu.enqueue_indirect_dma source(%dma_start3A_252 : memref<1000x1024xf32, #tpu.memory_space<hbm>>) target(%arg10 : memref<16x1024xf32, #tpu.memory_space<vmem>>) offsets(%dma_start3A_249 : memref<16xi32, #tpu.memory_space<vmem>>) semaphore(%arg16 : memref<!tpu.dma_semaphore, #tpu.memory_space<semaphore_mem>>)
    %dma_wait3A_253 = arith.constant 176 : i32
    %dma_wait3A_254 = tpu.memref_slice %arg5[%dma_wait3A_253] : memref<1024xi32, #tpu.memory_space<vmem>> -> memref<16xi32, #tpu.memory_space<vmem>>
    %dma_wait3A_255 = arith.constant 0 : i32
    %dma_wait3A_256 = arith.constant 0 : i32
    %dma_wait3A_257 = tpu.memref_slice %arg2[%dma_wait3A_255, %dma_wait3A_256] : memref<1000x1024xf32, #tpu.memory_space<hbm>> -> memref<1000x1024xf32, #tpu.memory_space<hbm>>
    tpu.wait_indirect_dma semaphore(%arg17 : memref<!tpu.dma_semaphore, #tpu.memory_space<semaphore_mem>>) src(%dma_wait3A_257 : memref<1000x1024xf32, #tpu.memory_space<hbm>>) dst(%arg11 : memref<16x1024xf32, #tpu.memory_space<vmem>>)
    %add3A_258 = arith.constant 176 : i32
    %add3A_259 = arith.addi %mul3A_2, %add3A_258 : i32
    %dma_start3A_260 = arith.constant 0 : i32
    %dma_start3A_261 = tpu.memref_slice %arg4[%add3A_259, %dma_start3A_260] : memref<32768x1024xf32, #tpu.memory_space<hbm>> -> memref<16x1024xf32, #tpu.memory_space<hbm>>
    %dma_start3A_262 = arith.constant 0 : i32
    %dma_start3A_263 = tpu.memref_slice %arg4[%add3A_259, %dma_start3A_262] : memref<32768x1024xf32, #tpu.memory_space<hbm>> -> memref<16x1024xf32, #tpu.memory_space<hbm>>
    tpu.enqueue_dma source(%arg11 : memref<16x1024xf32, #tpu.memory_space<vmem>>) target(%dma_start3A_263 : memref<16x1024xf32, #tpu.memory_space<hbm>>) target_semaphore(%arg23 : memref<!tpu.dma_semaphore, #tpu.memory_space<semaphore_mem>>)
    %dma_wait3A_264 = arith.constant 0 : i32
    %dma_wait3A_265 = tpu.memref_slice %arg4[%add3A_259, %dma_wait3A_264] : memref<32768x1024xf32, #tpu.memory_space<hbm>> -> memref<16x1024xf32, #tpu.memory_space<hbm>>
    %dma_wait3A_266 = arith.constant 0 : i32
    %dma_wait3A_267 = tpu.memref_slice %arg4[%add3A_259, %dma_wait3A_266] : memref<32768x1024xf32, #tpu.memory_space<hbm>> -> memref<16x1024xf32, #tpu.memory_space<hbm>>
    tpu.wait_dma2 semaphore(%arg23 : memref<!tpu.dma_semaphore, #tpu.memory_space<semaphore_mem>>) src(%arg11 : memref<16x1024xf32, #tpu.memory_space<vmem>>) dst(%dma_wait3A_267 : memref<16x1024xf32, #tpu.memory_space<hbm>>)
    %dma_start3A_268 = arith.constant 272 : i32
    %dma_start3A_269 = tpu.memref_slice %arg5[%dma_start3A_268] : memref<1024xi32, #tpu.memory_space<vmem>> -> memref<16xi32, #tpu.memory_space<vmem>>
    %dma_start3A_270 = arith.constant 0 : i32
    %dma_start3A_271 = arith.constant 0 : i32
    %dma_start3A_272 = tpu.memref_slice %arg2[%dma_start3A_270, %dma_start3A_271] : memref<1000x1024xf32, #tpu.memory_space<hbm>> -> memref<1000x1024xf32, #tpu.memory_space<hbm>>
    tpu.enqueue_indirect_dma source(%dma_start3A_272 : memref<1000x1024xf32, #tpu.memory_space<hbm>>) target(%arg11 : memref<16x1024xf32, #tpu.memory_space<vmem>>) offsets(%dma_start3A_269 : memref<16xi32, #tpu.memory_space<vmem>>) semaphore(%arg17 : memref<!tpu.dma_semaphore, #tpu.memory_space<semaphore_mem>>)
    %dma_wait3A_273 = arith.constant 192 : i32
    %dma_wait3A_274 = tpu.memref_slice %arg5[%dma_wait3A_273] : memref<1024xi32, #tpu.memory_space<vmem>> -> memref<16xi32, #tpu.memory_space<vmem>>
    %dma_wait3A_275 = arith.constant 0 : i32
    %dma_wait3A_276 = arith.constant 0 : i32
    %dma_wait3A_277 = tpu.memref_slice %arg2[%dma_wait3A_275, %dma_wait3A_276] : memref<1000x1024xf32, #tpu.memory_space<hbm>> -> memref<1000x1024xf32, #tpu.memory_space<hbm>>
    tpu.wait_indirect_dma semaphore(%arg12 : memref<!tpu.dma_semaphore, #tpu.memory_space<semaphore_mem>>) src(%dma_wait3A_277 : memref<1000x1024xf32, #tpu.memory_space<hbm>>) dst(%arg6 : memref<16x1024xf32, #tpu.memory_space<vmem>>)
    %add3A_278 = arith.constant 192 : i32
    %add3A_279 = arith.addi %mul3A_2, %add3A_278 : i32
    %dma_start3A_280 = arith.constant 0 : i32
    %dma_start3A_281 = tpu.memref_slice %arg4[%add3A_279, %dma_start3A_280] : memref<32768x1024xf32, #tpu.memory_space<hbm>> -> memref<16x1024xf32, #tpu.memory_space<hbm>>
    %dma_start3A_282 = arith.constant 0 : i32
    %dma_start3A_283 = tpu.memref_slice %arg4[%add3A_279, %dma_start3A_282] : memref<32768x1024xf32, #tpu.memory_space<hbm>> -> memref<16x1024xf32, #tpu.memory_space<hbm>>
    tpu.enqueue_dma source(%arg6 : memref<16x1024xf32, #tpu.memory_space<vmem>>) target(%dma_start3A_283 : memref<16x1024xf32, #tpu.memory_space<hbm>>) target_semaphore(%arg18 : memref<!tpu.dma_semaphore, #tpu.memory_space<semaphore_mem>>)
    %dma_wait3A_284 = arith.constant 0 : i32
    %dma_wait3A_285 = tpu.memref_slice %arg4[%add3A_279, %dma_wait3A_284] : memref<32768x1024xf32, #tpu.memory_space<hbm>> -> memref<16x1024xf32, #tpu.memory_space<hbm>>
    %dma_wait3A_286 = arith.constant 0 : i32
    %dma_wait3A_287 = tpu.memref_slice %arg4[%add3A_279, %dma_wait3A_286] : memref<32768x1024xf32, #tpu.memory_space<hbm>> -> memref<16x1024xf32, #tpu.memory_space<hbm>>
    tpu.wait_dma2 semaphore(%arg18 : memref<!tpu.dma_semaphore, #tpu.memory_space<semaphore_mem>>) src(%arg6 : memref<16x1024xf32, #tpu.memory_space<vmem>>) dst(%dma_wait3A_287 : memref<16x1024xf32, #tpu.memory_space<hbm>>)
    %dma_start3A_288 = arith.constant 288 : i32
    %dma_start3A_289 = tpu.memref_slice %arg5[%dma_start3A_288] : memref<1024xi32, #tpu.memory_space<vmem>> -> memref<16xi32, #tpu.memory_space<vmem>>
    %dma_start3A_290 = arith.constant 0 : i32
    %dma_start3A_291 = arith.constant 0 : i32
    %dma_start3A_292 = tpu.memref_slice %arg2[%dma_start3A_290, %dma_start3A_291] : memref<1000x1024xf32, #tpu.memory_space<hbm>> -> memref<1000x1024xf32, #tpu.memory_space<hbm>>
    tpu.enqueue_indirect_dma source(%dma_start3A_292 : memref<1000x1024xf32, #tpu.memory_space<hbm>>) target(%arg6 : memref<16x1024xf32, #tpu.memory_space<vmem>>) offsets(%dma_start3A_289 : memref<16xi32, #tpu.memory_space<vmem>>) semaphore(%arg12 : memref<!tpu.dma_semaphore, #tpu.memory_space<semaphore_mem>>)
    %dma_wait3A_293 = arith.constant 208 : i32
    %dma_wait3A_294 = tpu.memref_slice %arg5[%dma_wait3A_293] : memref<1024xi32, #tpu.memory_space<vmem>> -> memref<16xi32, #tpu.memory_space<vmem>>
    %dma_wait3A_295 = arith.constant 0 : i32
    %dma_wait3A_296 = arith.constant 0 : i32
    %dma_wait3A_297 = tpu.memref_slice %arg2[%dma_wait3A_295, %dma_wait3A_296] : memref<1000x1024xf32, #tpu.memory_space<hbm>> -> memref<1000x1024xf32, #tpu.memory_space<hbm>>
    tpu.wait_indirect_dma semaphore(%arg13 : memref<!tpu.dma_semaphore, #tpu.memory_space<semaphore_mem>>) src(%dma_wait3A_297 : memref<1000x1024xf32, #tpu.memory_space<hbm>>) dst(%arg7 : memref<16x1024xf32, #tpu.memory_space<vmem>>)
    %add3A_298 = arith.constant 208 : i32
    %add3A_299 = arith.addi %mul3A_2, %add3A_298 : i32
    %dma_start3A_300 = arith.constant 0 : i32
    %dma_start3A_301 = tpu.memref_slice %arg4[%add3A_299, %dma_start3A_300] : memref<32768x1024xf32, #tpu.memory_space<hbm>> -> memref<16x1024xf32, #tpu.memory_space<hbm>>
    %dma_start3A_302 = arith.constant 0 : i32
    %dma_start3A_303 = tpu.memref_slice %arg4[%add3A_299, %dma_start3A_302] : memref<32768x1024xf32, #tpu.memory_space<hbm>> -> memref<16x1024xf32, #tpu.memory_space<hbm>>
    tpu.enqueue_dma source(%arg7 : memref<16x1024xf32, #tpu.memory_space<vmem>>) target(%dma_start3A_303 : memref<16x1024xf32, #tpu.memory_space<hbm>>) target_semaphore(%arg19 : memref<!tpu.dma_semaphore, #tpu.memory_space<semaphore_mem>>)
    %dma_wait3A_304 = arith.constant 0 : i32
    %dma_wait3A_305 = tpu.memref_slice %arg4[%add3A_299, %dma_wait3A_304] : memref<32768x1024xf32, #tpu.memory_space<hbm>> -> memref<16x1024xf32, #tpu.memory_space<hbm>>
    %dma_wait3A_306 = arith.constant 0 : i32
    %dma_wait3A_307 = tpu.memref_slice %arg4[%add3A_299, %dma_wait3A_306] : memref<32768x1024xf32, #tpu.memory_space<hbm>> -> memref<16x1024xf32, #tpu.memory_space<hbm>>
    tpu.wait_dma2 semaphore(%arg19 : memref<!tpu.dma_semaphore, #tpu.memory_space<semaphore_mem>>) src(%arg7 : memref<16x1024xf32, #tpu.memory_space<vmem>>) dst(%dma_wait3A_307 : memref<16x1024xf32, #tpu.memory_space<hbm>>)
    %dma_start3A_308 = arith.constant 304 : i32
    %dma_start3A_309 = tpu.memref_slice %arg5[%dma_start3A_308] : memref<1024xi32, #tpu.memory_space<vmem>> -> memref<16xi32, #tpu.memory_space<vmem>>
    %dma_start3A_310 = arith.constant 0 : i32
    %dma_start3A_311 = arith.constant 0 : i32
    %dma_start3A_312 = tpu.memref_slice %arg2[%dma_start3A_310, %dma_start3A_311] : memref<1000x1024xf32, #tpu.memory_space<hbm>> -> memref<1000x1024xf32, #tpu.memory_space<hbm>>
    tpu.enqueue_indirect_dma source(%dma_start3A_312 : memref<1000x1024xf32, #tpu.memory_space<hbm>>) target(%arg7 : memref<16x1024xf32, #tpu.memory_space<vmem>>) offsets(%dma_start3A_309 : memref<16xi32, #tpu.memory_space<vmem>>) semaphore(%arg13 : memref<!tpu.dma_semaphore, #tpu.memory_space<semaphore_mem>>)
    %dma_wait3A_313 = arith.constant 224 : i32
    %dma_wait3A_314 = tpu.memref_slice %arg5[%dma_wait3A_313] : memref<1024xi32, #tpu.memory_space<vmem>> -> memref<16xi32, #tpu.memory_space<vmem>>
    %dma_wait3A_315 = arith.constant 0 : i32
    %dma_wait3A_316 = arith.constant 0 : i32
    %dma_wait3A_317 = tpu.memref_slice %arg2[%dma_wait3A_315, %dma_wait3A_316] : memref<1000x1024xf32, #tpu.memory_space<hbm>> -> memref<1000x1024xf32, #tpu.memory_space<hbm>>
    tpu.wait_indirect_dma semaphore(%arg14 : memref<!tpu.dma_semaphore, #tpu.memory_space<semaphore_mem>>) src(%dma_wait3A_317 : memref<1000x1024xf32, #tpu.memory_space<hbm>>) dst(%arg8 : memref<16x1024xf32, #tpu.memory_space<vmem>>)
    %add3A_318 = arith.constant 224 : i32
    %add3A_319 = arith.addi %mul3A_2, %add3A_318 : i32
    %dma_start3A_320 = arith.constant 0 : i32
    %dma_start3A_321 = tpu.memref_slice %arg4[%add3A_319, %dma_start3A_320] : memref<32768x1024xf32, #tpu.memory_space<hbm>> -> memref<16x1024xf32, #tpu.memory_space<hbm>>
    %dma_start3A_322 = arith.constant 0 : i32
    %dma_start3A_323 = tpu.memref_slice %arg4[%add3A_319, %dma_start3A_322] : memref<32768x1024xf32, #tpu.memory_space<hbm>> -> memref<16x1024xf32, #tpu.memory_space<hbm>>
    tpu.enqueue_dma source(%arg8 : memref<16x1024xf32, #tpu.memory_space<vmem>>) target(%dma_start3A_323 : memref<16x1024xf32, #tpu.memory_space<hbm>>) target_semaphore(%arg20 : memref<!tpu.dma_semaphore, #tpu.memory_space<semaphore_mem>>)
    %dma_wait3A_324 = arith.constant 0 : i32
    %dma_wait3A_325 = tpu.memref_slice %arg4[%add3A_319, %dma_wait3A_324] : memref<32768x1024xf32, #tpu.memory_space<hbm>> -> memref<16x1024xf32, #tpu.memory_space<hbm>>
    %dma_wait3A_326 = arith.constant 0 : i32
    %dma_wait3A_327 = tpu.memref_slice %arg4[%add3A_319, %dma_wait3A_326] : memref<32768x1024xf32, #tpu.memory_space<hbm>> -> memref<16x1024xf32, #tpu.memory_space<hbm>>
    tpu.wait_dma2 semaphore(%arg20 : memref<!tpu.dma_semaphore, #tpu.memory_space<semaphore_mem>>) src(%arg8 : memref<16x1024xf32, #tpu.memory_space<vmem>>) dst(%dma_wait3A_327 : memref<16x1024xf32, #tpu.memory_space<hbm>>)
    %dma_start3A_328 = arith.constant 320 : i32
    %dma_start3A_329 = tpu.memref_slice %arg5[%dma_start3A_328] : memref<1024xi32, #tpu.memory_space<vmem>> -> memref<16xi32, #tpu.memory_space<vmem>>
    %dma_start3A_330 = arith.constant 0 : i32
    %dma_start3A_331 = arith.constant 0 : i32
    %dma_start3A_332 = tpu.memref_slice %arg2[%dma_start3A_330, %dma_start3A_331] : memref<1000x1024xf32, #tpu.memory_space<hbm>> -> memref<1000x1024xf32, #tpu.memory_space<hbm>>
    tpu.enqueue_indirect_dma source(%dma_start3A_332 : memref<1000x1024xf32, #tpu.memory_space<hbm>>) target(%arg8 : memref<16x1024xf32, #tpu.memory_space<vmem>>) offsets(%dma_start3A_329 : memref<16xi32, #tpu.memory_space<vmem>>) semaphore(%arg14 : memref<!tpu.dma_semaphore, #tpu.memory_space<semaphore_mem>>)
    %dma_wait3A_333 = arith.constant 240 : i32
    %dma_wait3A_334 = tpu.memref_slice %arg5[%dma_wait3A_333] : memref<1024xi32, #tpu.memory_space<vmem>> -> memref<16xi32, #tpu.memory_space<vmem>>
    %dma_wait3A_335 = arith.constant 0 : i32
    %dma_wait3A_336 = arith.constant 0 : i32
    %dma_wait3A_337 = tpu.memref_slice %arg2[%dma_wait3A_335, %dma_wait3A_336] : memref<1000x1024xf32, #tpu.memory_space<hbm>> -> memref<1000x1024xf32, #tpu.memory_space<hbm>>
    tpu.wait_indirect_dma semaphore(%arg15 : memref<!tpu.dma_semaphore, #tpu.memory_space<semaphore_mem>>) src(%dma_wait3A_337 : memref<1000x1024xf32, #tpu.memory_space<hbm>>) dst(%arg9 : memref<16x1024xf32, #tpu.memory_space<vmem>>)
    %add3A_338 = arith.constant 240 : i32
    %add3A_339 = arith.addi %mul3A_2, %add3A_338 : i32
    %dma_start3A_340 = arith.constant 0 : i32
    %dma_start3A_341 = tpu.memref_slice %arg4[%add3A_339, %dma_start3A_340] : memref<32768x1024xf32, #tpu.memory_space<hbm>> -> memref<16x1024xf32, #tpu.memory_space<hbm>>
    %dma_start3A_342 = arith.constant 0 : i32
    %dma_start3A_343 = tpu.memref_slice %arg4[%add3A_339, %dma_start3A_342] : memref<32768x1024xf32, #tpu.memory_space<hbm>> -> memref<16x1024xf32, #tpu.memory_space<hbm>>
    tpu.enqueue_dma source(%arg9 : memref<16x1024xf32, #tpu.memory_space<vmem>>) target(%dma_start3A_343 : memref<16x1024xf32, #tpu.memory_space<hbm>>) target_semaphore(%arg21 : memref<!tpu.dma_semaphore, #tpu.memory_space<semaphore_mem>>)
    %dma_wait3A_344 = arith.constant 0 : i32
    %dma_wait3A_345 = tpu.memref_slice %arg4[%add3A_339, %dma_wait3A_344] : memref<32768x1024xf32, #tpu.memory_space<hbm>> -> memref<16x1024xf32, #tpu.memory_space<hbm>>
    %dma_wait3A_346 = arith.constant 0 : i32
    %dma_wait3A_347 = tpu.memref_slice %arg4[%add3A_339, %dma_wait3A_346] : memref<32768x1024xf32, #tpu.memory_space<hbm>> -> memref<16x1024xf32, #tpu.memory_space<hbm>>
    tpu.wait_dma2 semaphore(%arg21 : memref<!tpu.dma_semaphore, #tpu.memory_space<semaphore_mem>>) src(%arg9 : memref<16x1024xf32, #tpu.memory_space<vmem>>) dst(%dma_wait3A_347 : memref<16x1024xf32, #tpu.memory_space<hbm>>)
    %dma_start3A_348 = arith.constant 336 : i32
    %dma_start3A_349 = tpu.memref_slice %arg5[%dma_start3A_348] : memref<1024xi32, #tpu.memory_space<vmem>> -> memref<16xi32, #tpu.memory_space<vmem>>
    %dma_start3A_350 = arith.constant 0 : i32
    %dma_start3A_351 = arith.constant 0 : i32
    %dma_start3A_352 = tpu.memref_slice %arg2[%dma_start3A_350, %dma_start3A_351] : memref<1000x1024xf32, #tpu.memory_space<hbm>> -> memref<1000x1024xf32, #tpu.memory_space<hbm>>
    tpu.enqueue_indirect_dma source(%dma_start3A_352 : memref<1000x1024xf32, #tpu.memory_space<hbm>>) target(%arg9 : memref<16x1024xf32, #tpu.memory_space<vmem>>) offsets(%dma_start3A_349 : memref<16xi32, #tpu.memory_space<vmem>>) semaphore(%arg15 : memref<!tpu.dma_semaphore, #tpu.memory_space<semaphore_mem>>)
    %dma_wait3A_353 = arith.constant 256 : i32
    %dma_wait3A_354 = tpu.memref_slice %arg5[%dma_wait3A_353] : memref<1024xi32, #tpu.memory_space<vmem>> -> memref<16xi32, #tpu.memory_space<vmem>>
    %dma_wait3A_355 = arith.constant 0 : i32
    %dma_wait3A_356 = arith.constant 0 : i32
    %dma_wait3A_357 = tpu.memref_slice %arg2[%dma_wait3A_355, %dma_wait3A_356] : memref<1000x1024xf32, #tpu.memory_space<hbm>> -> memref<1000x1024xf32, #tpu.memory_space<hbm>>
    tpu.wait_indirect_dma semaphore(%arg16 : memref<!tpu.dma_semaphore, #tpu.memory_space<semaphore_mem>>) src(%dma_wait3A_357 : memref<1000x1024xf32, #tpu.memory_space<hbm>>) dst(%arg10 : memref<16x1024xf32, #tpu.memory_space<vmem>>)
    %add3A_358 = arith.constant 256 : i32
    %add3A_359 = arith.addi %mul3A_2, %add3A_358 : i32
    %dma_start3A_360 = arith.constant 0 : i32
    %dma_start3A_361 = tpu.memref_slice %arg4[%add3A_359, %dma_start3A_360] : memref<32768x1024xf32, #tpu.memory_space<hbm>> -> memref<16x1024xf32, #tpu.memory_space<hbm>>
    %dma_start3A_362 = arith.constant 0 : i32
    %dma_start3A_363 = tpu.memref_slice %arg4[%add3A_359, %dma_start3A_362] : memref<32768x1024xf32, #tpu.memory_space<hbm>> -> memref<16x1024xf32, #tpu.memory_space<hbm>>
    tpu.enqueue_dma source(%arg10 : memref<16x1024xf32, #tpu.memory_space<vmem>>) target(%dma_start3A_363 : memref<16x1024xf32, #tpu.memory_space<hbm>>) target_semaphore(%arg22 : memref<!tpu.dma_semaphore, #tpu.memory_space<semaphore_mem>>)
    %dma_wait3A_364 = arith.constant 0 : i32
    %dma_wait3A_365 = tpu.memref_slice %arg4[%add3A_359, %dma_wait3A_364] : memref<32768x1024xf32, #tpu.memory_space<hbm>> -> memref<16x1024xf32, #tpu.memory_space<hbm>>
    %dma_wait3A_366 = arith.constant 0 : i32
    %dma_wait3A_367 = tpu.memref_slice %arg4[%add3A_359, %dma_wait3A_366] : memref<32768x1024xf32, #tpu.memory_space<hbm>> -> memref<16x1024xf32, #tpu.memory_space<hbm>>
    tpu.wait_dma2 semaphore(%arg22 : memref<!tpu.dma_semaphore, #tpu.memory_space<semaphore_mem>>) src(%arg10 : memref<16x1024xf32, #tpu.memory_space<vmem>>) dst(%dma_wait3A_367 : memref<16x1024xf32, #tpu.memory_space<hbm>>)
    %dma_start3A_368 = arith.constant 352 : i32
    %dma_start3A_369 = tpu.memref_slice %arg5[%dma_start3A_368] : memref<1024xi32, #tpu.memory_space<vmem>> -> memref<16xi32, #tpu.memory_space<vmem>>
    %dma_start3A_370 = arith.constant 0 : i32
    %dma_start3A_371 = arith.constant 0 : i32
    %dma_start3A_372 = tpu.memref_slice %arg2[%dma_start3A_370, %dma_start3A_371] : memref<1000x1024xf32, #tpu.memory_space<hbm>> -> memref<1000x1024xf32, #tpu.memory_space<hbm>>
    tpu.enqueue_indirect_dma source(%dma_start3A_372 : memref<1000x1024xf32, #tpu.memory_space<hbm>>) target(%arg10 : memref<16x1024xf32, #tpu.memory_space<vmem>>) offsets(%dma_start3A_369 : memref<16xi32, #tpu.memory_space<vmem>>) semaphore(%arg16 : memref<!tpu.dma_semaphore, #tpu.memory_space<semaphore_mem>>)
    %dma_wait3A_373 = arith.constant 272 : i32
    %dma_wait3A_374 = tpu.memref_slice %arg5[%dma_wait3A_373] : memref<1024xi32, #tpu.memory_space<vmem>> -> memref<16xi32, #tpu.memory_space<vmem>>
    %dma_wait3A_375 = arith.constant 0 : i32
    %dma_wait3A_376 = arith.constant 0 : i32
    %dma_wait3A_377 = tpu.memref_slice %arg2[%dma_wait3A_375, %dma_wait3A_376] : memref<1000x1024xf32, #tpu.memory_space<hbm>> -> memref<1000x1024xf32, #tpu.memory_space<hbm>>
    tpu.wait_indirect_dma semaphore(%arg17 : memref<!tpu.dma_semaphore, #tpu.memory_space<semaphore_mem>>) src(%dma_wait3A_377 : memref<1000x1024xf32, #tpu.memory_space<hbm>>) dst(%arg11 : memref<16x1024xf32, #tpu.memory_space<vmem>>)
    %add3A_378 = arith.constant 272 : i32
    %add3A_379 = arith.addi %mul3A_2, %add3A_378 : i32
    %dma_start3A_380 = arith.constant 0 : i32
    %dma_start3A_381 = tpu.memref_slice %arg4[%add3A_379, %dma_start3A_380] : memref<32768x1024xf32, #tpu.memory_space<hbm>> -> memref<16x1024xf32, #tpu.memory_space<hbm>>
    %dma_start3A_382 = arith.constant 0 : i32
    %dma_start3A_383 = tpu.memref_slice %arg4[%add3A_379, %dma_start3A_382] : memref<32768x1024xf32, #tpu.memory_space<hbm>> -> memref<16x1024xf32, #tpu.memory_space<hbm>>
    tpu.enqueue_dma source(%arg11 : memref<16x1024xf32, #tpu.memory_space<vmem>>) target(%dma_start3A_383 : memref<16x1024xf32, #tpu.memory_space<hbm>>) target_semaphore(%arg23 : memref<!tpu.dma_semaphore, #tpu.memory_space<semaphore_mem>>)
    %dma_wait3A_384 = arith.constant 0 : i32
    %dma_wait3A_385 = tpu.memref_slice %arg4[%add3A_379, %dma_wait3A_384] : memref<32768x1024xf32, #tpu.memory_space<hbm>> -> memref<16x1024xf32, #tpu.memory_space<hbm>>
    %dma_wait3A_386 = arith.constant 0 : i32
    %dma_wait3A_387 = tpu.memref_slice %arg4[%add3A_379, %dma_wait3A_386] : memref<32768x1024xf32, #tpu.memory_space<hbm>> -> memref<16x1024xf32, #tpu.memory_space<hbm>>
    tpu.wait_dma2 semaphore(%arg23 : memref<!tpu.dma_semaphore, #tpu.memory_space<semaphore_mem>>) src(%arg11 : memref<16x1024xf32, #tpu.memory_space<vmem>>) dst(%dma_wait3A_387 : memref<16x1024xf32, #tpu.memory_space<hbm>>)
    %dma_start3A_388 = arith.constant 368 : i32
    %dma_start3A_389 = tpu.memref_slice %arg5[%dma_start3A_388] : memref<1024xi32, #tpu.memory_space<vmem>> -> memref<16xi32, #tpu.memory_space<vmem>>
    %dma_start3A_390 = arith.constant 0 : i32
    %dma_start3A_391 = arith.constant 0 : i32
    %dma_start3A_392 = tpu.memref_slice %arg2[%dma_start3A_390, %dma_start3A_391] : memref<1000x1024xf32, #tpu.memory_space<hbm>> -> memref<1000x1024xf32, #tpu.memory_space<hbm>>
    tpu.enqueue_indirect_dma source(%dma_start3A_392 : memref<1000x1024xf32, #tpu.memory_space<hbm>>) target(%arg11 : memref<16x1024xf32, #tpu.memory_space<vmem>>) offsets(%dma_start3A_389 : memref<16xi32, #tpu.memory_space<vmem>>) semaphore(%arg17 : memref<!tpu.dma_semaphore, #tpu.memory_space<semaphore_mem>>)
    %dma_wait3A_393 = arith.constant 288 : i32
    %dma_wait3A_394 = tpu.memref_slice %arg5[%dma_wait3A_393] : memref<1024xi32, #tpu.memory_space<vmem>> -> memref<16xi32, #tpu.memory_space<vmem>>
    %dma_wait3A_395 = arith.constant 0 : i32
    %dma_wait3A_396 = arith.constant 0 : i32
    %dma_wait3A_397 = tpu.memref_slice %arg2[%dma_wait3A_395, %dma_wait3A_396] : memref<1000x1024xf32, #tpu.memory_space<hbm>> -> memref<1000x1024xf32, #tpu.memory_space<hbm>>
    tpu.wait_indirect_dma semaphore(%arg12 : memref<!tpu.dma_semaphore, #tpu.memory_space<semaphore_mem>>) src(%dma_wait3A_397 : memref<1000x1024xf32, #tpu.memory_space<hbm>>) dst(%arg6 : memref<16x1024xf32, #tpu.memory_space<vmem>>)
    %add3A_398 = arith.constant 288 : i32
    %add3A_399 = arith.addi %mul3A_2, %add3A_398 : i32
    %dma_start3A_400 = arith.constant 0 : i32
    %dma_start3A_401 = tpu.memref_slice %arg4[%add3A_399, %dma_start3A_400] : memref<32768x1024xf32, #tpu.memory_space<hbm>> -> memref<16x1024xf32, #tpu.memory_space<hbm>>
    %dma_start3A_402 = arith.constant 0 : i32
    %dma_start3A_403 = tpu.memref_slice %arg4[%add3A_399, %dma_start3A_402] : memref<32768x1024xf32, #tpu.memory_space<hbm>> -> memref<16x1024xf32, #tpu.memory_space<hbm>>
    tpu.enqueue_dma source(%arg6 : memref<16x1024xf32, #tpu.memory_space<vmem>>) target(%dma_start3A_403 : memref<16x1024xf32, #tpu.memory_space<hbm>>) target_semaphore(%arg18 : memref<!tpu.dma_semaphore, #tpu.memory_space<semaphore_mem>>)
    %dma_wait3A_404 = arith.constant 0 : i32
    %dma_wait3A_405 = tpu.memref_slice %arg4[%add3A_399, %dma_wait3A_404] : memref<32768x1024xf32, #tpu.memory_space<hbm>> -> memref<16x1024xf32, #tpu.memory_space<hbm>>
    %dma_wait3A_406 = arith.constant 0 : i32
    %dma_wait3A_407 = tpu.memref_slice %arg4[%add3A_399, %dma_wait3A_406] : memref<32768x1024xf32, #tpu.memory_space<hbm>> -> memref<16x1024xf32, #tpu.memory_space<hbm>>
    tpu.wait_dma2 semaphore(%arg18 : memref<!tpu.dma_semaphore, #tpu.memory_space<semaphore_mem>>) src(%arg6 : memref<16x1024xf32, #tpu.memory_space<vmem>>) dst(%dma_wait3A_407 : memref<16x1024xf32, #tpu.memory_space<hbm>>)
    %dma_start3A_408 = arith.constant 384 : i32
    %dma_start3A_409 = tpu.memref_slice %arg5[%dma_start3A_408] : memref<1024xi32, #tpu.memory_space<vmem>> -> memref<16xi32, #tpu.memory_space<vmem>>
    %dma_start3A_410 = arith.constant 0 : i32
    %dma_start3A_411 = arith.constant 0 : i32
    %dma_start3A_412 = tpu.memref_slice %arg2[%dma_start3A_410, %dma_start3A_411] : memref<1000x1024xf32, #tpu.memory_space<hbm>> -> memref<1000x1024xf32, #tpu.memory_space<hbm>>
    tpu.enqueue_indirect_dma source(%dma_start3A_412 : memref<1000x1024xf32, #tpu.memory_space<hbm>>) target(%arg6 : memref<16x1024xf32, #tpu.memory_space<vmem>>) offsets(%dma_start3A_409 : memref<16xi32, #tpu.memory_space<vmem>>) semaphore(%arg12 : memref<!tpu.dma_semaphore, #tpu.memory_space<semaphore_mem>>)
    %dma_wait3A_413 = arith.constant 304 : i32
    %dma_wait3A_414 = tpu.memref_slice %arg5[%dma_wait3A_413] : memref<1024xi32, #tpu.memory_space<vmem>> -> memref<16xi32, #tpu.memory_space<vmem>>
    %dma_wait3A_415 = arith.constant 0 : i32
    %dma_wait3A_416 = arith.constant 0 : i32
    %dma_wait3A_417 = tpu.memref_slice %arg2[%dma_wait3A_415, %dma_wait3A_416] : memref<1000x1024xf32, #tpu.memory_space<hbm>> -> memref<1000x1024xf32, #tpu.memory_space<hbm>>
    tpu.wait_indirect_dma semaphore(%arg13 : memref<!tpu.dma_semaphore, #tpu.memory_space<semaphore_mem>>) src(%dma_wait3A_417 : memref<1000x1024xf32, #tpu.memory_space<hbm>>) dst(%arg7 : memref<16x1024xf32, #tpu.memory_space<vmem>>)
    %add3A_418 = arith.constant 304 : i32
    %add3A_419 = arith.addi %mul3A_2, %add3A_418 : i32
    %dma_start3A_420 = arith.constant 0 : i32
    %dma_start3A_421 = tpu.memref_slice %arg4[%add3A_419, %dma_start3A_420] : memref<32768x1024xf32, #tpu.memory_space<hbm>> -> memref<16x1024xf32, #tpu.memory_space<hbm>>
    %dma_start3A_422 = arith.constant 0 : i32
    %dma_start3A_423 = tpu.memref_slice %arg4[%add3A_419, %dma_start3A_422] : memref<32768x1024xf32, #tpu.memory_space<hbm>> -> memref<16x1024xf32, #tpu.memory_space<hbm>>
    tpu.enqueue_dma source(%arg7 : memref<16x1024xf32, #tpu.memory_space<vmem>>) target(%dma_start3A_423 : memref<16x1024xf32, #tpu.memory_space<hbm>>) target_semaphore(%arg19 : memref<!tpu.dma_semaphore, #tpu.memory_space<semaphore_mem>>)
    %dma_wait3A_424 = arith.constant 0 : i32
    %dma_wait3A_425 = tpu.memref_slice %arg4[%add3A_419, %dma_wait3A_424] : memref<32768x1024xf32, #tpu.memory_space<hbm>> -> memref<16x1024xf32, #tpu.memory_space<hbm>>
    %dma_wait3A_426 = arith.constant 0 : i32
    %dma_wait3A_427 = tpu.memref_slice %arg4[%add3A_419, %dma_wait3A_426] : memref<32768x1024xf32, #tpu.memory_space<hbm>> -> memref<16x1024xf32, #tpu.memory_space<hbm>>
    tpu.wait_dma2 semaphore(%arg19 : memref<!tpu.dma_semaphore, #tpu.memory_space<semaphore_mem>>) src(%arg7 : memref<16x1024xf32, #tpu.memory_space<vmem>>) dst(%dma_wait3A_427 : memref<16x1024xf32, #tpu.memory_space<hbm>>)
    %dma_start3A_428 = arith.constant 400 : i32
    %dma_start3A_429 = tpu.memref_slice %arg5[%dma_start3A_428] : memref<1024xi32, #tpu.memory_space<vmem>> -> memref<16xi32, #tpu.memory_space<vmem>>
    %dma_start3A_430 = arith.constant 0 : i32
    %dma_start3A_431 = arith.constant 0 : i32
    %dma_start3A_432 = tpu.memref_slice %arg2[%dma_start3A_430, %dma_start3A_431] : memref<1000x1024xf32, #tpu.memory_space<hbm>> -> memref<1000x1024xf32, #tpu.memory_space<hbm>>
    tpu.enqueue_indirect_dma source(%dma_start3A_432 : memref<1000x1024xf32, #tpu.memory_space<hbm>>) target(%arg7 : memref<16x1024xf32, #tpu.memory_space<vmem>>) offsets(%dma_start3A_429 : memref<16xi32, #tpu.memory_space<vmem>>) semaphore(%arg13 : memref<!tpu.dma_semaphore, #tpu.memory_space<semaphore_mem>>)
    %dma_wait3A_433 = arith.constant 320 : i32
    %dma_wait3A_434 = tpu.memref_slice %arg5[%dma_wait3A_433] : memref<1024xi32, #tpu.memory_space<vmem>> -> memref<16xi32, #tpu.memory_space<vmem>>
    %dma_wait3A_435 = arith.constant 0 : i32
    %dma_wait3A_436 = arith.constant 0 : i32
    %dma_wait3A_437 = tpu.memref_slice %arg2[%dma_wait3A_435, %dma_wait3A_436] : memref<1000x1024xf32, #tpu.memory_space<hbm>> -> memref<1000x1024xf32, #tpu.memory_space<hbm>>
    tpu.wait_indirect_dma semaphore(%arg14 : memref<!tpu.dma_semaphore, #tpu.memory_space<semaphore_mem>>) src(%dma_wait3A_437 : memref<1000x1024xf32, #tpu.memory_space<hbm>>) dst(%arg8 : memref<16x1024xf32, #tpu.memory_space<vmem>>)
    %add3A_438 = arith.constant 320 : i32
    %add3A_439 = arith.addi %mul3A_2, %add3A_438 : i32
    %dma_start3A_440 = arith.constant 0 : i32
    %dma_start3A_441 = tpu.memref_slice %arg4[%add3A_439, %dma_start3A_440] : memref<32768x1024xf32, #tpu.memory_space<hbm>> -> memref<16x1024xf32, #tpu.memory_space<hbm>>
    %dma_start3A_442 = arith.constant 0 : i32
    %dma_start3A_443 = tpu.memref_slice %arg4[%add3A_439, %dma_start3A_442] : memref<32768x1024xf32, #tpu.memory_space<hbm>> -> memref<16x1024xf32, #tpu.memory_space<hbm>>
    tpu.enqueue_dma source(%arg8 : memref<16x1024xf32, #tpu.memory_space<vmem>>) target(%dma_start3A_443 : memref<16x1024xf32, #tpu.memory_space<hbm>>) target_semaphore(%arg20 : memref<!tpu.dma_semaphore, #tpu.memory_space<semaphore_mem>>)
    %dma_wait3A_444 = arith.constant 0 : i32
    %dma_wait3A_445 = tpu.memref_slice %arg4[%add3A_439, %dma_wait3A_444] : memref<32768x1024xf32, #tpu.memory_space<hbm>> -> memref<16x1024xf32, #tpu.memory_space<hbm>>
    %dma_wait3A_446 = arith.constant 0 : i32
    %dma_wait3A_447 = tpu.memref_slice %arg4[%add3A_439, %dma_wait3A_446] : memref<32768x1024xf32, #tpu.memory_space<hbm>> -> memref<16x1024xf32, #tpu.memory_space<hbm>>
    tpu.wait_dma2 semaphore(%arg20 : memref<!tpu.dma_semaphore, #tpu.memory_space<semaphore_mem>>) src(%arg8 : memref<16x1024xf32, #tpu.memory_space<vmem>>) dst(%dma_wait3A_447 : memref<16x1024xf32, #tpu.memory_space<hbm>>)
    %dma_start3A_448 = arith.constant 416 : i32
    %dma_start3A_449 = tpu.memref_slice %arg5[%dma_start3A_448] : memref<1024xi32, #tpu.memory_space<vmem>> -> memref<16xi32, #tpu.memory_space<vmem>>
    %dma_start3A_450 = arith.constant 0 : i32
    %dma_start3A_451 = arith.constant 0 : i32
    %dma_start3A_452 = tpu.memref_slice %arg2[%dma_start3A_450, %dma_start3A_451] : memref<1000x1024xf32, #tpu.memory_space<hbm>> -> memref<1000x1024xf32, #tpu.memory_space<hbm>>
    tpu.enqueue_indirect_dma source(%dma_start3A_452 : memref<1000x1024xf32, #tpu.memory_space<hbm>>) target(%arg8 : memref<16x1024xf32, #tpu.memory_space<vmem>>) offsets(%dma_start3A_449 : memref<16xi32, #tpu.memory_space<vmem>>) semaphore(%arg14 : memref<!tpu.dma_semaphore, #tpu.memory_space<semaphore_mem>>)
    %dma_wait3A_453 = arith.constant 336 : i32
    %dma_wait3A_454 = tpu.memref_slice %arg5[%dma_wait3A_453] : memref<1024xi32, #tpu.memory_space<vmem>> -> memref<16xi32, #tpu.memory_space<vmem>>
    %dma_wait3A_455 = arith.constant 0 : i32
    %dma_wait3A_456 = arith.constant 0 : i32
    %dma_wait3A_457 = tpu.memref_slice %arg2[%dma_wait3A_455, %dma_wait3A_456] : memref<1000x1024xf32, #tpu.memory_space<hbm>> -> memref<1000x1024xf32, #tpu.memory_space<hbm>>
    tpu.wait_indirect_dma semaphore(%arg15 : memref<!tpu.dma_semaphore, #tpu.memory_space<semaphore_mem>>) src(%dma_wait3A_457 : memref<1000x1024xf32, #tpu.memory_space<hbm>>) dst(%arg9 : memref<16x1024xf32, #tpu.memory_space<vmem>>)
    %add3A_458 = arith.constant 336 : i32
    %add3A_459 = arith.addi %mul3A_2, %add3A_458 : i32
    %dma_start3A_460 = arith.constant 0 : i32
    %dma_start3A_461 = tpu.memref_slice %arg4[%add3A_459, %dma_start3A_460] : memref<32768x1024xf32, #tpu.memory_space<hbm>> -> memref<16x1024xf32, #tpu.memory_space<hbm>>
    %dma_start3A_462 = arith.constant 0 : i32
    %dma_start3A_463 = tpu.memref_slice %arg4[%add3A_459, %dma_start3A_462] : memref<32768x1024xf32, #tpu.memory_space<hbm>> -> memref<16x1024xf32, #tpu.memory_space<hbm>>
    tpu.enqueue_dma source(%arg9 : memref<16x1024xf32, #tpu.memory_space<vmem>>) target(%dma_start3A_463 : memref<16x1024xf32, #tpu.memory_space<hbm>>) target_semaphore(%arg21 : memref<!tpu.dma_semaphore, #tpu.memory_space<semaphore_mem>>)
    %dma_wait3A_464 = arith.constant 0 : i32
    %dma_wait3A_465 = tpu.memref_slice %arg4[%add3A_459, %dma_wait3A_464] : memref<32768x1024xf32, #tpu.memory_space<hbm>> -> memref<16x1024xf32, #tpu.memory_space<hbm>>
    %dma_wait3A_466 = arith.constant 0 : i32
    %dma_wait3A_467 = tpu.memref_slice %arg4[%add3A_459, %dma_wait3A_466] : memref<32768x1024xf32, #tpu.memory_space<hbm>> -> memref<16x1024xf32, #tpu.memory_space<hbm>>
    tpu.wait_dma2 semaphore(%arg21 : memref<!tpu.dma_semaphore, #tpu.memory_space<semaphore_mem>>) src(%arg9 : memref<16x1024xf32, #tpu.memory_space<vmem>>) dst(%dma_wait3A_467 : memref<16x1024xf32, #tpu.memory_space<hbm>>)
    %dma_start3A_468 = arith.constant 432 : i32
    %dma_start3A_469 = tpu.memref_slice %arg5[%dma_start3A_468] : memref<1024xi32, #tpu.memory_space<vmem>> -> memref<16xi32, #tpu.memory_space<vmem>>
    %dma_start3A_470 = arith.constant 0 : i32
    %dma_start3A_471 = arith.constant 0 : i32
    %dma_start3A_472 = tpu.memref_slice %arg2[%dma_start3A_470, %dma_start3A_471] : memref<1000x1024xf32, #tpu.memory_space<hbm>> -> memref<1000x1024xf32, #tpu.memory_space<hbm>>
    tpu.enqueue_indirect_dma source(%dma_start3A_472 : memref<1000x1024xf32, #tpu.memory_space<hbm>>) target(%arg9 : memref<16x1024xf32, #tpu.memory_space<vmem>>) offsets(%dma_start3A_469 : memref<16xi32, #tpu.memory_space<vmem>>) semaphore(%arg15 : memref<!tpu.dma_semaphore, #tpu.memory_space<semaphore_mem>>)
    %dma_wait3A_473 = arith.constant 352 : i32
    %dma_wait3A_474 = tpu.memref_slice %arg5[%dma_wait3A_473] : memref<1024xi32, #tpu.memory_space<vmem>> -> memref<16xi32, #tpu.memory_space<vmem>>
    %dma_wait3A_475 = arith.constant 0 : i32
    %dma_wait3A_476 = arith.constant 0 : i32
    %dma_wait3A_477 = tpu.memref_slice %arg2[%dma_wait3A_475, %dma_wait3A_476] : memref<1000x1024xf32, #tpu.memory_space<hbm>> -> memref<1000x1024xf32, #tpu.memory_space<hbm>>
    tpu.wait_indirect_dma semaphore(%arg16 : memref<!tpu.dma_semaphore, #tpu.memory_space<semaphore_mem>>) src(%dma_wait3A_477 : memref<1000x1024xf32, #tpu.memory_space<hbm>>) dst(%arg10 : memref<16x1024xf32, #tpu.memory_space<vmem>>)
    %add3A_478 = arith.constant 352 : i32
    %add3A_479 = arith.addi %mul3A_2, %add3A_478 : i32
    %dma_start3A_480 = arith.constant 0 : i32
    %dma_start3A_481 = tpu.memref_slice %arg4[%add3A_479, %dma_start3A_480] : memref<32768x1024xf32, #tpu.memory_space<hbm>> -> memref<16x1024xf32, #tpu.memory_space<hbm>>
    %dma_start3A_482 = arith.constant 0 : i32
    %dma_start3A_483 = tpu.memref_slice %arg4[%add3A_479, %dma_start3A_482] : memref<32768x1024xf32, #tpu.memory_space<hbm>> -> memref<16x1024xf32, #tpu.memory_space<hbm>>
    tpu.enqueue_dma source(%arg10 : memref<16x1024xf32, #tpu.memory_space<vmem>>) target(%dma_start3A_483 : memref<16x1024xf32, #tpu.memory_space<hbm>>) target_semaphore(%arg22 : memref<!tpu.dma_semaphore, #tpu.memory_space<semaphore_mem>>)
    %dma_wait3A_484 = arith.constant 0 : i32
    %dma_wait3A_485 = tpu.memref_slice %arg4[%add3A_479, %dma_wait3A_484] : memref<32768x1024xf32, #tpu.memory_space<hbm>> -> memref<16x1024xf32, #tpu.memory_space<hbm>>
    %dma_wait3A_486 = arith.constant 0 : i32
    %dma_wait3A_487 = tpu.memref_slice %arg4[%add3A_479, %dma_wait3A_486] : memref<32768x1024xf32, #tpu.memory_space<hbm>> -> memref<16x1024xf32, #tpu.memory_space<hbm>>
    tpu.wait_dma2 semaphore(%arg22 : memref<!tpu.dma_semaphore, #tpu.memory_space<semaphore_mem>>) src(%arg10 : memref<16x1024xf32, #tpu.memory_space<vmem>>) dst(%dma_wait3A_487 : memref<16x1024xf32, #tpu.memory_space<hbm>>)
    %dma_start3A_488 = arith.constant 448 : i32
    %dma_start3A_489 = tpu.memref_slice %arg5[%dma_start3A_488] : memref<1024xi32, #tpu.memory_space<vmem>> -> memref<16xi32, #tpu.memory_space<vmem>>
    %dma_start3A_490 = arith.constant 0 : i32
    %dma_start3A_491 = arith.constant 0 : i32
    %dma_start3A_492 = tpu.memref_slice %arg2[%dma_start3A_490, %dma_start3A_491] : memref<1000x1024xf32, #tpu.memory_space<hbm>> -> memref<1000x1024xf32, #tpu.memory_space<hbm>>
    tpu.enqueue_indirect_dma source(%dma_start3A_492 : memref<1000x1024xf32, #tpu.memory_space<hbm>>) target(%arg10 : memref<16x1024xf32, #tpu.memory_space<vmem>>) offsets(%dma_start3A_489 : memref<16xi32, #tpu.memory_space<vmem>>) semaphore(%arg16 : memref<!tpu.dma_semaphore, #tpu.memory_space<semaphore_mem>>)
    %dma_wait3A_493 = arith.constant 368 : i32
    %dma_wait3A_494 = tpu.memref_slice %arg5[%dma_wait3A_493] : memref<1024xi32, #tpu.memory_space<vmem>> -> memref<16xi32, #tpu.memory_space<vmem>>
    %dma_wait3A_495 = arith.constant 0 : i32
    %dma_wait3A_496 = arith.constant 0 : i32
    %dma_wait3A_497 = tpu.memref_slice %arg2[%dma_wait3A_495, %dma_wait3A_496] : memref<1000x1024xf32, #tpu.memory_space<hbm>> -> memref<1000x1024xf32, #tpu.memory_space<hbm>>
    tpu.wait_indirect_dma semaphore(%arg17 : memref<!tpu.dma_semaphore, #tpu.memory_space<semaphore_mem>>) src(%dma_wait3A_497 : memref<1000x1024xf32, #tpu.memory_space<hbm>>) dst(%arg11 : memref<16x1024xf32, #tpu.memory_space<vmem>>)
    %add3A_498 = arith.constant 368 : i32
    %add3A_499 = arith.addi %mul3A_2, %add3A_498 : i32
    %dma_start3A_500 = arith.constant 0 : i32
    %dma_start3A_501 = tpu.memref_slice %arg4[%add3A_499, %dma_start3A_500] : memref<32768x1024xf32, #tpu.memory_space<hbm>> -> memref<16x1024xf32, #tpu.memory_space<hbm>>
    %dma_start3A_502 = arith.constant 0 : i32
    %dma_start3A_503 = tpu.memref_slice %arg4[%add3A_499, %dma_start3A_502] : memref<32768x1024xf32, #tpu.memory_space<hbm>> -> memref<16x1024xf32, #tpu.memory_space<hbm>>
    tpu.enqueue_dma source(%arg11 : memref<16x1024xf32, #tpu.memory_space<vmem>>) target(%dma_start3A_503 : memref<16x1024xf32, #tpu.memory_space<hbm>>) target_semaphore(%arg23 : memref<!tpu.dma_semaphore, #tpu.memory_space<semaphore_mem>>)
    %dma_wait3A_504 = arith.constant 0 : i32
    %dma_wait3A_505 = tpu.memref_slice %arg4[%add3A_499, %dma_wait3A_504] : memref<32768x1024xf32, #tpu.memory_space<hbm>> -> memref<16x1024xf32, #tpu.memory_space<hbm>>
    %dma_wait3A_506 = arith.constant 0 : i32
    %dma_wait3A_507 = tpu.memref_slice %arg4[%add3A_499, %dma_wait3A_506] : memref<32768x1024xf32, #tpu.memory_space<hbm>> -> memref<16x1024xf32, #tpu.memory_space<hbm>>
    tpu.wait_dma2 semaphore(%arg23 : memref<!tpu.dma_semaphore, #tpu.memory_space<semaphore_mem>>) src(%arg11 : memref<16x1024xf32, #tpu.memory_space<vmem>>) dst(%dma_wait3A_507 : memref<16x1024xf32, #tpu.memory_space<hbm>>)
    %dma_start3A_508 = arith.constant 464 : i32
    %dma_start3A_509 = tpu.memref_slice %arg5[%dma_start3A_508] : memref<1024xi32, #tpu.memory_space<vmem>> -> memref<16xi32, #tpu.memory_space<vmem>>
    %dma_start3A_510 = arith.constant 0 : i32
    %dma_start3A_511 = arith.constant 0 : i32
    %dma_start3A_512 = tpu.memref_slice %arg2[%dma_start3A_510, %dma_start3A_511] : memref<1000x1024xf32, #tpu.memory_space<hbm>> -> memref<1000x1024xf32, #tpu.memory_space<hbm>>
    tpu.enqueue_indirect_dma source(%dma_start3A_512 : memref<1000x1024xf32, #tpu.memory_space<hbm>>) target(%arg11 : memref<16x1024xf32, #tpu.memory_space<vmem>>) offsets(%dma_start3A_509 : memref<16xi32, #tpu.memory_space<vmem>>) semaphore(%arg17 : memref<!tpu.dma_semaphore, #tpu.memory_space<semaphore_mem>>)
    %dma_wait3A_513 = arith.constant 384 : i32
    %dma_wait3A_514 = tpu.memref_slice %arg5[%dma_wait3A_513] : memref<1024xi32, #tpu.memory_space<vmem>> -> memref<16xi32, #tpu.memory_space<vmem>>
    %dma_wait3A_515 = arith.constant 0 : i32
    %dma_wait3A_516 = arith.constant 0 : i32
    %dma_wait3A_517 = tpu.memref_slice %arg2[%dma_wait3A_515, %dma_wait3A_516] : memref<1000x1024xf32, #tpu.memory_space<hbm>> -> memref<1000x1024xf32, #tpu.memory_space<hbm>>
    tpu.wait_indirect_dma semaphore(%arg12 : memref<!tpu.dma_semaphore, #tpu.memory_space<semaphore_mem>>) src(%dma_wait3A_517 : memref<1000x1024xf32, #tpu.memory_space<hbm>>) dst(%arg6 : memref<16x1024xf32, #tpu.memory_space<vmem>>)
    %add3A_518 = arith.constant 384 : i32
    %add3A_519 = arith.addi %mul3A_2, %add3A_518 : i32
    %dma_start3A_520 = arith.constant 0 : i32
    %dma_start3A_521 = tpu.memref_slice %arg4[%add3A_519, %dma_start3A_520] : memref<32768x1024xf32, #tpu.memory_space<hbm>> -> memref<16x1024xf32, #tpu.memory_space<hbm>>
    %dma_start3A_522 = arith.constant 0 : i32
    %dma_start3A_523 = tpu.memref_slice %arg4[%add3A_519, %dma_start3A_522] : memref<32768x1024xf32, #tpu.memory_space<hbm>> -> memref<16x1024xf32, #tpu.memory_space<hbm>>
    tpu.enqueue_dma source(%arg6 : memref<16x1024xf32, #tpu.memory_space<vmem>>) target(%dma_start3A_523 : memref<16x1024xf32, #tpu.memory_space<hbm>>) target_semaphore(%arg18 : memref<!tpu.dma_semaphore, #tpu.memory_space<semaphore_mem>>)
    %dma_wait3A_524 = arith.constant 0 : i32
    %dma_wait3A_525 = tpu.memref_slice %arg4[%add3A_519, %dma_wait3A_524] : memref<32768x1024xf32, #tpu.memory_space<hbm>> -> memref<16x1024xf32, #tpu.memory_space<hbm>>
    %dma_wait3A_526 = arith.constant 0 : i32
    %dma_wait3A_527 = tpu.memref_slice %arg4[%add3A_519, %dma_wait3A_526] : memref<32768x1024xf32, #tpu.memory_space<hbm>> -> memref<16x1024xf32, #tpu.memory_space<hbm>>
    tpu.wait_dma2 semaphore(%arg18 : memref<!tpu.dma_semaphore, #tpu.memory_space<semaphore_mem>>) src(%arg6 : memref<16x1024xf32, #tpu.memory_space<vmem>>) dst(%dma_wait3A_527 : memref<16x1024xf32, #tpu.memory_space<hbm>>)
    %dma_start3A_528 = arith.constant 480 : i32
    %dma_start3A_529 = tpu.memref_slice %arg5[%dma_start3A_528] : memref<1024xi32, #tpu.memory_space<vmem>> -> memref<16xi32, #tpu.memory_space<vmem>>
    %dma_start3A_530 = arith.constant 0 : i32
    %dma_start3A_531 = arith.constant 0 : i32
    %dma_start3A_532 = tpu.memref_slice %arg2[%dma_start3A_530, %dma_start3A_531] : memref<1000x1024xf32, #tpu.memory_space<hbm>> -> memref<1000x1024xf32, #tpu.memory_space<hbm>>
    tpu.enqueue_indirect_dma source(%dma_start3A_532 : memref<1000x1024xf32, #tpu.memory_space<hbm>>) target(%arg6 : memref<16x1024xf32, #tpu.memory_space<vmem>>) offsets(%dma_start3A_529 : memref<16xi32, #tpu.memory_space<vmem>>) semaphore(%arg12 : memref<!tpu.dma_semaphore, #tpu.memory_space<semaphore_mem>>)
    %dma_wait3A_533 = arith.constant 400 : i32
    %dma_wait3A_534 = tpu.memref_slice %arg5[%dma_wait3A_533] : memref<1024xi32, #tpu.memory_space<vmem>> -> memref<16xi32, #tpu.memory_space<vmem>>
    %dma_wait3A_535 = arith.constant 0 : i32
    %dma_wait3A_536 = arith.constant 0 : i32
    %dma_wait3A_537 = tpu.memref_slice %arg2[%dma_wait3A_535, %dma_wait3A_536] : memref<1000x1024xf32, #tpu.memory_space<hbm>> -> memref<1000x1024xf32, #tpu.memory_space<hbm>>
    tpu.wait_indirect_dma semaphore(%arg13 : memref<!tpu.dma_semaphore, #tpu.memory_space<semaphore_mem>>) src(%dma_wait3A_537 : memref<1000x1024xf32, #tpu.memory_space<hbm>>) dst(%arg7 : memref<16x1024xf32, #tpu.memory_space<vmem>>)
    %add3A_538 = arith.constant 400 : i32
    %add3A_539 = arith.addi %mul3A_2, %add3A_538 : i32
    %dma_start3A_540 = arith.constant 0 : i32
    %dma_start3A_541 = tpu.memref_slice %arg4[%add3A_539, %dma_start3A_540] : memref<32768x1024xf32, #tpu.memory_space<hbm>> -> memref<16x1024xf32, #tpu.memory_space<hbm>>
    %dma_start3A_542 = arith.constant 0 : i32
    %dma_start3A_543 = tpu.memref_slice %arg4[%add3A_539, %dma_start3A_542] : memref<32768x1024xf32, #tpu.memory_space<hbm>> -> memref<16x1024xf32, #tpu.memory_space<hbm>>
    tpu.enqueue_dma source(%arg7 : memref<16x1024xf32, #tpu.memory_space<vmem>>) target(%dma_start3A_543 : memref<16x1024xf32, #tpu.memory_space<hbm>>) target_semaphore(%arg19 : memref<!tpu.dma_semaphore, #tpu.memory_space<semaphore_mem>>)
    %dma_wait3A_544 = arith.constant 0 : i32
    %dma_wait3A_545 = tpu.memref_slice %arg4[%add3A_539, %dma_wait3A_544] : memref<32768x1024xf32, #tpu.memory_space<hbm>> -> memref<16x1024xf32, #tpu.memory_space<hbm>>
    %dma_wait3A_546 = arith.constant 0 : i32
    %dma_wait3A_547 = tpu.memref_slice %arg4[%add3A_539, %dma_wait3A_546] : memref<32768x1024xf32, #tpu.memory_space<hbm>> -> memref<16x1024xf32, #tpu.memory_space<hbm>>
    tpu.wait_dma2 semaphore(%arg19 : memref<!tpu.dma_semaphore, #tpu.memory_space<semaphore_mem>>) src(%arg7 : memref<16x1024xf32, #tpu.memory_space<vmem>>) dst(%dma_wait3A_547 : memref<16x1024xf32, #tpu.memory_space<hbm>>)
    %dma_start3A_548 = arith.constant 496 : i32
    %dma_start3A_549 = tpu.memref_slice %arg5[%dma_start3A_548] : memref<1024xi32, #tpu.memory_space<vmem>> -> memref<16xi32, #tpu.memory_space<vmem>>
    %dma_start3A_550 = arith.constant 0 : i32
    %dma_start3A_551 = arith.constant 0 : i32
    %dma_start3A_552 = tpu.memref_slice %arg2[%dma_start3A_550, %dma_start3A_551] : memref<1000x1024xf32, #tpu.memory_space<hbm>> -> memref<1000x1024xf32, #tpu.memory_space<hbm>>
    tpu.enqueue_indirect_dma source(%dma_start3A_552 : memref<1000x1024xf32, #tpu.memory_space<hbm>>) target(%arg7 : memref<16x1024xf32, #tpu.memory_space<vmem>>) offsets(%dma_start3A_549 : memref<16xi32, #tpu.memory_space<vmem>>) semaphore(%arg13 : memref<!tpu.dma_semaphore, #tpu.memory_space<semaphore_mem>>)
    %dma_wait3A_553 = arith.constant 416 : i32
    %dma_wait3A_554 = tpu.memref_slice %arg5[%dma_wait3A_553] : memref<1024xi32, #tpu.memory_space<vmem>> -> memref<16xi32, #tpu.memory_space<vmem>>
    %dma_wait3A_555 = arith.constant 0 : i32
    %dma_wait3A_556 = arith.constant 0 : i32
    %dma_wait3A_557 = tpu.memref_slice %arg2[%dma_wait3A_555, %dma_wait3A_556] : memref<1000x1024xf32, #tpu.memory_space<hbm>> -> memref<1000x1024xf32, #tpu.memory_space<hbm>>
    tpu.wait_indirect_dma semaphore(%arg14 : memref<!tpu.dma_semaphore, #tpu.memory_space<semaphore_mem>>) src(%dma_wait3A_557 : memref<1000x1024xf32, #tpu.memory_space<hbm>>) dst(%arg8 : memref<16x1024xf32, #tpu.memory_space<vmem>>)
    %add3A_558 = arith.constant 416 : i32
    %add3A_559 = arith.addi %mul3A_2, %add3A_558 : i32
    %dma_start3A_560 = arith.constant 0 : i32
    %dma_start3A_561 = tpu.memref_slice %arg4[%add3A_559, %dma_start3A_560] : memref<32768x1024xf32, #tpu.memory_space<hbm>> -> memref<16x1024xf32, #tpu.memory_space<hbm>>
    %dma_start3A_562 = arith.constant 0 : i32
    %dma_start3A_563 = tpu.memref_slice %arg4[%add3A_559, %dma_start3A_562] : memref<32768x1024xf32, #tpu.memory_space<hbm>> -> memref<16x1024xf32, #tpu.memory_space<hbm>>
    tpu.enqueue_dma source(%arg8 : memref<16x1024xf32, #tpu.memory_space<vmem>>) target(%dma_start3A_563 : memref<16x1024xf32, #tpu.memory_space<hbm>>) target_semaphore(%arg20 : memref<!tpu.dma_semaphore, #tpu.memory_space<semaphore_mem>>)
    %dma_wait3A_564 = arith.constant 0 : i32
    %dma_wait3A_565 = tpu.memref_slice %arg4[%add3A_559, %dma_wait3A_564] : memref<32768x1024xf32, #tpu.memory_space<hbm>> -> memref<16x1024xf32, #tpu.memory_space<hbm>>
    %dma_wait3A_566 = arith.constant 0 : i32
    %dma_wait3A_567 = tpu.memref_slice %arg4[%add3A_559, %dma_wait3A_566] : memref<32768x1024xf32, #tpu.memory_space<hbm>> -> memref<16x1024xf32, #tpu.memory_space<hbm>>
    tpu.wait_dma2 semaphore(%arg20 : memref<!tpu.dma_semaphore, #tpu.memory_space<semaphore_mem>>) src(%arg8 : memref<16x1024xf32, #tpu.memory_space<vmem>>) dst(%dma_wait3A_567 : memref<16x1024xf32, #tpu.memory_space<hbm>>)
    %dma_start3A_568 = arith.constant 512 : i32
    %dma_start3A_569 = tpu.memref_slice %arg5[%dma_start3A_568] : memref<1024xi32, #tpu.memory_space<vmem>> -> memref<16xi32, #tpu.memory_space<vmem>>
    %dma_start3A_570 = arith.constant 0 : i32
    %dma_start3A_571 = arith.constant 0 : i32
    %dma_start3A_572 = tpu.memref_slice %arg2[%dma_start3A_570, %dma_start3A_571] : memref<1000x1024xf32, #tpu.memory_space<hbm>> -> memref<1000x1024xf32, #tpu.memory_space<hbm>>
    tpu.enqueue_indirect_dma source(%dma_start3A_572 : memref<1000x1024xf32, #tpu.memory_space<hbm>>) target(%arg8 : memref<16x1024xf32, #tpu.memory_space<vmem>>) offsets(%dma_start3A_569 : memref<16xi32, #tpu.memory_space<vmem>>) semaphore(%arg14 : memref<!tpu.dma_semaphore, #tpu.memory_space<semaphore_mem>>)
    %dma_wait3A_573 = arith.constant 432 : i32
    %dma_wait3A_574 = tpu.memref_slice %arg5[%dma_wait3A_573] : memref<1024xi32, #tpu.memory_space<vmem>> -> memref<16xi32, #tpu.memory_space<vmem>>
    %dma_wait3A_575 = arith.constant 0 : i32
    %dma_wait3A_576 = arith.constant 0 : i32
    %dma_wait3A_577 = tpu.memref_slice %arg2[%dma_wait3A_575, %dma_wait3A_576] : memref<1000x1024xf32, #tpu.memory_space<hbm>> -> memref<1000x1024xf32, #tpu.memory_space<hbm>>
    tpu.wait_indirect_dma semaphore(%arg15 : memref<!tpu.dma_semaphore, #tpu.memory_space<semaphore_mem>>) src(%dma_wait3A_577 : memref<1000x1024xf32, #tpu.memory_space<hbm>>) dst(%arg9 : memref<16x1024xf32, #tpu.memory_space<vmem>>)
    %add3A_578 = arith.constant 432 : i32
    %add3A_579 = arith.addi %mul3A_2, %add3A_578 : i32
    %dma_start3A_580 = arith.constant 0 : i32
    %dma_start3A_581 = tpu.memref_slice %arg4[%add3A_579, %dma_start3A_580] : memref<32768x1024xf32, #tpu.memory_space<hbm>> -> memref<16x1024xf32, #tpu.memory_space<hbm>>
    %dma_start3A_582 = arith.constant 0 : i32
    %dma_start3A_583 = tpu.memref_slice %arg4[%add3A_579, %dma_start3A_582] : memref<32768x1024xf32, #tpu.memory_space<hbm>> -> memref<16x1024xf32, #tpu.memory_space<hbm>>
    tpu.enqueue_dma source(%arg9 : memref<16x1024xf32, #tpu.memory_space<vmem>>) target(%dma_start3A_583 : memref<16x1024xf32, #tpu.memory_space<hbm>>) target_semaphore(%arg21 : memref<!tpu.dma_semaphore, #tpu.memory_space<semaphore_mem>>)
    %dma_wait3A_584 = arith.constant 0 : i32
    %dma_wait3A_585 = tpu.memref_slice %arg4[%add3A_579, %dma_wait3A_584] : memref<32768x1024xf32, #tpu.memory_space<hbm>> -> memref<16x1024xf32, #tpu.memory_space<hbm>>
    %dma_wait3A_586 = arith.constant 0 : i32
    %dma_wait3A_587 = tpu.memref_slice %arg4[%add3A_579, %dma_wait3A_586] : memref<32768x1024xf32, #tpu.memory_space<hbm>> -> memref<16x1024xf32, #tpu.memory_space<hbm>>
    tpu.wait_dma2 semaphore(%arg21 : memref<!tpu.dma_semaphore, #tpu.memory_space<semaphore_mem>>) src(%arg9 : memref<16x1024xf32, #tpu.memory_space<vmem>>) dst(%dma_wait3A_587 : memref<16x1024xf32, #tpu.memory_space<hbm>>)
    %dma_start3A_588 = arith.constant 528 : i32
    %dma_start3A_589 = tpu.memref_slice %arg5[%dma_start3A_588] : memref<1024xi32, #tpu.memory_space<vmem>> -> memref<16xi32, #tpu.memory_space<vmem>>
    %dma_start3A_590 = arith.constant 0 : i32
    %dma_start3A_591 = arith.constant 0 : i32
    %dma_start3A_592 = tpu.memref_slice %arg2[%dma_start3A_590, %dma_start3A_591] : memref<1000x1024xf32, #tpu.memory_space<hbm>> -> memref<1000x1024xf32, #tpu.memory_space<hbm>>
    tpu.enqueue_indirect_dma source(%dma_start3A_592 : memref<1000x1024xf32, #tpu.memory_space<hbm>>) target(%arg9 : memref<16x1024xf32, #tpu.memory_space<vmem>>) offsets(%dma_start3A_589 : memref<16xi32, #tpu.memory_space<vmem>>) semaphore(%arg15 : memref<!tpu.dma_semaphore, #tpu.memory_space<semaphore_mem>>)
    %dma_wait3A_593 = arith.constant 448 : i32
    %dma_wait3A_594 = tpu.memref_slice %arg5[%dma_wait3A_593] : memref<1024xi32, #tpu.memory_space<vmem>> -> memref<16xi32, #tpu.memory_space<vmem>>
    %dma_wait3A_595 = arith.constant 0 : i32
    %dma_wait3A_596 = arith.constant 0 : i32
    %dma_wait3A_597 = tpu.memref_slice %arg2[%dma_wait3A_595, %dma_wait3A_596] : memref<1000x1024xf32, #tpu.memory_space<hbm>> -> memref<1000x1024xf32, #tpu.memory_space<hbm>>
    tpu.wait_indirect_dma semaphore(%arg16 : memref<!tpu.dma_semaphore, #tpu.memory_space<semaphore_mem>>) src(%dma_wait3A_597 : memref<1000x1024xf32, #tpu.memory_space<hbm>>) dst(%arg10 : memref<16x1024xf32, #tpu.memory_space<vmem>>)
    %add3A_598 = arith.constant 448 : i32
    %add3A_599 = arith.addi %mul3A_2, %add3A_598 : i32
    %dma_start3A_600 = arith.constant 0 : i32
    %dma_start3A_601 = tpu.memref_slice %arg4[%add3A_599, %dma_start3A_600] : memref<32768x1024xf32, #tpu.memory_space<hbm>> -> memref<16x1024xf32, #tpu.memory_space<hbm>>
    %dma_start3A_602 = arith.constant 0 : i32
    %dma_start3A_603 = tpu.memref_slice %arg4[%add3A_599, %dma_start3A_602] : memref<32768x1024xf32, #tpu.memory_space<hbm>> -> memref<16x1024xf32, #tpu.memory_space<hbm>>
    tpu.enqueue_dma source(%arg10 : memref<16x1024xf32, #tpu.memory_space<vmem>>) target(%dma_start3A_603 : memref<16x1024xf32, #tpu.memory_space<hbm>>) target_semaphore(%arg22 : memref<!tpu.dma_semaphore, #tpu.memory_space<semaphore_mem>>)
    %dma_wait3A_604 = arith.constant 0 : i32
    %dma_wait3A_605 = tpu.memref_slice %arg4[%add3A_599, %dma_wait3A_604] : memref<32768x1024xf32, #tpu.memory_space<hbm>> -> memref<16x1024xf32, #tpu.memory_space<hbm>>
    %dma_wait3A_606 = arith.constant 0 : i32
    %dma_wait3A_607 = tpu.memref_slice %arg4[%add3A_599, %dma_wait3A_606] : memref<32768x1024xf32, #tpu.memory_space<hbm>> -> memref<16x1024xf32, #tpu.memory_space<hbm>>
    tpu.wait_dma2 semaphore(%arg22 : memref<!tpu.dma_semaphore, #tpu.memory_space<semaphore_mem>>) src(%arg10 : memref<16x1024xf32, #tpu.memory_space<vmem>>) dst(%dma_wait3A_607 : memref<16x1024xf32, #tpu.memory_space<hbm>>)
    %dma_start3A_608 = arith.constant 544 : i32
    %dma_start3A_609 = tpu.memref_slice %arg5[%dma_start3A_608] : memref<1024xi32, #tpu.memory_space<vmem>> -> memref<16xi32, #tpu.memory_space<vmem>>
    %dma_start3A_610 = arith.constant 0 : i32
    %dma_start3A_611 = arith.constant 0 : i32
    %dma_start3A_612 = tpu.memref_slice %arg2[%dma_start3A_610, %dma_start3A_611] : memref<1000x1024xf32, #tpu.memory_space<hbm>> -> memref<1000x1024xf32, #tpu.memory_space<hbm>>
    tpu.enqueue_indirect_dma source(%dma_start3A_612 : memref<1000x1024xf32, #tpu.memory_space<hbm>>) target(%arg10 : memref<16x1024xf32, #tpu.memory_space<vmem>>) offsets(%dma_start3A_609 : memref<16xi32, #tpu.memory_space<vmem>>) semaphore(%arg16 : memref<!tpu.dma_semaphore, #tpu.memory_space<semaphore_mem>>)
    %dma_wait3A_613 = arith.constant 464 : i32
    %dma_wait3A_614 = tpu.memref_slice %arg5[%dma_wait3A_613] : memref<1024xi32, #tpu.memory_space<vmem>> -> memref<16xi32, #tpu.memory_space<vmem>>
    %dma_wait3A_615 = arith.constant 0 : i32
    %dma_wait3A_616 = arith.constant 0 : i32
    %dma_wait3A_617 = tpu.memref_slice %arg2[%dma_wait3A_615, %dma_wait3A_616] : memref<1000x1024xf32, #tpu.memory_space<hbm>> -> memref<1000x1024xf32, #tpu.memory_space<hbm>>
    tpu.wait_indirect_dma semaphore(%arg17 : memref<!tpu.dma_semaphore, #tpu.memory_space<semaphore_mem>>) src(%dma_wait3A_617 : memref<1000x1024xf32, #tpu.memory_space<hbm>>) dst(%arg11 : memref<16x1024xf32, #tpu.memory_space<vmem>>)
    %add3A_618 = arith.constant 464 : i32
    %add3A_619 = arith.addi %mul3A_2, %add3A_618 : i32
    %dma_start3A_620 = arith.constant 0 : i32
    %dma_start3A_621 = tpu.memref_slice %arg4[%add3A_619, %dma_start3A_620] : memref<32768x1024xf32, #tpu.memory_space<hbm>> -> memref<16x1024xf32, #tpu.memory_space<hbm>>
    %dma_start3A_622 = arith.constant 0 : i32
    %dma_start3A_623 = tpu.memref_slice %arg4[%add3A_619, %dma_start3A_622] : memref<32768x1024xf32, #tpu.memory_space<hbm>> -> memref<16x1024xf32, #tpu.memory_space<hbm>>
    tpu.enqueue_dma source(%arg11 : memref<16x1024xf32, #tpu.memory_space<vmem>>) target(%dma_start3A_623 : memref<16x1024xf32, #tpu.memory_space<hbm>>) target_semaphore(%arg23 : memref<!tpu.dma_semaphore, #tpu.memory_space<semaphore_mem>>)
    %dma_wait3A_624 = arith.constant 0 : i32
    %dma_wait3A_625 = tpu.memref_slice %arg4[%add3A_619, %dma_wait3A_624] : memref<32768x1024xf32, #tpu.memory_space<hbm>> -> memref<16x1024xf32, #tpu.memory_space<hbm>>
    %dma_wait3A_626 = arith.constant 0 : i32
    %dma_wait3A_627 = tpu.memref_slice %arg4[%add3A_619, %dma_wait3A_626] : memref<32768x1024xf32, #tpu.memory_space<hbm>> -> memref<16x1024xf32, #tpu.memory_space<hbm>>
    tpu.wait_dma2 semaphore(%arg23 : memref<!tpu.dma_semaphore, #tpu.memory_space<semaphore_mem>>) src(%arg11 : memref<16x1024xf32, #tpu.memory_space<vmem>>) dst(%dma_wait3A_627 : memref<16x1024xf32, #tpu.memory_space<hbm>>)
    %dma_start3A_628 = arith.constant 560 : i32
    %dma_start3A_629 = tpu.memref_slice %arg5[%dma_start3A_628] : memref<1024xi32, #tpu.memory_space<vmem>> -> memref<16xi32, #tpu.memory_space<vmem>>
    %dma_start3A_630 = arith.constant 0 : i32
    %dma_start3A_631 = arith.constant 0 : i32
    %dma_start3A_632 = tpu.memref_slice %arg2[%dma_start3A_630, %dma_start3A_631] : memref<1000x1024xf32, #tpu.memory_space<hbm>> -> memref<1000x1024xf32, #tpu.memory_space<hbm>>
    tpu.enqueue_indirect_dma source(%dma_start3A_632 : memref<1000x1024xf32, #tpu.memory_space<hbm>>) target(%arg11 : memref<16x1024xf32, #tpu.memory_space<vmem>>) offsets(%dma_start3A_629 : memref<16xi32, #tpu.memory_space<vmem>>) semaphore(%arg17 : memref<!tpu.dma_semaphore, #tpu.memory_space<semaphore_mem>>)
    %dma_wait3A_633 = arith.constant 480 : i32
    %dma_wait3A_634 = tpu.memref_slice %arg5[%dma_wait3A_633] : memref<1024xi32, #tpu.memory_space<vmem>> -> memref<16xi32, #tpu.memory_space<vmem>>
    %dma_wait3A_635 = arith.constant 0 : i32
    %dma_wait3A_636 = arith.constant 0 : i32
    %dma_wait3A_637 = tpu.memref_slice %arg2[%dma_wait3A_635, %dma_wait3A_636] : memref<1000x1024xf32, #tpu.memory_space<hbm>> -> memref<1000x1024xf32, #tpu.memory_space<hbm>>
    tpu.wait_indirect_dma semaphore(%arg12 : memref<!tpu.dma_semaphore, #tpu.memory_space<semaphore_mem>>) src(%dma_wait3A_637 : memref<1000x1024xf32, #tpu.memory_space<hbm>>) dst(%arg6 : memref<16x1024xf32, #tpu.memory_space<vmem>>)
    %add3A_638 = arith.constant 480 : i32
    %add3A_639 = arith.addi %mul3A_2, %add3A_638 : i32
    %dma_start3A_640 = arith.constant 0 : i32
    %dma_start3A_641 = tpu.memref_slice %arg4[%add3A_639, %dma_start3A_640] : memref<32768x1024xf32, #tpu.memory_space<hbm>> -> memref<16x1024xf32, #tpu.memory_space<hbm>>
    %dma_start3A_642 = arith.constant 0 : i32
    %dma_start3A_643 = tpu.memref_slice %arg4[%add3A_639, %dma_start3A_642] : memref<32768x1024xf32, #tpu.memory_space<hbm>> -> memref<16x1024xf32, #tpu.memory_space<hbm>>
    tpu.enqueue_dma source(%arg6 : memref<16x1024xf32, #tpu.memory_space<vmem>>) target(%dma_start3A_643 : memref<16x1024xf32, #tpu.memory_space<hbm>>) target_semaphore(%arg18 : memref<!tpu.dma_semaphore, #tpu.memory_space<semaphore_mem>>)
    %dma_wait3A_644 = arith.constant 0 : i32
    %dma_wait3A_645 = tpu.memref_slice %arg4[%add3A_639, %dma_wait3A_644] : memref<32768x1024xf32, #tpu.memory_space<hbm>> -> memref<16x1024xf32, #tpu.memory_space<hbm>>
    %dma_wait3A_646 = arith.constant 0 : i32
    %dma_wait3A_647 = tpu.memref_slice %arg4[%add3A_639, %dma_wait3A_646] : memref<32768x1024xf32, #tpu.memory_space<hbm>> -> memref<16x1024xf32, #tpu.memory_space<hbm>>
    tpu.wait_dma2 semaphore(%arg18 : memref<!tpu.dma_semaphore, #tpu.memory_space<semaphore_mem>>) src(%arg6 : memref<16x1024xf32, #tpu.memory_space<vmem>>) dst(%dma_wait3A_647 : memref<16x1024xf32, #tpu.memory_space<hbm>>)
    %dma_start3A_648 = arith.constant 576 : i32
    %dma_start3A_649 = tpu.memref_slice %arg5[%dma_start3A_648] : memref<1024xi32, #tpu.memory_space<vmem>> -> memref<16xi32, #tpu.memory_space<vmem>>
    %dma_start3A_650 = arith.constant 0 : i32
    %dma_start3A_651 = arith.constant 0 : i32
    %dma_start3A_652 = tpu.memref_slice %arg2[%dma_start3A_650, %dma_start3A_651] : memref<1000x1024xf32, #tpu.memory_space<hbm>> -> memref<1000x1024xf32, #tpu.memory_space<hbm>>
    tpu.enqueue_indirect_dma source(%dma_start3A_652 : memref<1000x1024xf32, #tpu.memory_space<hbm>>) target(%arg6 : memref<16x1024xf32, #tpu.memory_space<vmem>>) offsets(%dma_start3A_649 : memref<16xi32, #tpu.memory_space<vmem>>) semaphore(%arg12 : memref<!tpu.dma_semaphore, #tpu.memory_space<semaphore_mem>>)
    %dma_wait3A_653 = arith.constant 496 : i32
    %dma_wait3A_654 = tpu.memref_slice %arg5[%dma_wait3A_653] : memref<1024xi32, #tpu.memory_space<vmem>> -> memref<16xi32, #tpu.memory_space<vmem>>
    %dma_wait3A_655 = arith.constant 0 : i32
    %dma_wait3A_656 = arith.constant 0 : i32
    %dma_wait3A_657 = tpu.memref_slice %arg2[%dma_wait3A_655, %dma_wait3A_656] : memref<1000x1024xf32, #tpu.memory_space<hbm>> -> memref<1000x1024xf32, #tpu.memory_space<hbm>>
    tpu.wait_indirect_dma semaphore(%arg13 : memref<!tpu.dma_semaphore, #tpu.memory_space<semaphore_mem>>) src(%dma_wait3A_657 : memref<1000x1024xf32, #tpu.memory_space<hbm>>) dst(%arg7 : memref<16x1024xf32, #tpu.memory_space<vmem>>)
    %add3A_658 = arith.constant 496 : i32
    %add3A_659 = arith.addi %mul3A_2, %add3A_658 : i32
    %dma_start3A_660 = arith.constant 0 : i32
    %dma_start3A_661 = tpu.memref_slice %arg4[%add3A_659, %dma_start3A_660] : memref<32768x1024xf32, #tpu.memory_space<hbm>> -> memref<16x1024xf32, #tpu.memory_space<hbm>>
    %dma_start3A_662 = arith.constant 0 : i32
    %dma_start3A_663 = tpu.memref_slice %arg4[%add3A_659, %dma_start3A_662] : memref<32768x1024xf32, #tpu.memory_space<hbm>> -> memref<16x1024xf32, #tpu.memory_space<hbm>>
    tpu.enqueue_dma source(%arg7 : memref<16x1024xf32, #tpu.memory_space<vmem>>) target(%dma_start3A_663 : memref<16x1024xf32, #tpu.memory_space<hbm>>) target_semaphore(%arg19 : memref<!tpu.dma_semaphore, #tpu.memory_space<semaphore_mem>>)
    %dma_wait3A_664 = arith.constant 0 : i32
    %dma_wait3A_665 = tpu.memref_slice %arg4[%add3A_659, %dma_wait3A_664] : memref<32768x1024xf32, #tpu.memory_space<hbm>> -> memref<16x1024xf32, #tpu.memory_space<hbm>>
    %dma_wait3A_666 = arith.constant 0 : i32
    %dma_wait3A_667 = tpu.memref_slice %arg4[%add3A_659, %dma_wait3A_666] : memref<32768x1024xf32, #tpu.memory_space<hbm>> -> memref<16x1024xf32, #tpu.memory_space<hbm>>
    tpu.wait_dma2 semaphore(%arg19 : memref<!tpu.dma_semaphore, #tpu.memory_space<semaphore_mem>>) src(%arg7 : memref<16x1024xf32, #tpu.memory_space<vmem>>) dst(%dma_wait3A_667 : memref<16x1024xf32, #tpu.memory_space<hbm>>)
    %dma_start3A_668 = arith.constant 592 : i32
    %dma_start3A_669 = tpu.memref_slice %arg5[%dma_start3A_668] : memref<1024xi32, #tpu.memory_space<vmem>> -> memref<16xi32, #tpu.memory_space<vmem>>
    %dma_start3A_670 = arith.constant 0 : i32
    %dma_start3A_671 = arith.constant 0 : i32
    %dma_start3A_672 = tpu.memref_slice %arg2[%dma_start3A_670, %dma_start3A_671] : memref<1000x1024xf32, #tpu.memory_space<hbm>> -> memref<1000x1024xf32, #tpu.memory_space<hbm>>
    tpu.enqueue_indirect_dma source(%dma_start3A_672 : memref<1000x1024xf32, #tpu.memory_space<hbm>>) target(%arg7 : memref<16x1024xf32, #tpu.memory_space<vmem>>) offsets(%dma_start3A_669 : memref<16xi32, #tpu.memory_space<vmem>>) semaphore(%arg13 : memref<!tpu.dma_semaphore, #tpu.memory_space<semaphore_mem>>)
    %dma_wait3A_673 = arith.constant 512 : i32
    %dma_wait3A_674 = tpu.memref_slice %arg5[%dma_wait3A_673] : memref<1024xi32, #tpu.memory_space<vmem>> -> memref<16xi32, #tpu.memory_space<vmem>>
    %dma_wait3A_675 = arith.constant 0 : i32
    %dma_wait3A_676 = arith.constant 0 : i32
    %dma_wait3A_677 = tpu.memref_slice %arg2[%dma_wait3A_675, %dma_wait3A_676] : memref<1000x1024xf32, #tpu.memory_space<hbm>> -> memref<1000x1024xf32, #tpu.memory_space<hbm>>
    tpu.wait_indirect_dma semaphore(%arg14 : memref<!tpu.dma_semaphore, #tpu.memory_space<semaphore_mem>>) src(%dma_wait3A_677 : memref<1000x1024xf32, #tpu.memory_space<hbm>>) dst(%arg8 : memref<16x1024xf32, #tpu.memory_space<vmem>>)
    %add3A_678 = arith.constant 512 : i32
    %add3A_679 = arith.addi %mul3A_2, %add3A_678 : i32
    %dma_start3A_680 = arith.constant 0 : i32
    %dma_start3A_681 = tpu.memref_slice %arg4[%add3A_679, %dma_start3A_680] : memref<32768x1024xf32, #tpu.memory_space<hbm>> -> memref<16x1024xf32, #tpu.memory_space<hbm>>
    %dma_start3A_682 = arith.constant 0 : i32
    %dma_start3A_683 = tpu.memref_slice %arg4[%add3A_679, %dma_start3A_682] : memref<32768x1024xf32, #tpu.memory_space<hbm>> -> memref<16x1024xf32, #tpu.memory_space<hbm>>
    tpu.enqueue_dma source(%arg8 : memref<16x1024xf32, #tpu.memory_space<vmem>>) target(%dma_start3A_683 : memref<16x1024xf32, #tpu.memory_space<hbm>>) target_semaphore(%arg20 : memref<!tpu.dma_semaphore, #tpu.memory_space<semaphore_mem>>)
    %dma_wait3A_684 = arith.constant 0 : i32
    %dma_wait3A_685 = tpu.memref_slice %arg4[%add3A_679, %dma_wait3A_684] : memref<32768x1024xf32, #tpu.memory_space<hbm>> -> memref<16x1024xf32, #tpu.memory_space<hbm>>
    %dma_wait3A_686 = arith.constant 0 : i32
    %dma_wait3A_687 = tpu.memref_slice %arg4[%add3A_679, %dma_wait3A_686] : memref<32768x1024xf32, #tpu.memory_space<hbm>> -> memref<16x1024xf32, #tpu.memory_space<hbm>>
    tpu.wait_dma2 semaphore(%arg20 : memref<!tpu.dma_semaphore, #tpu.memory_space<semaphore_mem>>) src(%arg8 : memref<16x1024xf32, #tpu.memory_space<vmem>>) dst(%dma_wait3A_687 : memref<16x1024xf32, #tpu.memory_space<hbm>>)
    %dma_start3A_688 = arith.constant 608 : i32
    %dma_start3A_689 = tpu.memref_slice %arg5[%dma_start3A_688] : memref<1024xi32, #tpu.memory_space<vmem>> -> memref<16xi32, #tpu.memory_space<vmem>>
    %dma_start3A_690 = arith.constant 0 : i32
    %dma_start3A_691 = arith.constant 0 : i32
    %dma_start3A_692 = tpu.memref_slice %arg2[%dma_start3A_690, %dma_start3A_691] : memref<1000x1024xf32, #tpu.memory_space<hbm>> -> memref<1000x1024xf32, #tpu.memory_space<hbm>>
    tpu.enqueue_indirect_dma source(%dma_start3A_692 : memref<1000x1024xf32, #tpu.memory_space<hbm>>) target(%arg8 : memref<16x1024xf32, #tpu.memory_space<vmem>>) offsets(%dma_start3A_689 : memref<16xi32, #tpu.memory_space<vmem>>) semaphore(%arg14 : memref<!tpu.dma_semaphore, #tpu.memory_space<semaphore_mem>>)
    %dma_wait3A_693 = arith.constant 528 : i32
    %dma_wait3A_694 = tpu.memref_slice %arg5[%dma_wait3A_693] : memref<1024xi32, #tpu.memory_space<vmem>> -> memref<16xi32, #tpu.memory_space<vmem>>
    %dma_wait3A_695 = arith.constant 0 : i32
    %dma_wait3A_696 = arith.constant 0 : i32
    %dma_wait3A_697 = tpu.memref_slice %arg2[%dma_wait3A_695, %dma_wait3A_696] : memref<1000x1024xf32, #tpu.memory_space<hbm>> -> memref<1000x1024xf32, #tpu.memory_space<hbm>>
    tpu.wait_indirect_dma semaphore(%arg15 : memref<!tpu.dma_semaphore, #tpu.memory_space<semaphore_mem>>) src(%dma_wait3A_697 : memref<1000x1024xf32, #tpu.memory_space<hbm>>) dst(%arg9 : memref<16x1024xf32, #tpu.memory_space<vmem>>)
    %add3A_698 = arith.constant 528 : i32
    %add3A_699 = arith.addi %mul3A_2, %add3A_698 : i32
    %dma_start3A_700 = arith.constant 0 : i32
    %dma_start3A_701 = tpu.memref_slice %arg4[%add3A_699, %dma_start3A_700] : memref<32768x1024xf32, #tpu.memory_space<hbm>> -> memref<16x1024xf32, #tpu.memory_space<hbm>>
    %dma_start3A_702 = arith.constant 0 : i32
    %dma_start3A_703 = tpu.memref_slice %arg4[%add3A_699, %dma_start3A_702] : memref<32768x1024xf32, #tpu.memory_space<hbm>> -> memref<16x1024xf32, #tpu.memory_space<hbm>>
    tpu.enqueue_dma source(%arg9 : memref<16x1024xf32, #tpu.memory_space<vmem>>) target(%dma_start3A_703 : memref<16x1024xf32, #tpu.memory_space<hbm>>) target_semaphore(%arg21 : memref<!tpu.dma_semaphore, #tpu.memory_space<semaphore_mem>>)
    %dma_wait3A_704 = arith.constant 0 : i32
    %dma_wait3A_705 = tpu.memref_slice %arg4[%add3A_699, %dma_wait3A_704] : memref<32768x1024xf32, #tpu.memory_space<hbm>> -> memref<16x1024xf32, #tpu.memory_space<hbm>>
    %dma_wait3A_706 = arith.constant 0 : i32
    %dma_wait3A_707 = tpu.memref_slice %arg4[%add3A_699, %dma_wait3A_706] : memref<32768x1024xf32, #tpu.memory_space<hbm>> -> memref<16x1024xf32, #tpu.memory_space<hbm>>
    tpu.wait_dma2 semaphore(%arg21 : memref<!tpu.dma_semaphore, #tpu.memory_space<semaphore_mem>>) src(%arg9 : memref<16x1024xf32, #tpu.memory_space<vmem>>) dst(%dma_wait3A_707 : memref<16x1024xf32, #tpu.memory_space<hbm>>)
    %dma_start3A_708 = arith.constant 624 : i32
    %dma_start3A_709 = tpu.memref_slice %arg5[%dma_start3A_708] : memref<1024xi32, #tpu.memory_space<vmem>> -> memref<16xi32, #tpu.memory_space<vmem>>
    %dma_start3A_710 = arith.constant 0 : i32
    %dma_start3A_711 = arith.constant 0 : i32
    %dma_start3A_712 = tpu.memref_slice %arg2[%dma_start3A_710, %dma_start3A_711] : memref<1000x1024xf32, #tpu.memory_space<hbm>> -> memref<1000x1024xf32, #tpu.memory_space<hbm>>
    tpu.enqueue_indirect_dma source(%dma_start3A_712 : memref<1000x1024xf32, #tpu.memory_space<hbm>>) target(%arg9 : memref<16x1024xf32, #tpu.memory_space<vmem>>) offsets(%dma_start3A_709 : memref<16xi32, #tpu.memory_space<vmem>>) semaphore(%arg15 : memref<!tpu.dma_semaphore, #tpu.memory_space<semaphore_mem>>)
    %dma_wait3A_713 = arith.constant 544 : i32
    %dma_wait3A_714 = tpu.memref_slice %arg5[%dma_wait3A_713] : memref<1024xi32, #tpu.memory_space<vmem>> -> memref<16xi32, #tpu.memory_space<vmem>>
    %dma_wait3A_715 = arith.constant 0 : i32
    %dma_wait3A_716 = arith.constant 0 : i32
    %dma_wait3A_717 = tpu.memref_slice %arg2[%dma_wait3A_715, %dma_wait3A_716] : memref<1000x1024xf32, #tpu.memory_space<hbm>> -> memref<1000x1024xf32, #tpu.memory_space<hbm>>
    tpu.wait_indirect_dma semaphore(%arg16 : memref<!tpu.dma_semaphore, #tpu.memory_space<semaphore_mem>>) src(%dma_wait3A_717 : memref<1000x1024xf32, #tpu.memory_space<hbm>>) dst(%arg10 : memref<16x1024xf32, #tpu.memory_space<vmem>>)
    %add3A_718 = arith.constant 544 : i32
    %add3A_719 = arith.addi %mul3A_2, %add3A_718 : i32
    %dma_start3A_720 = arith.constant 0 : i32
    %dma_start3A_721 = tpu.memref_slice %arg4[%add3A_719, %dma_start3A_720] : memref<32768x1024xf32, #tpu.memory_space<hbm>> -> memref<16x1024xf32, #tpu.memory_space<hbm>>
    %dma_start3A_722 = arith.constant 0 : i32
    %dma_start3A_723 = tpu.memref_slice %arg4[%add3A_719, %dma_start3A_722] : memref<32768x1024xf32, #tpu.memory_space<hbm>> -> memref<16x1024xf32, #tpu.memory_space<hbm>>
    tpu.enqueue_dma source(%arg10 : memref<16x1024xf32, #tpu.memory_space<vmem>>) target(%dma_start3A_723 : memref<16x1024xf32, #tpu.memory_space<hbm>>) target_semaphore(%arg22 : memref<!tpu.dma_semaphore, #tpu.memory_space<semaphore_mem>>)
    %dma_wait3A_724 = arith.constant 0 : i32
    %dma_wait3A_725 = tpu.memref_slice %arg4[%add3A_719, %dma_wait3A_724] : memref<32768x1024xf32, #tpu.memory_space<hbm>> -> memref<16x1024xf32, #tpu.memory_space<hbm>>
    %dma_wait3A_726 = arith.constant 0 : i32
    %dma_wait3A_727 = tpu.memref_slice %arg4[%add3A_719, %dma_wait3A_726] : memref<32768x1024xf32, #tpu.memory_space<hbm>> -> memref<16x1024xf32, #tpu.memory_space<hbm>>
    tpu.wait_dma2 semaphore(%arg22 : memref<!tpu.dma_semaphore, #tpu.memory_space<semaphore_mem>>) src(%arg10 : memref<16x1024xf32, #tpu.memory_space<vmem>>) dst(%dma_wait3A_727 : memref<16x1024xf32, #tpu.memory_space<hbm>>)
    %dma_start3A_728 = arith.constant 640 : i32
    %dma_start3A_729 = tpu.memref_slice %arg5[%dma_start3A_728] : memref<1024xi32, #tpu.memory_space<vmem>> -> memref<16xi32, #tpu.memory_space<vmem>>
    %dma_start3A_730 = arith.constant 0 : i32
    %dma_start3A_731 = arith.constant 0 : i32
    %dma_start3A_732 = tpu.memref_slice %arg2[%dma_start3A_730, %dma_start3A_731] : memref<1000x1024xf32, #tpu.memory_space<hbm>> -> memref<1000x1024xf32, #tpu.memory_space<hbm>>
    tpu.enqueue_indirect_dma source(%dma_start3A_732 : memref<1000x1024xf32, #tpu.memory_space<hbm>>) target(%arg10 : memref<16x1024xf32, #tpu.memory_space<vmem>>) offsets(%dma_start3A_729 : memref<16xi32, #tpu.memory_space<vmem>>) semaphore(%arg16 : memref<!tpu.dma_semaphore, #tpu.memory_space<semaphore_mem>>)
    %dma_wait3A_733 = arith.constant 560 : i32
    %dma_wait3A_734 = tpu.memref_slice %arg5[%dma_wait3A_733] : memref<1024xi32, #tpu.memory_space<vmem>> -> memref<16xi32, #tpu.memory_space<vmem>>
    %dma_wait3A_735 = arith.constant 0 : i32
    %dma_wait3A_736 = arith.constant 0 : i32
    %dma_wait3A_737 = tpu.memref_slice %arg2[%dma_wait3A_735, %dma_wait3A_736] : memref<1000x1024xf32, #tpu.memory_space<hbm>> -> memref<1000x1024xf32, #tpu.memory_space<hbm>>
    tpu.wait_indirect_dma semaphore(%arg17 : memref<!tpu.dma_semaphore, #tpu.memory_space<semaphore_mem>>) src(%dma_wait3A_737 : memref<1000x1024xf32, #tpu.memory_space<hbm>>) dst(%arg11 : memref<16x1024xf32, #tpu.memory_space<vmem>>)
    %add3A_738 = arith.constant 560 : i32
    %add3A_739 = arith.addi %mul3A_2, %add3A_738 : i32
    %dma_start3A_740 = arith.constant 0 : i32
    %dma_start3A_741 = tpu.memref_slice %arg4[%add3A_739, %dma_start3A_740] : memref<32768x1024xf32, #tpu.memory_space<hbm>> -> memref<16x1024xf32, #tpu.memory_space<hbm>>
    %dma_start3A_742 = arith.constant 0 : i32
    %dma_start3A_743 = tpu.memref_slice %arg4[%add3A_739, %dma_start3A_742] : memref<32768x1024xf32, #tpu.memory_space<hbm>> -> memref<16x1024xf32, #tpu.memory_space<hbm>>
    tpu.enqueue_dma source(%arg11 : memref<16x1024xf32, #tpu.memory_space<vmem>>) target(%dma_start3A_743 : memref<16x1024xf32, #tpu.memory_space<hbm>>) target_semaphore(%arg23 : memref<!tpu.dma_semaphore, #tpu.memory_space<semaphore_mem>>)
    %dma_wait3A_744 = arith.constant 0 : i32
    %dma_wait3A_745 = tpu.memref_slice %arg4[%add3A_739, %dma_wait3A_744] : memref<32768x1024xf32, #tpu.memory_space<hbm>> -> memref<16x1024xf32, #tpu.memory_space<hbm>>
    %dma_wait3A_746 = arith.constant 0 : i32
    %dma_wait3A_747 = tpu.memref_slice %arg4[%add3A_739, %dma_wait3A_746] : memref<32768x1024xf32, #tpu.memory_space<hbm>> -> memref<16x1024xf32, #tpu.memory_space<hbm>>
    tpu.wait_dma2 semaphore(%arg23 : memref<!tpu.dma_semaphore, #tpu.memory_space<semaphore_mem>>) src(%arg11 : memref<16x1024xf32, #tpu.memory_space<vmem>>) dst(%dma_wait3A_747 : memref<16x1024xf32, #tpu.memory_space<hbm>>)
    %dma_start3A_748 = arith.constant 656 : i32
    %dma_start3A_749 = tpu.memref_slice %arg5[%dma_start3A_748] : memref<1024xi32, #tpu.memory_space<vmem>> -> memref<16xi32, #tpu.memory_space<vmem>>
    %dma_start3A_750 = arith.constant 0 : i32
    %dma_start3A_751 = arith.constant 0 : i32
    %dma_start3A_752 = tpu.memref_slice %arg2[%dma_start3A_750, %dma_start3A_751] : memref<1000x1024xf32, #tpu.memory_space<hbm>> -> memref<1000x1024xf32, #tpu.memory_space<hbm>>
    tpu.enqueue_indirect_dma source(%dma_start3A_752 : memref<1000x1024xf32, #tpu.memory_space<hbm>>) target(%arg11 : memref<16x1024xf32, #tpu.memory_space<vmem>>) offsets(%dma_start3A_749 : memref<16xi32, #tpu.memory_space<vmem>>) semaphore(%arg17 : memref<!tpu.dma_semaphore, #tpu.memory_space<semaphore_mem>>)
    %dma_wait3A_753 = arith.constant 576 : i32
    %dma_wait3A_754 = tpu.memref_slice %arg5[%dma_wait3A_753] : memref<1024xi32, #tpu.memory_space<vmem>> -> memref<16xi32, #tpu.memory_space<vmem>>
    %dma_wait3A_755 = arith.constant 0 : i32
    %dma_wait3A_756 = arith.constant 0 : i32
    %dma_wait3A_757 = tpu.memref_slice %arg2[%dma_wait3A_755, %dma_wait3A_756] : memref<1000x1024xf32, #tpu.memory_space<hbm>> -> memref<1000x1024xf32, #tpu.memory_space<hbm>>
    tpu.wait_indirect_dma semaphore(%arg12 : memref<!tpu.dma_semaphore, #tpu.memory_space<semaphore_mem>>) src(%dma_wait3A_757 : memref<1000x1024xf32, #tpu.memory_space<hbm>>) dst(%arg6 : memref<16x1024xf32, #tpu.memory_space<vmem>>)
    %add3A_758 = arith.constant 576 : i32
    %add3A_759 = arith.addi %mul3A_2, %add3A_758 : i32
    %dma_start3A_760 = arith.constant 0 : i32
    %dma_start3A_761 = tpu.memref_slice %arg4[%add3A_759, %dma_start3A_760] : memref<32768x1024xf32, #tpu.memory_space<hbm>> -> memref<16x1024xf32, #tpu.memory_space<hbm>>
    %dma_start3A_762 = arith.constant 0 : i32
    %dma_start3A_763 = tpu.memref_slice %arg4[%add3A_759, %dma_start3A_762] : memref<32768x1024xf32, #tpu.memory_space<hbm>> -> memref<16x1024xf32, #tpu.memory_space<hbm>>
    tpu.enqueue_dma source(%arg6 : memref<16x1024xf32, #tpu.memory_space<vmem>>) target(%dma_start3A_763 : memref<16x1024xf32, #tpu.memory_space<hbm>>) target_semaphore(%arg18 : memref<!tpu.dma_semaphore, #tpu.memory_space<semaphore_mem>>)
    %dma_wait3A_764 = arith.constant 0 : i32
    %dma_wait3A_765 = tpu.memref_slice %arg4[%add3A_759, %dma_wait3A_764] : memref<32768x1024xf32, #tpu.memory_space<hbm>> -> memref<16x1024xf32, #tpu.memory_space<hbm>>
    %dma_wait3A_766 = arith.constant 0 : i32
    %dma_wait3A_767 = tpu.memref_slice %arg4[%add3A_759, %dma_wait3A_766] : memref<32768x1024xf32, #tpu.memory_space<hbm>> -> memref<16x1024xf32, #tpu.memory_space<hbm>>
    tpu.wait_dma2 semaphore(%arg18 : memref<!tpu.dma_semaphore, #tpu.memory_space<semaphore_mem>>) src(%arg6 : memref<16x1024xf32, #tpu.memory_space<vmem>>) dst(%dma_wait3A_767 : memref<16x1024xf32, #tpu.memory_space<hbm>>)
    %dma_start3A_768 = arith.constant 672 : i32
    %dma_start3A_769 = tpu.memref_slice %arg5[%dma_start3A_768] : memref<1024xi32, #tpu.memory_space<vmem>> -> memref<16xi32, #tpu.memory_space<vmem>>
    %dma_start3A_770 = arith.constant 0 : i32
    %dma_start3A_771 = arith.constant 0 : i32
    %dma_start3A_772 = tpu.memref_slice %arg2[%dma_start3A_770, %dma_start3A_771] : memref<1000x1024xf32, #tpu.memory_space<hbm>> -> memref<1000x1024xf32, #tpu.memory_space<hbm>>
    tpu.enqueue_indirect_dma source(%dma_start3A_772 : memref<1000x1024xf32, #tpu.memory_space<hbm>>) target(%arg6 : memref<16x1024xf32, #tpu.memory_space<vmem>>) offsets(%dma_start3A_769 : memref<16xi32, #tpu.memory_space<vmem>>) semaphore(%arg12 : memref<!tpu.dma_semaphore, #tpu.memory_space<semaphore_mem>>)
    %dma_wait3A_773 = arith.constant 592 : i32
    %dma_wait3A_774 = tpu.memref_slice %arg5[%dma_wait3A_773] : memref<1024xi32, #tpu.memory_space<vmem>> -> memref<16xi32, #tpu.memory_space<vmem>>
    %dma_wait3A_775 = arith.constant 0 : i32
    %dma_wait3A_776 = arith.constant 0 : i32
    %dma_wait3A_777 = tpu.memref_slice %arg2[%dma_wait3A_775, %dma_wait3A_776] : memref<1000x1024xf32, #tpu.memory_space<hbm>> -> memref<1000x1024xf32, #tpu.memory_space<hbm>>
    tpu.wait_indirect_dma semaphore(%arg13 : memref<!tpu.dma_semaphore, #tpu.memory_space<semaphore_mem>>) src(%dma_wait3A_777 : memref<1000x1024xf32, #tpu.memory_space<hbm>>) dst(%arg7 : memref<16x1024xf32, #tpu.memory_space<vmem>>)
    %add3A_778 = arith.constant 592 : i32
    %add3A_779 = arith.addi %mul3A_2, %add3A_778 : i32
    %dma_start3A_780 = arith.constant 0 : i32
    %dma_start3A_781 = tpu.memref_slice %arg4[%add3A_779, %dma_start3A_780] : memref<32768x1024xf32, #tpu.memory_space<hbm>> -> memref<16x1024xf32, #tpu.memory_space<hbm>>
    %dma_start3A_782 = arith.constant 0 : i32
    %dma_start3A_783 = tpu.memref_slice %arg4[%add3A_779, %dma_start3A_782] : memref<32768x1024xf32, #tpu.memory_space<hbm>> -> memref<16x1024xf32, #tpu.memory_space<hbm>>
    tpu.enqueue_dma source(%arg7 : memref<16x1024xf32, #tpu.memory_space<vmem>>) target(%dma_start3A_783 : memref<16x1024xf32, #tpu.memory_space<hbm>>) target_semaphore(%arg19 : memref<!tpu.dma_semaphore, #tpu.memory_space<semaphore_mem>>)
    %dma_wait3A_784 = arith.constant 0 : i32
    %dma_wait3A_785 = tpu.memref_slice %arg4[%add3A_779, %dma_wait3A_784] : memref<32768x1024xf32, #tpu.memory_space<hbm>> -> memref<16x1024xf32, #tpu.memory_space<hbm>>
    %dma_wait3A_786 = arith.constant 0 : i32
    %dma_wait3A_787 = tpu.memref_slice %arg4[%add3A_779, %dma_wait3A_786] : memref<32768x1024xf32, #tpu.memory_space<hbm>> -> memref<16x1024xf32, #tpu.memory_space<hbm>>
    tpu.wait_dma2 semaphore(%arg19 : memref<!tpu.dma_semaphore, #tpu.memory_space<semaphore_mem>>) src(%arg7 : memref<16x1024xf32, #tpu.memory_space<vmem>>) dst(%dma_wait3A_787 : memref<16x1024xf32, #tpu.memory_space<hbm>>)
    %dma_start3A_788 = arith.constant 688 : i32
    %dma_start3A_789 = tpu.memref_slice %arg5[%dma_start3A_788] : memref<1024xi32, #tpu.memory_space<vmem>> -> memref<16xi32, #tpu.memory_space<vmem>>
    %dma_start3A_790 = arith.constant 0 : i32
    %dma_start3A_791 = arith.constant 0 : i32
    %dma_start3A_792 = tpu.memref_slice %arg2[%dma_start3A_790, %dma_start3A_791] : memref<1000x1024xf32, #tpu.memory_space<hbm>> -> memref<1000x1024xf32, #tpu.memory_space<hbm>>
    tpu.enqueue_indirect_dma source(%dma_start3A_792 : memref<1000x1024xf32, #tpu.memory_space<hbm>>) target(%arg7 : memref<16x1024xf32, #tpu.memory_space<vmem>>) offsets(%dma_start3A_789 : memref<16xi32, #tpu.memory_space<vmem>>) semaphore(%arg13 : memref<!tpu.dma_semaphore, #tpu.memory_space<semaphore_mem>>)
    %dma_wait3A_793 = arith.constant 608 : i32
    %dma_wait3A_794 = tpu.memref_slice %arg5[%dma_wait3A_793] : memref<1024xi32, #tpu.memory_space<vmem>> -> memref<16xi32, #tpu.memory_space<vmem>>
    %dma_wait3A_795 = arith.constant 0 : i32
    %dma_wait3A_796 = arith.constant 0 : i32
    %dma_wait3A_797 = tpu.memref_slice %arg2[%dma_wait3A_795, %dma_wait3A_796] : memref<1000x1024xf32, #tpu.memory_space<hbm>> -> memref<1000x1024xf32, #tpu.memory_space<hbm>>
    tpu.wait_indirect_dma semaphore(%arg14 : memref<!tpu.dma_semaphore, #tpu.memory_space<semaphore_mem>>) src(%dma_wait3A_797 : memref<1000x1024xf32, #tpu.memory_space<hbm>>) dst(%arg8 : memref<16x1024xf32, #tpu.memory_space<vmem>>)
    %add3A_798 = arith.constant 608 : i32
    %add3A_799 = arith.addi %mul3A_2, %add3A_798 : i32
    %dma_start3A_800 = arith.constant 0 : i32
    %dma_start3A_801 = tpu.memref_slice %arg4[%add3A_799, %dma_start3A_800] : memref<32768x1024xf32, #tpu.memory_space<hbm>> -> memref<16x1024xf32, #tpu.memory_space<hbm>>
    %dma_start3A_802 = arith.constant 0 : i32
    %dma_start3A_803 = tpu.memref_slice %arg4[%add3A_799, %dma_start3A_802] : memref<32768x1024xf32, #tpu.memory_space<hbm>> -> memref<16x1024xf32, #tpu.memory_space<hbm>>
    tpu.enqueue_dma source(%arg8 : memref<16x1024xf32, #tpu.memory_space<vmem>>) target(%dma_start3A_803 : memref<16x1024xf32, #tpu.memory_space<hbm>>) target_semaphore(%arg20 : memref<!tpu.dma_semaphore, #tpu.memory_space<semaphore_mem>>)
    %dma_wait3A_804 = arith.constant 0 : i32
    %dma_wait3A_805 = tpu.memref_slice %arg4[%add3A_799, %dma_wait3A_804] : memref<32768x1024xf32, #tpu.memory_space<hbm>> -> memref<16x1024xf32, #tpu.memory_space<hbm>>
    %dma_wait3A_806 = arith.constant 0 : i32
    %dma_wait3A_807 = tpu.memref_slice %arg4[%add3A_799, %dma_wait3A_806] : memref<32768x1024xf32, #tpu.memory_space<hbm>> -> memref<16x1024xf32, #tpu.memory_space<hbm>>
    tpu.wait_dma2 semaphore(%arg20 : memref<!tpu.dma_semaphore, #tpu.memory_space<semaphore_mem>>) src(%arg8 : memref<16x1024xf32, #tpu.memory_space<vmem>>) dst(%dma_wait3A_807 : memref<16x1024xf32, #tpu.memory_space<hbm>>)
    %dma_start3A_808 = arith.constant 704 : i32
    %dma_start3A_809 = tpu.memref_slice %arg5[%dma_start3A_808] : memref<1024xi32, #tpu.memory_space<vmem>> -> memref<16xi32, #tpu.memory_space<vmem>>
    %dma_start3A_810 = arith.constant 0 : i32
    %dma_start3A_811 = arith.constant 0 : i32
    %dma_start3A_812 = tpu.memref_slice %arg2[%dma_start3A_810, %dma_start3A_811] : memref<1000x1024xf32, #tpu.memory_space<hbm>> -> memref<1000x1024xf32, #tpu.memory_space<hbm>>
    tpu.enqueue_indirect_dma source(%dma_start3A_812 : memref<1000x1024xf32, #tpu.memory_space<hbm>>) target(%arg8 : memref<16x1024xf32, #tpu.memory_space<vmem>>) offsets(%dma_start3A_809 : memref<16xi32, #tpu.memory_space<vmem>>) semaphore(%arg14 : memref<!tpu.dma_semaphore, #tpu.memory_space<semaphore_mem>>)
    %dma_wait3A_813 = arith.constant 624 : i32
    %dma_wait3A_814 = tpu.memref_slice %arg5[%dma_wait3A_813] : memref<1024xi32, #tpu.memory_space<vmem>> -> memref<16xi32, #tpu.memory_space<vmem>>
    %dma_wait3A_815 = arith.constant 0 : i32
    %dma_wait3A_816 = arith.constant 0 : i32
    %dma_wait3A_817 = tpu.memref_slice %arg2[%dma_wait3A_815, %dma_wait3A_816] : memref<1000x1024xf32, #tpu.memory_space<hbm>> -> memref<1000x1024xf32, #tpu.memory_space<hbm>>
    tpu.wait_indirect_dma semaphore(%arg15 : memref<!tpu.dma_semaphore, #tpu.memory_space<semaphore_mem>>) src(%dma_wait3A_817 : memref<1000x1024xf32, #tpu.memory_space<hbm>>) dst(%arg9 : memref<16x1024xf32, #tpu.memory_space<vmem>>)
    %add3A_818 = arith.constant 624 : i32
    %add3A_819 = arith.addi %mul3A_2, %add3A_818 : i32
    %dma_start3A_820 = arith.constant 0 : i32
    %dma_start3A_821 = tpu.memref_slice %arg4[%add3A_819, %dma_start3A_820] : memref<32768x1024xf32, #tpu.memory_space<hbm>> -> memref<16x1024xf32, #tpu.memory_space<hbm>>
    %dma_start3A_822 = arith.constant 0 : i32
    %dma_start3A_823 = tpu.memref_slice %arg4[%add3A_819, %dma_start3A_822] : memref<32768x1024xf32, #tpu.memory_space<hbm>> -> memref<16x1024xf32, #tpu.memory_space<hbm>>
    tpu.enqueue_dma source(%arg9 : memref<16x1024xf32, #tpu.memory_space<vmem>>) target(%dma_start3A_823 : memref<16x1024xf32, #tpu.memory_space<hbm>>) target_semaphore(%arg21 : memref<!tpu.dma_semaphore, #tpu.memory_space<semaphore_mem>>)
    %dma_wait3A_824 = arith.constant 0 : i32
    %dma_wait3A_825 = tpu.memref_slice %arg4[%add3A_819, %dma_wait3A_824] : memref<32768x1024xf32, #tpu.memory_space<hbm>> -> memref<16x1024xf32, #tpu.memory_space<hbm>>
    %dma_wait3A_826 = arith.constant 0 : i32
    %dma_wait3A_827 = tpu.memref_slice %arg4[%add3A_819, %dma_wait3A_826] : memref<32768x1024xf32, #tpu.memory_space<hbm>> -> memref<16x1024xf32, #tpu.memory_space<hbm>>
    tpu.wait_dma2 semaphore(%arg21 : memref<!tpu.dma_semaphore, #tpu.memory_space<semaphore_mem>>) src(%arg9 : memref<16x1024xf32, #tpu.memory_space<vmem>>) dst(%dma_wait3A_827 : memref<16x1024xf32, #tpu.memory_space<hbm>>)
    %dma_start3A_828 = arith.constant 720 : i32
    %dma_start3A_829 = tpu.memref_slice %arg5[%dma_start3A_828] : memref<1024xi32, #tpu.memory_space<vmem>> -> memref<16xi32, #tpu.memory_space<vmem>>
    %dma_start3A_830 = arith.constant 0 : i32
    %dma_start3A_831 = arith.constant 0 : i32
    %dma_start3A_832 = tpu.memref_slice %arg2[%dma_start3A_830, %dma_start3A_831] : memref<1000x1024xf32, #tpu.memory_space<hbm>> -> memref<1000x1024xf32, #tpu.memory_space<hbm>>
    tpu.enqueue_indirect_dma source(%dma_start3A_832 : memref<1000x1024xf32, #tpu.memory_space<hbm>>) target(%arg9 : memref<16x1024xf32, #tpu.memory_space<vmem>>) offsets(%dma_start3A_829 : memref<16xi32, #tpu.memory_space<vmem>>) semaphore(%arg15 : memref<!tpu.dma_semaphore, #tpu.memory_space<semaphore_mem>>)
    %dma_wait3A_833 = arith.constant 640 : i32
    %dma_wait3A_834 = tpu.memref_slice %arg5[%dma_wait3A_833] : memref<1024xi32, #tpu.memory_space<vmem>> -> memref<16xi32, #tpu.memory_space<vmem>>
    %dma_wait3A_835 = arith.constant 0 : i32
    %dma_wait3A_836 = arith.constant 0 : i32
    %dma_wait3A_837 = tpu.memref_slice %arg2[%dma_wait3A_835, %dma_wait3A_836] : memref<1000x1024xf32, #tpu.memory_space<hbm>> -> memref<1000x1024xf32, #tpu.memory_space<hbm>>
    tpu.wait_indirect_dma semaphore(%arg16 : memref<!tpu.dma_semaphore, #tpu.memory_space<semaphore_mem>>) src(%dma_wait3A_837 : memref<1000x1024xf32, #tpu.memory_space<hbm>>) dst(%arg10 : memref<16x1024xf32, #tpu.memory_space<vmem>>)
    %add3A_838 = arith.constant 640 : i32
    %add3A_839 = arith.addi %mul3A_2, %add3A_838 : i32
    %dma_start3A_840 = arith.constant 0 : i32
    %dma_start3A_841 = tpu.memref_slice %arg4[%add3A_839, %dma_start3A_840] : memref<32768x1024xf32, #tpu.memory_space<hbm>> -> memref<16x1024xf32, #tpu.memory_space<hbm>>
    %dma_start3A_842 = arith.constant 0 : i32
    %dma_start3A_843 = tpu.memref_slice %arg4[%add3A_839, %dma_start3A_842] : memref<32768x1024xf32, #tpu.memory_space<hbm>> -> memref<16x1024xf32, #tpu.memory_space<hbm>>
    tpu.enqueue_dma source(%arg10 : memref<16x1024xf32, #tpu.memory_space<vmem>>) target(%dma_start3A_843 : memref<16x1024xf32, #tpu.memory_space<hbm>>) target_semaphore(%arg22 : memref<!tpu.dma_semaphore, #tpu.memory_space<semaphore_mem>>)
    %dma_wait3A_844 = arith.constant 0 : i32
    %dma_wait3A_845 = tpu.memref_slice %arg4[%add3A_839, %dma_wait3A_844] : memref<32768x1024xf32, #tpu.memory_space<hbm>> -> memref<16x1024xf32, #tpu.memory_space<hbm>>
    %dma_wait3A_846 = arith.constant 0 : i32
    %dma_wait3A_847 = tpu.memref_slice %arg4[%add3A_839, %dma_wait3A_846] : memref<32768x1024xf32, #tpu.memory_space<hbm>> -> memref<16x1024xf32, #tpu.memory_space<hbm>>
    tpu.wait_dma2 semaphore(%arg22 : memref<!tpu.dma_semaphore, #tpu.memory_space<semaphore_mem>>) src(%arg10 : memref<16x1024xf32, #tpu.memory_space<vmem>>) dst(%dma_wait3A_847 : memref<16x1024xf32, #tpu.memory_space<hbm>>)
    %dma_start3A_848 = arith.constant 736 : i32
    %dma_start3A_849 = tpu.memref_slice %arg5[%dma_start3A_848] : memref<1024xi32, #tpu.memory_space<vmem>> -> memref<16xi32, #tpu.memory_space<vmem>>
    %dma_start3A_850 = arith.constant 0 : i32
    %dma_start3A_851 = arith.constant 0 : i32
    %dma_start3A_852 = tpu.memref_slice %arg2[%dma_start3A_850, %dma_start3A_851] : memref<1000x1024xf32, #tpu.memory_space<hbm>> -> memref<1000x1024xf32, #tpu.memory_space<hbm>>
    tpu.enqueue_indirect_dma source(%dma_start3A_852 : memref<1000x1024xf32, #tpu.memory_space<hbm>>) target(%arg10 : memref<16x1024xf32, #tpu.memory_space<vmem>>) offsets(%dma_start3A_849 : memref<16xi32, #tpu.memory_space<vmem>>) semaphore(%arg16 : memref<!tpu.dma_semaphore, #tpu.memory_space<semaphore_mem>>)
    %dma_wait3A_853 = arith.constant 656 : i32
    %dma_wait3A_854 = tpu.memref_slice %arg5[%dma_wait3A_853] : memref<1024xi32, #tpu.memory_space<vmem>> -> memref<16xi32, #tpu.memory_space<vmem>>
    %dma_wait3A_855 = arith.constant 0 : i32
    %dma_wait3A_856 = arith.constant 0 : i32
    %dma_wait3A_857 = tpu.memref_slice %arg2[%dma_wait3A_855, %dma_wait3A_856] : memref<1000x1024xf32, #tpu.memory_space<hbm>> -> memref<1000x1024xf32, #tpu.memory_space<hbm>>
    tpu.wait_indirect_dma semaphore(%arg17 : memref<!tpu.dma_semaphore, #tpu.memory_space<semaphore_mem>>) src(%dma_wait3A_857 : memref<1000x1024xf32, #tpu.memory_space<hbm>>) dst(%arg11 : memref<16x1024xf32, #tpu.memory_space<vmem>>)
    %add3A_858 = arith.constant 656 : i32
    %add3A_859 = arith.addi %mul3A_2, %add3A_858 : i32
    %dma_start3A_860 = arith.constant 0 : i32
    %dma_start3A_861 = tpu.memref_slice %arg4[%add3A_859, %dma_start3A_860] : memref<32768x1024xf32, #tpu.memory_space<hbm>> -> memref<16x1024xf32, #tpu.memory_space<hbm>>
    %dma_start3A_862 = arith.constant 0 : i32
    %dma_start3A_863 = tpu.memref_slice %arg4[%add3A_859, %dma_start3A_862] : memref<32768x1024xf32, #tpu.memory_space<hbm>> -> memref<16x1024xf32, #tpu.memory_space<hbm>>
    tpu.enqueue_dma source(%arg11 : memref<16x1024xf32, #tpu.memory_space<vmem>>) target(%dma_start3A_863 : memref<16x1024xf32, #tpu.memory_space<hbm>>) target_semaphore(%arg23 : memref<!tpu.dma_semaphore, #tpu.memory_space<semaphore_mem>>)
    %dma_wait3A_864 = arith.constant 0 : i32
    %dma_wait3A_865 = tpu.memref_slice %arg4[%add3A_859, %dma_wait3A_864] : memref<32768x1024xf32, #tpu.memory_space<hbm>> -> memref<16x1024xf32, #tpu.memory_space<hbm>>
    %dma_wait3A_866 = arith.constant 0 : i32
    %dma_wait3A_867 = tpu.memref_slice %arg4[%add3A_859, %dma_wait3A_866] : memref<32768x1024xf32, #tpu.memory_space<hbm>> -> memref<16x1024xf32, #tpu.memory_space<hbm>>
    tpu.wait_dma2 semaphore(%arg23 : memref<!tpu.dma_semaphore, #tpu.memory_space<semaphore_mem>>) src(%arg11 : memref<16x1024xf32, #tpu.memory_space<vmem>>) dst(%dma_wait3A_867 : memref<16x1024xf32, #tpu.memory_space<hbm>>)
    %dma_start3A_868 = arith.constant 752 : i32
    %dma_start3A_869 = tpu.memref_slice %arg5[%dma_start3A_868] : memref<1024xi32, #tpu.memory_space<vmem>> -> memref<16xi32, #tpu.memory_space<vmem>>
    %dma_start3A_870 = arith.constant 0 : i32
    %dma_start3A_871 = arith.constant 0 : i32
    %dma_start3A_872 = tpu.memref_slice %arg2[%dma_start3A_870, %dma_start3A_871] : memref<1000x1024xf32, #tpu.memory_space<hbm>> -> memref<1000x1024xf32, #tpu.memory_space<hbm>>
    tpu.enqueue_indirect_dma source(%dma_start3A_872 : memref<1000x1024xf32, #tpu.memory_space<hbm>>) target(%arg11 : memref<16x1024xf32, #tpu.memory_space<vmem>>) offsets(%dma_start3A_869 : memref<16xi32, #tpu.memory_space<vmem>>) semaphore(%arg17 : memref<!tpu.dma_semaphore, #tpu.memory_space<semaphore_mem>>)
    %dma_wait3A_873 = arith.constant 672 : i32
    %dma_wait3A_874 = tpu.memref_slice %arg5[%dma_wait3A_873] : memref<1024xi32, #tpu.memory_space<vmem>> -> memref<16xi32, #tpu.memory_space<vmem>>
    %dma_wait3A_875 = arith.constant 0 : i32
    %dma_wait3A_876 = arith.constant 0 : i32
    %dma_wait3A_877 = tpu.memref_slice %arg2[%dma_wait3A_875, %dma_wait3A_876] : memref<1000x1024xf32, #tpu.memory_space<hbm>> -> memref<1000x1024xf32, #tpu.memory_space<hbm>>
    tpu.wait_indirect_dma semaphore(%arg12 : memref<!tpu.dma_semaphore, #tpu.memory_space<semaphore_mem>>) src(%dma_wait3A_877 : memref<1000x1024xf32, #tpu.memory_space<hbm>>) dst(%arg6 : memref<16x1024xf32, #tpu.memory_space<vmem>>)
    %add3A_878 = arith.constant 672 : i32
    %add3A_879 = arith.addi %mul3A_2, %add3A_878 : i32
    %dma_start3A_880 = arith.constant 0 : i32
    %dma_start3A_881 = tpu.memref_slice %arg4[%add3A_879, %dma_start3A_880] : memref<32768x1024xf32, #tpu.memory_space<hbm>> -> memref<16x1024xf32, #tpu.memory_space<hbm>>
    %dma_start3A_882 = arith.constant 0 : i32
    %dma_start3A_883 = tpu.memref_slice %arg4[%add3A_879, %dma_start3A_882] : memref<32768x1024xf32, #tpu.memory_space<hbm>> -> memref<16x1024xf32, #tpu.memory_space<hbm>>
    tpu.enqueue_dma source(%arg6 : memref<16x1024xf32, #tpu.memory_space<vmem>>) target(%dma_start3A_883 : memref<16x1024xf32, #tpu.memory_space<hbm>>) target_semaphore(%arg18 : memref<!tpu.dma_semaphore, #tpu.memory_space<semaphore_mem>>)
    %dma_wait3A_884 = arith.constant 0 : i32
    %dma_wait3A_885 = tpu.memref_slice %arg4[%add3A_879, %dma_wait3A_884] : memref<32768x1024xf32, #tpu.memory_space<hbm>> -> memref<16x1024xf32, #tpu.memory_space<hbm>>
    %dma_wait3A_886 = arith.constant 0 : i32
    %dma_wait3A_887 = tpu.memref_slice %arg4[%add3A_879, %dma_wait3A_886] : memref<32768x1024xf32, #tpu.memory_space<hbm>> -> memref<16x1024xf32, #tpu.memory_space<hbm>>
    tpu.wait_dma2 semaphore(%arg18 : memref<!tpu.dma_semaphore, #tpu.memory_space<semaphore_mem>>) src(%arg6 : memref<16x1024xf32, #tpu.memory_space<vmem>>) dst(%dma_wait3A_887 : memref<16x1024xf32, #tpu.memory_space<hbm>>)
    %dma_start3A_888 = arith.constant 768 : i32
    %dma_start3A_889 = tpu.memref_slice %arg5[%dma_start3A_888] : memref<1024xi32, #tpu.memory_space<vmem>> -> memref<16xi32, #tpu.memory_space<vmem>>
    %dma_start3A_890 = arith.constant 0 : i32
    %dma_start3A_891 = arith.constant 0 : i32
    %dma_start3A_892 = tpu.memref_slice %arg2[%dma_start3A_890, %dma_start3A_891] : memref<1000x1024xf32, #tpu.memory_space<hbm>> -> memref<1000x1024xf32, #tpu.memory_space<hbm>>
    tpu.enqueue_indirect_dma source(%dma_start3A_892 : memref<1000x1024xf32, #tpu.memory_space<hbm>>) target(%arg6 : memref<16x1024xf32, #tpu.memory_space<vmem>>) offsets(%dma_start3A_889 : memref<16xi32, #tpu.memory_space<vmem>>) semaphore(%arg12 : memref<!tpu.dma_semaphore, #tpu.memory_space<semaphore_mem>>)
    %dma_wait3A_893 = arith.constant 688 : i32
    %dma_wait3A_894 = tpu.memref_slice %arg5[%dma_wait3A_893] : memref<1024xi32, #tpu.memory_space<vmem>> -> memref<16xi32, #tpu.memory_space<vmem>>
    %dma_wait3A_895 = arith.constant 0 : i32
    %dma_wait3A_896 = arith.constant 0 : i32
    %dma_wait3A_897 = tpu.memref_slice %arg2[%dma_wait3A_895, %dma_wait3A_896] : memref<1000x1024xf32, #tpu.memory_space<hbm>> -> memref<1000x1024xf32, #tpu.memory_space<hbm>>
    tpu.wait_indirect_dma semaphore(%arg13 : memref<!tpu.dma_semaphore, #tpu.memory_space<semaphore_mem>>) src(%dma_wait3A_897 : memref<1000x1024xf32, #tpu.memory_space<hbm>>) dst(%arg7 : memref<16x1024xf32, #tpu.memory_space<vmem>>)
    %add3A_898 = arith.constant 688 : i32
    %add3A_899 = arith.addi %mul3A_2, %add3A_898 : i32
    %dma_start3A_900 = arith.constant 0 : i32
    %dma_start3A_901 = tpu.memref_slice %arg4[%add3A_899, %dma_start3A_900] : memref<32768x1024xf32, #tpu.memory_space<hbm>> -> memref<16x1024xf32, #tpu.memory_space<hbm>>
    %dma_start3A_902 = arith.constant 0 : i32
    %dma_start3A_903 = tpu.memref_slice %arg4[%add3A_899, %dma_start3A_902] : memref<32768x1024xf32, #tpu.memory_space<hbm>> -> memref<16x1024xf32, #tpu.memory_space<hbm>>
    tpu.enqueue_dma source(%arg7 : memref<16x1024xf32, #tpu.memory_space<vmem>>) target(%dma_start3A_903 : memref<16x1024xf32, #tpu.memory_space<hbm>>) target_semaphore(%arg19 : memref<!tpu.dma_semaphore, #tpu.memory_space<semaphore_mem>>)
    %dma_wait3A_904 = arith.constant 0 : i32
    %dma_wait3A_905 = tpu.memref_slice %arg4[%add3A_899, %dma_wait3A_904] : memref<32768x1024xf32, #tpu.memory_space<hbm>> -> memref<16x1024xf32, #tpu.memory_space<hbm>>
    %dma_wait3A_906 = arith.constant 0 : i32
    %dma_wait3A_907 = tpu.memref_slice %arg4[%add3A_899, %dma_wait3A_906] : memref<32768x1024xf32, #tpu.memory_space<hbm>> -> memref<16x1024xf32, #tpu.memory_space<hbm>>
    tpu.wait_dma2 semaphore(%arg19 : memref<!tpu.dma_semaphore, #tpu.memory_space<semaphore_mem>>) src(%arg7 : memref<16x1024xf32, #tpu.memory_space<vmem>>) dst(%dma_wait3A_907 : memref<16x1024xf32, #tpu.memory_space<hbm>>)
    %dma_start3A_908 = arith.constant 784 : i32
    %dma_start3A_909 = tpu.memref_slice %arg5[%dma_start3A_908] : memref<1024xi32, #tpu.memory_space<vmem>> -> memref<16xi32, #tpu.memory_space<vmem>>
    %dma_start3A_910 = arith.constant 0 : i32
    %dma_start3A_911 = arith.constant 0 : i32
    %dma_start3A_912 = tpu.memref_slice %arg2[%dma_start3A_910, %dma_start3A_911] : memref<1000x1024xf32, #tpu.memory_space<hbm>> -> memref<1000x1024xf32, #tpu.memory_space<hbm>>
    tpu.enqueue_indirect_dma source(%dma_start3A_912 : memref<1000x1024xf32, #tpu.memory_space<hbm>>) target(%arg7 : memref<16x1024xf32, #tpu.memory_space<vmem>>) offsets(%dma_start3A_909 : memref<16xi32, #tpu.memory_space<vmem>>) semaphore(%arg13 : memref<!tpu.dma_semaphore, #tpu.memory_space<semaphore_mem>>)
    %dma_wait3A_913 = arith.constant 704 : i32
    %dma_wait3A_914 = tpu.memref_slice %arg5[%dma_wait3A_913] : memref<1024xi32, #tpu.memory_space<vmem>> -> memref<16xi32, #tpu.memory_space<vmem>>
    %dma_wait3A_915 = arith.constant 0 : i32
    %dma_wait3A_916 = arith.constant 0 : i32
    %dma_wait3A_917 = tpu.memref_slice %arg2[%dma_wait3A_915, %dma_wait3A_916] : memref<1000x1024xf32, #tpu.memory_space<hbm>> -> memref<1000x1024xf32, #tpu.memory_space<hbm>>
    tpu.wait_indirect_dma semaphore(%arg14 : memref<!tpu.dma_semaphore, #tpu.memory_space<semaphore_mem>>) src(%dma_wait3A_917 : memref<1000x1024xf32, #tpu.memory_space<hbm>>) dst(%arg8 : memref<16x1024xf32, #tpu.memory_space<vmem>>)
    %add3A_918 = arith.constant 704 : i32
    %add3A_919 = arith.addi %mul3A_2, %add3A_918 : i32
    %dma_start3A_920 = arith.constant 0 : i32
    %dma_start3A_921 = tpu.memref_slice %arg4[%add3A_919, %dma_start3A_920] : memref<32768x1024xf32, #tpu.memory_space<hbm>> -> memref<16x1024xf32, #tpu.memory_space<hbm>>
    %dma_start3A_922 = arith.constant 0 : i32
    %dma_start3A_923 = tpu.memref_slice %arg4[%add3A_919, %dma_start3A_922] : memref<32768x1024xf32, #tpu.memory_space<hbm>> -> memref<16x1024xf32, #tpu.memory_space<hbm>>
    tpu.enqueue_dma source(%arg8 : memref<16x1024xf32, #tpu.memory_space<vmem>>) target(%dma_start3A_923 : memref<16x1024xf32, #tpu.memory_space<hbm>>) target_semaphore(%arg20 : memref<!tpu.dma_semaphore, #tpu.memory_space<semaphore_mem>>)
    %dma_wait3A_924 = arith.constant 0 : i32
    %dma_wait3A_925 = tpu.memref_slice %arg4[%add3A_919, %dma_wait3A_924] : memref<32768x1024xf32, #tpu.memory_space<hbm>> -> memref<16x1024xf32, #tpu.memory_space<hbm>>
    %dma_wait3A_926 = arith.constant 0 : i32
    %dma_wait3A_927 = tpu.memref_slice %arg4[%add3A_919, %dma_wait3A_926] : memref<32768x1024xf32, #tpu.memory_space<hbm>> -> memref<16x1024xf32, #tpu.memory_space<hbm>>
    tpu.wait_dma2 semaphore(%arg20 : memref<!tpu.dma_semaphore, #tpu.memory_space<semaphore_mem>>) src(%arg8 : memref<16x1024xf32, #tpu.memory_space<vmem>>) dst(%dma_wait3A_927 : memref<16x1024xf32, #tpu.memory_space<hbm>>)
    %dma_start3A_928 = arith.constant 800 : i32
    %dma_start3A_929 = tpu.memref_slice %arg5[%dma_start3A_928] : memref<1024xi32, #tpu.memory_space<vmem>> -> memref<16xi32, #tpu.memory_space<vmem>>
    %dma_start3A_930 = arith.constant 0 : i32
    %dma_start3A_931 = arith.constant 0 : i32
    %dma_start3A_932 = tpu.memref_slice %arg2[%dma_start3A_930, %dma_start3A_931] : memref<1000x1024xf32, #tpu.memory_space<hbm>> -> memref<1000x1024xf32, #tpu.memory_space<hbm>>
    tpu.enqueue_indirect_dma source(%dma_start3A_932 : memref<1000x1024xf32, #tpu.memory_space<hbm>>) target(%arg8 : memref<16x1024xf32, #tpu.memory_space<vmem>>) offsets(%dma_start3A_929 : memref<16xi32, #tpu.memory_space<vmem>>) semaphore(%arg14 : memref<!tpu.dma_semaphore, #tpu.memory_space<semaphore_mem>>)
    %dma_wait3A_933 = arith.constant 720 : i32
    %dma_wait3A_934 = tpu.memref_slice %arg5[%dma_wait3A_933] : memref<1024xi32, #tpu.memory_space<vmem>> -> memref<16xi32, #tpu.memory_space<vmem>>
    %dma_wait3A_935 = arith.constant 0 : i32
    %dma_wait3A_936 = arith.constant 0 : i32
    %dma_wait3A_937 = tpu.memref_slice %arg2[%dma_wait3A_935, %dma_wait3A_936] : memref<1000x1024xf32, #tpu.memory_space<hbm>> -> memref<1000x1024xf32, #tpu.memory_space<hbm>>
    tpu.wait_indirect_dma semaphore(%arg15 : memref<!tpu.dma_semaphore, #tpu.memory_space<semaphore_mem>>) src(%dma_wait3A_937 : memref<1000x1024xf32, #tpu.memory_space<hbm>>) dst(%arg9 : memref<16x1024xf32, #tpu.memory_space<vmem>>)
    %add3A_938 = arith.constant 720 : i32
    %add3A_939 = arith.addi %mul3A_2, %add3A_938 : i32
    %dma_start3A_940 = arith.constant 0 : i32
    %dma_start3A_941 = tpu.memref_slice %arg4[%add3A_939, %dma_start3A_940] : memref<32768x1024xf32, #tpu.memory_space<hbm>> -> memref<16x1024xf32, #tpu.memory_space<hbm>>
    %dma_start3A_942 = arith.constant 0 : i32
    %dma_start3A_943 = tpu.memref_slice %arg4[%add3A_939, %dma_start3A_942] : memref<32768x1024xf32, #tpu.memory_space<hbm>> -> memref<16x1024xf32, #tpu.memory_space<hbm>>
    tpu.enqueue_dma source(%arg9 : memref<16x1024xf32, #tpu.memory_space<vmem>>) target(%dma_start3A_943 : memref<16x1024xf32, #tpu.memory_space<hbm>>) target_semaphore(%arg21 : memref<!tpu.dma_semaphore, #tpu.memory_space<semaphore_mem>>)
    %dma_wait3A_944 = arith.constant 0 : i32
    %dma_wait3A_945 = tpu.memref_slice %arg4[%add3A_939, %dma_wait3A_944] : memref<32768x1024xf32, #tpu.memory_space<hbm>> -> memref<16x1024xf32, #tpu.memory_space<hbm>>
    %dma_wait3A_946 = arith.constant 0 : i32
    %dma_wait3A_947 = tpu.memref_slice %arg4[%add3A_939, %dma_wait3A_946] : memref<32768x1024xf32, #tpu.memory_space<hbm>> -> memref<16x1024xf32, #tpu.memory_space<hbm>>
    tpu.wait_dma2 semaphore(%arg21 : memref<!tpu.dma_semaphore, #tpu.memory_space<semaphore_mem>>) src(%arg9 : memref<16x1024xf32, #tpu.memory_space<vmem>>) dst(%dma_wait3A_947 : memref<16x1024xf32, #tpu.memory_space<hbm>>)
    %dma_start3A_948 = arith.constant 816 : i32
    %dma_start3A_949 = tpu.memref_slice %arg5[%dma_start3A_948] : memref<1024xi32, #tpu.memory_space<vmem>> -> memref<16xi32, #tpu.memory_space<vmem>>
    %dma_start3A_950 = arith.constant 0 : i32
    %dma_start3A_951 = arith.constant 0 : i32
    %dma_start3A_952 = tpu.memref_slice %arg2[%dma_start3A_950, %dma_start3A_951] : memref<1000x1024xf32, #tpu.memory_space<hbm>> -> memref<1000x1024xf32, #tpu.memory_space<hbm>>
    tpu.enqueue_indirect_dma source(%dma_start3A_952 : memref<1000x1024xf32, #tpu.memory_space<hbm>>) target(%arg9 : memref<16x1024xf32, #tpu.memory_space<vmem>>) offsets(%dma_start3A_949 : memref<16xi32, #tpu.memory_space<vmem>>) semaphore(%arg15 : memref<!tpu.dma_semaphore, #tpu.memory_space<semaphore_mem>>)
    %dma_wait3A_953 = arith.constant 736 : i32
    %dma_wait3A_954 = tpu.memref_slice %arg5[%dma_wait3A_953] : memref<1024xi32, #tpu.memory_space<vmem>> -> memref<16xi32, #tpu.memory_space<vmem>>
    %dma_wait3A_955 = arith.constant 0 : i32
    %dma_wait3A_956 = arith.constant 0 : i32
    %dma_wait3A_957 = tpu.memref_slice %arg2[%dma_wait3A_955, %dma_wait3A_956] : memref<1000x1024xf32, #tpu.memory_space<hbm>> -> memref<1000x1024xf32, #tpu.memory_space<hbm>>
    tpu.wait_indirect_dma semaphore(%arg16 : memref<!tpu.dma_semaphore, #tpu.memory_space<semaphore_mem>>) src(%dma_wait3A_957 : memref<1000x1024xf32, #tpu.memory_space<hbm>>) dst(%arg10 : memref<16x1024xf32, #tpu.memory_space<vmem>>)
    %add3A_958 = arith.constant 736 : i32
    %add3A_959 = arith.addi %mul3A_2, %add3A_958 : i32
    %dma_start3A_960 = arith.constant 0 : i32
    %dma_start3A_961 = tpu.memref_slice %arg4[%add3A_959, %dma_start3A_960] : memref<32768x1024xf32, #tpu.memory_space<hbm>> -> memref<16x1024xf32, #tpu.memory_space<hbm>>
    %dma_start3A_962 = arith.constant 0 : i32
    %dma_start3A_963 = tpu.memref_slice %arg4[%add3A_959, %dma_start3A_962] : memref<32768x1024xf32, #tpu.memory_space<hbm>> -> memref<16x1024xf32, #tpu.memory_space<hbm>>
    tpu.enqueue_dma source(%arg10 : memref<16x1024xf32, #tpu.memory_space<vmem>>) target(%dma_start3A_963 : memref<16x1024xf32, #tpu.memory_space<hbm>>) target_semaphore(%arg22 : memref<!tpu.dma_semaphore, #tpu.memory_space<semaphore_mem>>)
    %dma_wait3A_964 = arith.constant 0 : i32
    %dma_wait3A_965 = tpu.memref_slice %arg4[%add3A_959, %dma_wait3A_964] : memref<32768x1024xf32, #tpu.memory_space<hbm>> -> memref<16x1024xf32, #tpu.memory_space<hbm>>
    %dma_wait3A_966 = arith.constant 0 : i32
    %dma_wait3A_967 = tpu.memref_slice %arg4[%add3A_959, %dma_wait3A_966] : memref<32768x1024xf32, #tpu.memory_space<hbm>> -> memref<16x1024xf32, #tpu.memory_space<hbm>>
    tpu.wait_dma2 semaphore(%arg22 : memref<!tpu.dma_semaphore, #tpu.memory_space<semaphore_mem>>) src(%arg10 : memref<16x1024xf32, #tpu.memory_space<vmem>>) dst(%dma_wait3A_967 : memref<16x1024xf32, #tpu.memory_space<hbm>>)
    %dma_start3A_968 = arith.constant 832 : i32
    %dma_start3A_969 = tpu.memref_slice %arg5[%dma_start3A_968] : memref<1024xi32, #tpu.memory_space<vmem>> -> memref<16xi32, #tpu.memory_space<vmem>>
    %dma_start3A_970 = arith.constant 0 : i32
    %dma_start3A_971 = arith.constant 0 : i32
    %dma_start3A_972 = tpu.memref_slice %arg2[%dma_start3A_970, %dma_start3A_971] : memref<1000x1024xf32, #tpu.memory_space<hbm>> -> memref<1000x1024xf32, #tpu.memory_space<hbm>>
    tpu.enqueue_indirect_dma source(%dma_start3A_972 : memref<1000x1024xf32, #tpu.memory_space<hbm>>) target(%arg10 : memref<16x1024xf32, #tpu.memory_space<vmem>>) offsets(%dma_start3A_969 : memref<16xi32, #tpu.memory_space<vmem>>) semaphore(%arg16 : memref<!tpu.dma_semaphore, #tpu.memory_space<semaphore_mem>>)
    %dma_wait3A_973 = arith.constant 752 : i32
    %dma_wait3A_974 = tpu.memref_slice %arg5[%dma_wait3A_973] : memref<1024xi32, #tpu.memory_space<vmem>> -> memref<16xi32, #tpu.memory_space<vmem>>
    %dma_wait3A_975 = arith.constant 0 : i32
    %dma_wait3A_976 = arith.constant 0 : i32
    %dma_wait3A_977 = tpu.memref_slice %arg2[%dma_wait3A_975, %dma_wait3A_976] : memref<1000x1024xf32, #tpu.memory_space<hbm>> -> memref<1000x1024xf32, #tpu.memory_space<hbm>>
    tpu.wait_indirect_dma semaphore(%arg17 : memref<!tpu.dma_semaphore, #tpu.memory_space<semaphore_mem>>) src(%dma_wait3A_977 : memref<1000x1024xf32, #tpu.memory_space<hbm>>) dst(%arg11 : memref<16x1024xf32, #tpu.memory_space<vmem>>)
    %add3A_978 = arith.constant 752 : i32
    %add3A_979 = arith.addi %mul3A_2, %add3A_978 : i32
    %dma_start3A_980 = arith.constant 0 : i32
    %dma_start3A_981 = tpu.memref_slice %arg4[%add3A_979, %dma_start3A_980] : memref<32768x1024xf32, #tpu.memory_space<hbm>> -> memref<16x1024xf32, #tpu.memory_space<hbm>>
    %dma_start3A_982 = arith.constant 0 : i32
    %dma_start3A_983 = tpu.memref_slice %arg4[%add3A_979, %dma_start3A_982] : memref<32768x1024xf32, #tpu.memory_space<hbm>> -> memref<16x1024xf32, #tpu.memory_space<hbm>>
    tpu.enqueue_dma source(%arg11 : memref<16x1024xf32, #tpu.memory_space<vmem>>) target(%dma_start3A_983 : memref<16x1024xf32, #tpu.memory_space<hbm>>) target_semaphore(%arg23 : memref<!tpu.dma_semaphore, #tpu.memory_space<semaphore_mem>>)
    %dma_wait3A_984 = arith.constant 0 : i32
    %dma_wait3A_985 = tpu.memref_slice %arg4[%add3A_979, %dma_wait3A_984] : memref<32768x1024xf32, #tpu.memory_space<hbm>> -> memref<16x1024xf32, #tpu.memory_space<hbm>>
    %dma_wait3A_986 = arith.constant 0 : i32
    %dma_wait3A_987 = tpu.memref_slice %arg4[%add3A_979, %dma_wait3A_986] : memref<32768x1024xf32, #tpu.memory_space<hbm>> -> memref<16x1024xf32, #tpu.memory_space<hbm>>
    tpu.wait_dma2 semaphore(%arg23 : memref<!tpu.dma_semaphore, #tpu.memory_space<semaphore_mem>>) src(%arg11 : memref<16x1024xf32, #tpu.memory_space<vmem>>) dst(%dma_wait3A_987 : memref<16x1024xf32, #tpu.memory_space<hbm>>)
    %dma_start3A_988 = arith.constant 848 : i32
    %dma_start3A_989 = tpu.memref_slice %arg5[%dma_start3A_988] : memref<1024xi32, #tpu.memory_space<vmem>> -> memref<16xi32, #tpu.memory_space<vmem>>
    %dma_start3A_990 = arith.constant 0 : i32
    %dma_start3A_991 = arith.constant 0 : i32
    %dma_start3A_992 = tpu.memref_slice %arg2[%dma_start3A_990, %dma_start3A_991] : memref<1000x1024xf32, #tpu.memory_space<hbm>> -> memref<1000x1024xf32, #tpu.memory_space<hbm>>
    tpu.enqueue_indirect_dma source(%dma_start3A_992 : memref<1000x1024xf32, #tpu.memory_space<hbm>>) target(%arg11 : memref<16x1024xf32, #tpu.memory_space<vmem>>) offsets(%dma_start3A_989 : memref<16xi32, #tpu.memory_space<vmem>>) semaphore(%arg17 : memref<!tpu.dma_semaphore, #tpu.memory_space<semaphore_mem>>)
    %dma_wait3A_993 = arith.constant 768 : i32
    %dma_wait3A_994 = tpu.memref_slice %arg5[%dma_wait3A_993] : memref<1024xi32, #tpu.memory_space<vmem>> -> memref<16xi32, #tpu.memory_space<vmem>>
    %dma_wait3A_995 = arith.constant 0 : i32
    %dma_wait3A_996 = arith.constant 0 : i32
    %dma_wait3A_997 = tpu.memref_slice %arg2[%dma_wait3A_995, %dma_wait3A_996] : memref<1000x1024xf32, #tpu.memory_space<hbm>> -> memref<1000x1024xf32, #tpu.memory_space<hbm>>
    tpu.wait_indirect_dma semaphore(%arg12 : memref<!tpu.dma_semaphore, #tpu.memory_space<semaphore_mem>>) src(%dma_wait3A_997 : memref<1000x1024xf32, #tpu.memory_space<hbm>>) dst(%arg6 : memref<16x1024xf32, #tpu.memory_space<vmem>>)
    %add3A_998 = arith.constant 768 : i32
    %add3A_999 = arith.addi %mul3A_2, %add3A_998 : i32
    %dma_start3A_1000 = arith.constant 0 : i32
    %dma_start3A_1001 = tpu.memref_slice %arg4[%add3A_999, %dma_start3A_1000] : memref<32768x1024xf32, #tpu.memory_space<hbm>> -> memref<16x1024xf32, #tpu.memory_space<hbm>>
    %dma_start3A_1002 = arith.constant 0 : i32
    %dma_start3A_1003 = tpu.memref_slice %arg4[%add3A_999, %dma_start3A_1002] : memref<32768x1024xf32, #tpu.memory_space<hbm>> -> memref<16x1024xf32, #tpu.memory_space<hbm>>
    tpu.enqueue_dma source(%arg6 : memref<16x1024xf32, #tpu.memory_space<vmem>>) target(%dma_start3A_1003 : memref<16x1024xf32, #tpu.memory_space<hbm>>) target_semaphore(%arg18 : memref<!tpu.dma_semaphore, #tpu.memory_space<semaphore_mem>>)
    %dma_wait3A_1004 = arith.constant 0 : i32
    %dma_wait3A_1005 = tpu.memref_slice %arg4[%add3A_999, %dma_wait3A_1004] : memref<32768x1024xf32, #tpu.memory_space<hbm>> -> memref<16x1024xf32, #tpu.memory_space<hbm>>
    %dma_wait3A_1006 = arith.constant 0 : i32
    %dma_wait3A_1007 = tpu.memref_slice %arg4[%add3A_999, %dma_wait3A_1006] : memref<32768x1024xf32, #tpu.memory_space<hbm>> -> memref<16x1024xf32, #tpu.memory_space<hbm>>
    tpu.wait_dma2 semaphore(%arg18 : memref<!tpu.dma_semaphore, #tpu.memory_space<semaphore_mem>>) src(%arg6 : memref<16x1024xf32, #tpu.memory_space<vmem>>) dst(%dma_wait3A_1007 : memref<16x1024xf32, #tpu.memory_space<hbm>>)
    %dma_start3A_1008 = arith.constant 864 : i32
    %dma_start3A_1009 = tpu.memref_slice %arg5[%dma_start3A_1008] : memref<1024xi32, #tpu.memory_space<vmem>> -> memref<16xi32, #tpu.memory_space<vmem>>
    %dma_start3A_1010 = arith.constant 0 : i32
    %dma_start3A_1011 = arith.constant 0 : i32
    %dma_start3A_1012 = tpu.memref_slice %arg2[%dma_start3A_1010, %dma_start3A_1011] : memref<1000x1024xf32, #tpu.memory_space<hbm>> -> memref<1000x1024xf32, #tpu.memory_space<hbm>>
    tpu.enqueue_indirect_dma source(%dma_start3A_1012 : memref<1000x1024xf32, #tpu.memory_space<hbm>>) target(%arg6 : memref<16x1024xf32, #tpu.memory_space<vmem>>) offsets(%dma_start3A_1009 : memref<16xi32, #tpu.memory_space<vmem>>) semaphore(%arg12 : memref<!tpu.dma_semaphore, #tpu.memory_space<semaphore_mem>>)
    %dma_wait3A_1013 = arith.constant 784 : i32
    %dma_wait3A_1014 = tpu.memref_slice %arg5[%dma_wait3A_1013] : memref<1024xi32, #tpu.memory_space<vmem>> -> memref<16xi32, #tpu.memory_space<vmem>>
    %dma_wait3A_1015 = arith.constant 0 : i32
    %dma_wait3A_1016 = arith.constant 0 : i32
    %dma_wait3A_1017 = tpu.memref_slice %arg2[%dma_wait3A_1015, %dma_wait3A_1016] : memref<1000x1024xf32, #tpu.memory_space<hbm>> -> memref<1000x1024xf32, #tpu.memory_space<hbm>>
    tpu.wait_indirect_dma semaphore(%arg13 : memref<!tpu.dma_semaphore, #tpu.memory_space<semaphore_mem>>) src(%dma_wait3A_1017 : memref<1000x1024xf32, #tpu.memory_space<hbm>>) dst(%arg7 : memref<16x1024xf32, #tpu.memory_space<vmem>>)
    %add3A_1018 = arith.constant 784 : i32
    %add3A_1019 = arith.addi %mul3A_2, %add3A_1018 : i32
    %dma_start3A_1020 = arith.constant 0 : i32
    %dma_start3A_1021 = tpu.memref_slice %arg4[%add3A_1019, %dma_start3A_1020] : memref<32768x1024xf32, #tpu.memory_space<hbm>> -> memref<16x1024xf32, #tpu.memory_space<hbm>>
    %dma_start3A_1022 = arith.constant 0 : i32
    %dma_start3A_1023 = tpu.memref_slice %arg4[%add3A_1019, %dma_start3A_1022] : memref<32768x1024xf32, #tpu.memory_space<hbm>> -> memref<16x1024xf32, #tpu.memory_space<hbm>>
    tpu.enqueue_dma source(%arg7 : memref<16x1024xf32, #tpu.memory_space<vmem>>) target(%dma_start3A_1023 : memref<16x1024xf32, #tpu.memory_space<hbm>>) target_semaphore(%arg19 : memref<!tpu.dma_semaphore, #tpu.memory_space<semaphore_mem>>)
    %dma_wait3A_1024 = arith.constant 0 : i32
    %dma_wait3A_1025 = tpu.memref_slice %arg4[%add3A_1019, %dma_wait3A_1024] : memref<32768x1024xf32, #tpu.memory_space<hbm>> -> memref<16x1024xf32, #tpu.memory_space<hbm>>
    %dma_wait3A_1026 = arith.constant 0 : i32
    %dma_wait3A_1027 = tpu.memref_slice %arg4[%add3A_1019, %dma_wait3A_1026] : memref<32768x1024xf32, #tpu.memory_space<hbm>> -> memref<16x1024xf32, #tpu.memory_space<hbm>>
    tpu.wait_dma2 semaphore(%arg19 : memref<!tpu.dma_semaphore, #tpu.memory_space<semaphore_mem>>) src(%arg7 : memref<16x1024xf32, #tpu.memory_space<vmem>>) dst(%dma_wait3A_1027 : memref<16x1024xf32, #tpu.memory_space<hbm>>)
    %dma_start3A_1028 = arith.constant 880 : i32
    %dma_start3A_1029 = tpu.memref_slice %arg5[%dma_start3A_1028] : memref<1024xi32, #tpu.memory_space<vmem>> -> memref<16xi32, #tpu.memory_space<vmem>>
    %dma_start3A_1030 = arith.constant 0 : i32
    %dma_start3A_1031 = arith.constant 0 : i32
    %dma_start3A_1032 = tpu.memref_slice %arg2[%dma_start3A_1030, %dma_start3A_1031] : memref<1000x1024xf32, #tpu.memory_space<hbm>> -> memref<1000x1024xf32, #tpu.memory_space<hbm>>
    tpu.enqueue_indirect_dma source(%dma_start3A_1032 : memref<1000x1024xf32, #tpu.memory_space<hbm>>) target(%arg7 : memref<16x1024xf32, #tpu.memory_space<vmem>>) offsets(%dma_start3A_1029 : memref<16xi32, #tpu.memory_space<vmem>>) semaphore(%arg13 : memref<!tpu.dma_semaphore, #tpu.memory_space<semaphore_mem>>)
    %dma_wait3A_1033 = arith.constant 800 : i32
    %dma_wait3A_1034 = tpu.memref_slice %arg5[%dma_wait3A_1033] : memref<1024xi32, #tpu.memory_space<vmem>> -> memref<16xi32, #tpu.memory_space<vmem>>
    %dma_wait3A_1035 = arith.constant 0 : i32
    %dma_wait3A_1036 = arith.constant 0 : i32
    %dma_wait3A_1037 = tpu.memref_slice %arg2[%dma_wait3A_1035, %dma_wait3A_1036] : memref<1000x1024xf32, #tpu.memory_space<hbm>> -> memref<1000x1024xf32, #tpu.memory_space<hbm>>
    tpu.wait_indirect_dma semaphore(%arg14 : memref<!tpu.dma_semaphore, #tpu.memory_space<semaphore_mem>>) src(%dma_wait3A_1037 : memref<1000x1024xf32, #tpu.memory_space<hbm>>) dst(%arg8 : memref<16x1024xf32, #tpu.memory_space<vmem>>)
    %add3A_1038 = arith.constant 800 : i32
    %add3A_1039 = arith.addi %mul3A_2, %add3A_1038 : i32
    %dma_start3A_1040 = arith.constant 0 : i32
    %dma_start3A_1041 = tpu.memref_slice %arg4[%add3A_1039, %dma_start3A_1040] : memref<32768x1024xf32, #tpu.memory_space<hbm>> -> memref<16x1024xf32, #tpu.memory_space<hbm>>
    %dma_start3A_1042 = arith.constant 0 : i32
    %dma_start3A_1043 = tpu.memref_slice %arg4[%add3A_1039, %dma_start3A_1042] : memref<32768x1024xf32, #tpu.memory_space<hbm>> -> memref<16x1024xf32, #tpu.memory_space<hbm>>
    tpu.enqueue_dma source(%arg8 : memref<16x1024xf32, #tpu.memory_space<vmem>>) target(%dma_start3A_1043 : memref<16x1024xf32, #tpu.memory_space<hbm>>) target_semaphore(%arg20 : memref<!tpu.dma_semaphore, #tpu.memory_space<semaphore_mem>>)
    %dma_wait3A_1044 = arith.constant 0 : i32
    %dma_wait3A_1045 = tpu.memref_slice %arg4[%add3A_1039, %dma_wait3A_1044] : memref<32768x1024xf32, #tpu.memory_space<hbm>> -> memref<16x1024xf32, #tpu.memory_space<hbm>>
    %dma_wait3A_1046 = arith.constant 0 : i32
    %dma_wait3A_1047 = tpu.memref_slice %arg4[%add3A_1039, %dma_wait3A_1046] : memref<32768x1024xf32, #tpu.memory_space<hbm>> -> memref<16x1024xf32, #tpu.memory_space<hbm>>
    tpu.wait_dma2 semaphore(%arg20 : memref<!tpu.dma_semaphore, #tpu.memory_space<semaphore_mem>>) src(%arg8 : memref<16x1024xf32, #tpu.memory_space<vmem>>) dst(%dma_wait3A_1047 : memref<16x1024xf32, #tpu.memory_space<hbm>>)
    %dma_start3A_1048 = arith.constant 896 : i32
    %dma_start3A_1049 = tpu.memref_slice %arg5[%dma_start3A_1048] : memref<1024xi32, #tpu.memory_space<vmem>> -> memref<16xi32, #tpu.memory_space<vmem>>
    %dma_start3A_1050 = arith.constant 0 : i32
    %dma_start3A_1051 = arith.constant 0 : i32
    %dma_start3A_1052 = tpu.memref_slice %arg2[%dma_start3A_1050, %dma_start3A_1051] : memref<1000x1024xf32, #tpu.memory_space<hbm>> -> memref<1000x1024xf32, #tpu.memory_space<hbm>>
    tpu.enqueue_indirect_dma source(%dma_start3A_1052 : memref<1000x1024xf32, #tpu.memory_space<hbm>>) target(%arg8 : memref<16x1024xf32, #tpu.memory_space<vmem>>) offsets(%dma_start3A_1049 : memref<16xi32, #tpu.memory_space<vmem>>) semaphore(%arg14 : memref<!tpu.dma_semaphore, #tpu.memory_space<semaphore_mem>>)
    %dma_wait3A_1053 = arith.constant 816 : i32
    %dma_wait3A_1054 = tpu.memref_slice %arg5[%dma_wait3A_1053] : memref<1024xi32, #tpu.memory_space<vmem>> -> memref<16xi32, #tpu.memory_space<vmem>>
    %dma_wait3A_1055 = arith.constant 0 : i32
    %dma_wait3A_1056 = arith.constant 0 : i32
    %dma_wait3A_1057 = tpu.memref_slice %arg2[%dma_wait3A_1055, %dma_wait3A_1056] : memref<1000x1024xf32, #tpu.memory_space<hbm>> -> memref<1000x1024xf32, #tpu.memory_space<hbm>>
    tpu.wait_indirect_dma semaphore(%arg15 : memref<!tpu.dma_semaphore, #tpu.memory_space<semaphore_mem>>) src(%dma_wait3A_1057 : memref<1000x1024xf32, #tpu.memory_space<hbm>>) dst(%arg9 : memref<16x1024xf32, #tpu.memory_space<vmem>>)
    %add3A_1058 = arith.constant 816 : i32
    %add3A_1059 = arith.addi %mul3A_2, %add3A_1058 : i32
    %dma_start3A_1060 = arith.constant 0 : i32
    %dma_start3A_1061 = tpu.memref_slice %arg4[%add3A_1059, %dma_start3A_1060] : memref<32768x1024xf32, #tpu.memory_space<hbm>> -> memref<16x1024xf32, #tpu.memory_space<hbm>>
    %dma_start3A_1062 = arith.constant 0 : i32
    %dma_start3A_1063 = tpu.memref_slice %arg4[%add3A_1059, %dma_start3A_1062] : memref<32768x1024xf32, #tpu.memory_space<hbm>> -> memref<16x1024xf32, #tpu.memory_space<hbm>>
    tpu.enqueue_dma source(%arg9 : memref<16x1024xf32, #tpu.memory_space<vmem>>) target(%dma_start3A_1063 : memref<16x1024xf32, #tpu.memory_space<hbm>>) target_semaphore(%arg21 : memref<!tpu.dma_semaphore, #tpu.memory_space<semaphore_mem>>)
    %dma_wait3A_1064 = arith.constant 0 : i32
    %dma_wait3A_1065 = tpu.memref_slice %arg4[%add3A_1059, %dma_wait3A_1064] : memref<32768x1024xf32, #tpu.memory_space<hbm>> -> memref<16x1024xf32, #tpu.memory_space<hbm>>
    %dma_wait3A_1066 = arith.constant 0 : i32
    %dma_wait3A_1067 = tpu.memref_slice %arg4[%add3A_1059, %dma_wait3A_1066] : memref<32768x1024xf32, #tpu.memory_space<hbm>> -> memref<16x1024xf32, #tpu.memory_space<hbm>>
    tpu.wait_dma2 semaphore(%arg21 : memref<!tpu.dma_semaphore, #tpu.memory_space<semaphore_mem>>) src(%arg9 : memref<16x1024xf32, #tpu.memory_space<vmem>>) dst(%dma_wait3A_1067 : memref<16x1024xf32, #tpu.memory_space<hbm>>)
    %dma_start3A_1068 = arith.constant 912 : i32
    %dma_start3A_1069 = tpu.memref_slice %arg5[%dma_start3A_1068] : memref<1024xi32, #tpu.memory_space<vmem>> -> memref<16xi32, #tpu.memory_space<vmem>>
    %dma_start3A_1070 = arith.constant 0 : i32
    %dma_start3A_1071 = arith.constant 0 : i32
    %dma_start3A_1072 = tpu.memref_slice %arg2[%dma_start3A_1070, %dma_start3A_1071] : memref<1000x1024xf32, #tpu.memory_space<hbm>> -> memref<1000x1024xf32, #tpu.memory_space<hbm>>
    tpu.enqueue_indirect_dma source(%dma_start3A_1072 : memref<1000x1024xf32, #tpu.memory_space<hbm>>) target(%arg9 : memref<16x1024xf32, #tpu.memory_space<vmem>>) offsets(%dma_start3A_1069 : memref<16xi32, #tpu.memory_space<vmem>>) semaphore(%arg15 : memref<!tpu.dma_semaphore, #tpu.memory_space<semaphore_mem>>)
    %dma_wait3A_1073 = arith.constant 832 : i32
    %dma_wait3A_1074 = tpu.memref_slice %arg5[%dma_wait3A_1073] : memref<1024xi32, #tpu.memory_space<vmem>> -> memref<16xi32, #tpu.memory_space<vmem>>
    %dma_wait3A_1075 = arith.constant 0 : i32
    %dma_wait3A_1076 = arith.constant 0 : i32
    %dma_wait3A_1077 = tpu.memref_slice %arg2[%dma_wait3A_1075, %dma_wait3A_1076] : memref<1000x1024xf32, #tpu.memory_space<hbm>> -> memref<1000x1024xf32, #tpu.memory_space<hbm>>
    tpu.wait_indirect_dma semaphore(%arg16 : memref<!tpu.dma_semaphore, #tpu.memory_space<semaphore_mem>>) src(%dma_wait3A_1077 : memref<1000x1024xf32, #tpu.memory_space<hbm>>) dst(%arg10 : memref<16x1024xf32, #tpu.memory_space<vmem>>)
    %add3A_1078 = arith.constant 832 : i32
    %add3A_1079 = arith.addi %mul3A_2, %add3A_1078 : i32
    %dma_start3A_1080 = arith.constant 0 : i32
    %dma_start3A_1081 = tpu.memref_slice %arg4[%add3A_1079, %dma_start3A_1080] : memref<32768x1024xf32, #tpu.memory_space<hbm>> -> memref<16x1024xf32, #tpu.memory_space<hbm>>
    %dma_start3A_1082 = arith.constant 0 : i32
    %dma_start3A_1083 = tpu.memref_slice %arg4[%add3A_1079, %dma_start3A_1082] : memref<32768x1024xf32, #tpu.memory_space<hbm>> -> memref<16x1024xf32, #tpu.memory_space<hbm>>
    tpu.enqueue_dma source(%arg10 : memref<16x1024xf32, #tpu.memory_space<vmem>>) target(%dma_start3A_1083 : memref<16x1024xf32, #tpu.memory_space<hbm>>) target_semaphore(%arg22 : memref<!tpu.dma_semaphore, #tpu.memory_space<semaphore_mem>>)
    %dma_wait3A_1084 = arith.constant 0 : i32
    %dma_wait3A_1085 = tpu.memref_slice %arg4[%add3A_1079, %dma_wait3A_1084] : memref<32768x1024xf32, #tpu.memory_space<hbm>> -> memref<16x1024xf32, #tpu.memory_space<hbm>>
    %dma_wait3A_1086 = arith.constant 0 : i32
    %dma_wait3A_1087 = tpu.memref_slice %arg4[%add3A_1079, %dma_wait3A_1086] : memref<32768x1024xf32, #tpu.memory_space<hbm>> -> memref<16x1024xf32, #tpu.memory_space<hbm>>
    tpu.wait_dma2 semaphore(%arg22 : memref<!tpu.dma_semaphore, #tpu.memory_space<semaphore_mem>>) src(%arg10 : memref<16x1024xf32, #tpu.memory_space<vmem>>) dst(%dma_wait3A_1087 : memref<16x1024xf32, #tpu.memory_space<hbm>>)
    %dma_start3A_1088 = arith.constant 928 : i32
    %dma_start3A_1089 = tpu.memref_slice %arg5[%dma_start3A_1088] : memref<1024xi32, #tpu.memory_space<vmem>> -> memref<16xi32, #tpu.memory_space<vmem>>
    %dma_start3A_1090 = arith.constant 0 : i32
    %dma_start3A_1091 = arith.constant 0 : i32
    %dma_start3A_1092 = tpu.memref_slice %arg2[%dma_start3A_1090, %dma_start3A_1091] : memref<1000x1024xf32, #tpu.memory_space<hbm>> -> memref<1000x1024xf32, #tpu.memory_space<hbm>>
    tpu.enqueue_indirect_dma source(%dma_start3A_1092 : memref<1000x1024xf32, #tpu.memory_space<hbm>>) target(%arg10 : memref<16x1024xf32, #tpu.memory_space<vmem>>) offsets(%dma_start3A_1089 : memref<16xi32, #tpu.memory_space<vmem>>) semaphore(%arg16 : memref<!tpu.dma_semaphore, #tpu.memory_space<semaphore_mem>>)
    %dma_wait3A_1093 = arith.constant 848 : i32
    %dma_wait3A_1094 = tpu.memref_slice %arg5[%dma_wait3A_1093] : memref<1024xi32, #tpu.memory_space<vmem>> -> memref<16xi32, #tpu.memory_space<vmem>>
    %dma_wait3A_1095 = arith.constant 0 : i32
    %dma_wait3A_1096 = arith.constant 0 : i32
    %dma_wait3A_1097 = tpu.memref_slice %arg2[%dma_wait3A_1095, %dma_wait3A_1096] : memref<1000x1024xf32, #tpu.memory_space<hbm>> -> memref<1000x1024xf32, #tpu.memory_space<hbm>>
    tpu.wait_indirect_dma semaphore(%arg17 : memref<!tpu.dma_semaphore, #tpu.memory_space<semaphore_mem>>) src(%dma_wait3A_1097 : memref<1000x1024xf32, #tpu.memory_space<hbm>>) dst(%arg11 : memref<16x1024xf32, #tpu.memory_space<vmem>>)
    %add3A_1098 = arith.constant 848 : i32
    %add3A_1099 = arith.addi %mul3A_2, %add3A_1098 : i32
    %dma_start3A_1100 = arith.constant 0 : i32
    %dma_start3A_1101 = tpu.memref_slice %arg4[%add3A_1099, %dma_start3A_1100] : memref<32768x1024xf32, #tpu.memory_space<hbm>> -> memref<16x1024xf32, #tpu.memory_space<hbm>>
    %dma_start3A_1102 = arith.constant 0 : i32
    %dma_start3A_1103 = tpu.memref_slice %arg4[%add3A_1099, %dma_start3A_1102] : memref<32768x1024xf32, #tpu.memory_space<hbm>> -> memref<16x1024xf32, #tpu.memory_space<hbm>>
    tpu.enqueue_dma source(%arg11 : memref<16x1024xf32, #tpu.memory_space<vmem>>) target(%dma_start3A_1103 : memref<16x1024xf32, #tpu.memory_space<hbm>>) target_semaphore(%arg23 : memref<!tpu.dma_semaphore, #tpu.memory_space<semaphore_mem>>)
    %dma_wait3A_1104 = arith.constant 0 : i32
    %dma_wait3A_1105 = tpu.memref_slice %arg4[%add3A_1099, %dma_wait3A_1104] : memref<32768x1024xf32, #tpu.memory_space<hbm>> -> memref<16x1024xf32, #tpu.memory_space<hbm>>
    %dma_wait3A_1106 = arith.constant 0 : i32
    %dma_wait3A_1107 = tpu.memref_slice %arg4[%add3A_1099, %dma_wait3A_1106] : memref<32768x1024xf32, #tpu.memory_space<hbm>> -> memref<16x1024xf32, #tpu.memory_space<hbm>>
    tpu.wait_dma2 semaphore(%arg23 : memref<!tpu.dma_semaphore, #tpu.memory_space<semaphore_mem>>) src(%arg11 : memref<16x1024xf32, #tpu.memory_space<vmem>>) dst(%dma_wait3A_1107 : memref<16x1024xf32, #tpu.memory_space<hbm>>)
    %dma_start3A_1108 = arith.constant 944 : i32
    %dma_start3A_1109 = tpu.memref_slice %arg5[%dma_start3A_1108] : memref<1024xi32, #tpu.memory_space<vmem>> -> memref<16xi32, #tpu.memory_space<vmem>>
    %dma_start3A_1110 = arith.constant 0 : i32
    %dma_start3A_1111 = arith.constant 0 : i32
    %dma_start3A_1112 = tpu.memref_slice %arg2[%dma_start3A_1110, %dma_start3A_1111] : memref<1000x1024xf32, #tpu.memory_space<hbm>> -> memref<1000x1024xf32, #tpu.memory_space<hbm>>
    tpu.enqueue_indirect_dma source(%dma_start3A_1112 : memref<1000x1024xf32, #tpu.memory_space<hbm>>) target(%arg11 : memref<16x1024xf32, #tpu.memory_space<vmem>>) offsets(%dma_start3A_1109 : memref<16xi32, #tpu.memory_space<vmem>>) semaphore(%arg17 : memref<!tpu.dma_semaphore, #tpu.memory_space<semaphore_mem>>)
    %dma_wait3A_1113 = arith.constant 864 : i32
    %dma_wait3A_1114 = tpu.memref_slice %arg5[%dma_wait3A_1113] : memref<1024xi32, #tpu.memory_space<vmem>> -> memref<16xi32, #tpu.memory_space<vmem>>
    %dma_wait3A_1115 = arith.constant 0 : i32
    %dma_wait3A_1116 = arith.constant 0 : i32
    %dma_wait3A_1117 = tpu.memref_slice %arg2[%dma_wait3A_1115, %dma_wait3A_1116] : memref<1000x1024xf32, #tpu.memory_space<hbm>> -> memref<1000x1024xf32, #tpu.memory_space<hbm>>
    tpu.wait_indirect_dma semaphore(%arg12 : memref<!tpu.dma_semaphore, #tpu.memory_space<semaphore_mem>>) src(%dma_wait3A_1117 : memref<1000x1024xf32, #tpu.memory_space<hbm>>) dst(%arg6 : memref<16x1024xf32, #tpu.memory_space<vmem>>)
    %add3A_1118 = arith.constant 864 : i32
    %add3A_1119 = arith.addi %mul3A_2, %add3A_1118 : i32
    %dma_start3A_1120 = arith.constant 0 : i32
    %dma_start3A_1121 = tpu.memref_slice %arg4[%add3A_1119, %dma_start3A_1120] : memref<32768x1024xf32, #tpu.memory_space<hbm>> -> memref<16x1024xf32, #tpu.memory_space<hbm>>
    %dma_start3A_1122 = arith.constant 0 : i32
    %dma_start3A_1123 = tpu.memref_slice %arg4[%add3A_1119, %dma_start3A_1122] : memref<32768x1024xf32, #tpu.memory_space<hbm>> -> memref<16x1024xf32, #tpu.memory_space<hbm>>
    tpu.enqueue_dma source(%arg6 : memref<16x1024xf32, #tpu.memory_space<vmem>>) target(%dma_start3A_1123 : memref<16x1024xf32, #tpu.memory_space<hbm>>) target_semaphore(%arg18 : memref<!tpu.dma_semaphore, #tpu.memory_space<semaphore_mem>>)
    %dma_wait3A_1124 = arith.constant 0 : i32
    %dma_wait3A_1125 = tpu.memref_slice %arg4[%add3A_1119, %dma_wait3A_1124] : memref<32768x1024xf32, #tpu.memory_space<hbm>> -> memref<16x1024xf32, #tpu.memory_space<hbm>>
    %dma_wait3A_1126 = arith.constant 0 : i32
    %dma_wait3A_1127 = tpu.memref_slice %arg4[%add3A_1119, %dma_wait3A_1126] : memref<32768x1024xf32, #tpu.memory_space<hbm>> -> memref<16x1024xf32, #tpu.memory_space<hbm>>
    tpu.wait_dma2 semaphore(%arg18 : memref<!tpu.dma_semaphore, #tpu.memory_space<semaphore_mem>>) src(%arg6 : memref<16x1024xf32, #tpu.memory_space<vmem>>) dst(%dma_wait3A_1127 : memref<16x1024xf32, #tpu.memory_space<hbm>>)
    %dma_start3A_1128 = arith.constant 960 : i32
    %dma_start3A_1129 = tpu.memref_slice %arg5[%dma_start3A_1128] : memref<1024xi32, #tpu.memory_space<vmem>> -> memref<16xi32, #tpu.memory_space<vmem>>
    %dma_start3A_1130 = arith.constant 0 : i32
    %dma_start3A_1131 = arith.constant 0 : i32
    %dma_start3A_1132 = tpu.memref_slice %arg2[%dma_start3A_1130, %dma_start3A_1131] : memref<1000x1024xf32, #tpu.memory_space<hbm>> -> memref<1000x1024xf32, #tpu.memory_space<hbm>>
    tpu.enqueue_indirect_dma source(%dma_start3A_1132 : memref<1000x1024xf32, #tpu.memory_space<hbm>>) target(%arg6 : memref<16x1024xf32, #tpu.memory_space<vmem>>) offsets(%dma_start3A_1129 : memref<16xi32, #tpu.memory_space<vmem>>) semaphore(%arg12 : memref<!tpu.dma_semaphore, #tpu.memory_space<semaphore_mem>>)
    %dma_wait3A_1133 = arith.constant 880 : i32
    %dma_wait3A_1134 = tpu.memref_slice %arg5[%dma_wait3A_1133] : memref<1024xi32, #tpu.memory_space<vmem>> -> memref<16xi32, #tpu.memory_space<vmem>>
    %dma_wait3A_1135 = arith.constant 0 : i32
    %dma_wait3A_1136 = arith.constant 0 : i32
    %dma_wait3A_1137 = tpu.memref_slice %arg2[%dma_wait3A_1135, %dma_wait3A_1136] : memref<1000x1024xf32, #tpu.memory_space<hbm>> -> memref<1000x1024xf32, #tpu.memory_space<hbm>>
    tpu.wait_indirect_dma semaphore(%arg13 : memref<!tpu.dma_semaphore, #tpu.memory_space<semaphore_mem>>) src(%dma_wait3A_1137 : memref<1000x1024xf32, #tpu.memory_space<hbm>>) dst(%arg7 : memref<16x1024xf32, #tpu.memory_space<vmem>>)
    %add3A_1138 = arith.constant 880 : i32
    %add3A_1139 = arith.addi %mul3A_2, %add3A_1138 : i32
    %dma_start3A_1140 = arith.constant 0 : i32
    %dma_start3A_1141 = tpu.memref_slice %arg4[%add3A_1139, %dma_start3A_1140] : memref<32768x1024xf32, #tpu.memory_space<hbm>> -> memref<16x1024xf32, #tpu.memory_space<hbm>>
    %dma_start3A_1142 = arith.constant 0 : i32
    %dma_start3A_1143 = tpu.memref_slice %arg4[%add3A_1139, %dma_start3A_1142] : memref<32768x1024xf32, #tpu.memory_space<hbm>> -> memref<16x1024xf32, #tpu.memory_space<hbm>>
    tpu.enqueue_dma source(%arg7 : memref<16x1024xf32, #tpu.memory_space<vmem>>) target(%dma_start3A_1143 : memref<16x1024xf32, #tpu.memory_space<hbm>>) target_semaphore(%arg19 : memref<!tpu.dma_semaphore, #tpu.memory_space<semaphore_mem>>)
    %dma_wait3A_1144 = arith.constant 0 : i32
    %dma_wait3A_1145 = tpu.memref_slice %arg4[%add3A_1139, %dma_wait3A_1144] : memref<32768x1024xf32, #tpu.memory_space<hbm>> -> memref<16x1024xf32, #tpu.memory_space<hbm>>
    %dma_wait3A_1146 = arith.constant 0 : i32
    %dma_wait3A_1147 = tpu.memref_slice %arg4[%add3A_1139, %dma_wait3A_1146] : memref<32768x1024xf32, #tpu.memory_space<hbm>> -> memref<16x1024xf32, #tpu.memory_space<hbm>>
    tpu.wait_dma2 semaphore(%arg19 : memref<!tpu.dma_semaphore, #tpu.memory_space<semaphore_mem>>) src(%arg7 : memref<16x1024xf32, #tpu.memory_space<vmem>>) dst(%dma_wait3A_1147 : memref<16x1024xf32, #tpu.memory_space<hbm>>)
    %dma_start3A_1148 = arith.constant 976 : i32
    %dma_start3A_1149 = tpu.memref_slice %arg5[%dma_start3A_1148] : memref<1024xi32, #tpu.memory_space<vmem>> -> memref<16xi32, #tpu.memory_space<vmem>>
    %dma_start3A_1150 = arith.constant 0 : i32
    %dma_start3A_1151 = arith.constant 0 : i32
    %dma_start3A_1152 = tpu.memref_slice %arg2[%dma_start3A_1150, %dma_start3A_1151] : memref<1000x1024xf32, #tpu.memory_space<hbm>> -> memref<1000x1024xf32, #tpu.memory_space<hbm>>
    tpu.enqueue_indirect_dma source(%dma_start3A_1152 : memref<1000x1024xf32, #tpu.memory_space<hbm>>) target(%arg7 : memref<16x1024xf32, #tpu.memory_space<vmem>>) offsets(%dma_start3A_1149 : memref<16xi32, #tpu.memory_space<vmem>>) semaphore(%arg13 : memref<!tpu.dma_semaphore, #tpu.memory_space<semaphore_mem>>)
    %dma_wait3A_1153 = arith.constant 896 : i32
    %dma_wait3A_1154 = tpu.memref_slice %arg5[%dma_wait3A_1153] : memref<1024xi32, #tpu.memory_space<vmem>> -> memref<16xi32, #tpu.memory_space<vmem>>
    %dma_wait3A_1155 = arith.constant 0 : i32
    %dma_wait3A_1156 = arith.constant 0 : i32
    %dma_wait3A_1157 = tpu.memref_slice %arg2[%dma_wait3A_1155, %dma_wait3A_1156] : memref<1000x1024xf32, #tpu.memory_space<hbm>> -> memref<1000x1024xf32, #tpu.memory_space<hbm>>
    tpu.wait_indirect_dma semaphore(%arg14 : memref<!tpu.dma_semaphore, #tpu.memory_space<semaphore_mem>>) src(%dma_wait3A_1157 : memref<1000x1024xf32, #tpu.memory_space<hbm>>) dst(%arg8 : memref<16x1024xf32, #tpu.memory_space<vmem>>)
    %add3A_1158 = arith.constant 896 : i32
    %add3A_1159 = arith.addi %mul3A_2, %add3A_1158 : i32
    %dma_start3A_1160 = arith.constant 0 : i32
    %dma_start3A_1161 = tpu.memref_slice %arg4[%add3A_1159, %dma_start3A_1160] : memref<32768x1024xf32, #tpu.memory_space<hbm>> -> memref<16x1024xf32, #tpu.memory_space<hbm>>
    %dma_start3A_1162 = arith.constant 0 : i32
    %dma_start3A_1163 = tpu.memref_slice %arg4[%add3A_1159, %dma_start3A_1162] : memref<32768x1024xf32, #tpu.memory_space<hbm>> -> memref<16x1024xf32, #tpu.memory_space<hbm>>
    tpu.enqueue_dma source(%arg8 : memref<16x1024xf32, #tpu.memory_space<vmem>>) target(%dma_start3A_1163 : memref<16x1024xf32, #tpu.memory_space<hbm>>) target_semaphore(%arg20 : memref<!tpu.dma_semaphore, #tpu.memory_space<semaphore_mem>>)
    %dma_wait3A_1164 = arith.constant 0 : i32
    %dma_wait3A_1165 = tpu.memref_slice %arg4[%add3A_1159, %dma_wait3A_1164] : memref<32768x1024xf32, #tpu.memory_space<hbm>> -> memref<16x1024xf32, #tpu.memory_space<hbm>>
    %dma_wait3A_1166 = arith.constant 0 : i32
    %dma_wait3A_1167 = tpu.memref_slice %arg4[%add3A_1159, %dma_wait3A_1166] : memref<32768x1024xf32, #tpu.memory_space<hbm>> -> memref<16x1024xf32, #tpu.memory_space<hbm>>
    tpu.wait_dma2 semaphore(%arg20 : memref<!tpu.dma_semaphore, #tpu.memory_space<semaphore_mem>>) src(%arg8 : memref<16x1024xf32, #tpu.memory_space<vmem>>) dst(%dma_wait3A_1167 : memref<16x1024xf32, #tpu.memory_space<hbm>>)
    %dma_start3A_1168 = arith.constant 992 : i32
    %dma_start3A_1169 = tpu.memref_slice %arg5[%dma_start3A_1168] : memref<1024xi32, #tpu.memory_space<vmem>> -> memref<16xi32, #tpu.memory_space<vmem>>
    %dma_start3A_1170 = arith.constant 0 : i32
    %dma_start3A_1171 = arith.constant 0 : i32
    %dma_start3A_1172 = tpu.memref_slice %arg2[%dma_start3A_1170, %dma_start3A_1171] : memref<1000x1024xf32, #tpu.memory_space<hbm>> -> memref<1000x1024xf32, #tpu.memory_space<hbm>>
    tpu.enqueue_indirect_dma source(%dma_start3A_1172 : memref<1000x1024xf32, #tpu.memory_space<hbm>>) target(%arg8 : memref<16x1024xf32, #tpu.memory_space<vmem>>) offsets(%dma_start3A_1169 : memref<16xi32, #tpu.memory_space<vmem>>) semaphore(%arg14 : memref<!tpu.dma_semaphore, #tpu.memory_space<semaphore_mem>>)
    %dma_wait3A_1173 = arith.constant 912 : i32
    %dma_wait3A_1174 = tpu.memref_slice %arg5[%dma_wait3A_1173] : memref<1024xi32, #tpu.memory_space<vmem>> -> memref<16xi32, #tpu.memory_space<vmem>>
    %dma_wait3A_1175 = arith.constant 0 : i32
    %dma_wait3A_1176 = arith.constant 0 : i32
    %dma_wait3A_1177 = tpu.memref_slice %arg2[%dma_wait3A_1175, %dma_wait3A_1176] : memref<1000x1024xf32, #tpu.memory_space<hbm>> -> memref<1000x1024xf32, #tpu.memory_space<hbm>>
    tpu.wait_indirect_dma semaphore(%arg15 : memref<!tpu.dma_semaphore, #tpu.memory_space<semaphore_mem>>) src(%dma_wait3A_1177 : memref<1000x1024xf32, #tpu.memory_space<hbm>>) dst(%arg9 : memref<16x1024xf32, #tpu.memory_space<vmem>>)
    %add3A_1178 = arith.constant 912 : i32
    %add3A_1179 = arith.addi %mul3A_2, %add3A_1178 : i32
    %dma_start3A_1180 = arith.constant 0 : i32
    %dma_start3A_1181 = tpu.memref_slice %arg4[%add3A_1179, %dma_start3A_1180] : memref<32768x1024xf32, #tpu.memory_space<hbm>> -> memref<16x1024xf32, #tpu.memory_space<hbm>>
    %dma_start3A_1182 = arith.constant 0 : i32
    %dma_start3A_1183 = tpu.memref_slice %arg4[%add3A_1179, %dma_start3A_1182] : memref<32768x1024xf32, #tpu.memory_space<hbm>> -> memref<16x1024xf32, #tpu.memory_space<hbm>>
    tpu.enqueue_dma source(%arg9 : memref<16x1024xf32, #tpu.memory_space<vmem>>) target(%dma_start3A_1183 : memref<16x1024xf32, #tpu.memory_space<hbm>>) target_semaphore(%arg21 : memref<!tpu.dma_semaphore, #tpu.memory_space<semaphore_mem>>)
    %dma_wait3A_1184 = arith.constant 0 : i32
    %dma_wait3A_1185 = tpu.memref_slice %arg4[%add3A_1179, %dma_wait3A_1184] : memref<32768x1024xf32, #tpu.memory_space<hbm>> -> memref<16x1024xf32, #tpu.memory_space<hbm>>
    %dma_wait3A_1186 = arith.constant 0 : i32
    %dma_wait3A_1187 = tpu.memref_slice %arg4[%add3A_1179, %dma_wait3A_1186] : memref<32768x1024xf32, #tpu.memory_space<hbm>> -> memref<16x1024xf32, #tpu.memory_space<hbm>>
    tpu.wait_dma2 semaphore(%arg21 : memref<!tpu.dma_semaphore, #tpu.memory_space<semaphore_mem>>) src(%arg9 : memref<16x1024xf32, #tpu.memory_space<vmem>>) dst(%dma_wait3A_1187 : memref<16x1024xf32, #tpu.memory_space<hbm>>)
    %dma_start3A_1188 = arith.constant 1008 : i32
    %dma_start3A_1189 = tpu.memref_slice %arg5[%dma_start3A_1188] : memref<1024xi32, #tpu.memory_space<vmem>> -> memref<16xi32, #tpu.memory_space<vmem>>
    %dma_start3A_1190 = arith.constant 0 : i32
    %dma_start3A_1191 = arith.constant 0 : i32
    %dma_start3A_1192 = tpu.memref_slice %arg2[%dma_start3A_1190, %dma_start3A_1191] : memref<1000x1024xf32, #tpu.memory_space<hbm>> -> memref<1000x1024xf32, #tpu.memory_space<hbm>>
    tpu.enqueue_indirect_dma source(%dma_start3A_1192 : memref<1000x1024xf32, #tpu.memory_space<hbm>>) target(%arg9 : memref<16x1024xf32, #tpu.memory_space<vmem>>) offsets(%dma_start3A_1189 : memref<16xi32, #tpu.memory_space<vmem>>) semaphore(%arg15 : memref<!tpu.dma_semaphore, #tpu.memory_space<semaphore_mem>>)
    %dma_wait3A_1193 = arith.constant 928 : i32
    %dma_wait3A_1194 = tpu.memref_slice %arg5[%dma_wait3A_1193] : memref<1024xi32, #tpu.memory_space<vmem>> -> memref<16xi32, #tpu.memory_space<vmem>>
    %dma_wait3A_1195 = arith.constant 0 : i32
    %dma_wait3A_1196 = arith.constant 0 : i32
    %dma_wait3A_1197 = tpu.memref_slice %arg2[%dma_wait3A_1195, %dma_wait3A_1196] : memref<1000x1024xf32, #tpu.memory_space<hbm>> -> memref<1000x1024xf32, #tpu.memory_space<hbm>>
    tpu.wait_indirect_dma semaphore(%arg16 : memref<!tpu.dma_semaphore, #tpu.memory_space<semaphore_mem>>) src(%dma_wait3A_1197 : memref<1000x1024xf32, #tpu.memory_space<hbm>>) dst(%arg10 : memref<16x1024xf32, #tpu.memory_space<vmem>>)
    %add3A_1198 = arith.constant 928 : i32
    %add3A_1199 = arith.addi %mul3A_2, %add3A_1198 : i32
    %dma_start3A_1200 = arith.constant 0 : i32
    %dma_start3A_1201 = tpu.memref_slice %arg4[%add3A_1199, %dma_start3A_1200] : memref<32768x1024xf32, #tpu.memory_space<hbm>> -> memref<16x1024xf32, #tpu.memory_space<hbm>>
    %dma_start3A_1202 = arith.constant 0 : i32
    %dma_start3A_1203 = tpu.memref_slice %arg4[%add3A_1199, %dma_start3A_1202] : memref<32768x1024xf32, #tpu.memory_space<hbm>> -> memref<16x1024xf32, #tpu.memory_space<hbm>>
    tpu.enqueue_dma source(%arg10 : memref<16x1024xf32, #tpu.memory_space<vmem>>) target(%dma_start3A_1203 : memref<16x1024xf32, #tpu.memory_space<hbm>>) target_semaphore(%arg22 : memref<!tpu.dma_semaphore, #tpu.memory_space<semaphore_mem>>)
    %dma_wait3A_1204 = arith.constant 944 : i32
    %dma_wait3A_1205 = tpu.memref_slice %arg5[%dma_wait3A_1204] : memref<1024xi32, #tpu.memory_space<vmem>> -> memref<16xi32, #tpu.memory_space<vmem>>
    %dma_wait3A_1206 = arith.constant 0 : i32
    %dma_wait3A_1207 = arith.constant 0 : i32
    %dma_wait3A_1208 = tpu.memref_slice %arg2[%dma_wait3A_1206, %dma_wait3A_1207] : memref<1000x1024xf32, #tpu.memory_space<hbm>> -> memref<1000x1024xf32, #tpu.memory_space<hbm>>
    tpu.wait_indirect_dma semaphore(%arg17 : memref<!tpu.dma_semaphore, #tpu.memory_space<semaphore_mem>>) src(%dma_wait3A_1208 : memref<1000x1024xf32, #tpu.memory_space<hbm>>) dst(%arg11 : memref<16x1024xf32, #tpu.memory_space<vmem>>)
    %add3A_1209 = arith.constant 944 : i32
    %add3A_1210 = arith.addi %mul3A_2, %add3A_1209 : i32
    %dma_start3A_1211 = arith.constant 0 : i32
    %dma_start3A_1212 = tpu.memref_slice %arg4[%add3A_1210, %dma_start3A_1211] : memref<32768x1024xf32, #tpu.memory_space<hbm>> -> memref<16x1024xf32, #tpu.memory_space<hbm>>
    %dma_start3A_1213 = arith.constant 0 : i32
    %dma_start3A_1214 = tpu.memref_slice %arg4[%add3A_1210, %dma_start3A_1213] : memref<32768x1024xf32, #tpu.memory_space<hbm>> -> memref<16x1024xf32, #tpu.memory_space<hbm>>
    tpu.enqueue_dma source(%arg11 : memref<16x1024xf32, #tpu.memory_space<vmem>>) target(%dma_start3A_1214 : memref<16x1024xf32, #tpu.memory_space<hbm>>) target_semaphore(%arg23 : memref<!tpu.dma_semaphore, #tpu.memory_space<semaphore_mem>>)
    %dma_wait3A_1215 = arith.constant 960 : i32
    %dma_wait3A_1216 = tpu.memref_slice %arg5[%dma_wait3A_1215] : memref<1024xi32, #tpu.memory_space<vmem>> -> memref<16xi32, #tpu.memory_space<vmem>>
    %dma_wait3A_1217 = arith.constant 0 : i32
    %dma_wait3A_1218 = arith.constant 0 : i32
    %dma_wait3A_1219 = tpu.memref_slice %arg2[%dma_wait3A_1217, %dma_wait3A_1218] : memref<1000x1024xf32, #tpu.memory_space<hbm>> -> memref<1000x1024xf32, #tpu.memory_space<hbm>>
    tpu.wait_indirect_dma semaphore(%arg12 : memref<!tpu.dma_semaphore, #tpu.memory_space<semaphore_mem>>) src(%dma_wait3A_1219 : memref<1000x1024xf32, #tpu.memory_space<hbm>>) dst(%arg6 : memref<16x1024xf32, #tpu.memory_space<vmem>>)
    %add3A_1220 = arith.constant 960 : i32
    %add3A_1221 = arith.addi %mul3A_2, %add3A_1220 : i32
    %dma_start3A_1222 = arith.constant 0 : i32
    %dma_start3A_1223 = tpu.memref_slice %arg4[%add3A_1221, %dma_start3A_1222] : memref<32768x1024xf32, #tpu.memory_space<hbm>> -> memref<16x1024xf32, #tpu.memory_space<hbm>>
    %dma_start3A_1224 = arith.constant 0 : i32
    %dma_start3A_1225 = tpu.memref_slice %arg4[%add3A_1221, %dma_start3A_1224] : memref<32768x1024xf32, #tpu.memory_space<hbm>> -> memref<16x1024xf32, #tpu.memory_space<hbm>>
    tpu.enqueue_dma source(%arg6 : memref<16x1024xf32, #tpu.memory_space<vmem>>) target(%dma_start3A_1225 : memref<16x1024xf32, #tpu.memory_space<hbm>>) target_semaphore(%arg18 : memref<!tpu.dma_semaphore, #tpu.memory_space<semaphore_mem>>)
    %dma_wait3A_1226 = arith.constant 976 : i32
    %dma_wait3A_1227 = tpu.memref_slice %arg5[%dma_wait3A_1226] : memref<1024xi32, #tpu.memory_space<vmem>> -> memref<16xi32, #tpu.memory_space<vmem>>
    %dma_wait3A_1228 = arith.constant 0 : i32
    %dma_wait3A_1229 = arith.constant 0 : i32
    %dma_wait3A_1230 = tpu.memref_slice %arg2[%dma_wait3A_1228, %dma_wait3A_1229] : memref<1000x1024xf32, #tpu.memory_space<hbm>> -> memref<1000x1024xf32, #tpu.memory_space<hbm>>
    tpu.wait_indirect_dma semaphore(%arg13 : memref<!tpu.dma_semaphore, #tpu.memory_space<semaphore_mem>>) src(%dma_wait3A_1230 : memref<1000x1024xf32, #tpu.memory_space<hbm>>) dst(%arg7 : memref<16x1024xf32, #tpu.memory_space<vmem>>)
    %add3A_1231 = arith.constant 976 : i32
    %add3A_1232 = arith.addi %mul3A_2, %add3A_1231 : i32
    %dma_start3A_1233 = arith.constant 0 : i32
    %dma_start3A_1234 = tpu.memref_slice %arg4[%add3A_1232, %dma_start3A_1233] : memref<32768x1024xf32, #tpu.memory_space<hbm>> -> memref<16x1024xf32, #tpu.memory_space<hbm>>
    %dma_start3A_1235 = arith.constant 0 : i32
    %dma_start3A_1236 = tpu.memref_slice %arg4[%add3A_1232, %dma_start3A_1235] : memref<32768x1024xf32, #tpu.memory_space<hbm>> -> memref<16x1024xf32, #tpu.memory_space<hbm>>
    tpu.enqueue_dma source(%arg7 : memref<16x1024xf32, #tpu.memory_space<vmem>>) target(%dma_start3A_1236 : memref<16x1024xf32, #tpu.memory_space<hbm>>) target_semaphore(%arg19 : memref<!tpu.dma_semaphore, #tpu.memory_space<semaphore_mem>>)
    %dma_wait3A_1237 = arith.constant 992 : i32
    %dma_wait3A_1238 = tpu.memref_slice %arg5[%dma_wait3A_1237] : memref<1024xi32, #tpu.memory_space<vmem>> -> memref<16xi32, #tpu.memory_space<vmem>>
    %dma_wait3A_1239 = arith.constant 0 : i32
    %dma_wait3A_1240 = arith.constant 0 : i32
    %dma_wait3A_1241 = tpu.memref_slice %arg2[%dma_wait3A_1239, %dma_wait3A_1240] : memref<1000x1024xf32, #tpu.memory_space<hbm>> -> memref<1000x1024xf32, #tpu.memory_space<hbm>>
    tpu.wait_indirect_dma semaphore(%arg14 : memref<!tpu.dma_semaphore, #tpu.memory_space<semaphore_mem>>) src(%dma_wait3A_1241 : memref<1000x1024xf32, #tpu.memory_space<hbm>>) dst(%arg8 : memref<16x1024xf32, #tpu.memory_space<vmem>>)
    %add3A_1242 = arith.constant 992 : i32
    %add3A_1243 = arith.addi %mul3A_2, %add3A_1242 : i32
    %dma_start3A_1244 = arith.constant 0 : i32
    %dma_start3A_1245 = tpu.memref_slice %arg4[%add3A_1243, %dma_start3A_1244] : memref<32768x1024xf32, #tpu.memory_space<hbm>> -> memref<16x1024xf32, #tpu.memory_space<hbm>>
    %dma_start3A_1246 = arith.constant 0 : i32
    %dma_start3A_1247 = tpu.memref_slice %arg4[%add3A_1243, %dma_start3A_1246] : memref<32768x1024xf32, #tpu.memory_space<hbm>> -> memref<16x1024xf32, #tpu.memory_space<hbm>>
    tpu.enqueue_dma source(%arg8 : memref<16x1024xf32, #tpu.memory_space<vmem>>) target(%dma_start3A_1247 : memref<16x1024xf32, #tpu.memory_space<hbm>>) target_semaphore(%arg20 : memref<!tpu.dma_semaphore, #tpu.memory_space<semaphore_mem>>)
    %dma_wait3A_1248 = arith.constant 1008 : i32
    %dma_wait3A_1249 = tpu.memref_slice %arg5[%dma_wait3A_1248] : memref<1024xi32, #tpu.memory_space<vmem>> -> memref<16xi32, #tpu.memory_space<vmem>>
    %dma_wait3A_1250 = arith.constant 0 : i32
    %dma_wait3A_1251 = arith.constant 0 : i32
    %dma_wait3A_1252 = tpu.memref_slice %arg2[%dma_wait3A_1250, %dma_wait3A_1251] : memref<1000x1024xf32, #tpu.memory_space<hbm>> -> memref<1000x1024xf32, #tpu.memory_space<hbm>>
    tpu.wait_indirect_dma semaphore(%arg15 : memref<!tpu.dma_semaphore, #tpu.memory_space<semaphore_mem>>) src(%dma_wait3A_1252 : memref<1000x1024xf32, #tpu.memory_space<hbm>>) dst(%arg9 : memref<16x1024xf32, #tpu.memory_space<vmem>>)
    %add3A_1253 = arith.constant 1008 : i32
    %add3A_1254 = arith.addi %mul3A_2, %add3A_1253 : i32
    %dma_start3A_1255 = arith.constant 0 : i32
    %dma_start3A_1256 = tpu.memref_slice %arg4[%add3A_1254, %dma_start3A_1255] : memref<32768x1024xf32, #tpu.memory_space<hbm>> -> memref<16x1024xf32, #tpu.memory_space<hbm>>
    %dma_start3A_1257 = arith.constant 0 : i32
    %dma_start3A_1258 = tpu.memref_slice %arg4[%add3A_1254, %dma_start3A_1257] : memref<32768x1024xf32, #tpu.memory_space<hbm>> -> memref<16x1024xf32, #tpu.memory_space<hbm>>
    tpu.enqueue_dma source(%arg9 : memref<16x1024xf32, #tpu.memory_space<vmem>>) target(%dma_start3A_1258 : memref<16x1024xf32, #tpu.memory_space<hbm>>) target_semaphore(%arg21 : memref<!tpu.dma_semaphore, #tpu.memory_space<semaphore_mem>>)
    %dma_wait3A_1259 = arith.constant 0 : i32
    %dma_wait3A_1260 = tpu.memref_slice %arg4[%add3A_1199, %dma_wait3A_1259] : memref<32768x1024xf32, #tpu.memory_space<hbm>> -> memref<16x1024xf32, #tpu.memory_space<hbm>>
    %dma_wait3A_1261 = arith.constant 0 : i32
    %dma_wait3A_1262 = tpu.memref_slice %arg4[%add3A_1199, %dma_wait3A_1261] : memref<32768x1024xf32, #tpu.memory_space<hbm>> -> memref<16x1024xf32, #tpu.memory_space<hbm>>
    tpu.wait_dma2 semaphore(%arg22 : memref<!tpu.dma_semaphore, #tpu.memory_space<semaphore_mem>>) src(%arg10 : memref<16x1024xf32, #tpu.memory_space<vmem>>) dst(%dma_wait3A_1262 : memref<16x1024xf32, #tpu.memory_space<hbm>>)
    %dma_wait3A_1263 = arith.constant 0 : i32
    %dma_wait3A_1264 = tpu.memref_slice %arg4[%add3A_1210, %dma_wait3A_1263] : memref<32768x1024xf32, #tpu.memory_space<hbm>> -> memref<16x1024xf32, #tpu.memory_space<hbm>>
    %dma_wait3A_1265 = arith.constant 0 : i32
    %dma_wait3A_1266 = tpu.memref_slice %arg4[%add3A_1210, %dma_wait3A_1265] : memref<32768x1024xf32, #tpu.memory_space<hbm>> -> memref<16x1024xf32, #tpu.memory_space<hbm>>
    tpu.wait_dma2 semaphore(%arg23 : memref<!tpu.dma_semaphore, #tpu.memory_space<semaphore_mem>>) src(%arg11 : memref<16x1024xf32, #tpu.memory_space<vmem>>) dst(%dma_wait3A_1266 : memref<16x1024xf32, #tpu.memory_space<hbm>>)
    %dma_wait3A_1267 = arith.constant 0 : i32
    %dma_wait3A_1268 = tpu.memref_slice %arg4[%add3A_1221, %dma_wait3A_1267] : memref<32768x1024xf32, #tpu.memory_space<hbm>> -> memref<16x1024xf32, #tpu.memory_space<hbm>>
    %dma_wait3A_1269 = arith.constant 0 : i32
    %dma_wait3A_1270 = tpu.memref_slice %arg4[%add3A_1221, %dma_wait3A_1269] : memref<32768x1024xf32, #tpu.memory_space<hbm>> -> memref<16x1024xf32, #tpu.memory_space<hbm>>
    tpu.wait_dma2 semaphore(%arg18 : memref<!tpu.dma_semaphore, #tpu.memory_space<semaphore_mem>>) src(%arg6 : memref<16x1024xf32, #tpu.memory_space<vmem>>) dst(%dma_wait3A_1270 : memref<16x1024xf32, #tpu.memory_space<hbm>>)
    %dma_wait3A_1271 = arith.constant 0 : i32
    %dma_wait3A_1272 = tpu.memref_slice %arg4[%add3A_1232, %dma_wait3A_1271] : memref<32768x1024xf32, #tpu.memory_space<hbm>> -> memref<16x1024xf32, #tpu.memory_space<hbm>>
    %dma_wait3A_1273 = arith.constant 0 : i32
    %dma_wait3A_1274 = tpu.memref_slice %arg4[%add3A_1232, %dma_wait3A_1273] : memref<32768x1024xf32, #tpu.memory_space<hbm>> -> memref<16x1024xf32, #tpu.memory_space<hbm>>
    tpu.wait_dma2 semaphore(%arg19 : memref<!tpu.dma_semaphore, #tpu.memory_space<semaphore_mem>>) src(%arg7 : memref<16x1024xf32, #tpu.memory_space<vmem>>) dst(%dma_wait3A_1274 : memref<16x1024xf32, #tpu.memory_space<hbm>>)
    %dma_wait3A_1275 = arith.constant 0 : i32
    %dma_wait3A_1276 = tpu.memref_slice %arg4[%add3A_1243, %dma_wait3A_1275] : memref<32768x1024xf32, #tpu.memory_space<hbm>> -> memref<16x1024xf32, #tpu.memory_space<hbm>>
    %dma_wait3A_1277 = arith.constant 0 : i32
    %dma_wait3A_1278 = tpu.memref_slice %arg4[%add3A_1243, %dma_wait3A_1277] : memref<32768x1024xf32, #tpu.memory_space<hbm>> -> memref<16x1024xf32, #tpu.memory_space<hbm>>
    tpu.wait_dma2 semaphore(%arg20 : memref<!tpu.dma_semaphore, #tpu.memory_space<semaphore_mem>>) src(%arg8 : memref<16x1024xf32, #tpu.memory_space<vmem>>) dst(%dma_wait3A_1278 : memref<16x1024xf32, #tpu.memory_space<hbm>>)
    %dma_wait3A_1279 = arith.constant 0 : i32
    %dma_wait3A_1280 = tpu.memref_slice %arg4[%add3A_1254, %dma_wait3A_1279] : memref<32768x1024xf32, #tpu.memory_space<hbm>> -> memref<16x1024xf32, #tpu.memory_space<hbm>>
    %dma_wait3A_1281 = arith.constant 0 : i32
    %dma_wait3A_1282 = tpu.memref_slice %arg4[%add3A_1254, %dma_wait3A_1281] : memref<32768x1024xf32, #tpu.memory_space<hbm>> -> memref<16x1024xf32, #tpu.memory_space<hbm>>
    tpu.wait_dma2 semaphore(%arg21 : memref<!tpu.dma_semaphore, #tpu.memory_space<semaphore_mem>>) src(%arg9 : memref<16x1024xf32, #tpu.memory_space<vmem>>) dst(%dma_wait3A_1282 : memref<16x1024xf32, #tpu.memory_space<hbm>>)
    return
  }
}

</mosaic_0001>

<sc_bundles>
// kernel: kernel.3.cloned.1.call-start
scs
__scs_entry_jumppad:
0x0: {  	(pc) =	sbr.rel $0x88, $3  }
0x1: {  	(tag) =	ssettag $0x0;
	lr =	simm.s32 $0x1  }
0x2: {  	[smem:$0x3F9F] =	sst lr;
	_ =	strace $0xD0000000  }
0x3: {  	_ = 	snop  }
0x4: {  	_ = 	snop  }
0x5: {  	_ = 	snop  }
0x6: {  	_ = 	snop  }
0x7: {  	_ = 	snop  }
__scs_overlays_trampoline_lowered:
0x8: {  	[smem:$0x3FAE] =	sst s0  }
0x9: {  	[smem:$0x3FAF] =	sst s1  }
0xa: {  	[smem:$0x3FB0] =	sst s2  }
0xb: {  	[smem:$0x3FB1] =	sst s3  }
0xc: {  	[smem:$0x3FB2] =	sst s4  }
0xd: {  	[smem:$0x3FB3] =	sst s5  }
0xe: {  	[smem:$0x3FB4] =	sst s6  }
0xf: {  	[smem:$0x3FB5] =	sst s7  }
0x10: {  	[smem:$0x3FB6] =	sst s8  }
0x11: {  	[smem:$0x3FB7] =	sst s9;
	s0 =	simm.s32 @!p0 $0x0  }
0x12: {  	s1 =	sld [smem:$0x3F9D];
	s0 =	simm.s32 @p0 $0x1  }
0x13: {  	[smem:$0x3FB8] =	sst s0;
	s0 =	simm.s32 @!p1 $0x0  }
0x14: {  	s2 =	sld [smem:$0x3F9C];
	s0 =	simm.s32 @p1 $0x1  }
0x15: {  	[smem:$0x3FB9] =	sst s0;
	s0 =	simm.s32 @!p2 $0x0  }
0x16: {  	s3 =	sld [smem:$0x3FDB];
	s0 =	simm.s32 @p2 $0x1  }
0x17: {  	s4 =	simm.s32 $0x1BF5;
	[smem:$0x3FBB] =	sst s0  }
0x18: {  	s0 =	sld [smem:$0x3F9E];
	_ =	swait.ge [sflag:s4], $0x0  }
0x19: {  	s7 =	sld [smem:$0x3F9F]  }
0x1a: {  	s8 =	sadd.s32 $0xFFFFE003, lr  }
0x1b: {  	s9 =	sadd.s32 $0xFFFFFEF7, lr;
	s5 =	simm.s32 $0xFFFFFFFF;
	p2 =	slt.u32 s8, $0xFFFFF086  }
0x1c: {  	p1 =	slt.u32 s9, $0xF7A;
	s5 =	simm.s32 @!p2 $0x0  }
0x1d: {  	s5 =	simm.s32 @p1 $0x1;
	p0 =	seq.s32 s7, s2  }
0x1e: {  	s7 =	smul.u32 @!p0 $0xF7A, s2;
	p2 =	seq.s32 @!p0 s5, $0x0  }
0x1f: {  	s9 =	smul.u32 $0xF7A, s1;
	s8 =	simm.s32 @!p0 $0x1BF5;
	p2 =	por !p2, p0  }
0x20: {  	[sflag:s8] =	ssyncset.s32 @!p0 $0xFFFFF086;
	s6 =	sadd.s32 @!p0 s3, s7;
	s7 =	simm.s32 @!p0 $0x108  }
0x21: {  	s3 =	sadd.s32 s3, s9;
	s6 =	sadd.s32 @!p0 $0x88, s6;
	s7 =	simm.s32 @p2 $0x1082  }
0x22: {  	[simem:s7], [sflag:s8] =	dma.local @!p0 [hbm:s6], $0xF7A  }
0x23: {  	s9 =	sor.u32 $0xD0000000, s2;
	s6 =	simm.s32 $0x108;
	_ =	swait.ge @!p0 [sflag:s8], $0x0  }
0x24: {  	s3 =	sadd.s32 $0x88, s3;
	s6 =	simm.s32 @!p1 $0x1082;
	[sflag:s4] =	ssyncset.s32 $0xFFFFF086  }
0x25: {  	[simem:s6], [sflag:s4] =	dma.local [hbm:s3], $0xF7A  }
0x26: {  	[smem:$0x3F9F] =	sst s1;
	(tag) =	ssettag s2;
	_ =	strace s9  }
0x27: {  	s1 =	sld [smem:$0x3FAF]  }
0x28: {  	s2 =	sld [smem:$0x3FB0]  }
0x29: {  	s4 =	sld [smem:$0x3FB2]  }
0x2a: {  	p0 =	seq.s32 s5, $0x0;
	s5 =	sld [smem:$0x3FB3]  }
0x2b: {  	s6 =	sld [smem:$0x3FB4]  }
0x2c: {  	s7 =	sld [smem:$0x3FB5]  }
0x2d: {  	s3 =	simm.s32 $0x108;
	s8 =	sld [smem:$0x3FB6]  }
0x2e: {  	s3 =	simm.s32 @!p0 $0x1082;
	s9 =	sld [smem:$0x3FB7]  }
0x2f: {  	lr =	sadd.s32 s0, s3;
	s0 =	sld [smem:$0x3FAE]  }
0x30: {  	s3 =	sld [smem:$0x3FB1]  }
0x31: {  	[smem:$0x3FBA] =	sst s10  }
0x32: {  	s10 =	sld [smem:$0x3FB8];
	_ =	sdelay $0x3  }
0x33: {  	p0 =	seq.s32 s10, $0x1;
	s10 =	sld [smem:$0x3FBA];
	_ =	sdelay $0x3  }
0x34: {  	[smem:$0x3FBA] =	sst s10  }
0x35: {  	s10 =	sld [smem:$0x3FB9];
	_ =	sdelay $0x3  }
0x36: {  	p1 =	seq.s32 s10, $0x1;
	s10 =	sld [smem:$0x3FBA];
	_ =	sdelay $0x3  }
0x37: {  	[smem:$0x3FBA] =	sst s10  }
0x38: {  	s10 =	sld [smem:$0x3FBB]  }
0x39: {  	_ = 	snop;
	(pc) =	sbr.ind lr, $3  }
0x3a: {  	_ = 	snop  }
0x3b: {  	_ = 	snop  }
0x3c: {  	p2 =	seq.s32 s10, $0x1;
	s10 =	sld [smem:$0x3FBA]  }
0x3d: {  	_ =	shalt  }
0x3e: {  	_ =	shalt  }
0x3f: {  	_ =	shalt  }
0x40: {  	_ =	shalt  }
0x41: {  	_ =	shalt  }
0x42: {  	_ =	shalt  }
0x43: {  	_ =	shalt  }
0x44: {  	_ =	shalt  }
0x45: {  	_ =	shalt  }
0x46: {  	_ =	shalt  }
0x47: {  	_ =	shalt  }
0x48: {  	_ =	shalt  }
0x49: {  	_ =	shalt  }
0x4a: {  	_ =	shalt  }
0x4b: {  	_ =	shalt  }
0x4c: {  	_ =	shalt  }
0x4d: {  	_ =	shalt  }
0x4e: {  	_ =	shalt  }
0x4f: {  	_ =	shalt  }
0x50: {  	_ =	shalt  }
0x51: {  	_ =	shalt  }
0x52: {  	_ =	shalt  }
0x53: {  	_ =	shalt  }
0x54: {  	_ =	shalt  }
0x55: {  	_ =	shalt  }
0x56: {  	_ =	shalt  }
0x57: {  	_ =	shalt  }
0x58: {  	_ =	shalt  }
0x59: {  	_ =	shalt  }
0x5a: {  	_ =	shalt  }
0x5b: {  	_ =	shalt  }
0x5c: {  	_ =	shalt  }
0x5d: {  	_ =	shalt  }
0x5e: {  	_ =	shalt  }
0x5f: {  	_ =	shalt  }
0x60: {  	_ =	shalt  }
0x61: {  	_ =	shalt  }
0x62: {  	_ =	shalt  }
0x63: {  	_ =	shalt  }
0x64: {  	_ =	shalt  }
0x65: {  	_ =	shalt  }
0x66: {  	_ =	shalt  }
0x67: {  	_ =	shalt  }
0x68: {  	_ =	shalt  }
0x69: {  	_ =	shalt  }
0x6a: {  	_ =	shalt  }
0x6b: {  	_ =	shalt  }
0x6c: {  	_ =	shalt  }
0x6d: {  	_ =	shalt  }
0x6e: {  	_ =	shalt  }
0x6f: {  	_ =	shalt  }
0x70: {  	_ =	shalt  }
0x71: {  	_ =	shalt  }
0x72: {  	_ =	shalt  }
0x73: {  	_ =	shalt  }
0x74: {  	_ =	shalt  }
0x75: {  	_ =	shalt  }
0x76: {  	_ =	shalt  }
0x77: {  	_ =	shalt  }
0x78: {  	_ =	shalt  }
0x79: {  	_ =	shalt  }
0x7a: {  	_ =	shalt  }
0x7b: {  	_ =	shalt  }
0x7c: {  	_ =	shalt  }
0x7d: {  	_ =	shalt  }
0x7e: {  	_ =	shalt  }
0x7f: {  	_ =	shalt  }
0x80: {  	_ =	shalt  }
0x81: {  	_ =	shalt  }
0x82: {  	_ =	shalt  }
0x83: {  	_ =	shalt  }
0x84: {  	_ =	shalt  }
0x85: {  	_ =	shalt  }
0x86: {  	_ =	shalt  }
0x87: {  	_ =	shalt  }
.Lfunc_end0:
.L_simem_size_0:
called_computation.1_lowered:
.L_overlay_start_0:
0x88: {  	s2 =	sld [smem:$0x3FD9]  }
0x89: {  	s3 =	sld [smem:$0x3FFE];
	_ =	sdelay $0x1  }
0x8a: {  	s1 =	srdreg.scid  }
0x8b: {  	s0 =	sand.u32 $0x1, s1  }
0x8c: {  	s17 =	sshll.u32 s0, $0xA;
	s2 =	sadd.s32 s3, s2  }
0x8d: {  	s2 =	sadd.s32 s2, s17  }
0x8e: {  	[smem:$0x3FC6] =	sst s2  }
0x8f: {  	_ = 	snop  }
0x90: {  	s2 =	sld [smem:$0x3FD0];
	(tm) =	ssettm $0x1  }
0x91: {  	s18 =	sld [smem:$0x3FFB];
	_ =	sdelay $0x3  }
0x92: {  	_ =	strace s18  }
0x93: {  	s3 =	sld [smem:$0x3FFC];
	_ =	sdelay $0x3  }
0x94: {  	_ =	strace s3  }
0x95: {  	s3 =	sld [smem:$0x3FFD];
	_ =	sdelay $0x3  }
0x96: {  	_ =	strace s3  }
0x97: {  	_ =	strace $0x8FFFFFFF  }
0x98: {  	s19 =	sld [smem:$0x3FDB];
	_ =	sdelay $0x1  }
0x99: {  	s4 =	simm.s32 $_scs_section_size  }
0x9a: {  	s5 =	simm.s32 $_size__tile_overlayer_lowered;
	s6 =	simm.s32 $_tile_overlayer_lowered  }
0x9b: {  	s22 =	simm.s32 $0x1BFF;
	s21 =	sshll.u32 s6, $0x1;
	s3 =	sadd.s32 s4, s19  }
0x9c: {  	s7 =	simm.s32 $0x0;
	s20 =	sshll.u32 s5, $0x1;
	s5 =	sadd.s32 s21, s3  }
0x9d: {  	[timem:s7], [sflag:s22] =	dma.local [hbm:s5], s20  }
0x9e: {  	_ =	swait.ge [sflag:s22], s20  }
0x9f: {  	s4 =	ssub.s32 $0x0, s20;
	[sflag:s22] =	ssyncset.done $0x0  }
0xa0: {  	[sflag:s22] =	ssyncadd.s32 s4;
	_ =	sdelay $0x1  }
0xa1: {  	s23 =	simm.s32 $0x1B8B  }
0xa2: {  	_ =	swait.ge [sflag:s23], $0x1  }
0xa3: {  	[sflag:s23] =	ssyncset.done $0x0  }
0xa4: {  	s25 =	simm.s32 $0x1B8E;
	s24 =	sld [smem:$0x3FFE];
	[sflag:s23] =	ssyncadd.s32 $0xFFFFFFFF  }
0xa5: {  	s26 =	simm.s32 $execute0_lowered;
	[smem:$0x3FD2] =	sst s25  }
0xa6: {  	s5 =	sshll.u32 s26, $0x1;
	_ =	strace $0x80000046;
	[dreg:$0x1] =	wrdreg $0xFFFFFFFF  }
0xa7: {  	s28 =	simm.s32 $_size_execute0_lowered;
	s3 =	sadd.s32 s3, s5;
	[dreg:$0x0] =	wrdreg $0x0  }
0xa8: {  	s5 =	sshll.u32 s28, $0x1;
	[dreg:$0x2] =	wrdreg s3  }
0xa9: {  	[dreg:$0x3] =	wrdreg s5  }
0xaa: {  	[dreg:$0x4] =	wrdreg $0xC0  }
0xab: {  	_ =	task [dreg:s7], $0x5FFFF  }
0xac: {  	[dreg:$0x1] =	wrdreg $0xFFFFFFFF  }
0xad: {  	[dreg:$0x0] =	wrdreg $0x60  }
0xae: {  	[dreg:$0x2] =	wrdreg s2  }
0xaf: {  	[dreg:$0x3] =	wrdreg s24  }
0xb0: {  	[dreg:$0x4] =	wrdreg $0x9  }
0xb1: {  	_ =	task.clear_ibuf [dreg:s7], $0x5FFFF;
	_ =	strace $0x90000046  }
0xb2: {  	s29 =	simm.s32 $0x9;
	_ =	strace $0x80000048  }
0xb3: {  	_ =	swait.ge [sflag:s29], $0x1  }
0xb4: {  	[sflag:s29] =	ssyncadd.s32 $0xFFFFFFFF  }
0xb5: {  	_ =	strace $0x90000048  }
0xb6: {  	_ =	sfence  }
0xb7: {  	s30 =	sld [smem:$0x0];
	_ =	sdelay $0x2  }
0xb8: {  	s31 =	sshll.u32 s1, $0xD;
	s1 =	sshrl.u32 s1, $0x2  }
0xb9: {  	s3 =	sand.u32 $0x4000, s31;
	s1 =	sadd.s32 s1, s30  }
0xba: {  	s0 =	sor.u32 s3, s0;
	s1 =	sshll.u32 s1, $0x11  }
0xbb: {  	s0 =	sor.u32 s1, s0  }
0xbc: {  	s0 =	sadd.s32 $0x8F2B, s0  }
0xbd: {  	[sflag:s0] =	ssyncadd.remote.s32 $0x1  }
0xbe: {  	_ =	sfence.sel $0xFFFF  }
0xbf: {  	[dreg:$0x0] =	wrdreg $0xFFFFFFFF;
	(pc) =	sbr.abs _section_cstart, $3  }
0xc0: {  	[dreg:$0x1] =	wrdreg $0xFFFFFFFF  }
0xc1: {  	_ =	task.clear_ibuf [dreg:s7], $0x2FFFF;
	_ =	strace $0x9FFFFFFF  }
0xc2: {  	(tm) =	ssettm $0x7FFFFFFF  }
0xc3: {  	_ =	shalt  }
tec
execute0_lowered:
.L_overlay_start_1:
0x0: {  	(tag) =	ssettag $0x1  }
0x1: {  	s0 =	srdreg.scid  }
0x2: {  	s3 =	stileid.u32;
	s1 =	sand.u32 $0x1, s0  }
0x3: {  	s9 =	sshll.u32 s3, $0xB;
	s10 =	sshll.u32 s1, $0xA  }
0x4: {  	s2 =	rddreg [dreg:$0x0];
	s0 =	sor.u32 s10, s9  }
0x5: {  	s4 =	rddreg [dreg:$0x1];
	s5 =	sshrl.u32 s0, $0x3  }
0x6: {  	s3 =	simm.s32 $0x0;
	s0 =	sshll.u32 s0, $0x7;
	s5 =	sadd.s32 s5, s4  }
0x7: {  	[smem:$0x7FF] =	sst s3;
	s0 =	sadd.s32 s0, s4;
	s11 =	sadd.s32 $0x800, s5  }
0x8: {  	_ =	strace $0x80000047;
	s12 =	sadd.s32 $0x1800, s0;
	[dreg:$0x3] =	wrdreg s11  }
0x9: {  	s13 =	sadd.s32 $0x2000, s0;
	[dreg:$0x4] =	wrdreg s12  }
0xa: {  	s14 =	sadd.s32 $0x2800, s0;
	[dreg:$0x5] =	wrdreg s13  }
0xb: {  	s15 =	sadd.s32 $0x3000, s0;
	[dreg:$0x6] =	wrdreg s14  }
0xc: {  	s16 =	sadd.s32 $0x3800, s0;
	[dreg:$0x7] =	wrdreg s15  }
0xd: {  	s17 =	sadd.s32 $0x4000, s0;
	[dreg:$0x8] =	wrdreg s16  }
0xe: {  	s18 =	sadd.s32 $0x4800, s0;
	[dreg:$0x9] =	wrdreg s17  }
0xf: {  	s19 =	sadd.s32 $0x5000, s0;
	[dreg:$0xa] =	wrdreg s18  }
0x10: {  	s20 =	sadd.s32 $0x5800, s0;
	[dreg:$0xb] =	wrdreg s19  }
0x11: {  	s21 =	sadd.s32 $0x6000, s0;
	[dreg:$0xc] =	wrdreg s20  }
0x12: {  	s22 =	sadd.s32 $0x6800, s0;
	[dreg:$0xd] =	wrdreg s21  }
0x13: {  	s23 =	sadd.s32 $0x7000, s0;
	[dreg:$0xe] =	wrdreg s22  }
0x14: {  	s24 =	sadd.s32 $0x7800, s0;
	[dreg:$0xf] =	wrdreg s23  }
0x15: {  	s25 =	sadd.s32 $0x8000, s0;
	[dreg:$0x10] =	wrdreg s24  }
0x16: {  	s26 =	sadd.s32 $0x8800, s0;
	[dreg:$0x11] =	wrdreg s25  }
0x17: {  	s30 =	sadd.s32 $0x9000, s0;
	[dreg:$0x12] =	wrdreg s26  }
0x18: {  	s5 =	sadd.s32 $0x9800, s0;
	[dreg:$0x13] =	wrdreg s30  }
0x19: {  	s6 =	sadd.s32 $0xA000, s0;
	[dreg:$0x14] =	wrdreg s5  }
0x1a: {  	s7 =	sadd.s32 $0xA800, s0;
	[dreg:$0x15] =	wrdreg s6  }
0x1b: {  	s8 =	sadd.s32 $0xB000, s0;
	[dreg:$0x16] =	wrdreg s7  }
0x1c: {  	s9 =	sadd.s32 $0xB800, s0;
	[dreg:$0x17] =	wrdreg s8  }
0x1d: {  	s10 =	sadd.s32 $0xC000, s0;
	[dreg:$0x18] =	wrdreg s9  }
0x1e: {  	[dreg:$0x19] =	wrdreg s10;
	s11 =	sadd.s32 $0xC800, s0  }
0x1f: {  	s12 =	sadd.s32 $0xD000, s0;
	[dreg:$0x1a] =	wrdreg s11  }
0x20: {  	s13 =	sadd.s32 $0xD800, s0;
	[dreg:$0x1b] =	wrdreg s12  }
0x21: {  	s14 =	sadd.s32 $0xE000, s0;
	[dreg:$0x1c] =	wrdreg s13  }
0x22: {  	s15 =	sadd.s32 $0xE800, s0;
	[dreg:$0x1d] =	wrdreg s14  }
0x23: {  	s16 =	sadd.s32 $0xF000, s0;
	[dreg:$0x1e] =	wrdreg s15  }
0x24: {  	s17 =	sadd.s32 $0xF800, s0;
	[dreg:$0x1f] =	wrdreg s16  }
0x25: {  	s18 =	sadd.s32 $0x10000, s0;
	[smem:$0x7DA] =	sst s17  }
0x26: {  	s19 =	sadd.s32 $0x10800, s0;
	[smem:$0x7DB] =	sst s18  }
0x27: {  	s20 =	sadd.s32 $0x11000, s0;
	[smem:$0x7DC] =	sst s19  }
0x28: {  	s21 =	sadd.s32 $0x11800, s0;
	[smem:$0x7DD] =	sst s20  }
0x29: {  	s22 =	sadd.s32 $0x12000, s0;
	[smem:$0x7DE] =	sst s21  }
0x2a: {  	s23 =	sadd.s32 $0x12800, s0;
	[smem:$0x7DF] =	sst s22  }
0x2b: {  	s24 =	sadd.s32 $0x13000, s0;
	[smem:$0x7E0] =	sst s23  }
0x2c: {  	s25 =	sadd.s32 $0x13800, s0;
	[smem:$0x7E1] =	sst s24  }
0x2d: {  	s26 =	sadd.s32 $0x14000, s0;
	[smem:$0x7E2] =	sst s25  }
0x2e: {  	s30 =	sadd.s32 $0x14800, s0;
	[smem:$0x7E3] =	sst s26  }
0x2f: {  	s5 =	sadd.s32 $0x15000, s0;
	[smem:$0x7E4] =	sst s30  }
0x30: {  	s6 =	sadd.s32 $0x15800, s0;
	[smem:$0x7E5] =	sst s5  }
0x31: {  	s7 =	sadd.s32 $0x16000, s0;
	[smem:$0x7E6] =	sst s6  }
0x32: {  	s8 =	sadd.s32 $0x16800, s0;
	[smem:$0x7E7] =	sst s7  }
0x33: {  	s9 =	sadd.s32 $0x17000, s0;
	[smem:$0x7E8] =	sst s8  }
0x34: {  	s10 =	sadd.s32 $0x17800, s0;
	[smem:$0x7E9] =	sst s9  }
0x35: {  	[smem:$0x7EA] =	sst s10;
	s11 =	sadd.s32 $0x18000, s0  }
0x36: {  	s12 =	sadd.s32 $0x18800, s0;
	[smem:$0x7EB] =	sst s11  }
0x37: {  	s13 =	sadd.s32 $0x19000, s0;
	[smem:$0x7EC] =	sst s12  }
0x38: {  	s14 =	sadd.s32 $0x19800, s0;
	[smem:$0x7ED] =	sst s13  }
0x39: {  	s15 =	sadd.s32 $0x1A000, s0;
	[smem:$0x7EE] =	sst s14  }
0x3a: {  	s16 =	sadd.s32 $0x1A800, s0;
	[smem:$0x7EF] =	sst s15  }
0x3b: {  	s17 =	sadd.s32 $0x1B000, s0;
	[smem:$0x7F0] =	sst s16  }
0x3c: {  	s18 =	sadd.s32 $0x1B800, s0;
	[smem:$0x7F1] =	sst s17  }
0x3d: {  	s19 =	sadd.s32 $0x1C000, s0;
	[smem:$0x7F2] =	sst s18  }
0x3e: {  	s20 =	sadd.s32 $0x1C800, s0;
	[smem:$0x7F3] =	sst s19  }
0x3f: {  	s21 =	sadd.s32 $0x1D000, s0;
	[smem:$0x7F4] =	sst s20  }
0x40: {  	s28 =	simm.s32 $0x4;
	s22 =	sadd.s32 $0x1D800, s0;
	[smem:$0x7F5] =	sst s21  }
0x41: {  	s29 =	simm.s32 $0xA;
	s23 =	sadd.s32 $0x1E000, s0;
	[smem:$0x7F6] =	sst s22  }
0x42: {  	s31 =	simm.s32 $0xB;
	s24 =	sadd.s32 $0x1E800, s0;
	[smem:$0x7F7] =	sst s23  }
0x43: {  	s1 =	ssub.s32 $0x2, s1;
	s26 =	sadd.s32 $0x1F000, s0;
	[smem:$0x7F8] =	sst s24  }
0x44: {  	s4 =	sadd.s32 $0x100, s2;
	s30 =	sadd.s32 $0x1F800, s0;
	[smem:$0x7F9] =	sst s26  }
0x45: {  	s25 =	sshrl.u32 s1, $0x1;
	s6 =	sadd.s32 $0x20000, s0;
	[smem:$0x7FA] =	sst s30  }
0x46: {  	s5 =	sadd.s32 $0x200, s2;
	s7 =	sadd.s32 $0x20800, s0;
	[smem:$0x7FB] =	sst s6  }
0x47: {  	s0 =	sadd.s32 $0x21000, s0;
	s1 =	ssub.s32 s1, s25;
	[smem:$0x7FC] =	sst s7  }
0x48: {  	s6 =	sadd.s32 $0x300, s2;
	[smem:$0x7FD] =	sst s0;
	s20 =	simm.s32 $0x1  }
0x49: {  	v2 =	vlaneseq.u32;
	s21 =	simm.s32 $0x7;
	s22 =	simm.s32 $0x2;
	s23 =	simm.s32 $0x8  }
0x4a: {  	vm0 =	vmmov $0xffff;
	v1 =	vshrl.u32 v2, $0x3;
	s24 =	simm.s32 $0x3;
	s26 =	simm.s32 $0x9;
	s14 =	simm.s32 $0x5  }
0x4b: {  	v0 =	vand.u32 $0x7, v2;
	v2 =	vor.u32 $0x8, v2;
	v1 =	vmul.u32 $0x8, v1;
	s0 =	simm.s32 $0xC;
	s7 =	smax.u32 s1, $0x1;
	s1 =	simm.s32 $0x6  }
.LBB2_1:
0x4c: {  	[smem:$0x7D9] =	sst s7  }
0x4d: {  	s10 =	rddreg [dreg:$0x3];
	s9 =	simm.s32 $0xD  }
0x4e: {  	[tilespmem:s3], [sflag:$0xD] =	stream.linear.gather [hbm4b:s10+s3], $0x400, $0x38;
	[tilespmem:$0x18400] =	vst v63  }
0x4f: {  	_ =	swait.ge [sflag:s9], $0x400  }
0x50: {  	[sflag:s9] =	ssyncset.done $0x0  }
0x51: {  	[sflag:s9] =	ssyncadd.s32 $0xFFFFFC00  }
0x52: {  	v3 =	vld [tilespmem:$0x0];
	_ =	sdelay $0x4  }
0x53: {  	v4 =	vshll.u32 v3, $0x3  }
0x54: {  	v3 =	vand.u32 $0x7, v3;
	v4 =	vand.u32 $0xFFFFFFC0, v4  }
0x55: {  	v3 =	vor.u32 v3, v4  }
0x56: {  	v4 =	vperm.xlane v3, v0;
	_ =	sdelay $0x1  }
0x57: {  	v4 =	vadd.s32 v1, v4;
	_ =	sdelay $0x3  }
0x58: {  	s10 =	simm.s32 $0x400  }
0x59: {  	[tilespmem:s10], [sflag:$0x1] =	stream.indirect_vreg.gather [hbm4b:s2+s3], $0x80, v4, vm0, $0xb8;
	[tilespmem:$0x18400] =	vst v63  }
0x5a: {  	s11 =	simm.s32 $0xC00;
	v3 =	vperm.xlane v3, v2  }
0x5b: {  	[tilespmem:s11], [sflag:$0x1] =	stream.indirect_vreg.gather [hbm4b:s4+s3], $0x80, v4, vm0, $0xb8;
	[tilespmem:$0x18400] =	vst v63  }
0x5c: {  	s12 =	simm.s32 $0x1400;
	v3 =	vadd.s32 v1, v3  }
0x5d: {  	[tilespmem:s12], [sflag:$0x1] =	stream.indirect_vreg.gather [hbm4b:s5+s3], $0x80, v4, vm0, $0xb8;
	[tilespmem:$0x18400] =	vst v63  }
0x5e: {  	s13 =	simm.s32 $0x1C00  }
0x5f: {  	[tilespmem:s13], [sflag:$0x1] =	stream.indirect_vreg.gather [hbm4b:s6+s3], $0x80, v4, vm0, $0xb8;
	[tilespmem:$0x18400] =	vst v63  }
0x60: {  	s15 =	simm.s32 $0x2400  }
0x61: {  	[tilespmem:s15], [sflag:$0x1] =	stream.indirect_vreg.gather [hbm4b:s2+s3], $0x80, v3, vm0, $0xb8;
	[tilespmem:$0x18400] =	vst v63  }
0x62: {  	s16 =	simm.s32 $0x2C00  }
0x63: {  	[tilespmem:s16], [sflag:$0x1] =	stream.indirect_vreg.gather [hbm4b:s4+s3], $0x80, v3, vm0, $0xb8;
	[tilespmem:$0x18400] =	vst v63  }
0x64: {  	s17 =	simm.s32 $0x3400  }
0x65: {  	[tilespmem:s17], [sflag:$0x1] =	stream.indirect_vreg.gather [hbm4b:s5+s3], $0x80, v3, vm0, $0xb8;
	[tilespmem:$0x18400] =	vst v63  }
0x66: {  	s18 =	simm.s32 $0x3C00  }
0x67: {  	[tilespmem:s18], [sflag:$0x1] =	stream.indirect_vreg.gather [hbm4b:s6+s3], $0x80, v3, vm0, $0xb8;
	[tilespmem:$0x18400] =	vst v63  }
0x68: {  	v3 =	vld [tilespmem:$0x10];
	_ =	sdelay $0x4  }
0x69: {  	v57 =	vshll.u32 v3, $0x3  }
0x6a: {  	v3 =	vand.u32 $0x7, v3;
	v4 =	vand.u32 $0xFFFFFFC0, v57  }
0x6b: {  	v3 =	vor.u32 v3, v4  }
0x6c: {  	v4 =	vperm.xlane v3, v0;
	_ =	sdelay $0x1  }
0x6d: {  	v4 =	vadd.s32 v1, v4;
	_ =	sdelay $0x3  }
0x6e: {  	s25 =	simm.s32 $0x4400  }
0x6f: {  	[tilespmem:s25], [sflag:$0x2] =	stream.indirect_vreg.gather [hbm4b:s2+s3], $0x80, v4, vm0, $0xb8;
	[tilespmem:$0x18400] =	vst v63  }
0x70: {  	s30 =	simm.s32 $0x4C00;
	v3 =	vperm.xlane v3, v2  }
0x71: {  	[tilespmem:s30], [sflag:$0x2] =	stream.indirect_vreg.gather [hbm4b:s4+s3], $0x80, v4, vm0, $0xb8;
	[tilespmem:$0x18400] =	vst v63  }
0x72: {  	s10 =	simm.s32 $0x5400;
	v3 =	vadd.s32 v1, v3  }
0x73: {  	[tilespmem:s10], [sflag:$0x2] =	stream.indirect_vreg.gather [hbm4b:s5+s3], $0x80, v4, vm0, $0xb8;
	[tilespmem:$0x18400] =	vst v63  }
0x74: {  	s15 =	simm.s32 $0x5C00  }
0x75: {  	[tilespmem:s15], [sflag:$0x2] =	stream.indirect_vreg.gather [hbm4b:s6+s3], $0x80, v4, vm0, $0xb8;
	[tilespmem:$0x18400] =	vst v63  }
0x76: {  	s17 =	simm.s32 $0x6400  }
0x77: {  	[tilespmem:s17], [sflag:$0x2] =	stream.indirect_vreg.gather [hbm4b:s2+s3], $0x80, v3, vm0, $0xb8;
	[tilespmem:$0x18400] =	vst v63  }
0x78: {  	s25 =	simm.s32 $0x6C00  }
0x79: {  	[tilespmem:s25], [sflag:$0x2] =	stream.indirect_vreg.gather [hbm4b:s4+s3], $0x80, v3, vm0, $0xb8;
	[tilespmem:$0x18400] =	vst v63  }
0x7a: {  	s30 =	simm.s32 $0x7400  }
0x7b: {  	[tilespmem:s30], [sflag:$0x2] =	stream.indirect_vreg.gather [hbm4b:s5+s3], $0x80, v3, vm0, $0xb8;
	[tilespmem:$0x18400] =	vst v63  }
0x7c: {  	s10 =	simm.s32 $0x7C00  }
0x7d: {  	[tilespmem:s10], [sflag:$0x2] =	stream.indirect_vreg.gather [hbm4b:s6+s3], $0x80, v3, vm0, $0xb8;
	[tilespmem:$0x18400] =	vst v63  }
0x7e: {  	v3 =	vld [tilespmem:$0x20];
	_ =	sdelay $0x4  }
0x7f: {  	v58 =	vshll.u32 v3, $0x3  }
0x80: {  	v3 =	vand.u32 $0x7, v3;
	v4 =	vand.u32 $0xFFFFFFC0, v58  }
0x81: {  	v3 =	vor.u32 v3, v4  }
0x82: {  	v4 =	vperm.xlane v3, v0;
	_ =	sdelay $0x1  }
0x83: {  	v4 =	vadd.s32 v1, v4;
	_ =	sdelay $0x3  }
0x84: {  	s15 =	simm.s32 $0x8400  }
0x85: {  	[tilespmem:s15], [sflag:$0x3] =	stream.indirect_vreg.gather [hbm4b:s2+s3], $0x80, v4, vm0, $0xb8;
	[tilespmem:$0x18400] =	vst v63  }
0x86: {  	s17 =	simm.s32 $0x8C00;
	v3 =	vperm.xlane v3, v2  }
0x87: {  	[tilespmem:s17], [sflag:$0x3] =	stream.indirect_vreg.gather [hbm4b:s4+s3], $0x80, v4, vm0, $0xb8;
	[tilespmem:$0x18400] =	vst v63  }
0x88: {  	s25 =	simm.s32 $0x9400;
	v3 =	vadd.s32 v1, v3  }
0x89: {  	[tilespmem:s25], [sflag:$0x3] =	stream.indirect_vreg.gather [hbm4b:s5+s3], $0x80, v4, vm0, $0xb8;
	[tilespmem:$0x18400] =	vst v63  }
0x8a: {  	s30 =	simm.s32 $0x9C00  }
0x8b: {  	[tilespmem:s30], [sflag:$0x3] =	stream.indirect_vreg.gather [hbm4b:s6+s3], $0x80, v4, vm0, $0xb8;
	[tilespmem:$0x18400] =	vst v63  }
0x8c: {  	s10 =	simm.s32 $0xA400  }
0x8d: {  	[tilespmem:s10], [sflag:$0x3] =	stream.indirect_vreg.gather [hbm4b:s2+s3], $0x80, v3, vm0, $0xb8;
	[tilespmem:$0x18400] =	vst v63  }
0x8e: {  	s15 =	simm.s32 $0xAC00  }
0x8f: {  	[tilespmem:s15], [sflag:$0x3] =	stream.indirect_vreg.gather [hbm4b:s4+s3], $0x80, v3, vm0, $0xb8;
	[tilespmem:$0x18400] =	vst v63  }
0x90: {  	s17 =	simm.s32 $0xB400  }
0x91: {  	[tilespmem:s17], [sflag:$0x3] =	stream.indirect_vreg.gather [hbm4b:s5+s3], $0x80, v3, vm0, $0xb8;
	[tilespmem:$0x18400] =	vst v63  }
0x92: {  	s25 =	simm.s32 $0xBC00  }
0x93: {  	[tilespmem:s25], [sflag:$0x3] =	stream.indirect_vreg.gather [hbm4b:s6+s3], $0x80, v3, vm0, $0xb8;
	[tilespmem:$0x18400] =	vst v63  }
0x94: {  	v3 =	vld [tilespmem:$0x30];
	_ =	sdelay $0x4  }
0x95: {  	v59 =	vshll.u32 v3, $0x3  }
0x96: {  	v3 =	vand.u32 $0x7, v3;
	v4 =	vand.u32 $0xFFFFFFC0, v59  }
0x97: {  	v3 =	vor.u32 v3, v4  }
0x98: {  	v4 =	vperm.xlane v3, v0;
	_ =	sdelay $0x1  }
0x99: {  	v4 =	vadd.s32 v1, v4;
	_ =	sdelay $0x3  }
0x9a: {  	s30 =	simm.s32 $0xC400  }
0x9b: {  	[tilespmem:s30], [sflag:$0x4] =	stream.indirect_vreg.gather [hbm4b:s2+s3], $0x80, v4, vm0, $0xb8;
	[tilespmem:$0x18400] =	vst v63  }
0x9c: {  	s7 =	simm.s32 $0xCC00;
	v3 =	vperm.xlane v3, v2  }
0x9d: {  	[tilespmem:s7], [sflag:$0x4] =	stream.indirect_vreg.gather [hbm4b:s4+s3], $0x80, v4, vm0, $0xb8;
	[tilespmem:$0x18400] =	vst v63  }
0x9e: {  	s15 =	simm.s32 $0xD400;
	v3 =	vadd.s32 v1, v3  }
0x9f: {  	[tilespmem:s15], [sflag:$0x4] =	stream.indirect_vreg.gather [hbm4b:s5+s3], $0x80, v4, vm0, $0xb8;
	[tilespmem:$0x18400] =	vst v63  }
0xa0: {  	s17 =	simm.s32 $0xDC00  }
0xa1: {  	[tilespmem:s17], [sflag:$0x4] =	stream.indirect_vreg.gather [hbm4b:s6+s3], $0x80, v4, vm0, $0xb8;
	[tilespmem:$0x18400] =	vst v63  }
0xa2: {  	s25 =	simm.s32 $0xE400  }
0xa3: {  	[tilespmem:s25], [sflag:$0x4] =	stream.indirect_vreg.gather [hbm4b:s2+s3], $0x80, v3, vm0, $0xb8;
	[tilespmem:$0x18400] =	vst v63  }
0xa4: {  	s30 =	simm.s32 $0xEC00  }
0xa5: {  	[tilespmem:s30], [sflag:$0x4] =	stream.indirect_vreg.gather [hbm4b:s4+s3], $0x80, v3, vm0, $0xb8;
	[tilespmem:$0x18400] =	vst v63  }
0xa6: {  	s7 =	simm.s32 $0xF400  }
0xa7: {  	[tilespmem:s7], [sflag:$0x4] =	stream.indirect_vreg.gather [hbm4b:s5+s3], $0x80, v3, vm0, $0xb8;
	[tilespmem:$0x18400] =	vst v63  }
0xa8: {  	s15 =	simm.s32 $0xFC00  }
0xa9: {  	[tilespmem:s15], [sflag:$0x4] =	stream.indirect_vreg.gather [hbm4b:s6+s3], $0x80, v3, vm0, $0xb8;
	[tilespmem:$0x18400] =	vst v63  }
0xaa: {  	v3 =	vld [tilespmem:$0x40];
	_ =	sdelay $0x4  }
0xab: {  	v60 =	vshll.u32 v3, $0x3  }
0xac: {  	v3 =	vand.u32 $0x7, v3;
	v4 =	vand.u32 $0xFFFFFFC0, v60  }
0xad: {  	v3 =	vor.u32 v3, v4  }
0xae: {  	v4 =	vperm.xlane v3, v0;
	_ =	sdelay $0x1  }
0xaf: {  	v4 =	vadd.s32 v1, v4;
	_ =	sdelay $0x3  }
0xb0: {  	s17 =	simm.s32 $0x10400  }
0xb1: {  	[tilespmem:s17], [sflag:$0x5] =	stream.indirect_vreg.gather [hbm4b:s2+s3], $0x80, v4, vm0, $0xb8;
	[tilespmem:$0x18400] =	vst v63  }
0xb2: {  	s25 =	simm.s32 $0x10C00;
	v3 =	vperm.xlane v3, v2  }
0xb3: {  	[tilespmem:s25], [sflag:$0x5] =	stream.indirect_vreg.gather [hbm4b:s4+s3], $0x80, v4, vm0, $0xb8;
	[tilespmem:$0x18400] =	vst v63  }
0xb4: {  	s10 =	simm.s32 $0x11400;
	v3 =	vadd.s32 v1, v3  }
0xb5: {  	[tilespmem:s10], [sflag:$0x5] =	stream.indirect_vreg.gather [hbm4b:s5+s3], $0x80, v4, vm0, $0xb8;
	[tilespmem:$0x18400] =	vst v63  }
0xb6: {  	s15 =	simm.s32 $0x11C00  }
0xb7: {  	[tilespmem:s15], [sflag:$0x5] =	stream.indirect_vreg.gather [hbm4b:s6+s3], $0x80, v4, vm0, $0xb8;
	[tilespmem:$0x18400] =	vst v63  }
0xb8: {  	s10 =	simm.s32 $0x12400  }
0xb9: {  	[tilespmem:s10], [sflag:$0x5] =	stream.indirect_vreg.gather [hbm4b:s2+s3], $0x80, v3, vm0, $0xb8;
	[tilespmem:$0x18400] =	vst v63  }
0xba: {  	s15 =	simm.s32 $0x12C00  }
0xbb: {  	[tilespmem:s15], [sflag:$0x5] =	stream.indirect_vreg.gather [hbm4b:s4+s3], $0x80, v3, vm0, $0xb8;
	[tilespmem:$0x18400] =	vst v63  }
0xbc: {  	s10 =	simm.s32 $0x13400  }
0xbd: {  	[tilespmem:s10], [sflag:$0x5] =	stream.indirect_vreg.gather [hbm4b:s5+s3], $0x80, v3, vm0, $0xb8;
	[tilespmem:$0x18400] =	vst v63  }
0xbe: {  	s15 =	simm.s32 $0x13C00  }
0xbf: {  	[tilespmem:s15], [sflag:$0x5] =	stream.indirect_vreg.gather [hbm4b:s6+s3], $0x80, v3, vm0, $0xb8;
	[tilespmem:$0x18400] =	vst v63  }
0xc0: {  	v3 =	vld [tilespmem:$0x50];
	_ =	sdelay $0x4  }
0xc1: {  	v61 =	vshll.u32 v3, $0x3  }
0xc2: {  	v3 =	vand.u32 $0x7, v3;
	v4 =	vand.u32 $0xFFFFFFC0, v61  }
0xc3: {  	v3 =	vor.u32 v3, v4  }
0xc4: {  	v4 =	vperm.xlane v3, v0;
	_ =	sdelay $0x1  }
0xc5: {  	v4 =	vadd.s32 v1, v4;
	_ =	sdelay $0x3  }
0xc6: {  	s10 =	simm.s32 $0x14400  }
0xc7: {  	[tilespmem:s10], [sflag:$0x6] =	stream.indirect_vreg.gather [hbm4b:s2+s3], $0x80, v4, vm0, $0xb8;
	[tilespmem:$0x18400] =	vst v63  }
0xc8: {  	s15 =	simm.s32 $0x14C00;
	v3 =	vperm.xlane v3, v2  }
0xc9: {  	[tilespmem:s15], [sflag:$0x6] =	stream.indirect_vreg.gather [hbm4b:s4+s3], $0x80, v4, vm0, $0xb8;
	[tilespmem:$0x18400] =	vst v63  }
0xca: {  	v3 =	vadd.s32 v1, v3;
	s10 =	simm.s32 $0x15400  }
0xcb: {  	[tilespmem:s10], [sflag:$0x6] =	stream.indirect_vreg.gather [hbm4b:s5+s3], $0x80, v4, vm0, $0xb8;
	[tilespmem:$0x18400] =	vst v63  }
0xcc: {  	s10 =	simm.s32 $0x15C00  }
0xcd: {  	[tilespmem:s10], [sflag:$0x6] =	stream.indirect_vreg.gather [hbm4b:s6+s3], $0x80, v4, vm0, $0xb8;
	[tilespmem:$0x18400] =	vst v63  }
0xce: {  	s10 =	simm.s32 $0x16400  }
0xcf: {  	[tilespmem:s10], [sflag:$0x6] =	stream.indirect_vreg.gather [hbm4b:s2+s3], $0x80, v3, vm0, $0xb8;
	[tilespmem:$0x18400] =	vst v63  }
0xd0: {  	s10 =	simm.s32 $0x16C00  }
0xd1: {  	[tilespmem:s10], [sflag:$0x6] =	stream.indirect_vreg.gather [hbm4b:s4+s3], $0x80, v3, vm0, $0xb8;
	[tilespmem:$0x18400] =	vst v63  }
0xd2: {  	s10 =	simm.s32 $0x17400  }
0xd3: {  	[tilespmem:s10], [sflag:$0x6] =	stream.indirect_vreg.gather [hbm4b:s5+s3], $0x80, v3, vm0, $0xb8;
	[tilespmem:$0x18400] =	vst v63  }
0xd4: {  	s10 =	simm.s32 $0x17C00  }
0xd5: {  	[tilespmem:s10], [sflag:$0x6] =	stream.indirect_vreg.gather [hbm4b:s6+s3], $0x80, v3, vm0, $0xb8;
	[tilespmem:$0x18400] =	vst v63  }
0xd6: {  	_ =	swait.ge [sflag:s20], $0x4000  }
0xd7: {  	[sflag:s20] =	ssyncset.done $0x0  }
0xd8: {  	s7 =	simm.s32 $0x400;
	s10 =	rddreg [dreg:$0x4];
	[sflag:s20] =	ssyncadd.s32 $0xFFFFC000  }
0xd9: {  	[hbm4b:s10+s3] =	stream.linear.scatter [tilespmem:s7], [sflag:$0x7], $0x4000, $0x38;
	[tilespmem:$0x18400] =	vst v63  }
0xda: {  	_ =	swait.ge [sflag:s21], $0x4000  }
0xdb: {  	[sflag:s21] =	ssyncset.done $0x0  }
0xdc: {  	[sflag:s21] =	ssyncadd.s32 $0xFFFFC000  }
0xdd: {  	v3 =	vld [tilespmem:$0x60];
	_ =	sdelay $0x4  }
0xde: {  	v62 =	vshll.u32 v3, $0x3  }
0xdf: {  	v3 =	vand.u32 $0x7, v3;
	v4 =	vand.u32 $0xFFFFFFC0, v62  }
0xe0: {  	v3 =	vor.u32 v3, v4  }
0xe1: {  	v4 =	vperm.xlane v3, v0;
	_ =	sdelay $0x1  }
0xe2: {  	v4 =	vadd.s32 v1, v4;
	_ =	sdelay $0x4  }
0xe3: {  	[tilespmem:s7], [sflag:$0x1] =	stream.indirect_vreg.gather [hbm4b:s2+s3], $0x80, v4, vm0, $0xb8;
	[tilespmem:$0x18400] =	vst v63  }
0xe4: {  	s8 =	simm.s32 $0xC00;
	v3 =	vperm.xlane v3, v2  }
0xe5: {  	[tilespmem:s8], [sflag:$0x1] =	stream.indirect_vreg.gather [hbm4b:s4+s3], $0x80, v4, vm0, $0xb8;
	[tilespmem:$0x18400] =	vst v63  }
0xe6: {  	s19 =	simm.s32 $0x1400;
	v3 =	vadd.s32 v1, v3  }
0xe7: {  	[tilespmem:s19], [sflag:$0x1] =	stream.indirect_vreg.gather [hbm4b:s5+s3], $0x80, v4, vm0, $0xb8;
	[tilespmem:$0x18400] =	vst v63  }
0xe8: {  	s11 =	simm.s32 $0x1C00  }
0xe9: {  	[tilespmem:s11], [sflag:$0x1] =	stream.indirect_vreg.gather [hbm4b:s6+s3], $0x80, v4, vm0, $0xb8;
	[tilespmem:$0x18400] =	vst v63  }
0xea: {  	s12 =	simm.s32 $0x2400  }
0xeb: {  	[tilespmem:s12], [sflag:$0x1] =	stream.indirect_vreg.gather [hbm4b:s2+s3], $0x80, v3, vm0, $0xb8;
	[tilespmem:$0x18400] =	vst v63  }
0xec: {  	s13 =	simm.s32 $0x2C00  }
0xed: {  	[tilespmem:s13], [sflag:$0x1] =	stream.indirect_vreg.gather [hbm4b:s4+s3], $0x80, v3, vm0, $0xb8;
	[tilespmem:$0x18400] =	vst v63  }
0xee: {  	s16 =	simm.s32 $0x3400  }
0xef: {  	[tilespmem:s16], [sflag:$0x1] =	stream.indirect_vreg.gather [hbm4b:s5+s3], $0x80, v3, vm0, $0xb8;
	[tilespmem:$0x18400] =	vst v63  }
0xf0: {  	s9 =	simm.s32 $0x3C00  }
0xf1: {  	[tilespmem:s9], [sflag:$0x1] =	stream.indirect_vreg.gather [hbm4b:s6+s3], $0x80, v3, vm0, $0xb8;
	[tilespmem:$0x18400] =	vst v63  }
0xf2: {  	_ =	swait.ge [sflag:s22], $0x4000  }
0xf3: {  	[sflag:s22] =	ssyncset.done $0x0  }
0xf4: {  	s13 =	simm.s32 $0x4400;
	s12 =	rddreg [dreg:$0x5];
	[sflag:s22] =	ssyncadd.s32 $0xFFFFC000  }
0xf5: {  	[hbm4b:s12+s3] =	stream.linear.scatter [tilespmem:s13], [sflag:$0x8], $0x4000, $0x38;
	[tilespmem:$0x18400] =	vst v63  }
0xf6: {  	_ =	swait.ge [sflag:s23], $0x4000  }
0xf7: {  	[sflag:s23] =	ssyncset.done $0x0  }
0xf8: {  	[sflag:s23] =	ssyncadd.s32 $0xFFFFC000  }
0xf9: {  	v3 =	vld [tilespmem:$0x70];
	_ =	sdelay $0x4  }
0xfa: {  	v63 =	vshll.u32 v3, $0x3  }
0xfb: {  	v3 =	vand.u32 $0x7, v3;
	v4 =	vand.u32 $0xFFFFFFC0, v63  }
0xfc: {  	v3 =	vor.u32 v3, v4  }
0xfd: {  	v4 =	vperm.xlane v3, v0;
	_ =	sdelay $0x1  }
0xfe: {  	v4 =	vadd.s32 v1, v4;
	_ =	sdelay $0x4  }
0xff: {  	[tilespmem:s13], [sflag:$0x2] =	stream.indirect_vreg.gather [hbm4b:s2+s3], $0x80, v4, vm0, $0xb8;
	[tilespmem:$0x18400] =	vst v63  }
0x100: {  	s18 =	simm.s32 $0x4C00;
	v3 =	vperm.xlane v3, v2  }
0x101: {  	[tilespmem:s18], [sflag:$0x2] =	stream.indirect_vreg.gather [hbm4b:s4+s3], $0x80, v4, vm0, $0xb8;
	[tilespmem:$0x18400] =	vst v63  }
0x102: {  	s16 =	simm.s32 $0x5400;
	v3 =	vadd.s32 v1, v3  }
0x103: {  	[tilespmem:s16], [sflag:$0x2] =	stream.indirect_vreg.gather [hbm4b:s5+s3], $0x80, v4, vm0, $0xb8;
	[tilespmem:$0x18400] =	vst v63  }
0x104: {  	s18 =	simm.s32 $0x5C00  }
0x105: {  	[tilespmem:s18], [sflag:$0x2] =	stream.indirect_vreg.gather [hbm4b:s6+s3], $0x80, v4, vm0, $0xb8;
	[tilespmem:$0x18400] =	vst v63  }
0x106: {  	s19 =	simm.s32 $0x6400  }
0x107: {  	[tilespmem:s19], [sflag:$0x2] =	stream.indirect_vreg.gather [hbm4b:s2+s3], $0x80, v3, vm0, $0xb8;
	[tilespmem:$0x18400] =	vst v63  }
0x108: {  	s8 =	simm.s32 $0x6C00  }
0x109: {  	[tilespmem:s8], [sflag:$0x2] =	stream.indirect_vreg.gather [hbm4b:s4+s3], $0x80, v3, vm0, $0xb8;
	[tilespmem:$0x18400] =	vst v63  }
0x10a: {  	s9 =	simm.s32 $0x7400  }
0x10b: {  	[tilespmem:s9], [sflag:$0x2] =	stream.indirect_vreg.gather [hbm4b:s5+s3], $0x80, v3, vm0, $0xb8;
	[tilespmem:$0x18400] =	vst v63  }
0x10c: {  	s10 =	simm.s32 $0x7C00  }
0x10d: {  	[tilespmem:s10], [sflag:$0x2] =	stream.indirect_vreg.gather [hbm4b:s6+s3], $0x80, v3, vm0, $0xb8;
	[tilespmem:$0x18400] =	vst v63  }
0x10e: {  	_ =	swait.ge [sflag:s24], $0x4000  }
0x10f: {  	[sflag:s24] =	ssyncset.done $0x0  }
0x110: {  	s12 =	simm.s32 $0x8400;
	s11 =	rddreg [dreg:$0x6];
	[sflag:s24] =	ssyncadd.s32 $0xFFFFC000  }
0x111: {  	[hbm4b:s11+s3] =	stream.linear.scatter [tilespmem:s12], [sflag:$0x9], $0x4000, $0x38;
	[tilespmem:$0x18400] =	vst v63  }
0x112: {  	_ =	swait.ge [sflag:s26], $0x4000  }
0x113: {  	[sflag:s26] =	ssyncset.done $0x0  }
0x114: {  	[sflag:s26] =	ssyncadd.s32 $0xFFFFC000  }
0x115: {  	v3 =	vld [tilespmem:$0x80];
	_ =	sdelay $0x4  }
0x116: {  	v8 =	vshll.u32 v3, $0x3  }
0x117: {  	v3 =	vand.u32 $0x7, v3;
	v4 =	vand.u32 $0xFFFFFFC0, v8  }
0x118: {  	v3 =	vor.u32 v3, v4  }
0x119: {  	v4 =	vperm.xlane v3, v0;
	_ =	sdelay $0x1  }
0x11a: {  	v4 =	vadd.s32 v1, v4;
	_ =	sdelay $0x4  }
0x11b: {  	[tilespmem:s12], [sflag:$0x3] =	stream.indirect_vreg.gather [hbm4b:s2+s3], $0x80, v4, vm0, $0xb8;
	[tilespmem:$0x18400] =	vst v63  }
0x11c: {  	s13 =	simm.s32 $0x8C00;
	v3 =	vperm.xlane v3, v2  }
0x11d: {  	[tilespmem:s13], [sflag:$0x3] =	stream.indirect_vreg.gather [hbm4b:s4+s3], $0x80, v4, vm0, $0xb8;
	[tilespmem:$0x18400] =	vst v63  }
0x11e: {  	s18 =	simm.s32 $0x9400;
	v3 =	vadd.s32 v1, v3  }
0x11f: {  	[tilespmem:s18], [sflag:$0x3] =	stream.indirect_vreg.gather [hbm4b:s5+s3], $0x80, v4, vm0, $0xb8;
	[tilespmem:$0x18400] =	vst v63  }
0x120: {  	s19 =	simm.s32 $0x9C00  }
0x121: {  	[tilespmem:s19], [sflag:$0x3] =	stream.indirect_vreg.gather [hbm4b:s6+s3], $0x80, v4, vm0, $0xb8;
	[tilespmem:$0x18400] =	vst v63  }
0x122: {  	s11 =	simm.s32 $0xA400  }
0x123: {  	[tilespmem:s11], [sflag:$0x3] =	stream.indirect_vreg.gather [hbm4b:s2+s3], $0x80, v3, vm0, $0xb8;
	[tilespmem:$0x18400] =	vst v63  }
0x124: {  	s12 =	simm.s32 $0xAC00  }
0x125: {  	[tilespmem:s12], [sflag:$0x3] =	stream.indirect_vreg.gather [hbm4b:s4+s3], $0x80, v3, vm0, $0xb8;
	[tilespmem:$0x18400] =	vst v63  }
0x126: {  	s13 =	simm.s32 $0xB400  }
0x127: {  	[tilespmem:s13], [sflag:$0x3] =	stream.indirect_vreg.gather [hbm4b:s5+s3], $0x80, v3, vm0, $0xb8;
	[tilespmem:$0x18400] =	vst v63  }
0x128: {  	s16 =	simm.s32 $0xBC00  }
0x129: {  	[tilespmem:s16], [sflag:$0x3] =	stream.indirect_vreg.gather [hbm4b:s6+s3], $0x80, v3, vm0, $0xb8;
	[tilespmem:$0x18400] =	vst v63  }
0x12a: {  	_ =	swait.ge [sflag:s28], $0x4000  }
0x12b: {  	[sflag:s28] =	ssyncset.done $0x0  }
0x12c: {  	s9 =	simm.s32 $0xC400;
	s8 =	rddreg [dreg:$0x7];
	[sflag:s28] =	ssyncadd.s32 $0xFFFFC000  }
0x12d: {  	[hbm4b:s8+s3] =	stream.linear.scatter [tilespmem:s9], [sflag:$0xA], $0x4000, $0x38;
	[tilespmem:$0x18400] =	vst v63  }
0x12e: {  	_ =	swait.ge [sflag:s29], $0x4000  }
0x12f: {  	[sflag:s29] =	ssyncset.done $0x0  }
0x130: {  	[sflag:s29] =	ssyncadd.s32 $0xFFFFC000  }
0x131: {  	v3 =	vld [tilespmem:$0x90];
	_ =	sdelay $0x4  }
0x132: {  	v9 =	vshll.u32 v3, $0x3  }
0x133: {  	v3 =	vand.u32 $0x7, v3;
	v4 =	vand.u32 $0xFFFFFFC0, v9  }
0x134: {  	v3 =	vor.u32 v3, v4  }
0x135: {  	v4 =	vperm.xlane v3, v0;
	_ =	sdelay $0x1  }
0x136: {  	v4 =	vadd.s32 v1, v4;
	_ =	sdelay $0x4  }
0x137: {  	[tilespmem:s9], [sflag:$0x4] =	stream.indirect_vreg.gather [hbm4b:s2+s3], $0x80, v4, vm0, $0xb8;
	[tilespmem:$0x18400] =	vst v63  }
0x138: {  	s10 =	simm.s32 $0xCC00;
	v3 =	vperm.xlane v3, v2  }
0x139: {  	[tilespmem:s10], [sflag:$0x4] =	stream.indirect_vreg.gather [hbm4b:s4+s3], $0x80, v4, vm0, $0xb8;
	[tilespmem:$0x18400] =	vst v63  }
0x13a: {  	s16 =	simm.s32 $0xD400;
	v3 =	vadd.s32 v1, v3  }
0x13b: {  	[tilespmem:s16], [sflag:$0x4] =	stream.indirect_vreg.gather [hbm4b:s5+s3], $0x80, v4, vm0, $0xb8;
	[tilespmem:$0x18400] =	vst v63  }
0x13c: {  	s8 =	simm.s32 $0xDC00  }
0x13d: {  	[tilespmem:s8], [sflag:$0x4] =	stream.indirect_vreg.gather [hbm4b:s6+s3], $0x80, v4, vm0, $0xb8;
	[tilespmem:$0x18400] =	vst v63  }
0x13e: {  	s9 =	simm.s32 $0xE400  }
0x13f: {  	[tilespmem:s9], [sflag:$0x4] =	stream.indirect_vreg.gather [hbm4b:s2+s3], $0x80, v3, vm0, $0xb8;
	[tilespmem:$0x18400] =	vst v63  }
0x140: {  	s10 =	simm.s32 $0xEC00  }
0x141: {  	[tilespmem:s10], [sflag:$0x4] =	stream.indirect_vreg.gather [hbm4b:s4+s3], $0x80, v3, vm0, $0xb8;
	[tilespmem:$0x18400] =	vst v63  }
0x142: {  	s16 =	simm.s32 $0xF400  }
0x143: {  	[tilespmem:s16], [sflag:$0x4] =	stream.indirect_vreg.gather [hbm4b:s5+s3], $0x80, v3, vm0, $0xb8;
	[tilespmem:$0x18400] =	vst v63  }
0x144: {  	s8 =	simm.s32 $0xFC00  }
0x145: {  	[tilespmem:s8], [sflag:$0x4] =	stream.indirect_vreg.gather [hbm4b:s6+s3], $0x80, v3, vm0, $0xb8;
	[tilespmem:$0x18400] =	vst v63  }
0x146: {  	_ =	swait.ge [sflag:s14], $0x4000  }
0x147: {  	[sflag:s14] =	ssyncset.done $0x0  }
0x148: {  	s30 =	simm.s32 $0x10400;
	s9 =	rddreg [dreg:$0x8];
	[sflag:s14] =	ssyncadd.s32 $0xFFFFC000  }
0x149: {  	[hbm4b:s9+s3] =	stream.linear.scatter [tilespmem:s30], [sflag:$0xB], $0x4000, $0x38;
	[tilespmem:$0x18400] =	vst v63  }
0x14a: {  	_ =	swait.ge [sflag:s31], $0x4000  }
0x14b: {  	[sflag:s31] =	ssyncset.done $0x0  }
0x14c: {  	[sflag:s31] =	ssyncadd.s32 $0xFFFFC000  }
0x14d: {  	v3 =	vld [tilespmem:$0xA0];
	_ =	sdelay $0x4  }
0x14e: {  	v10 =	vshll.u32 v3, $0x3  }
0x14f: {  	v3 =	vand.u32 $0x7, v3;
	v4 =	vand.u32 $0xFFFFFFC0, v10  }
0x150: {  	v3 =	vor.u32 v3, v4  }
0x151: {  	v4 =	vperm.xlane v3, v0;
	_ =	sdelay $0x1  }
0x152: {  	v4 =	vadd.s32 v1, v4;
	_ =	sdelay $0x4  }
0x153: {  	[tilespmem:s30], [sflag:$0x5] =	stream.indirect_vreg.gather [hbm4b:s2+s3], $0x80, v4, vm0, $0xb8;
	[tilespmem:$0x18400] =	vst v63  }
0x154: {  	s25 =	simm.s32 $0x10C00;
	v3 =	vperm.xlane v3, v2  }
0x155: {  	[tilespmem:s25], [sflag:$0x5] =	stream.indirect_vreg.gather [hbm4b:s4+s3], $0x80, v4, vm0, $0xb8;
	[tilespmem:$0x18400] =	vst v63  }
0x156: {  	s17 =	simm.s32 $0x11400;
	v3 =	vadd.s32 v1, v3  }
0x157: {  	[tilespmem:s17], [sflag:$0x5] =	stream.indirect_vreg.gather [hbm4b:s5+s3], $0x80, v4, vm0, $0xb8;
	[tilespmem:$0x18400] =	vst v63  }
0x158: {  	s7 =	simm.s32 $0x11C00  }
0x159: {  	[tilespmem:s7], [sflag:$0x5] =	stream.indirect_vreg.gather [hbm4b:s6+s3], $0x80, v4, vm0, $0xb8;
	[tilespmem:$0x18400] =	vst v63  }
0x15a: {  	s25 =	simm.s32 $0x12400  }
0x15b: {  	[tilespmem:s25], [sflag:$0x5] =	stream.indirect_vreg.gather [hbm4b:s2+s3], $0x80, v3, vm0, $0xb8;
	[tilespmem:$0x18400] =	vst v63  }
0x15c: {  	s16 =	simm.s32 $0x12C00  }
0x15d: {  	[tilespmem:s16], [sflag:$0x5] =	stream.indirect_vreg.gather [hbm4b:s4+s3], $0x80, v3, vm0, $0xb8;
	[tilespmem:$0x18400] =	vst v63  }
0x15e: {  	s17 =	simm.s32 $0x13400  }
0x15f: {  	[tilespmem:s17], [sflag:$0x5] =	stream.indirect_vreg.gather [hbm4b:s5+s3], $0x80, v3, vm0, $0xb8;
	[tilespmem:$0x18400] =	vst v63  }
0x160: {  	s30 =	simm.s32 $0x13C00  }
0x161: {  	[tilespmem:s30], [sflag:$0x5] =	stream.indirect_vreg.gather [hbm4b:s6+s3], $0x80, v3, vm0, $0xb8;
	[tilespmem:$0x18400] =	vst v63  }
0x162: {  	_ =	swait.ge [sflag:s1], $0x4000  }
0x163: {  	[sflag:s1] =	ssyncset.done $0x0  }
0x164: {  	s16 =	simm.s32 $0x14400;
	s9 =	rddreg [dreg:$0x9];
	[sflag:s1] =	ssyncadd.s32 $0xFFFFC000  }
0x165: {  	[hbm4b:s9+s3] =	stream.linear.scatter [tilespmem:s16], [sflag:$0xC], $0x4000, $0x38;
	[tilespmem:$0x18400] =	vst v63  }
0x166: {  	_ =	swait.ge [sflag:s0], $0x4000  }
0x167: {  	[sflag:s0] =	ssyncset.done $0x0  }
0x168: {  	[sflag:s0] =	ssyncadd.s32 $0xFFFFC000  }
0x169: {  	v3 =	vld [tilespmem:$0xB0];
	_ =	sdelay $0x4  }
0x16a: {  	v11 =	vshll.u32 v3, $0x3  }
0x16b: {  	v3 =	vand.u32 $0x7, v3;
	v4 =	vand.u32 $0xFFFFFFC0, v11  }
0x16c: {  	v3 =	vor.u32 v3, v4  }
0x16d: {  	v4 =	vperm.xlane v3, v0;
	_ =	sdelay $0x1  }
0x16e: {  	v4 =	vadd.s32 v1, v4;
	_ =	sdelay $0x4  }
0x16f: {  	[tilespmem:s16], [sflag:$0x6] =	stream.indirect_vreg.gather [hbm4b:s2+s3], $0x80, v4, vm0, $0xb8;
	[tilespmem:$0x18400] =	vst v63  }
0x170: {  	s15 =	simm.s32 $0x14C00;
	v3 =	vperm.xlane v3, v2  }
0x171: {  	[tilespmem:s15], [sflag:$0x6] =	stream.indirect_vreg.gather [hbm4b:s4+s3], $0x80, v4, vm0, $0xb8;
	[tilespmem:$0x18400] =	vst v63  }
0x172: {  	v3 =	vadd.s32 v1, v3;
	s16 =	simm.s32 $0x15400  }
0x173: {  	[tilespmem:s16], [sflag:$0x6] =	stream.indirect_vreg.gather [hbm4b:s5+s3], $0x80, v4, vm0, $0xb8;
	[tilespmem:$0x18400] =	vst v63  }
0x174: {  	s8 =	simm.s32 $0x15C00  }
0x175: {  	[tilespmem:s8], [sflag:$0x6] =	stream.indirect_vreg.gather [hbm4b:s6+s3], $0x80, v4, vm0, $0xb8;
	[tilespmem:$0x18400] =	vst v63  }
0x176: {  	s9 =	simm.s32 $0x16400  }
0x177: {  	[tilespmem:s9], [sflag:$0x6] =	stream.indirect_vreg.gather [hbm4b:s2+s3], $0x80, v3, vm0, $0xb8;
	[tilespmem:$0x18400] =	vst v63  }
0x178: {  	s17 =	simm.s32 $0x16C00  }
0x179: {  	[tilespmem:s17], [sflag:$0x6] =	stream.indirect_vreg.gather [hbm4b:s4+s3], $0x80, v3, vm0, $0xb8;
	[tilespmem:$0x18400] =	vst v63  }
0x17a: {  	s15 =	simm.s32 $0x17400  }
0x17b: {  	[tilespmem:s15], [sflag:$0x6] =	stream.indirect_vreg.gather [hbm4b:s5+s3], $0x80, v3, vm0, $0xb8;
	[tilespmem:$0x18400] =	vst v63  }
0x17c: {  	s17 =	simm.s32 $0x17C00  }
0x17d: {  	[tilespmem:s17], [sflag:$0x6] =	stream.indirect_vreg.gather [hbm4b:s6+s3], $0x80, v3, vm0, $0xb8;
	[tilespmem:$0x18400] =	vst v63  }
0x17e: {  	_ =	swait.ge [sflag:s20], $0x4000  }
0x17f: {  	[sflag:s20] =	ssyncset.done $0x0  }
0x180: {  	s30 =	simm.s32 $0x400;
	s10 =	rddreg [dreg:$0xa];
	[sflag:s20] =	ssyncadd.s32 $0xFFFFC000  }
0x181: {  	[hbm4b:s10+s3] =	stream.linear.scatter [tilespmem:s30], [sflag:$0x7], $0x4000, $0x38;
	[tilespmem:$0x18400] =	vst v63  }
0x182: {  	_ =	swait.ge [sflag:s21], $0x4000  }
0x183: {  	[sflag:s21] =	ssyncset.done $0x0  }
0x184: {  	[sflag:s21] =	ssyncadd.s32 $0xFFFFC000  }
0x185: {  	v3 =	vld [tilespmem:$0xC0];
	_ =	sdelay $0x4  }
0x186: {  	v12 =	vshll.u32 v3, $0x3  }
0x187: {  	v3 =	vand.u32 $0x7, v3;
	v4 =	vand.u32 $0xFFFFFFC0, v12  }
0x188: {  	v3 =	vor.u32 v3, v4  }
0x189: {  	v4 =	vperm.xlane v3, v0;
	_ =	sdelay $0x1  }
0x18a: {  	v4 =	vadd.s32 v1, v4;
	_ =	sdelay $0x4  }
0x18b: {  	[tilespmem:s30], [sflag:$0x1] =	stream.indirect_vreg.gather [hbm4b:s2+s3], $0x80, v4, vm0, $0xb8;
	[tilespmem:$0x18400] =	vst v63  }
0x18c: {  	v3 =	vperm.xlane v3, v2;
	s30 =	simm.s32 $0xC00  }
0x18d: {  	[tilespmem:s30], [sflag:$0x1] =	stream.indirect_vreg.gather [hbm4b:s4+s3], $0x80, v4, vm0, $0xb8;
	[tilespmem:$0x18400] =	vst v63  }
0x18e: {  	v3 =	vadd.s32 v1, v3;
	s30 =	simm.s32 $0x1400  }
0x18f: {  	[tilespmem:s30], [sflag:$0x1] =	stream.indirect_vreg.gather [hbm4b:s5+s3], $0x80, v4, vm0, $0xb8;
	[tilespmem:$0x18400] =	vst v63  }
0x190: {  	s30 =	simm.s32 $0x1C00  }
0x191: {  	[tilespmem:s30], [sflag:$0x1] =	stream.indirect_vreg.gather [hbm4b:s6+s3], $0x80, v4, vm0, $0xb8;
	[tilespmem:$0x18400] =	vst v63  }
0x192: {  	s30 =	simm.s32 $0x2400  }
0x193: {  	[tilespmem:s30], [sflag:$0x1] =	stream.indirect_vreg.gather [hbm4b:s2+s3], $0x80, v3, vm0, $0xb8;
	[tilespmem:$0x18400] =	vst v63  }
0x194: {  	s30 =	simm.s32 $0x2C00  }
0x195: {  	[tilespmem:s30], [sflag:$0x1] =	stream.indirect_vreg.gather [hbm4b:s4+s3], $0x80, v3, vm0, $0xb8;
	[tilespmem:$0x18400] =	vst v63  }
0x196: {  	s30 =	simm.s32 $0x3400  }
0x197: {  	[tilespmem:s30], [sflag:$0x1] =	stream.indirect_vreg.gather [hbm4b:s5+s3], $0x80, v3, vm0, $0xb8;
	[tilespmem:$0x18400] =	vst v63  }
0x198: {  	s30 =	simm.s32 $0x3C00  }
0x199: {  	[tilespmem:s30], [sflag:$0x1] =	stream.indirect_vreg.gather [hbm4b:s6+s3], $0x80, v3, vm0, $0xb8;
	[tilespmem:$0x18400] =	vst v63  }
0x19a: {  	_ =	swait.ge [sflag:s22], $0x4000  }
0x19b: {  	[sflag:s22] =	ssyncset.done $0x0  }
0x19c: {  	s30 =	simm.s32 $0x4400;
	s10 =	rddreg [dreg:$0xb];
	[sflag:s22] =	ssyncadd.s32 $0xFFFFC000  }
0x19d: {  	[hbm4b:s10+s3] =	stream.linear.scatter [tilespmem:s30], [sflag:$0x8], $0x4000, $0x38;
	[tilespmem:$0x18400] =	vst v63  }
0x19e: {  	_ =	swait.ge [sflag:s23], $0x4000  }
0x19f: {  	[sflag:s23] =	ssyncset.done $0x0  }
0x1a0: {  	[sflag:s23] =	ssyncadd.s32 $0xFFFFC000  }
0x1a1: {  	v3 =	vld [tilespmem:$0xD0];
	_ =	sdelay $0x4  }
0x1a2: {  	v13 =	vshll.u32 v3, $0x3  }
0x1a3: {  	v3 =	vand.u32 $0x7, v3;
	v4 =	vand.u32 $0xFFFFFFC0, v13  }
0x1a4: {  	v3 =	vor.u32 v3, v4  }
0x1a5: {  	v4 =	vperm.xlane v3, v0;
	_ =	sdelay $0x1  }
0x1a6: {  	v4 =	vadd.s32 v1, v4;
	_ =	sdelay $0x4  }
0x1a7: {  	[tilespmem:s30], [sflag:$0x2] =	stream.indirect_vreg.gather [hbm4b:s2+s3], $0x80, v4, vm0, $0xb8;
	[tilespmem:$0x18400] =	vst v63  }
0x1a8: {  	v3 =	vperm.xlane v3, v2;
	s30 =	simm.s32 $0x4C00  }
0x1a9: {  	[tilespmem:s30], [sflag:$0x2] =	stream.indirect_vreg.gather [hbm4b:s4+s3], $0x80, v4, vm0, $0xb8;
	[tilespmem:$0x18400] =	vst v63  }
0x1aa: {  	v3 =	vadd.s32 v1, v3;
	s30 =	simm.s32 $0x5400  }
0x1ab: {  	[tilespmem:s30], [sflag:$0x2] =	stream.indirect_vreg.gather [hbm4b:s5+s3], $0x80, v4, vm0, $0xb8;
	[tilespmem:$0x18400] =	vst v63  }
0x1ac: {  	s30 =	simm.s32 $0x5C00  }
0x1ad: {  	[tilespmem:s30], [sflag:$0x2] =	stream.indirect_vreg.gather [hbm4b:s6+s3], $0x80, v4, vm0, $0xb8;
	[tilespmem:$0x18400] =	vst v63  }
0x1ae: {  	s30 =	simm.s32 $0x6400  }
0x1af: {  	[tilespmem:s30], [sflag:$0x2] =	stream.indirect_vreg.gather [hbm4b:s2+s3], $0x80, v3, vm0, $0xb8;
	[tilespmem:$0x18400] =	vst v63  }
0x1b0: {  	s30 =	simm.s32 $0x6C00  }
0x1b1: {  	[tilespmem:s30], [sflag:$0x2] =	stream.indirect_vreg.gather [hbm4b:s4+s3], $0x80, v3, vm0, $0xb8;
	[tilespmem:$0x18400] =	vst v63  }
0x1b2: {  	s30 =	simm.s32 $0x7400  }
0x1b3: {  	[tilespmem:s30], [sflag:$0x2] =	stream.indirect_vreg.gather [hbm4b:s5+s3], $0x80, v3, vm0, $0xb8;
	[tilespmem:$0x18400] =	vst v63  }
0x1b4: {  	s30 =	simm.s32 $0x7C00  }
0x1b5: {  	[tilespmem:s30], [sflag:$0x2] =	stream.indirect_vreg.gather [hbm4b:s6+s3], $0x80, v3, vm0, $0xb8;
	[tilespmem:$0x18400] =	vst v63  }
0x1b6: {  	_ =	swait.ge [sflag:s24], $0x4000  }
0x1b7: {  	[sflag:s24] =	ssyncset.done $0x0  }
0x1b8: {  	s30 =	simm.s32 $0x8400;
	s10 =	rddreg [dreg:$0xc];
	[sflag:s24] =	ssyncadd.s32 $0xFFFFC000  }
0x1b9: {  	[hbm4b:s10+s3] =	stream.linear.scatter [tilespmem:s30], [sflag:$0x9], $0x4000, $0x38;
	[tilespmem:$0x18400] =	vst v63  }
0x1ba: {  	_ =	swait.ge [sflag:s26], $0x4000  }
0x1bb: {  	[sflag:s26] =	ssyncset.done $0x0  }
0x1bc: {  	[sflag:s26] =	ssyncadd.s32 $0xFFFFC000  }
0x1bd: {  	v3 =	vld [tilespmem:$0xE0];
	_ =	sdelay $0x4  }
0x1be: {  	v14 =	vshll.u32 v3, $0x3  }
0x1bf: {  	v3 =	vand.u32 $0x7, v3;
	v4 =	vand.u32 $0xFFFFFFC0, v14  }
0x1c0: {  	v3 =	vor.u32 v3, v4  }
0x1c1: {  	v4 =	vperm.xlane v3, v0;
	_ =	sdelay $0x1  }
0x1c2: {  	v4 =	vadd.s32 v1, v4;
	_ =	sdelay $0x4  }
0x1c3: {  	[tilespmem:s30], [sflag:$0x3] =	stream.indirect_vreg.gather [hbm4b:s2+s3], $0x80, v4, vm0, $0xb8;
	[tilespmem:$0x18400] =	vst v63  }
0x1c4: {  	s10 =	simm.s32 $0x8C00;
	v3 =	vperm.xlane v3, v2  }
0x1c5: {  	[tilespmem:s10], [sflag:$0x3] =	stream.indirect_vreg.gather [hbm4b:s4+s3], $0x80, v4, vm0, $0xb8;
	[tilespmem:$0x18400] =	vst v63  }
0x1c6: {  	v3 =	vadd.s32 v1, v3  }
0x1c7: {  	[tilespmem:s18], [sflag:$0x3] =	stream.indirect_vreg.gather [hbm4b:s5+s3], $0x80, v4, vm0, $0xb8;
	[tilespmem:$0x18400] =	vst v63  }
0x1c8: {  	_ = 	snop  }
0x1c9: {  	[tilespmem:s19], [sflag:$0x3] =	stream.indirect_vreg.gather [hbm4b:s6+s3], $0x80, v4, vm0, $0xb8;
	[tilespmem:$0x18400] =	vst v63  }
0x1ca: {  	_ = 	snop  }
0x1cb: {  	[tilespmem:s11], [sflag:$0x3] =	stream.indirect_vreg.gather [hbm4b:s2+s3], $0x80, v3, vm0, $0xb8;
	[tilespmem:$0x18400] =	vst v63  }
0x1cc: {  	_ = 	snop  }
0x1cd: {  	[tilespmem:s12], [sflag:$0x3] =	stream.indirect_vreg.gather [hbm4b:s4+s3], $0x80, v3, vm0, $0xb8;
	[tilespmem:$0x18400] =	vst v63  }
0x1ce: {  	_ = 	snop  }
0x1cf: {  	[tilespmem:s13], [sflag:$0x3] =	stream.indirect_vreg.gather [hbm4b:s5+s3], $0x80, v3, vm0, $0xb8;
	[tilespmem:$0x18400] =	vst v63  }
0x1d0: {  	s11 =	simm.s32 $0xBC00  }
0x1d1: {  	[tilespmem:s11], [sflag:$0x3] =	stream.indirect_vreg.gather [hbm4b:s6+s3], $0x80, v3, vm0, $0xb8;
	[tilespmem:$0x18400] =	vst v63  }
0x1d2: {  	_ =	swait.ge [sflag:s28], $0x4000  }
0x1d3: {  	[sflag:s28] =	ssyncset.done $0x0  }
0x1d4: {  	s13 =	simm.s32 $0xC400;
	s12 =	rddreg [dreg:$0xd];
	[sflag:s28] =	ssyncadd.s32 $0xFFFFC000  }
0x1d5: {  	[hbm4b:s12+s3] =	stream.linear.scatter [tilespmem:s13], [sflag:$0xA], $0x4000, $0x38;
	[tilespmem:$0x18400] =	vst v63  }
0x1d6: {  	_ =	swait.ge [sflag:s29], $0x4000  }
0x1d7: {  	[sflag:s29] =	ssyncset.done $0x0  }
0x1d8: {  	[sflag:s29] =	ssyncadd.s32 $0xFFFFC000  }
0x1d9: {  	v3 =	vld [tilespmem:$0xF0];
	_ =	sdelay $0x4  }
0x1da: {  	v15 =	vshll.u32 v3, $0x3  }
0x1db: {  	v3 =	vand.u32 $0x7, v3;
	v4 =	vand.u32 $0xFFFFFFC0, v15  }
0x1dc: {  	v3 =	vor.u32 v3, v4  }
0x1dd: {  	v4 =	vperm.xlane v3, v0;
	_ =	sdelay $0x1  }
0x1de: {  	v4 =	vadd.s32 v1, v4;
	_ =	sdelay $0x4  }
0x1df: {  	[tilespmem:s13], [sflag:$0x4] =	stream.indirect_vreg.gather [hbm4b:s2+s3], $0x80, v4, vm0, $0xb8;
	[tilespmem:$0x18400] =	vst v63  }
0x1e0: {  	s18 =	simm.s32 $0xCC00;
	v3 =	vperm.xlane v3, v2  }
0x1e1: {  	[tilespmem:s18], [sflag:$0x4] =	stream.indirect_vreg.gather [hbm4b:s4+s3], $0x80, v4, vm0, $0xb8;
	[tilespmem:$0x18400] =	vst v63  }
0x1e2: {  	s11 =	simm.s32 $0xD400;
	v3 =	vadd.s32 v1, v3  }
0x1e3: {  	[tilespmem:s11], [sflag:$0x4] =	stream.indirect_vreg.gather [hbm4b:s5+s3], $0x80, v4, vm0, $0xb8;
	[tilespmem:$0x18400] =	vst v63  }
0x1e4: {  	s12 =	simm.s32 $0xDC00  }
0x1e5: {  	[tilespmem:s12], [sflag:$0x4] =	stream.indirect_vreg.gather [hbm4b:s6+s3], $0x80, v4, vm0, $0xb8;
	[tilespmem:$0x18400] =	vst v63  }
0x1e6: {  	s13 =	simm.s32 $0xE400  }
0x1e7: {  	[tilespmem:s13], [sflag:$0x4] =	stream.indirect_vreg.gather [hbm4b:s2+s3], $0x80, v3, vm0, $0xb8;
	[tilespmem:$0x18400] =	vst v63  }
0x1e8: {  	s18 =	simm.s32 $0xEC00  }
0x1e9: {  	[tilespmem:s18], [sflag:$0x4] =	stream.indirect_vreg.gather [hbm4b:s4+s3], $0x80, v3, vm0, $0xb8;
	[tilespmem:$0x18400] =	vst v63  }
0x1ea: {  	s11 =	simm.s32 $0xF400  }
0x1eb: {  	[tilespmem:s11], [sflag:$0x4] =	stream.indirect_vreg.gather [hbm4b:s5+s3], $0x80, v3, vm0, $0xb8;
	[tilespmem:$0x18400] =	vst v63  }
0x1ec: {  	s12 =	simm.s32 $0xFC00  }
0x1ed: {  	[tilespmem:s12], [sflag:$0x4] =	stream.indirect_vreg.gather [hbm4b:s6+s3], $0x80, v3, vm0, $0xb8;
	[tilespmem:$0x18400] =	vst v63  }
0x1ee: {  	_ =	swait.ge [sflag:s14], $0x4000  }
0x1ef: {  	[sflag:s14] =	ssyncset.done $0x0  }
0x1f0: {  	s18 =	simm.s32 $0x10400;
	s13 =	rddreg [dreg:$0xe];
	[sflag:s14] =	ssyncadd.s32 $0xFFFFC000  }
0x1f1: {  	[hbm4b:s13+s3] =	stream.linear.scatter [tilespmem:s18], [sflag:$0xB], $0x4000, $0x38;
	[tilespmem:$0x18400] =	vst v63  }
0x1f2: {  	_ =	swait.ge [sflag:s31], $0x4000  }
0x1f3: {  	[sflag:s31] =	ssyncset.done $0x0  }
0x1f4: {  	[sflag:s31] =	ssyncadd.s32 $0xFFFFC000  }
0x1f5: {  	v3 =	vld [tilespmem:$0x100];
	_ =	sdelay $0x4  }
0x1f6: {  	v16 =	vshll.u32 v3, $0x3  }
0x1f7: {  	v3 =	vand.u32 $0x7, v3;
	v4 =	vand.u32 $0xFFFFFFC0, v16  }
0x1f8: {  	v3 =	vor.u32 v3, v4  }
0x1f9: {  	v4 =	vperm.xlane v3, v0;
	_ =	sdelay $0x1  }
0x1fa: {  	v4 =	vadd.s32 v1, v4;
	_ =	sdelay $0x4  }
0x1fb: {  	[tilespmem:s18], [sflag:$0x5] =	stream.indirect_vreg.gather [hbm4b:s2+s3], $0x80, v4, vm0, $0xb8;
	[tilespmem:$0x18400] =	vst v63  }
0x1fc: {  	s12 =	simm.s32 $0x10C00;
	v3 =	vperm.xlane v3, v2  }
0x1fd: {  	[tilespmem:s12], [sflag:$0x5] =	stream.indirect_vreg.gather [hbm4b:s4+s3], $0x80, v4, vm0, $0xb8;
	[tilespmem:$0x18400] =	vst v63  }
0x1fe: {  	s11 =	simm.s32 $0x11400;
	v3 =	vadd.s32 v1, v3  }
0x1ff: {  	[tilespmem:s11], [sflag:$0x5] =	stream.indirect_vreg.gather [hbm4b:s5+s3], $0x80, v4, vm0, $0xb8;
	[tilespmem:$0x18400] =	vst v63  }
0x200: {  	_ = 	snop  }
0x201: {  	[tilespmem:s7], [sflag:$0x5] =	stream.indirect_vreg.gather [hbm4b:s6+s3], $0x80, v4, vm0, $0xb8;
	[tilespmem:$0x18400] =	vst v63  }
0x202: {  	_ = 	snop  }
0x203: {  	[tilespmem:s25], [sflag:$0x5] =	stream.indirect_vreg.gather [hbm4b:s2+s3], $0x80, v3, vm0, $0xb8;
	[tilespmem:$0x18400] =	vst v63  }
0x204: {  	s10 =	simm.s32 $0x12C00  }
0x205: {  	[tilespmem:s10], [sflag:$0x5] =	stream.indirect_vreg.gather [hbm4b:s4+s3], $0x80, v3, vm0, $0xb8;
	[tilespmem:$0x18400] =	vst v63  }
0x206: {  	s18 =	simm.s32 $0x13400  }
0x207: {  	[tilespmem:s18], [sflag:$0x5] =	stream.indirect_vreg.gather [hbm4b:s5+s3], $0x80, v3, vm0, $0xb8;
	[tilespmem:$0x18400] =	vst v63  }
0x208: {  	s25 =	simm.s32 $0x13C00  }
0x209: {  	[tilespmem:s25], [sflag:$0x5] =	stream.indirect_vreg.gather [hbm4b:s6+s3], $0x80, v3, vm0, $0xb8;
	[tilespmem:$0x18400] =	vst v63  }
0x20a: {  	_ =	swait.ge [sflag:s1], $0x4000  }
0x20b: {  	[sflag:s1] =	ssyncset.done $0x0  }
0x20c: {  	s18 =	simm.s32 $0x14400;
	s7 =	rddreg [dreg:$0xf];
	[sflag:s1] =	ssyncadd.s32 $0xFFFFC000  }
0x20d: {  	[hbm4b:s7+s3] =	stream.linear.scatter [tilespmem:s18], [sflag:$0xC], $0x4000, $0x38;
	[tilespmem:$0x18400] =	vst v63  }
0x20e: {  	_ =	swait.ge [sflag:s0], $0x4000  }
0x20f: {  	[sflag:s0] =	ssyncset.done $0x0  }
0x210: {  	[sflag:s0] =	ssyncadd.s32 $0xFFFFC000  }
0x211: {  	v3 =	vld [tilespmem:$0x110];
	_ =	sdelay $0x4  }
0x212: {  	v17 =	vshll.u32 v3, $0x3  }
0x213: {  	v3 =	vand.u32 $0x7, v3;
	v4 =	vand.u32 $0xFFFFFFC0, v17  }
0x214: {  	v3 =	vor.u32 v3, v4  }
0x215: {  	v4 =	vperm.xlane v3, v0;
	_ =	sdelay $0x1  }
0x216: {  	v4 =	vadd.s32 v1, v4;
	_ =	sdelay $0x4  }
0x217: {  	[tilespmem:s18], [sflag:$0x6] =	stream.indirect_vreg.gather [hbm4b:s2+s3], $0x80, v4, vm0, $0xb8;
	[tilespmem:$0x18400] =	vst v63  }
0x218: {  	s7 =	simm.s32 $0x14C00;
	v3 =	vperm.xlane v3, v2  }
0x219: {  	[tilespmem:s7], [sflag:$0x6] =	stream.indirect_vreg.gather [hbm4b:s4+s3], $0x80, v4, vm0, $0xb8;
	[tilespmem:$0x18400] =	vst v63  }
0x21a: {  	v3 =	vadd.s32 v1, v3  }
0x21b: {  	[tilespmem:s16], [sflag:$0x6] =	stream.indirect_vreg.gather [hbm4b:s5+s3], $0x80, v4, vm0, $0xb8;
	[tilespmem:$0x18400] =	vst v63  }
0x21c: {  	_ = 	snop  }
0x21d: {  	[tilespmem:s8], [sflag:$0x6] =	stream.indirect_vreg.gather [hbm4b:s6+s3], $0x80, v4, vm0, $0xb8;
	[tilespmem:$0x18400] =	vst v63  }
0x21e: {  	_ = 	snop  }
0x21f: {  	[tilespmem:s9], [sflag:$0x6] =	stream.indirect_vreg.gather [hbm4b:s2+s3], $0x80, v3, vm0, $0xb8;
	[tilespmem:$0x18400] =	vst v63  }
0x220: {  	s25 =	simm.s32 $0x16C00  }
0x221: {  	[tilespmem:s25], [sflag:$0x6] =	stream.indirect_vreg.gather [hbm4b:s4+s3], $0x80, v3, vm0, $0xb8;
	[tilespmem:$0x18400] =	vst v63  }
0x222: {  	_ = 	snop  }
0x223: {  	[tilespmem:s15], [sflag:$0x6] =	stream.indirect_vreg.gather [hbm4b:s5+s3], $0x80, v3, vm0, $0xb8;
	[tilespmem:$0x18400] =	vst v63  }
0x224: {  	_ = 	snop  }
0x225: {  	[tilespmem:s17], [sflag:$0x6] =	stream.indirect_vreg.gather [hbm4b:s6+s3], $0x80, v3, vm0, $0xb8;
	[tilespmem:$0x18400] =	vst v63  }
0x226: {  	_ =	swait.ge [sflag:s20], $0x4000  }
0x227: {  	[sflag:s20] =	ssyncset.done $0x0  }
0x228: {  	s9 =	simm.s32 $0x400;
	s8 =	rddreg [dreg:$0x10];
	[sflag:s20] =	ssyncadd.s32 $0xFFFFC000  }
0x229: {  	[hbm4b:s8+s3] =	stream.linear.scatter [tilespmem:s9], [sflag:$0x7], $0x4000, $0x38;
	[tilespmem:$0x18400] =	vst v63  }
0x22a: {  	_ =	swait.ge [sflag:s21], $0x4000  }
0x22b: {  	[sflag:s21] =	ssyncset.done $0x0  }
0x22c: {  	[sflag:s21] =	ssyncadd.s32 $0xFFFFC000  }
0x22d: {  	v3 =	vld [tilespmem:$0x120];
	_ =	sdelay $0x4  }
0x22e: {  	v18 =	vshll.u32 v3, $0x3  }
0x22f: {  	v3 =	vand.u32 $0x7, v3;
	v4 =	vand.u32 $0xFFFFFFC0, v18  }
0x230: {  	v3 =	vor.u32 v3, v4  }
0x231: {  	v4 =	vperm.xlane v3, v0;
	_ =	sdelay $0x1  }
0x232: {  	v4 =	vadd.s32 v1, v4;
	_ =	sdelay $0x4  }
0x233: {  	[tilespmem:s9], [sflag:$0x1] =	stream.indirect_vreg.gather [hbm4b:s2+s3], $0x80, v4, vm0, $0xb8;
	[tilespmem:$0x18400] =	vst v63  }
0x234: {  	s10 =	simm.s32 $0xC00;
	v3 =	vperm.xlane v3, v2  }
0x235: {  	[tilespmem:s10], [sflag:$0x1] =	stream.indirect_vreg.gather [hbm4b:s4+s3], $0x80, v4, vm0, $0xb8;
	[tilespmem:$0x18400] =	vst v63  }
0x236: {  	v3 =	vadd.s32 v1, v3;
	s9 =	simm.s32 $0x1400  }
0x237: {  	[tilespmem:s9], [sflag:$0x1] =	stream.indirect_vreg.gather [hbm4b:s5+s3], $0x80, v4, vm0, $0xb8;
	[tilespmem:$0x18400] =	vst v63  }
0x238: {  	s10 =	simm.s32 $0x1C00  }
0x239: {  	[tilespmem:s10], [sflag:$0x1] =	stream.indirect_vreg.gather [hbm4b:s6+s3], $0x80, v4, vm0, $0xb8;
	[tilespmem:$0x18400] =	vst v63  }
0x23a: {  	s9 =	simm.s32 $0x2400  }
0x23b: {  	[tilespmem:s9], [sflag:$0x1] =	stream.indirect_vreg.gather [hbm4b:s2+s3], $0x80, v3, vm0, $0xb8;
	[tilespmem:$0x18400] =	vst v63  }
0x23c: {  	s10 =	simm.s32 $0x2C00  }
0x23d: {  	[tilespmem:s10], [sflag:$0x1] =	stream.indirect_vreg.gather [hbm4b:s4+s3], $0x80, v3, vm0, $0xb8;
	[tilespmem:$0x18400] =	vst v63  }
0x23e: {  	s9 =	simm.s32 $0x3400  }
0x23f: {  	[tilespmem:s9], [sflag:$0x1] =	stream.indirect_vreg.gather [hbm4b:s5+s3], $0x80, v3, vm0, $0xb8;
	[tilespmem:$0x18400] =	vst v63  }
0x240: {  	s10 =	simm.s32 $0x3C00  }
0x241: {  	[tilespmem:s10], [sflag:$0x1] =	stream.indirect_vreg.gather [hbm4b:s6+s3], $0x80, v3, vm0, $0xb8;
	[tilespmem:$0x18400] =	vst v63  }
0x242: {  	_ =	swait.ge [sflag:s22], $0x4000  }
0x243: {  	[sflag:s22] =	ssyncset.done $0x0  }
0x244: {  	s8 =	simm.s32 $0x4400;
	s9 =	rddreg [dreg:$0x11];
	[sflag:s22] =	ssyncadd.s32 $0xFFFFC000  }
0x245: {  	[hbm4b:s9+s3] =	stream.linear.scatter [tilespmem:s8], [sflag:$0x8], $0x4000, $0x38;
	[tilespmem:$0x18400] =	vst v63  }
0x246: {  	_ =	swait.ge [sflag:s23], $0x4000  }
0x247: {  	[sflag:s23] =	ssyncset.done $0x0  }
0x248: {  	[sflag:s23] =	ssyncadd.s32 $0xFFFFC000  }
0x249: {  	v3 =	vld [tilespmem:$0x130];
	_ =	sdelay $0x4  }
0x24a: {  	v19 =	vshll.u32 v3, $0x3  }
0x24b: {  	v3 =	vand.u32 $0x7, v3;
	v4 =	vand.u32 $0xFFFFFFC0, v19  }
0x24c: {  	v3 =	vor.u32 v3, v4  }
0x24d: {  	v4 =	vperm.xlane v3, v0;
	_ =	sdelay $0x1  }
0x24e: {  	v4 =	vadd.s32 v1, v4;
	_ =	sdelay $0x4  }
0x24f: {  	[tilespmem:s8], [sflag:$0x2] =	stream.indirect_vreg.gather [hbm4b:s2+s3], $0x80, v4, vm0, $0xb8;
	[tilespmem:$0x18400] =	vst v63  }
0x250: {  	s10 =	simm.s32 $0x4C00;
	v3 =	vperm.xlane v3, v2  }
0x251: {  	[tilespmem:s10], [sflag:$0x2] =	stream.indirect_vreg.gather [hbm4b:s4+s3], $0x80, v4, vm0, $0xb8;
	[tilespmem:$0x18400] =	vst v63  }
0x252: {  	v3 =	vadd.s32 v1, v3;
	s10 =	simm.s32 $0x5400  }
0x253: {  	[tilespmem:s10], [sflag:$0x2] =	stream.indirect_vreg.gather [hbm4b:s5+s3], $0x80, v4, vm0, $0xb8;
	[tilespmem:$0x18400] =	vst v63  }
0x254: {  	s10 =	simm.s32 $0x5C00  }
0x255: {  	[tilespmem:s10], [sflag:$0x2] =	stream.indirect_vreg.gather [hbm4b:s6+s3], $0x80, v4, vm0, $0xb8;
	[tilespmem:$0x18400] =	vst v63  }
0x256: {  	s10 =	simm.s32 $0x6400  }
0x257: {  	[tilespmem:s10], [sflag:$0x2] =	stream.indirect_vreg.gather [hbm4b:s2+s3], $0x80, v3, vm0, $0xb8;
	[tilespmem:$0x18400] =	vst v63  }
0x258: {  	s10 =	simm.s32 $0x6C00  }
0x259: {  	[tilespmem:s10], [sflag:$0x2] =	stream.indirect_vreg.gather [hbm4b:s4+s3], $0x80, v3, vm0, $0xb8;
	[tilespmem:$0x18400] =	vst v63  }
0x25a: {  	s10 =	simm.s32 $0x7400  }
0x25b: {  	[tilespmem:s10], [sflag:$0x2] =	stream.indirect_vreg.gather [hbm4b:s5+s3], $0x80, v3, vm0, $0xb8;
	[tilespmem:$0x18400] =	vst v63  }
0x25c: {  	s10 =	simm.s32 $0x7C00  }
0x25d: {  	[tilespmem:s10], [sflag:$0x2] =	stream.indirect_vreg.gather [hbm4b:s6+s3], $0x80, v3, vm0, $0xb8;
	[tilespmem:$0x18400] =	vst v63  }
0x25e: {  	_ =	swait.ge [sflag:s24], $0x4000  }
0x25f: {  	[sflag:s24] =	ssyncset.done $0x0  }
0x260: {  	s30 =	simm.s32 $0x8400;
	s8 =	rddreg [dreg:$0x12];
	[sflag:s24] =	ssyncadd.s32 $0xFFFFC000  }
0x261: {  	[hbm4b:s8+s3] =	stream.linear.scatter [tilespmem:s30], [sflag:$0x9], $0x4000, $0x38;
	[tilespmem:$0x18400] =	vst v63  }
0x262: {  	_ =	swait.ge [sflag:s26], $0x4000  }
0x263: {  	[sflag:s26] =	ssyncset.done $0x0  }
0x264: {  	[sflag:s26] =	ssyncadd.s32 $0xFFFFC000  }
0x265: {  	v3 =	vld [tilespmem:$0x140];
	_ =	sdelay $0x4  }
0x266: {  	v20 =	vshll.u32 v3, $0x3  }
0x267: {  	v3 =	vand.u32 $0x7, v3;
	v4 =	vand.u32 $0xFFFFFFC0, v20  }
0x268: {  	v3 =	vor.u32 v3, v4  }
0x269: {  	v4 =	vperm.xlane v3, v0;
	_ =	sdelay $0x1  }
0x26a: {  	v4 =	vadd.s32 v1, v4;
	_ =	sdelay $0x4  }
0x26b: {  	[tilespmem:s30], [sflag:$0x3] =	stream.indirect_vreg.gather [hbm4b:s2+s3], $0x80, v4, vm0, $0xb8;
	[tilespmem:$0x18400] =	vst v63  }
0x26c: {  	s10 =	simm.s32 $0x8C00;
	v3 =	vperm.xlane v3, v2  }
0x26d: {  	[tilespmem:s10], [sflag:$0x3] =	stream.indirect_vreg.gather [hbm4b:s4+s3], $0x80, v4, vm0, $0xb8;
	[tilespmem:$0x18400] =	vst v63  }
0x26e: {  	v3 =	vadd.s32 v1, v3;
	s10 =	simm.s32 $0x9400  }
0x26f: {  	[tilespmem:s10], [sflag:$0x3] =	stream.indirect_vreg.gather [hbm4b:s5+s3], $0x80, v4, vm0, $0xb8;
	[tilespmem:$0x18400] =	vst v63  }
0x270: {  	s10 =	simm.s32 $0x9C00  }
0x271: {  	[tilespmem:s10], [sflag:$0x3] =	stream.indirect_vreg.gather [hbm4b:s6+s3], $0x80, v4, vm0, $0xb8;
	[tilespmem:$0x18400] =	vst v63  }
0x272: {  	s10 =	simm.s32 $0xA400  }
0x273: {  	[tilespmem:s10], [sflag:$0x3] =	stream.indirect_vreg.gather [hbm4b:s2+s3], $0x80, v3, vm0, $0xb8;
	[tilespmem:$0x18400] =	vst v63  }
0x274: {  	s10 =	simm.s32 $0xAC00  }
0x275: {  	[tilespmem:s10], [sflag:$0x3] =	stream.indirect_vreg.gather [hbm4b:s4+s3], $0x80, v3, vm0, $0xb8;
	[tilespmem:$0x18400] =	vst v63  }
0x276: {  	s10 =	simm.s32 $0xB400  }
0x277: {  	[tilespmem:s10], [sflag:$0x3] =	stream.indirect_vreg.gather [hbm4b:s5+s3], $0x80, v3, vm0, $0xb8;
	[tilespmem:$0x18400] =	vst v63  }
0x278: {  	s10 =	simm.s32 $0xBC00  }
0x279: {  	[tilespmem:s10], [sflag:$0x3] =	stream.indirect_vreg.gather [hbm4b:s6+s3], $0x80, v3, vm0, $0xb8;
	[tilespmem:$0x18400] =	vst v63  }
0x27a: {  	_ =	swait.ge [sflag:s28], $0x4000  }
0x27b: {  	[sflag:s28] =	ssyncset.done $0x0  }
0x27c: {  	s19 =	simm.s32 $0xC400;
	s8 =	rddreg [dreg:$0x13];
	[sflag:s28] =	ssyncadd.s32 $0xFFFFC000  }
0x27d: {  	[hbm4b:s8+s3] =	stream.linear.scatter [tilespmem:s19], [sflag:$0xA], $0x4000, $0x38;
	[tilespmem:$0x18400] =	vst v63  }
0x27e: {  	_ =	swait.ge [sflag:s29], $0x4000  }
0x27f: {  	[sflag:s29] =	ssyncset.done $0x0  }
0x280: {  	[sflag:s29] =	ssyncadd.s32 $0xFFFFC000  }
0x281: {  	v3 =	vld [tilespmem:$0x150];
	_ =	sdelay $0x4  }
0x282: {  	v21 =	vshll.u32 v3, $0x3  }
0x283: {  	v3 =	vand.u32 $0x7, v3;
	v4 =	vand.u32 $0xFFFFFFC0, v21  }
0x284: {  	v3 =	vor.u32 v3, v4  }
0x285: {  	v4 =	vperm.xlane v3, v0;
	_ =	sdelay $0x1  }
0x286: {  	v4 =	vadd.s32 v1, v4;
	_ =	sdelay $0x4  }
0x287: {  	[tilespmem:s19], [sflag:$0x4] =	stream.indirect_vreg.gather [hbm4b:s2+s3], $0x80, v4, vm0, $0xb8;
	[tilespmem:$0x18400] =	vst v63  }
0x288: {  	s10 =	simm.s32 $0xCC00;
	v3 =	vperm.xlane v3, v2  }
0x289: {  	[tilespmem:s10], [sflag:$0x4] =	stream.indirect_vreg.gather [hbm4b:s4+s3], $0x80, v4, vm0, $0xb8;
	[tilespmem:$0x18400] =	vst v63  }
0x28a: {  	s8 =	simm.s32 $0xD400;
	v3 =	vadd.s32 v1, v3  }
0x28b: {  	[tilespmem:s8], [sflag:$0x4] =	stream.indirect_vreg.gather [hbm4b:s5+s3], $0x80, v4, vm0, $0xb8;
	[tilespmem:$0x18400] =	vst v63  }
0x28c: {  	s10 =	simm.s32 $0xDC00  }
0x28d: {  	[tilespmem:s10], [sflag:$0x4] =	stream.indirect_vreg.gather [hbm4b:s6+s3], $0x80, v4, vm0, $0xb8;
	[tilespmem:$0x18400] =	vst v63  }
0x28e: {  	s10 =	simm.s32 $0xE400  }
0x28f: {  	[tilespmem:s10], [sflag:$0x4] =	stream.indirect_vreg.gather [hbm4b:s2+s3], $0x80, v3, vm0, $0xb8;
	[tilespmem:$0x18400] =	vst v63  }
0x290: {  	s10 =	simm.s32 $0xEC00  }
0x291: {  	[tilespmem:s10], [sflag:$0x4] =	stream.indirect_vreg.gather [hbm4b:s4+s3], $0x80, v3, vm0, $0xb8;
	[tilespmem:$0x18400] =	vst v63  }
0x292: {  	s10 =	simm.s32 $0xF400  }
0x293: {  	[tilespmem:s10], [sflag:$0x4] =	stream.indirect_vreg.gather [hbm4b:s5+s3], $0x80, v3, vm0, $0xb8;
	[tilespmem:$0x18400] =	vst v63  }
0x294: {  	s10 =	simm.s32 $0xFC00  }
0x295: {  	[tilespmem:s10], [sflag:$0x4] =	stream.indirect_vreg.gather [hbm4b:s6+s3], $0x80, v3, vm0, $0xb8;
	[tilespmem:$0x18400] =	vst v63  }
0x296: {  	_ =	swait.ge [sflag:s14], $0x4000  }
0x297: {  	[sflag:s14] =	ssyncset.done $0x0  }
0x298: {  	s13 =	simm.s32 $0x10400;
	s10 =	rddreg [dreg:$0x14];
	[sflag:s14] =	ssyncadd.s32 $0xFFFFC000  }
0x299: {  	[hbm4b:s10+s3] =	stream.linear.scatter [tilespmem:s13], [sflag:$0xB], $0x4000, $0x38;
	[tilespmem:$0x18400] =	vst v63  }
0x29a: {  	_ =	swait.ge [sflag:s31], $0x4000  }
0x29b: {  	[sflag:s31] =	ssyncset.done $0x0  }
0x29c: {  	[sflag:s31] =	ssyncadd.s32 $0xFFFFC000  }
0x29d: {  	v3 =	vld [tilespmem:$0x160];
	_ =	sdelay $0x4  }
0x29e: {  	v22 =	vshll.u32 v3, $0x3  }
0x29f: {  	v3 =	vand.u32 $0x7, v3;
	v4 =	vand.u32 $0xFFFFFFC0, v22  }
0x2a0: {  	v3 =	vor.u32 v3, v4  }
0x2a1: {  	v4 =	vperm.xlane v3, v0;
	_ =	sdelay $0x1  }
0x2a2: {  	v4 =	vadd.s32 v1, v4;
	_ =	sdelay $0x4  }
0x2a3: {  	[tilespmem:s13], [sflag:$0x5] =	stream.indirect_vreg.gather [hbm4b:s2+s3], $0x80, v4, vm0, $0xb8;
	[tilespmem:$0x18400] =	vst v63  }
0x2a4: {  	v3 =	vperm.xlane v3, v2  }
0x2a5: {  	[tilespmem:s12], [sflag:$0x5] =	stream.indirect_vreg.gather [hbm4b:s4+s3], $0x80, v4, vm0, $0xb8;
	[tilespmem:$0x18400] =	vst v63  }
0x2a6: {  	v3 =	vadd.s32 v1, v3  }
0x2a7: {  	[tilespmem:s11], [sflag:$0x5] =	stream.indirect_vreg.gather [hbm4b:s5+s3], $0x80, v4, vm0, $0xb8;
	[tilespmem:$0x18400] =	vst v63  }
0x2a8: {  	s10 =	simm.s32 $0x11C00  }
0x2a9: {  	[tilespmem:s10], [sflag:$0x5] =	stream.indirect_vreg.gather [hbm4b:s6+s3], $0x80, v4, vm0, $0xb8;
	[tilespmem:$0x18400] =	vst v63  }
0x2aa: {  	s10 =	simm.s32 $0x12400  }
0x2ab: {  	[tilespmem:s10], [sflag:$0x5] =	stream.indirect_vreg.gather [hbm4b:s2+s3], $0x80, v3, vm0, $0xb8;
	[tilespmem:$0x18400] =	vst v63  }
0x2ac: {  	s10 =	simm.s32 $0x12C00  }
0x2ad: {  	[tilespmem:s10], [sflag:$0x5] =	stream.indirect_vreg.gather [hbm4b:s4+s3], $0x80, v3, vm0, $0xb8;
	[tilespmem:$0x18400] =	vst v63  }
0x2ae: {  	s10 =	simm.s32 $0x13400  }
0x2af: {  	[tilespmem:s10], [sflag:$0x5] =	stream.indirect_vreg.gather [hbm4b:s5+s3], $0x80, v3, vm0, $0xb8;
	[tilespmem:$0x18400] =	vst v63  }
0x2b0: {  	s10 =	simm.s32 $0x13C00  }
0x2b1: {  	[tilespmem:s10], [sflag:$0x5] =	stream.indirect_vreg.gather [hbm4b:s6+s3], $0x80, v3, vm0, $0xb8;
	[tilespmem:$0x18400] =	vst v63  }
0x2b2: {  	_ =	swait.ge [sflag:s1], $0x4000  }
0x2b3: {  	[sflag:s1] =	ssyncset.done $0x0  }
0x2b4: {  	s18 =	simm.s32 $0x14400;
	s10 =	rddreg [dreg:$0x15];
	[sflag:s1] =	ssyncadd.s32 $0xFFFFC000  }
0x2b5: {  	[hbm4b:s10+s3] =	stream.linear.scatter [tilespmem:s18], [sflag:$0xC], $0x4000, $0x38;
	[tilespmem:$0x18400] =	vst v63  }
0x2b6: {  	_ =	swait.ge [sflag:s0], $0x4000  }
0x2b7: {  	[sflag:s0] =	ssyncset.done $0x0  }
0x2b8: {  	[sflag:s0] =	ssyncadd.s32 $0xFFFFC000  }
0x2b9: {  	v3 =	vld [tilespmem:$0x170];
	_ =	sdelay $0x4  }
0x2ba: {  	v23 =	vshll.u32 v3, $0x3  }
0x2bb: {  	v3 =	vand.u32 $0x7, v3;
	v4 =	vand.u32 $0xFFFFFFC0, v23  }
0x2bc: {  	v3 =	vor.u32 v3, v4  }
0x2bd: {  	v4 =	vperm.xlane v3, v0;
	_ =	sdelay $0x1  }
0x2be: {  	v4 =	vadd.s32 v1, v4;
	_ =	sdelay $0x4  }
0x2bf: {  	[tilespmem:s18], [sflag:$0x6] =	stream.indirect_vreg.gather [hbm4b:s2+s3], $0x80, v4, vm0, $0xb8;
	[tilespmem:$0x18400] =	vst v63  }
0x2c0: {  	v3 =	vperm.xlane v3, v2  }
0x2c1: {  	[tilespmem:s7], [sflag:$0x6] =	stream.indirect_vreg.gather [hbm4b:s4+s3], $0x80, v4, vm0, $0xb8;
	[tilespmem:$0x18400] =	vst v63  }
0x2c2: {  	s16 =	simm.s32 $0x15400;
	v3 =	vadd.s32 v1, v3  }
0x2c3: {  	[tilespmem:s16], [sflag:$0x6] =	stream.indirect_vreg.gather [hbm4b:s5+s3], $0x80, v4, vm0, $0xb8;
	[tilespmem:$0x18400] =	vst v63  }
0x2c4: {  	s10 =	simm.s32 $0x15C00  }
0x2c5: {  	[tilespmem:s10], [sflag:$0x6] =	stream.indirect_vreg.gather [hbm4b:s6+s3], $0x80, v4, vm0, $0xb8;
	[tilespmem:$0x18400] =	vst v63  }
0x2c6: {  	s10 =	simm.s32 $0x16400  }
0x2c7: {  	[tilespmem:s10], [sflag:$0x6] =	stream.indirect_vreg.gather [hbm4b:s2+s3], $0x80, v3, vm0, $0xb8;
	[tilespmem:$0x18400] =	vst v63  }
0x2c8: {  	s25 =	simm.s32 $0x16C00  }
0x2c9: {  	[tilespmem:s25], [sflag:$0x6] =	stream.indirect_vreg.gather [hbm4b:s4+s3], $0x80, v3, vm0, $0xb8;
	[tilespmem:$0x18400] =	vst v63  }
0x2ca: {  	s10 =	simm.s32 $0x17400  }
0x2cb: {  	[tilespmem:s10], [sflag:$0x6] =	stream.indirect_vreg.gather [hbm4b:s5+s3], $0x80, v3, vm0, $0xb8;
	[tilespmem:$0x18400] =	vst v63  }
0x2cc: {  	s17 =	simm.s32 $0x17C00  }
0x2cd: {  	[tilespmem:s17], [sflag:$0x6] =	stream.indirect_vreg.gather [hbm4b:s6+s3], $0x80, v3, vm0, $0xb8;
	[tilespmem:$0x18400] =	vst v63  }
0x2ce: {  	_ =	swait.ge [sflag:s20], $0x4000  }
0x2cf: {  	[sflag:s20] =	ssyncset.done $0x0  }
0x2d0: {  	s15 =	simm.s32 $0x400;
	s10 =	rddreg [dreg:$0x16];
	[sflag:s20] =	ssyncadd.s32 $0xFFFFC000  }
0x2d1: {  	[hbm4b:s10+s3] =	stream.linear.scatter [tilespmem:s15], [sflag:$0x7], $0x4000, $0x38;
	[tilespmem:$0x18400] =	vst v63  }
0x2d2: {  	_ =	swait.ge [sflag:s21], $0x4000  }
0x2d3: {  	[sflag:s21] =	ssyncset.done $0x0  }
0x2d4: {  	[sflag:s21] =	ssyncadd.s32 $0xFFFFC000  }
0x2d5: {  	v3 =	vld [tilespmem:$0x180];
	_ =	sdelay $0x4  }
0x2d6: {  	v24 =	vshll.u32 v3, $0x3  }
0x2d7: {  	v3 =	vand.u32 $0x7, v3;
	v4 =	vand.u32 $0xFFFFFFC0, v24  }
0x2d8: {  	v3 =	vor.u32 v3, v4  }
0x2d9: {  	v4 =	vperm.xlane v3, v0;
	_ =	sdelay $0x1  }
0x2da: {  	v4 =	vadd.s32 v1, v4;
	_ =	sdelay $0x4  }
0x2db: {  	[tilespmem:s15], [sflag:$0x1] =	stream.indirect_vreg.gather [hbm4b:s2+s3], $0x80, v4, vm0, $0xb8;
	[tilespmem:$0x18400] =	vst v63  }
0x2dc: {  	s10 =	simm.s32 $0xC00;
	v3 =	vperm.xlane v3, v2  }
0x2dd: {  	[tilespmem:s10], [sflag:$0x1] =	stream.indirect_vreg.gather [hbm4b:s4+s3], $0x80, v4, vm0, $0xb8;
	[tilespmem:$0x18400] =	vst v63  }
0x2de: {  	v3 =	vadd.s32 v1, v3;
	s10 =	simm.s32 $0x1400  }
0x2df: {  	[tilespmem:s10], [sflag:$0x1] =	stream.indirect_vreg.gather [hbm4b:s5+s3], $0x80, v4, vm0, $0xb8;
	[tilespmem:$0x18400] =	vst v63  }
0x2e0: {  	s10 =	simm.s32 $0x1C00  }
0x2e1: {  	[tilespmem:s10], [sflag:$0x1] =	stream.indirect_vreg.gather [hbm4b:s6+s3], $0x80, v4, vm0, $0xb8;
	[tilespmem:$0x18400] =	vst v63  }
0x2e2: {  	s10 =	simm.s32 $0x2400  }
0x2e3: {  	[tilespmem:s10], [sflag:$0x1] =	stream.indirect_vreg.gather [hbm4b:s2+s3], $0x80, v3, vm0, $0xb8;
	[tilespmem:$0x18400] =	vst v63  }
0x2e4: {  	s10 =	simm.s32 $0x2C00  }
0x2e5: {  	[tilespmem:s10], [sflag:$0x1] =	stream.indirect_vreg.gather [hbm4b:s4+s3], $0x80, v3, vm0, $0xb8;
	[tilespmem:$0x18400] =	vst v63  }
0x2e6: {  	s10 =	simm.s32 $0x3400  }
0x2e7: {  	[tilespmem:s10], [sflag:$0x1] =	stream.indirect_vreg.gather [hbm4b:s5+s3], $0x80, v3, vm0, $0xb8;
	[tilespmem:$0x18400] =	vst v63  }
0x2e8: {  	s10 =	simm.s32 $0x3C00  }
0x2e9: {  	[tilespmem:s10], [sflag:$0x1] =	stream.indirect_vreg.gather [hbm4b:s6+s3], $0x80, v3, vm0, $0xb8;
	[tilespmem:$0x18400] =	vst v63  }
0x2ea: {  	_ =	swait.ge [sflag:s22], $0x4000  }
0x2eb: {  	[sflag:s22] =	ssyncset.done $0x0  }
0x2ec: {  	s9 =	simm.s32 $0x4400;
	s10 =	rddreg [dreg:$0x17];
	[sflag:s22] =	ssyncadd.s32 $0xFFFFC000  }
0x2ed: {  	[hbm4b:s10+s3] =	stream.linear.scatter [tilespmem:s9], [sflag:$0x8], $0x4000, $0x38;
	[tilespmem:$0x18400] =	vst v63  }
0x2ee: {  	_ =	swait.ge [sflag:s23], $0x4000  }
0x2ef: {  	[sflag:s23] =	ssyncset.done $0x0  }
0x2f0: {  	[sflag:s23] =	ssyncadd.s32 $0xFFFFC000  }
0x2f1: {  	v3 =	vld [tilespmem:$0x190];
	_ =	sdelay $0x4  }
0x2f2: {  	v25 =	vshll.u32 v3, $0x3  }
0x2f3: {  	v3 =	vand.u32 $0x7, v3;
	v4 =	vand.u32 $0xFFFFFFC0, v25  }
0x2f4: {  	v3 =	vor.u32 v3, v4  }
0x2f5: {  	v4 =	vperm.xlane v3, v0;
	_ =	sdelay $0x1  }
0x2f6: {  	v4 =	vadd.s32 v1, v4;
	_ =	sdelay $0x4  }
0x2f7: {  	[tilespmem:s9], [sflag:$0x2] =	stream.indirect_vreg.gather [hbm4b:s2+s3], $0x80, v4, vm0, $0xb8;
	[tilespmem:$0x18400] =	vst v63  }
0x2f8: {  	s10 =	simm.s32 $0x4C00;
	v3 =	vperm.xlane v3, v2  }
0x2f9: {  	[tilespmem:s10], [sflag:$0x2] =	stream.indirect_vreg.gather [hbm4b:s4+s3], $0x80, v4, vm0, $0xb8;
	[tilespmem:$0x18400] =	vst v63  }
0x2fa: {  	v3 =	vadd.s32 v1, v3;
	s10 =	simm.s32 $0x5400  }
0x2fb: {  	[tilespmem:s10], [sflag:$0x2] =	stream.indirect_vreg.gather [hbm4b:s5+s3], $0x80, v4, vm0, $0xb8;
	[tilespmem:$0x18400] =	vst v63  }
0x2fc: {  	s10 =	simm.s32 $0x5C00  }
0x2fd: {  	[tilespmem:s10], [sflag:$0x2] =	stream.indirect_vreg.gather [hbm4b:s6+s3], $0x80, v4, vm0, $0xb8;
	[tilespmem:$0x18400] =	vst v63  }
0x2fe: {  	s10 =	simm.s32 $0x6400  }
0x2ff: {  	[tilespmem:s10], [sflag:$0x2] =	stream.indirect_vreg.gather [hbm4b:s2+s3], $0x80, v3, vm0, $0xb8;
	[tilespmem:$0x18400] =	vst v63  }
0x300: {  	s10 =	simm.s32 $0x6C00  }
0x301: {  	[tilespmem:s10], [sflag:$0x2] =	stream.indirect_vreg.gather [hbm4b:s4+s3], $0x80, v3, vm0, $0xb8;
	[tilespmem:$0x18400] =	vst v63  }
0x302: {  	s10 =	simm.s32 $0x7400  }
0x303: {  	[tilespmem:s10], [sflag:$0x2] =	stream.indirect_vreg.gather [hbm4b:s5+s3], $0x80, v3, vm0, $0xb8;
	[tilespmem:$0x18400] =	vst v63  }
0x304: {  	s10 =	simm.s32 $0x7C00  }
0x305: {  	[tilespmem:s10], [sflag:$0x2] =	stream.indirect_vreg.gather [hbm4b:s6+s3], $0x80, v3, vm0, $0xb8;
	[tilespmem:$0x18400] =	vst v63  }
0x306: {  	_ =	swait.ge [sflag:s24], $0x4000  }
0x307: {  	[sflag:s24] =	ssyncset.done $0x0  }
0x308: {  	s10 =	rddreg [dreg:$0x18];
	[sflag:s24] =	ssyncadd.s32 $0xFFFFC000  }
0x309: {  	[hbm4b:s10+s3] =	stream.linear.scatter [tilespmem:s30], [sflag:$0x9], $0x4000, $0x38;
	[tilespmem:$0x18400] =	vst v63  }
0x30a: {  	_ =	swait.ge [sflag:s26], $0x4000  }
0x30b: {  	[sflag:s26] =	ssyncset.done $0x0  }
0x30c: {  	[sflag:s26] =	ssyncadd.s32 $0xFFFFC000  }
0x30d: {  	v3 =	vld [tilespmem:$0x1A0];
	_ =	sdelay $0x4  }
0x30e: {  	v26 =	vshll.u32 v3, $0x3  }
0x30f: {  	v3 =	vand.u32 $0x7, v3;
	v4 =	vand.u32 $0xFFFFFFC0, v26  }
0x310: {  	v3 =	vor.u32 v3, v4  }
0x311: {  	v4 =	vperm.xlane v3, v0;
	_ =	sdelay $0x1  }
0x312: {  	v4 =	vadd.s32 v1, v4;
	_ =	sdelay $0x4  }
0x313: {  	[tilespmem:s30], [sflag:$0x3] =	stream.indirect_vreg.gather [hbm4b:s2+s3], $0x80, v4, vm0, $0xb8;
	[tilespmem:$0x18400] =	vst v63  }
0x314: {  	s10 =	simm.s32 $0x8C00;
	v3 =	vperm.xlane v3, v2  }
0x315: {  	[tilespmem:s10], [sflag:$0x3] =	stream.indirect_vreg.gather [hbm4b:s4+s3], $0x80, v4, vm0, $0xb8;
	[tilespmem:$0x18400] =	vst v63  }
0x316: {  	v3 =	vadd.s32 v1, v3;
	s10 =	simm.s32 $0x9400  }
0x317: {  	[tilespmem:s10], [sflag:$0x3] =	stream.indirect_vreg.gather [hbm4b:s5+s3], $0x80, v4, vm0, $0xb8;
	[tilespmem:$0x18400] =	vst v63  }
0x318: {  	s10 =	simm.s32 $0x9C00  }
0x319: {  	[tilespmem:s10], [sflag:$0x3] =	stream.indirect_vreg.gather [hbm4b:s6+s3], $0x80, v4, vm0, $0xb8;
	[tilespmem:$0x18400] =	vst v63  }
0x31a: {  	s10 =	simm.s32 $0xA400  }
0x31b: {  	[tilespmem:s10], [sflag:$0x3] =	stream.indirect_vreg.gather [hbm4b:s2+s3], $0x80, v3, vm0, $0xb8;
	[tilespmem:$0x18400] =	vst v63  }
0x31c: {  	s10 =	simm.s32 $0xAC00  }
0x31d: {  	[tilespmem:s10], [sflag:$0x3] =	stream.indirect_vreg.gather [hbm4b:s4+s3], $0x80, v3, vm0, $0xb8;
	[tilespmem:$0x18400] =	vst v63  }
0x31e: {  	s10 =	simm.s32 $0xB400  }
0x31f: {  	[tilespmem:s10], [sflag:$0x3] =	stream.indirect_vreg.gather [hbm4b:s5+s3], $0x80, v3, vm0, $0xb8;
	[tilespmem:$0x18400] =	vst v63  }
0x320: {  	s10 =	simm.s32 $0xBC00  }
0x321: {  	[tilespmem:s10], [sflag:$0x3] =	stream.indirect_vreg.gather [hbm4b:s6+s3], $0x80, v3, vm0, $0xb8;
	[tilespmem:$0x18400] =	vst v63  }
0x322: {  	_ =	swait.ge [sflag:s28], $0x4000  }
0x323: {  	[sflag:s28] =	ssyncset.done $0x0  }
0x324: {  	s10 =	rddreg [dreg:$0x19];
	[sflag:s28] =	ssyncadd.s32 $0xFFFFC000  }
0x325: {  	[hbm4b:s10+s3] =	stream.linear.scatter [tilespmem:s19], [sflag:$0xA], $0x4000, $0x38;
	[tilespmem:$0x18400] =	vst v63  }
0x326: {  	_ =	swait.ge [sflag:s29], $0x4000  }
0x327: {  	[sflag:s29] =	ssyncset.done $0x0  }
0x328: {  	[sflag:s29] =	ssyncadd.s32 $0xFFFFC000  }
0x329: {  	v3 =	vld [tilespmem:$0x1B0];
	_ =	sdelay $0x4  }
0x32a: {  	v27 =	vshll.u32 v3, $0x3  }
0x32b: {  	v3 =	vand.u32 $0x7, v3;
	v4 =	vand.u32 $0xFFFFFFC0, v27  }
0x32c: {  	v3 =	vor.u32 v3, v4  }
0x32d: {  	v4 =	vperm.xlane v3, v0;
	_ =	sdelay $0x1  }
0x32e: {  	v4 =	vadd.s32 v1, v4;
	_ =	sdelay $0x4  }
0x32f: {  	[tilespmem:s19], [sflag:$0x4] =	stream.indirect_vreg.gather [hbm4b:s2+s3], $0x80, v4, vm0, $0xb8;
	[tilespmem:$0x18400] =	vst v63  }
0x330: {  	s10 =	simm.s32 $0xCC00;
	v3 =	vperm.xlane v3, v2  }
0x331: {  	[tilespmem:s10], [sflag:$0x4] =	stream.indirect_vreg.gather [hbm4b:s4+s3], $0x80, v4, vm0, $0xb8;
	[tilespmem:$0x18400] =	vst v63  }
0x332: {  	v3 =	vadd.s32 v1, v3  }
0x333: {  	[tilespmem:s8], [sflag:$0x4] =	stream.indirect_vreg.gather [hbm4b:s5+s3], $0x80, v4, vm0, $0xb8;
	[tilespmem:$0x18400] =	vst v63  }
0x334: {  	s10 =	simm.s32 $0xDC00  }
0x335: {  	[tilespmem:s10], [sflag:$0x4] =	stream.indirect_vreg.gather [hbm4b:s6+s3], $0x80, v4, vm0, $0xb8;
	[tilespmem:$0x18400] =	vst v63  }
0x336: {  	s10 =	simm.s32 $0xE400  }
0x337: {  	[tilespmem:s10], [sflag:$0x4] =	stream.indirect_vreg.gather [hbm4b:s2+s3], $0x80, v3, vm0, $0xb8;
	[tilespmem:$0x18400] =	vst v63  }
0x338: {  	s10 =	simm.s32 $0xEC00  }
0x339: {  	[tilespmem:s10], [sflag:$0x4] =	stream.indirect_vreg.gather [hbm4b:s4+s3], $0x80, v3, vm0, $0xb8;
	[tilespmem:$0x18400] =	vst v63  }
0x33a: {  	s10 =	simm.s32 $0xF400  }
0x33b: {  	[tilespmem:s10], [sflag:$0x4] =	stream.indirect_vreg.gather [hbm4b:s5+s3], $0x80, v3, vm0, $0xb8;
	[tilespmem:$0x18400] =	vst v63  }
0x33c: {  	s10 =	simm.s32 $0xFC00  }
0x33d: {  	[tilespmem:s10], [sflag:$0x4] =	stream.indirect_vreg.gather [hbm4b:s6+s3], $0x80, v3, vm0, $0xb8;
	[tilespmem:$0x18400] =	vst v63  }
0x33e: {  	_ =	swait.ge [sflag:s14], $0x4000  }
0x33f: {  	[sflag:s14] =	ssyncset.done $0x0  }
0x340: {  	s8 =	rddreg [dreg:$0x1a];
	[sflag:s14] =	ssyncadd.s32 $0xFFFFC000  }
0x341: {  	[hbm4b:s8+s3] =	stream.linear.scatter [tilespmem:s13], [sflag:$0xB], $0x4000, $0x38;
	[tilespmem:$0x18400] =	vst v63  }
0x342: {  	_ =	swait.ge [sflag:s31], $0x4000  }
0x343: {  	[sflag:s31] =	ssyncset.done $0x0  }
0x344: {  	[sflag:s31] =	ssyncadd.s32 $0xFFFFC000  }
0x345: {  	v3 =	vld [tilespmem:$0x1C0];
	_ =	sdelay $0x4  }
0x346: {  	v28 =	vshll.u32 v3, $0x3  }
0x347: {  	v3 =	vand.u32 $0x7, v3;
	v4 =	vand.u32 $0xFFFFFFC0, v28  }
0x348: {  	v3 =	vor.u32 v3, v4  }
0x349: {  	v4 =	vperm.xlane v3, v0;
	_ =	sdelay $0x1  }
0x34a: {  	v4 =	vadd.s32 v1, v4;
	_ =	sdelay $0x4  }
0x34b: {  	[tilespmem:s13], [sflag:$0x5] =	stream.indirect_vreg.gather [hbm4b:s2+s3], $0x80, v4, vm0, $0xb8;
	[tilespmem:$0x18400] =	vst v63  }
0x34c: {  	s12 =	simm.s32 $0x10C00;
	v3 =	vperm.xlane v3, v2  }
0x34d: {  	[tilespmem:s12], [sflag:$0x5] =	stream.indirect_vreg.gather [hbm4b:s4+s3], $0x80, v4, vm0, $0xb8;
	[tilespmem:$0x18400] =	vst v63  }
0x34e: {  	s11 =	simm.s32 $0x11400;
	v3 =	vadd.s32 v1, v3  }
0x34f: {  	[tilespmem:s11], [sflag:$0x5] =	stream.indirect_vreg.gather [hbm4b:s5+s3], $0x80, v4, vm0, $0xb8;
	[tilespmem:$0x18400] =	vst v63  }
0x350: {  	s10 =	simm.s32 $0x11C00  }
0x351: {  	[tilespmem:s10], [sflag:$0x5] =	stream.indirect_vreg.gather [hbm4b:s6+s3], $0x80, v4, vm0, $0xb8;
	[tilespmem:$0x18400] =	vst v63  }
0x352: {  	s10 =	simm.s32 $0x12400  }
0x353: {  	[tilespmem:s10], [sflag:$0x5] =	stream.indirect_vreg.gather [hbm4b:s2+s3], $0x80, v3, vm0, $0xb8;
	[tilespmem:$0x18400] =	vst v63  }
0x354: {  	s10 =	simm.s32 $0x12C00  }
0x355: {  	[tilespmem:s10], [sflag:$0x5] =	stream.indirect_vreg.gather [hbm4b:s4+s3], $0x80, v3, vm0, $0xb8;
	[tilespmem:$0x18400] =	vst v63  }
0x356: {  	s10 =	simm.s32 $0x13400  }
0x357: {  	[tilespmem:s10], [sflag:$0x5] =	stream.indirect_vreg.gather [hbm4b:s5+s3], $0x80, v3, vm0, $0xb8;
	[tilespmem:$0x18400] =	vst v63  }
0x358: {  	s10 =	simm.s32 $0x13C00  }
0x359: {  	[tilespmem:s10], [sflag:$0x5] =	stream.indirect_vreg.gather [hbm4b:s6+s3], $0x80, v3, vm0, $0xb8;
	[tilespmem:$0x18400] =	vst v63  }
0x35a: {  	_ =	swait.ge [sflag:s1], $0x4000  }
0x35b: {  	[sflag:s1] =	ssyncset.done $0x0  }
0x35c: {  	s8 =	rddreg [dreg:$0x1b];
	[sflag:s1] =	ssyncadd.s32 $0xFFFFC000  }
0x35d: {  	[hbm4b:s8+s3] =	stream.linear.scatter [tilespmem:s18], [sflag:$0xC], $0x4000, $0x38;
	[tilespmem:$0x18400] =	vst v63  }
0x35e: {  	_ =	swait.ge [sflag:s0], $0x4000  }
0x35f: {  	[sflag:s0] =	ssyncset.done $0x0  }
0x360: {  	[sflag:s0] =	ssyncadd.s32 $0xFFFFC000  }
0x361: {  	v3 =	vld [tilespmem:$0x1D0];
	_ =	sdelay $0x4  }
0x362: {  	v29 =	vshll.u32 v3, $0x3  }
0x363: {  	v3 =	vand.u32 $0x7, v3;
	v4 =	vand.u32 $0xFFFFFFC0, v29  }
0x364: {  	v3 =	vor.u32 v3, v4  }
0x365: {  	v4 =	vperm.xlane v3, v0;
	_ =	sdelay $0x1  }
0x366: {  	v4 =	vadd.s32 v1, v4;
	_ =	sdelay $0x4  }
0x367: {  	[tilespmem:s18], [sflag:$0x6] =	stream.indirect_vreg.gather [hbm4b:s2+s3], $0x80, v4, vm0, $0xb8;
	[tilespmem:$0x18400] =	vst v63  }
0x368: {  	s7 =	simm.s32 $0x14C00;
	v3 =	vperm.xlane v3, v2  }
0x369: {  	[tilespmem:s7], [sflag:$0x6] =	stream.indirect_vreg.gather [hbm4b:s4+s3], $0x80, v4, vm0, $0xb8;
	[tilespmem:$0x18400] =	vst v63  }
0x36a: {  	s16 =	simm.s32 $0x15400;
	v3 =	vadd.s32 v1, v3  }
0x36b: {  	[tilespmem:s16], [sflag:$0x6] =	stream.indirect_vreg.gather [hbm4b:s5+s3], $0x80, v4, vm0, $0xb8;
	[tilespmem:$0x18400] =	vst v63  }
0x36c: {  	s10 =	simm.s32 $0x15C00  }
0x36d: {  	[tilespmem:s10], [sflag:$0x6] =	stream.indirect_vreg.gather [hbm4b:s6+s3], $0x80, v4, vm0, $0xb8;
	[tilespmem:$0x18400] =	vst v63  }
0x36e: {  	s10 =	simm.s32 $0x16400  }
0x36f: {  	[tilespmem:s10], [sflag:$0x6] =	stream.indirect_vreg.gather [hbm4b:s2+s3], $0x80, v3, vm0, $0xb8;
	[tilespmem:$0x18400] =	vst v63  }
0x370: {  	s25 =	simm.s32 $0x16C00  }
0x371: {  	[tilespmem:s25], [sflag:$0x6] =	stream.indirect_vreg.gather [hbm4b:s4+s3], $0x80, v3, vm0, $0xb8;
	[tilespmem:$0x18400] =	vst v63  }
0x372: {  	s10 =	simm.s32 $0x17400  }
0x373: {  	[tilespmem:s10], [sflag:$0x6] =	stream.indirect_vreg.gather [hbm4b:s5+s3], $0x80, v3, vm0, $0xb8;
	[tilespmem:$0x18400] =	vst v63  }
0x374: {  	s17 =	simm.s32 $0x17C00  }
0x375: {  	[tilespmem:s17], [sflag:$0x6] =	stream.indirect_vreg.gather [hbm4b:s6+s3], $0x80, v3, vm0, $0xb8;
	[tilespmem:$0x18400] =	vst v63  }
0x376: {  	_ =	swait.ge [sflag:s20], $0x4000  }
0x377: {  	[sflag:s20] =	ssyncset.done $0x0  }
0x378: {  	s10 =	rddreg [dreg:$0x1c];
	[sflag:s20] =	ssyncadd.s32 $0xFFFFC000  }
0x379: {  	[hbm4b:s10+s3] =	stream.linear.scatter [tilespmem:s15], [sflag:$0x7], $0x4000, $0x38;
	[tilespmem:$0x18400] =	vst v63  }
0x37a: {  	_ =	swait.ge [sflag:s21], $0x4000  }
0x37b: {  	[sflag:s21] =	ssyncset.done $0x0  }
0x37c: {  	[sflag:s21] =	ssyncadd.s32 $0xFFFFC000  }
0x37d: {  	v3 =	vld [tilespmem:$0x1E0];
	_ =	sdelay $0x4  }
0x37e: {  	v30 =	vshll.u32 v3, $0x3  }
0x37f: {  	v3 =	vand.u32 $0x7, v3;
	v4 =	vand.u32 $0xFFFFFFC0, v30  }
0x380: {  	v3 =	vor.u32 v3, v4  }
0x381: {  	v4 =	vperm.xlane v3, v0;
	_ =	sdelay $0x1  }
0x382: {  	v4 =	vadd.s32 v1, v4;
	_ =	sdelay $0x4  }
0x383: {  	[tilespmem:s15], [sflag:$0x1] =	stream.indirect_vreg.gather [hbm4b:s2+s3], $0x80, v4, vm0, $0xb8;
	[tilespmem:$0x18400] =	vst v63  }
0x384: {  	s10 =	simm.s32 $0xC00;
	v3 =	vperm.xlane v3, v2  }
0x385: {  	[tilespmem:s10], [sflag:$0x1] =	stream.indirect_vreg.gather [hbm4b:s4+s3], $0x80, v4, vm0, $0xb8;
	[tilespmem:$0x18400] =	vst v63  }
0x386: {  	v3 =	vadd.s32 v1, v3;
	s10 =	simm.s32 $0x1400  }
0x387: {  	[tilespmem:s10], [sflag:$0x1] =	stream.indirect_vreg.gather [hbm4b:s5+s3], $0x80, v4, vm0, $0xb8;
	[tilespmem:$0x18400] =	vst v63  }
0x388: {  	s10 =	simm.s32 $0x1C00  }
0x389: {  	[tilespmem:s10], [sflag:$0x1] =	stream.indirect_vreg.gather [hbm4b:s6+s3], $0x80, v4, vm0, $0xb8;
	[tilespmem:$0x18400] =	vst v63  }
0x38a: {  	s10 =	simm.s32 $0x2400  }
0x38b: {  	[tilespmem:s10], [sflag:$0x1] =	stream.indirect_vreg.gather [hbm4b:s2+s3], $0x80, v3, vm0, $0xb8;
	[tilespmem:$0x18400] =	vst v63  }
0x38c: {  	s10 =	simm.s32 $0x2C00  }
0x38d: {  	[tilespmem:s10], [sflag:$0x1] =	stream.indirect_vreg.gather [hbm4b:s4+s3], $0x80, v3, vm0, $0xb8;
	[tilespmem:$0x18400] =	vst v63  }
0x38e: {  	s10 =	simm.s32 $0x3400  }
0x38f: {  	[tilespmem:s10], [sflag:$0x1] =	stream.indirect_vreg.gather [hbm4b:s5+s3], $0x80, v3, vm0, $0xb8;
	[tilespmem:$0x18400] =	vst v63  }
0x390: {  	s10 =	simm.s32 $0x3C00  }
0x391: {  	[tilespmem:s10], [sflag:$0x1] =	stream.indirect_vreg.gather [hbm4b:s6+s3], $0x80, v3, vm0, $0xb8;
	[tilespmem:$0x18400] =	vst v63  }
0x392: {  	_ =	swait.ge [sflag:s22], $0x4000  }
0x393: {  	[sflag:s22] =	ssyncset.done $0x0  }
0x394: {  	s10 =	rddreg [dreg:$0x1d];
	[sflag:s22] =	ssyncadd.s32 $0xFFFFC000  }
0x395: {  	[hbm4b:s10+s3] =	stream.linear.scatter [tilespmem:s9], [sflag:$0x8], $0x4000, $0x38;
	[tilespmem:$0x18400] =	vst v63  }
0x396: {  	_ =	swait.ge [sflag:s23], $0x4000  }
0x397: {  	[sflag:s23] =	ssyncset.done $0x0  }
0x398: {  	[sflag:s23] =	ssyncadd.s32 $0xFFFFC000  }
0x399: {  	v3 =	vld [tilespmem:$0x1F0];
	_ =	sdelay $0x4  }
0x39a: {  	v31 =	vshll.u32 v3, $0x3  }
0x39b: {  	v3 =	vand.u32 $0x7, v3;
	v4 =	vand.u32 $0xFFFFFFC0, v31  }
0x39c: {  	v3 =	vor.u32 v3, v4  }
0x39d: {  	v4 =	vperm.xlane v3, v0;
	_ =	sdelay $0x1  }
0x39e: {  	v4 =	vadd.s32 v1, v4;
	_ =	sdelay $0x4  }
0x39f: {  	[tilespmem:s9], [sflag:$0x2] =	stream.indirect_vreg.gather [hbm4b:s2+s3], $0x80, v4, vm0, $0xb8;
	[tilespmem:$0x18400] =	vst v63  }
0x3a0: {  	s10 =	simm.s32 $0x4C00;
	v3 =	vperm.xlane v3, v2  }
0x3a1: {  	[tilespmem:s10], [sflag:$0x2] =	stream.indirect_vreg.gather [hbm4b:s4+s3], $0x80, v4, vm0, $0xb8;
	[tilespmem:$0x18400] =	vst v63  }
0x3a2: {  	v3 =	vadd.s32 v1, v3;
	s10 =	simm.s32 $0x5400  }
0x3a3: {  	[tilespmem:s10], [sflag:$0x2] =	stream.indirect_vreg.gather [hbm4b:s5+s3], $0x80, v4, vm0, $0xb8;
	[tilespmem:$0x18400] =	vst v63  }
0x3a4: {  	s10 =	simm.s32 $0x5C00  }
0x3a5: {  	[tilespmem:s10], [sflag:$0x2] =	stream.indirect_vreg.gather [hbm4b:s6+s3], $0x80, v4, vm0, $0xb8;
	[tilespmem:$0x18400] =	vst v63  }
0x3a6: {  	s10 =	simm.s32 $0x6400  }
0x3a7: {  	[tilespmem:s10], [sflag:$0x2] =	stream.indirect_vreg.gather [hbm4b:s2+s3], $0x80, v3, vm0, $0xb8;
	[tilespmem:$0x18400] =	vst v63  }
0x3a8: {  	s10 =	simm.s32 $0x6C00  }
0x3a9: {  	[tilespmem:s10], [sflag:$0x2] =	stream.indirect_vreg.gather [hbm4b:s4+s3], $0x80, v3, vm0, $0xb8;
	[tilespmem:$0x18400] =	vst v63  }
0x3aa: {  	s10 =	simm.s32 $0x7400  }
0x3ab: {  	[tilespmem:s10], [sflag:$0x2] =	stream.indirect_vreg.gather [hbm4b:s5+s3], $0x80, v3, vm0, $0xb8;
	[tilespmem:$0x18400] =	vst v63  }
0x3ac: {  	s10 =	simm.s32 $0x7C00  }
0x3ad: {  	[tilespmem:s10], [sflag:$0x2] =	stream.indirect_vreg.gather [hbm4b:s6+s3], $0x80, v3, vm0, $0xb8;
	[tilespmem:$0x18400] =	vst v63  }
0x3ae: {  	_ =	swait.ge [sflag:s24], $0x4000  }
0x3af: {  	[sflag:s24] =	ssyncset.done $0x0  }
0x3b0: {  	s10 =	rddreg [dreg:$0x1e];
	[sflag:s24] =	ssyncadd.s32 $0xFFFFC000  }
0x3b1: {  	[hbm4b:s10+s3] =	stream.linear.scatter [tilespmem:s30], [sflag:$0x9], $0x4000, $0x38;
	[tilespmem:$0x18400] =	vst v63  }
0x3b2: {  	_ =	swait.ge [sflag:s26], $0x4000  }
0x3b3: {  	[sflag:s26] =	ssyncset.done $0x0  }
0x3b4: {  	[sflag:s26] =	ssyncadd.s32 $0xFFFFC000  }
0x3b5: {  	v3 =	vld [tilespmem:$0x200];
	_ =	sdelay $0x4  }
0x3b6: {  	v32 =	vshll.u32 v3, $0x3  }
0x3b7: {  	v3 =	vand.u32 $0x7, v3;
	v4 =	vand.u32 $0xFFFFFFC0, v32  }
0x3b8: {  	v3 =	vor.u32 v3, v4  }
0x3b9: {  	v4 =	vperm.xlane v3, v0;
	_ =	sdelay $0x1  }
0x3ba: {  	v4 =	vadd.s32 v1, v4;
	_ =	sdelay $0x4  }
0x3bb: {  	[tilespmem:s30], [sflag:$0x3] =	stream.indirect_vreg.gather [hbm4b:s2+s3], $0x80, v4, vm0, $0xb8;
	[tilespmem:$0x18400] =	vst v63  }
0x3bc: {  	s10 =	simm.s32 $0x8C00;
	v3 =	vperm.xlane v3, v2  }
0x3bd: {  	[tilespmem:s10], [sflag:$0x3] =	stream.indirect_vreg.gather [hbm4b:s4+s3], $0x80, v4, vm0, $0xb8;
	[tilespmem:$0x18400] =	vst v63  }
0x3be: {  	v3 =	vadd.s32 v1, v3;
	s10 =	simm.s32 $0x9400  }
0x3bf: {  	[tilespmem:s10], [sflag:$0x3] =	stream.indirect_vreg.gather [hbm4b:s5+s3], $0x80, v4, vm0, $0xb8;
	[tilespmem:$0x18400] =	vst v63  }
0x3c0: {  	s10 =	simm.s32 $0x9C00  }
0x3c1: {  	[tilespmem:s10], [sflag:$0x3] =	stream.indirect_vreg.gather [hbm4b:s6+s3], $0x80, v4, vm0, $0xb8;
	[tilespmem:$0x18400] =	vst v63  }
0x3c2: {  	s10 =	simm.s32 $0xA400  }
0x3c3: {  	[tilespmem:s10], [sflag:$0x3] =	stream.indirect_vreg.gather [hbm4b:s2+s3], $0x80, v3, vm0, $0xb8;
	[tilespmem:$0x18400] =	vst v63  }
0x3c4: {  	s10 =	simm.s32 $0xAC00  }
0x3c5: {  	[tilespmem:s10], [sflag:$0x3] =	stream.indirect_vreg.gather [hbm4b:s4+s3], $0x80, v3, vm0, $0xb8;
	[tilespmem:$0x18400] =	vst v63  }
0x3c6: {  	s10 =	simm.s32 $0xB400  }
0x3c7: {  	[tilespmem:s10], [sflag:$0x3] =	stream.indirect_vreg.gather [hbm4b:s5+s3], $0x80, v3, vm0, $0xb8;
	[tilespmem:$0x18400] =	vst v63  }
0x3c8: {  	s10 =	simm.s32 $0xBC00  }
0x3c9: {  	[tilespmem:s10], [sflag:$0x3] =	stream.indirect_vreg.gather [hbm4b:s6+s3], $0x80, v3, vm0, $0xb8;
	[tilespmem:$0x18400] =	vst v63  }
0x3ca: {  	_ =	swait.ge [sflag:s28], $0x4000  }
0x3cb: {  	[sflag:s28] =	ssyncset.done $0x0  }
0x3cc: {  	[sflag:s28] =	ssyncadd.s32 $0xFFFFC000  }
0x3cd: {  	s10 =	rddreg [dreg:$0x1f]  }
0x3ce: {  	[hbm4b:s10+s3] =	stream.linear.scatter [tilespmem:s19], [sflag:$0xA], $0x4000, $0x38;
	[tilespmem:$0x18400] =	vst v63  }
0x3cf: {  	_ =	swait.ge [sflag:s29], $0x4000  }
0x3d0: {  	[sflag:s29] =	ssyncset.done $0x0  }
0x3d1: {  	[sflag:s29] =	ssyncadd.s32 $0xFFFFC000  }
0x3d2: {  	v3 =	vld [tilespmem:$0x210];
	_ =	sdelay $0x4  }
0x3d3: {  	v33 =	vshll.u32 v3, $0x3  }
0x3d4: {  	v3 =	vand.u32 $0x7, v3;
	v4 =	vand.u32 $0xFFFFFFC0, v33  }
0x3d5: {  	v3 =	vor.u32 v3, v4  }
0x3d6: {  	v4 =	vperm.xlane v3, v0;
	_ =	sdelay $0x1  }
0x3d7: {  	v4 =	vadd.s32 v1, v4;
	_ =	sdelay $0x4  }
0x3d8: {  	[tilespmem:s19], [sflag:$0x4] =	stream.indirect_vreg.gather [hbm4b:s2+s3], $0x80, v4, vm0, $0xb8;
	[tilespmem:$0x18400] =	vst v63  }
0x3d9: {  	s10 =	simm.s32 $0xCC00;
	v3 =	vperm.xlane v3, v2  }
0x3da: {  	[tilespmem:s10], [sflag:$0x4] =	stream.indirect_vreg.gather [hbm4b:s4+s3], $0x80, v4, vm0, $0xb8;
	[tilespmem:$0x18400] =	vst v63  }
0x3db: {  	v3 =	vadd.s32 v1, v3;
	s10 =	simm.s32 $0xD400  }
0x3dc: {  	[tilespmem:s10], [sflag:$0x4] =	stream.indirect_vreg.gather [hbm4b:s5+s3], $0x80, v4, vm0, $0xb8;
	[tilespmem:$0x18400] =	vst v63  }
0x3dd: {  	s10 =	simm.s32 $0xDC00  }
0x3de: {  	[tilespmem:s10], [sflag:$0x4] =	stream.indirect_vreg.gather [hbm4b:s6+s3], $0x80, v4, vm0, $0xb8;
	[tilespmem:$0x18400] =	vst v63  }
0x3df: {  	s10 =	simm.s32 $0xE400  }
0x3e0: {  	[tilespmem:s10], [sflag:$0x4] =	stream.indirect_vreg.gather [hbm4b:s2+s3], $0x80, v3, vm0, $0xb8;
	[tilespmem:$0x18400] =	vst v63  }
0x3e1: {  	s10 =	simm.s32 $0xEC00  }
0x3e2: {  	[tilespmem:s10], [sflag:$0x4] =	stream.indirect_vreg.gather [hbm4b:s4+s3], $0x80, v3, vm0, $0xb8;
	[tilespmem:$0x18400] =	vst v63  }
0x3e3: {  	s10 =	simm.s32 $0xF400  }
0x3e4: {  	[tilespmem:s10], [sflag:$0x4] =	stream.indirect_vreg.gather [hbm4b:s5+s3], $0x80, v3, vm0, $0xb8;
	[tilespmem:$0x18400] =	vst v63  }
0x3e5: {  	s10 =	simm.s32 $0xFC00  }
0x3e6: {  	[tilespmem:s10], [sflag:$0x4] =	stream.indirect_vreg.gather [hbm4b:s6+s3], $0x80, v3, vm0, $0xb8;
	[tilespmem:$0x18400] =	vst v63  }
0x3e7: {  	_ =	swait.ge [sflag:s14], $0x4000  }
0x3e8: {  	s10 =	sld [smem:$0x7DA]  }
0x3e9: {  	[sflag:s14] =	ssyncset.done $0x0  }
0x3ea: {  	[sflag:s14] =	ssyncadd.s32 $0xFFFFC000  }
0x3eb: {  	[hbm4b:s10+s3] =	stream.linear.scatter [tilespmem:s13], [sflag:$0xB], $0x4000, $0x38;
	[tilespmem:$0x18400] =	vst v63  }
0x3ec: {  	_ =	swait.ge [sflag:s31], $0x4000  }
0x3ed: {  	[sflag:s31] =	ssyncset.done $0x0  }
0x3ee: {  	[sflag:s31] =	ssyncadd.s32 $0xFFFFC000  }
0x3ef: {  	v3 =	vld [tilespmem:$0x220];
	_ =	sdelay $0x4  }
0x3f0: {  	v34 =	vshll.u32 v3, $0x3  }
0x3f1: {  	v3 =	vand.u32 $0x7, v3;
	v4 =	vand.u32 $0xFFFFFFC0, v34  }
0x3f2: {  	v3 =	vor.u32 v3, v4  }
0x3f3: {  	v4 =	vperm.xlane v3, v0;
	_ =	sdelay $0x1  }
0x3f4: {  	v4 =	vadd.s32 v1, v4;
	_ =	sdelay $0x4  }
0x3f5: {  	[tilespmem:s13], [sflag:$0x5] =	stream.indirect_vreg.gather [hbm4b:s2+s3], $0x80, v4, vm0, $0xb8;
	[tilespmem:$0x18400] =	vst v63  }
0x3f6: {  	s12 =	simm.s32 $0x10C00;
	v3 =	vperm.xlane v3, v2  }
0x3f7: {  	[tilespmem:s12], [sflag:$0x5] =	stream.indirect_vreg.gather [hbm4b:s4+s3], $0x80, v4, vm0, $0xb8;
	[tilespmem:$0x18400] =	vst v63  }
0x3f8: {  	s11 =	simm.s32 $0x11400;
	v3 =	vadd.s32 v1, v3  }
0x3f9: {  	[tilespmem:s11], [sflag:$0x5] =	stream.indirect_vreg.gather [hbm4b:s5+s3], $0x80, v4, vm0, $0xb8;
	[tilespmem:$0x18400] =	vst v63  }
0x3fa: {  	s10 =	simm.s32 $0x11C00  }
0x3fb: {  	[tilespmem:s10], [sflag:$0x5] =	stream.indirect_vreg.gather [hbm4b:s6+s3], $0x80, v4, vm0, $0xb8;
	[tilespmem:$0x18400] =	vst v63  }
0x3fc: {  	s10 =	simm.s32 $0x12400  }
0x3fd: {  	[tilespmem:s10], [sflag:$0x5] =	stream.indirect_vreg.gather [hbm4b:s2+s3], $0x80, v3, vm0, $0xb8;
	[tilespmem:$0x18400] =	vst v63  }
0x3fe: {  	s10 =	simm.s32 $0x12C00  }
0x3ff: {  	[tilespmem:s10], [sflag:$0x5] =	stream.indirect_vreg.gather [hbm4b:s4+s3], $0x80, v3, vm0, $0xb8;
	[tilespmem:$0x18400] =	vst v63  }
0x400: {  	s10 =	simm.s32 $0x13400  }
0x401: {  	[tilespmem:s10], [sflag:$0x5] =	stream.indirect_vreg.gather [hbm4b:s5+s3], $0x80, v3, vm0, $0xb8;
	[tilespmem:$0x18400] =	vst v63  }
0x402: {  	s10 =	simm.s32 $0x13C00  }
0x403: {  	[tilespmem:s10], [sflag:$0x5] =	stream.indirect_vreg.gather [hbm4b:s6+s3], $0x80, v3, vm0, $0xb8;
	[tilespmem:$0x18400] =	vst v63  }
0x404: {  	_ =	swait.ge [sflag:s1], $0x4000  }
0x405: {  	s10 =	sld [smem:$0x7DB]  }
0x406: {  	[sflag:s1] =	ssyncset.done $0x0  }
0x407: {  	[sflag:s1] =	ssyncadd.s32 $0xFFFFC000  }
0x408: {  	[hbm4b:s10+s3] =	stream.linear.scatter [tilespmem:s18], [sflag:$0xC], $0x4000, $0x38;
	[tilespmem:$0x18400] =	vst v63  }
0x409: {  	_ =	swait.ge [sflag:s0], $0x4000  }
0x40a: {  	[sflag:s0] =	ssyncset.done $0x0  }
0x40b: {  	[sflag:s0] =	ssyncadd.s32 $0xFFFFC000  }
0x40c: {  	v3 =	vld [tilespmem:$0x230];
	_ =	sdelay $0x4  }
0x40d: {  	v35 =	vshll.u32 v3, $0x3  }
0x40e: {  	v3 =	vand.u32 $0x7, v3;
	v4 =	vand.u32 $0xFFFFFFC0, v35  }
0x40f: {  	v3 =	vor.u32 v3, v4  }
0x410: {  	v4 =	vperm.xlane v3, v0;
	_ =	sdelay $0x1  }
0x411: {  	v4 =	vadd.s32 v1, v4;
	_ =	sdelay $0x4  }
0x412: {  	[tilespmem:s18], [sflag:$0x6] =	stream.indirect_vreg.gather [hbm4b:s2+s3], $0x80, v4, vm0, $0xb8;
	[tilespmem:$0x18400] =	vst v63  }
0x413: {  	s7 =	simm.s32 $0x14C00;
	v3 =	vperm.xlane v3, v2  }
0x414: {  	[tilespmem:s7], [sflag:$0x6] =	stream.indirect_vreg.gather [hbm4b:s4+s3], $0x80, v4, vm0, $0xb8;
	[tilespmem:$0x18400] =	vst v63  }
0x415: {  	s16 =	simm.s32 $0x15400;
	v3 =	vadd.s32 v1, v3  }
0x416: {  	[tilespmem:s16], [sflag:$0x6] =	stream.indirect_vreg.gather [hbm4b:s5+s3], $0x80, v4, vm0, $0xb8;
	[tilespmem:$0x18400] =	vst v63  }
0x417: {  	s10 =	simm.s32 $0x15C00  }
0x418: {  	[tilespmem:s10], [sflag:$0x6] =	stream.indirect_vreg.gather [hbm4b:s6+s3], $0x80, v4, vm0, $0xb8;
	[tilespmem:$0x18400] =	vst v63  }
0x419: {  	s10 =	simm.s32 $0x16400  }
0x41a: {  	[tilespmem:s10], [sflag:$0x6] =	stream.indirect_vreg.gather [hbm4b:s2+s3], $0x80, v3, vm0, $0xb8;
	[tilespmem:$0x18400] =	vst v63  }
0x41b: {  	s25 =	simm.s32 $0x16C00  }
0x41c: {  	[tilespmem:s25], [sflag:$0x6] =	stream.indirect_vreg.gather [hbm4b:s4+s3], $0x80, v3, vm0, $0xb8;
	[tilespmem:$0x18400] =	vst v63  }
0x41d: {  	s8 =	simm.s32 $0x17400  }
0x41e: {  	[tilespmem:s8], [sflag:$0x6] =	stream.indirect_vreg.gather [hbm4b:s5+s3], $0x80, v3, vm0, $0xb8;
	[tilespmem:$0x18400] =	vst v63  }
0x41f: {  	s17 =	simm.s32 $0x17C00  }
0x420: {  	[tilespmem:s17], [sflag:$0x6] =	stream.indirect_vreg.gather [hbm4b:s6+s3], $0x80, v3, vm0, $0xb8;
	[tilespmem:$0x18400] =	vst v63  }
0x421: {  	_ =	swait.ge [sflag:s20], $0x4000  }
0x422: {  	s10 =	sld [smem:$0x7DC]  }
0x423: {  	[sflag:s20] =	ssyncset.done $0x0  }
0x424: {  	[sflag:s20] =	ssyncadd.s32 $0xFFFFC000  }
0x425: {  	[hbm4b:s10+s3] =	stream.linear.scatter [tilespmem:s15], [sflag:$0x7], $0x4000, $0x38;
	[tilespmem:$0x18400] =	vst v63  }
0x426: {  	_ =	swait.ge [sflag:s21], $0x4000  }
0x427: {  	[sflag:s21] =	ssyncset.done $0x0  }
0x428: {  	[sflag:s21] =	ssyncadd.s32 $0xFFFFC000  }
0x429: {  	v3 =	vld [tilespmem:$0x240];
	_ =	sdelay $0x4  }
0x42a: {  	v36 =	vshll.u32 v3, $0x3  }
0x42b: {  	v3 =	vand.u32 $0x7, v3;
	v4 =	vand.u32 $0xFFFFFFC0, v36  }
0x42c: {  	v3 =	vor.u32 v3, v4  }
0x42d: {  	v4 =	vperm.xlane v3, v0;
	_ =	sdelay $0x1  }
0x42e: {  	v4 =	vadd.s32 v1, v4;
	_ =	sdelay $0x4  }
0x42f: {  	[tilespmem:s15], [sflag:$0x1] =	stream.indirect_vreg.gather [hbm4b:s2+s3], $0x80, v4, vm0, $0xb8;
	[tilespmem:$0x18400] =	vst v63  }
0x430: {  	s10 =	simm.s32 $0xC00;
	v3 =	vperm.xlane v3, v2  }
0x431: {  	[tilespmem:s10], [sflag:$0x1] =	stream.indirect_vreg.gather [hbm4b:s4+s3], $0x80, v4, vm0, $0xb8;
	[tilespmem:$0x18400] =	vst v63  }
0x432: {  	v3 =	vadd.s32 v1, v3;
	s10 =	simm.s32 $0x1400  }
0x433: {  	[tilespmem:s10], [sflag:$0x1] =	stream.indirect_vreg.gather [hbm4b:s5+s3], $0x80, v4, vm0, $0xb8;
	[tilespmem:$0x18400] =	vst v63  }
0x434: {  	s10 =	simm.s32 $0x1C00  }
0x435: {  	[tilespmem:s10], [sflag:$0x1] =	stream.indirect_vreg.gather [hbm4b:s6+s3], $0x80, v4, vm0, $0xb8;
	[tilespmem:$0x18400] =	vst v63  }
0x436: {  	s10 =	simm.s32 $0x2400  }
0x437: {  	[tilespmem:s10], [sflag:$0x1] =	stream.indirect_vreg.gather [hbm4b:s2+s3], $0x80, v3, vm0, $0xb8;
	[tilespmem:$0x18400] =	vst v63  }
0x438: {  	s10 =	simm.s32 $0x2C00  }
0x439: {  	[tilespmem:s10], [sflag:$0x1] =	stream.indirect_vreg.gather [hbm4b:s4+s3], $0x80, v3, vm0, $0xb8;
	[tilespmem:$0x18400] =	vst v63  }
0x43a: {  	s10 =	simm.s32 $0x3400  }
0x43b: {  	[tilespmem:s10], [sflag:$0x1] =	stream.indirect_vreg.gather [hbm4b:s5+s3], $0x80, v3, vm0, $0xb8;
	[tilespmem:$0x18400] =	vst v63  }
0x43c: {  	s10 =	simm.s32 $0x3C00  }
0x43d: {  	[tilespmem:s10], [sflag:$0x1] =	stream.indirect_vreg.gather [hbm4b:s6+s3], $0x80, v3, vm0, $0xb8;
	[tilespmem:$0x18400] =	vst v63  }
0x43e: {  	_ =	swait.ge [sflag:s22], $0x4000  }
0x43f: {  	s10 =	sld [smem:$0x7DD]  }
0x440: {  	[sflag:s22] =	ssyncset.done $0x0  }
0x441: {  	[sflag:s22] =	ssyncadd.s32 $0xFFFFC000  }
0x442: {  	[hbm4b:s10+s3] =	stream.linear.scatter [tilespmem:s9], [sflag:$0x8], $0x4000, $0x38;
	[tilespmem:$0x18400] =	vst v63  }
0x443: {  	_ =	swait.ge [sflag:s23], $0x4000  }
0x444: {  	[sflag:s23] =	ssyncset.done $0x0  }
0x445: {  	[sflag:s23] =	ssyncadd.s32 $0xFFFFC000  }
0x446: {  	v3 =	vld [tilespmem:$0x250];
	_ =	sdelay $0x4  }
0x447: {  	v37 =	vshll.u32 v3, $0x3  }
0x448: {  	v3 =	vand.u32 $0x7, v3;
	v4 =	vand.u32 $0xFFFFFFC0, v37  }
0x449: {  	v3 =	vor.u32 v3, v4  }
0x44a: {  	v4 =	vperm.xlane v3, v0;
	_ =	sdelay $0x1  }
0x44b: {  	v4 =	vadd.s32 v1, v4;
	_ =	sdelay $0x4  }
0x44c: {  	[tilespmem:s9], [sflag:$0x2] =	stream.indirect_vreg.gather [hbm4b:s2+s3], $0x80, v4, vm0, $0xb8;
	[tilespmem:$0x18400] =	vst v63  }
0x44d: {  	s10 =	simm.s32 $0x4C00;
	v3 =	vperm.xlane v3, v2  }
0x44e: {  	[tilespmem:s10], [sflag:$0x2] =	stream.indirect_vreg.gather [hbm4b:s4+s3], $0x80, v4, vm0, $0xb8;
	[tilespmem:$0x18400] =	vst v63  }
0x44f: {  	v3 =	vadd.s32 v1, v3;
	s10 =	simm.s32 $0x5400  }
0x450: {  	[tilespmem:s10], [sflag:$0x2] =	stream.indirect_vreg.gather [hbm4b:s5+s3], $0x80, v4, vm0, $0xb8;
	[tilespmem:$0x18400] =	vst v63  }
0x451: {  	s10 =	simm.s32 $0x5C00  }
0x452: {  	[tilespmem:s10], [sflag:$0x2] =	stream.indirect_vreg.gather [hbm4b:s6+s3], $0x80, v4, vm0, $0xb8;
	[tilespmem:$0x18400] =	vst v63  }
0x453: {  	s10 =	simm.s32 $0x6400  }
0x454: {  	[tilespmem:s10], [sflag:$0x2] =	stream.indirect_vreg.gather [hbm4b:s2+s3], $0x80, v3, vm0, $0xb8;
	[tilespmem:$0x18400] =	vst v63  }
0x455: {  	s10 =	simm.s32 $0x6C00  }
0x456: {  	[tilespmem:s10], [sflag:$0x2] =	stream.indirect_vreg.gather [hbm4b:s4+s3], $0x80, v3, vm0, $0xb8;
	[tilespmem:$0x18400] =	vst v63  }
0x457: {  	s10 =	simm.s32 $0x7400  }
0x458: {  	[tilespmem:s10], [sflag:$0x2] =	stream.indirect_vreg.gather [hbm4b:s5+s3], $0x80, v3, vm0, $0xb8;
	[tilespmem:$0x18400] =	vst v63  }
0x459: {  	s10 =	simm.s32 $0x7C00  }
0x45a: {  	[tilespmem:s10], [sflag:$0x2] =	stream.indirect_vreg.gather [hbm4b:s6+s3], $0x80, v3, vm0, $0xb8;
	[tilespmem:$0x18400] =	vst v63  }
0x45b: {  	_ =	swait.ge [sflag:s24], $0x4000  }
0x45c: {  	s10 =	sld [smem:$0x7DE]  }
0x45d: {  	[sflag:s24] =	ssyncset.done $0x0  }
0x45e: {  	[sflag:s24] =	ssyncadd.s32 $0xFFFFC000  }
0x45f: {  	[hbm4b:s10+s3] =	stream.linear.scatter [tilespmem:s30], [sflag:$0x9], $0x4000, $0x38;
	[tilespmem:$0x18400] =	vst v63  }
0x460: {  	_ =	swait.ge [sflag:s26], $0x4000  }
0x461: {  	[sflag:s26] =	ssyncset.done $0x0  }
0x462: {  	[sflag:s26] =	ssyncadd.s32 $0xFFFFC000  }
0x463: {  	v3 =	vld [tilespmem:$0x260];
	_ =	sdelay $0x4  }
0x464: {  	v38 =	vshll.u32 v3, $0x3  }
0x465: {  	v3 =	vand.u32 $0x7, v3;
	v4 =	vand.u32 $0xFFFFFFC0, v38  }
0x466: {  	v3 =	vor.u32 v3, v4  }
0x467: {  	v4 =	vperm.xlane v3, v0;
	_ =	sdelay $0x1  }
0x468: {  	v4 =	vadd.s32 v1, v4;
	_ =	sdelay $0x4  }
0x469: {  	[tilespmem:s30], [sflag:$0x3] =	stream.indirect_vreg.gather [hbm4b:s2+s3], $0x80, v4, vm0, $0xb8;
	[tilespmem:$0x18400] =	vst v63  }
0x46a: {  	s10 =	simm.s32 $0x8C00;
	v3 =	vperm.xlane v3, v2  }
0x46b: {  	[tilespmem:s10], [sflag:$0x3] =	stream.indirect_vreg.gather [hbm4b:s4+s3], $0x80, v4, vm0, $0xb8;
	[tilespmem:$0x18400] =	vst v63  }
0x46c: {  	v3 =	vadd.s32 v1, v3;
	s10 =	simm.s32 $0x9400  }
0x46d: {  	[tilespmem:s10], [sflag:$0x3] =	stream.indirect_vreg.gather [hbm4b:s5+s3], $0x80, v4, vm0, $0xb8;
	[tilespmem:$0x18400] =	vst v63  }
0x46e: {  	s10 =	simm.s32 $0x9C00  }
0x46f: {  	[tilespmem:s10], [sflag:$0x3] =	stream.indirect_vreg.gather [hbm4b:s6+s3], $0x80, v4, vm0, $0xb8;
	[tilespmem:$0x18400] =	vst v63  }
0x470: {  	s10 =	simm.s32 $0xA400  }
0x471: {  	[tilespmem:s10], [sflag:$0x3] =	stream.indirect_vreg.gather [hbm4b:s2+s3], $0x80, v3, vm0, $0xb8;
	[tilespmem:$0x18400] =	vst v63  }
0x472: {  	s10 =	simm.s32 $0xAC00  }
0x473: {  	[tilespmem:s10], [sflag:$0x3] =	stream.indirect_vreg.gather [hbm4b:s4+s3], $0x80, v3, vm0, $0xb8;
	[tilespmem:$0x18400] =	vst v63  }
0x474: {  	s10 =	simm.s32 $0xB400  }
0x475: {  	[tilespmem:s10], [sflag:$0x3] =	stream.indirect_vreg.gather [hbm4b:s5+s3], $0x80, v3, vm0, $0xb8;
	[tilespmem:$0x18400] =	vst v63  }
0x476: {  	s10 =	simm.s32 $0xBC00  }
0x477: {  	[tilespmem:s10], [sflag:$0x3] =	stream.indirect_vreg.gather [hbm4b:s6+s3], $0x80, v3, vm0, $0xb8;
	[tilespmem:$0x18400] =	vst v63  }
0x478: {  	_ =	swait.ge [sflag:s28], $0x4000  }
0x479: {  	s10 =	sld [smem:$0x7DF]  }
0x47a: {  	[sflag:s28] =	ssyncset.done $0x0  }
0x47b: {  	[sflag:s28] =	ssyncadd.s32 $0xFFFFC000  }
0x47c: {  	[hbm4b:s10+s3] =	stream.linear.scatter [tilespmem:s19], [sflag:$0xA], $0x4000, $0x38;
	[tilespmem:$0x18400] =	vst v63  }
0x47d: {  	_ =	swait.ge [sflag:s29], $0x4000  }
0x47e: {  	[sflag:s29] =	ssyncset.done $0x0  }
0x47f: {  	[sflag:s29] =	ssyncadd.s32 $0xFFFFC000  }
0x480: {  	v3 =	vld [tilespmem:$0x270];
	_ =	sdelay $0x4  }
0x481: {  	v39 =	vshll.u32 v3, $0x3  }
0x482: {  	v3 =	vand.u32 $0x7, v3;
	v4 =	vand.u32 $0xFFFFFFC0, v39  }
0x483: {  	v3 =	vor.u32 v3, v4  }
0x484: {  	v4 =	vperm.xlane v3, v0;
	_ =	sdelay $0x1  }
0x485: {  	v4 =	vadd.s32 v1, v4;
	_ =	sdelay $0x4  }
0x486: {  	[tilespmem:s19], [sflag:$0x4] =	stream.indirect_vreg.gather [hbm4b:s2+s3], $0x80, v4, vm0, $0xb8;
	[tilespmem:$0x18400] =	vst v63  }
0x487: {  	s10 =	simm.s32 $0xCC00;
	v3 =	vperm.xlane v3, v2  }
0x488: {  	[tilespmem:s10], [sflag:$0x4] =	stream.indirect_vreg.gather [hbm4b:s4+s3], $0x80, v4, vm0, $0xb8;
	[tilespmem:$0x18400] =	vst v63  }
0x489: {  	v3 =	vadd.s32 v1, v3;
	s10 =	simm.s32 $0xD400  }
0x48a: {  	[tilespmem:s10], [sflag:$0x4] =	stream.indirect_vreg.gather [hbm4b:s5+s3], $0x80, v4, vm0, $0xb8;
	[tilespmem:$0x18400] =	vst v63  }
0x48b: {  	s10 =	simm.s32 $0xDC00  }
0x48c: {  	[tilespmem:s10], [sflag:$0x4] =	stream.indirect_vreg.gather [hbm4b:s6+s3], $0x80, v4, vm0, $0xb8;
	[tilespmem:$0x18400] =	vst v63  }
0x48d: {  	s10 =	simm.s32 $0xE400  }
0x48e: {  	[tilespmem:s10], [sflag:$0x4] =	stream.indirect_vreg.gather [hbm4b:s2+s3], $0x80, v3, vm0, $0xb8;
	[tilespmem:$0x18400] =	vst v63  }
0x48f: {  	s10 =	simm.s32 $0xEC00  }
0x490: {  	[tilespmem:s10], [sflag:$0x4] =	stream.indirect_vreg.gather [hbm4b:s4+s3], $0x80, v3, vm0, $0xb8;
	[tilespmem:$0x18400] =	vst v63  }
0x491: {  	s10 =	simm.s32 $0xF400  }
0x492: {  	[tilespmem:s10], [sflag:$0x4] =	stream.indirect_vreg.gather [hbm4b:s5+s3], $0x80, v3, vm0, $0xb8;
	[tilespmem:$0x18400] =	vst v63  }
0x493: {  	s10 =	simm.s32 $0xFC00  }
0x494: {  	[tilespmem:s10], [sflag:$0x4] =	stream.indirect_vreg.gather [hbm4b:s6+s3], $0x80, v3, vm0, $0xb8;
	[tilespmem:$0x18400] =	vst v63  }
0x495: {  	_ =	swait.ge [sflag:s14], $0x4000  }
0x496: {  	s10 =	sld [smem:$0x7E0]  }
0x497: {  	[sflag:s14] =	ssyncset.done $0x0  }
0x498: {  	[sflag:s14] =	ssyncadd.s32 $0xFFFFC000  }
0x499: {  	[hbm4b:s10+s3] =	stream.linear.scatter [tilespmem:s13], [sflag:$0xB], $0x4000, $0x38;
	[tilespmem:$0x18400] =	vst v63  }
0x49a: {  	_ =	swait.ge [sflag:s31], $0x4000  }
0x49b: {  	[sflag:s31] =	ssyncset.done $0x0  }
0x49c: {  	[sflag:s31] =	ssyncadd.s32 $0xFFFFC000  }
0x49d: {  	v3 =	vld [tilespmem:$0x280];
	_ =	sdelay $0x4  }
0x49e: {  	v40 =	vshll.u32 v3, $0x3  }
0x49f: {  	v3 =	vand.u32 $0x7, v3;
	v4 =	vand.u32 $0xFFFFFFC0, v40  }
0x4a0: {  	v3 =	vor.u32 v3, v4  }
0x4a1: {  	v4 =	vperm.xlane v3, v0;
	_ =	sdelay $0x1  }
0x4a2: {  	v4 =	vadd.s32 v1, v4;
	_ =	sdelay $0x4  }
0x4a3: {  	[tilespmem:s13], [sflag:$0x5] =	stream.indirect_vreg.gather [hbm4b:s2+s3], $0x80, v4, vm0, $0xb8;
	[tilespmem:$0x18400] =	vst v63  }
0x4a4: {  	s12 =	simm.s32 $0x10C00;
	v3 =	vperm.xlane v3, v2  }
0x4a5: {  	[tilespmem:s12], [sflag:$0x5] =	stream.indirect_vreg.gather [hbm4b:s4+s3], $0x80, v4, vm0, $0xb8;
	[tilespmem:$0x18400] =	vst v63  }
0x4a6: {  	s11 =	simm.s32 $0x11400;
	v3 =	vadd.s32 v1, v3  }
0x4a7: {  	[tilespmem:s11], [sflag:$0x5] =	stream.indirect_vreg.gather [hbm4b:s5+s3], $0x80, v4, vm0, $0xb8;
	[tilespmem:$0x18400] =	vst v63  }
0x4a8: {  	s10 =	simm.s32 $0x11C00  }
0x4a9: {  	[tilespmem:s10], [sflag:$0x5] =	stream.indirect_vreg.gather [hbm4b:s6+s3], $0x80, v4, vm0, $0xb8;
	[tilespmem:$0x18400] =	vst v63  }
0x4aa: {  	s10 =	simm.s32 $0x12400  }
0x4ab: {  	[tilespmem:s10], [sflag:$0x5] =	stream.indirect_vreg.gather [hbm4b:s2+s3], $0x80, v3, vm0, $0xb8;
	[tilespmem:$0x18400] =	vst v63  }
0x4ac: {  	s10 =	simm.s32 $0x12C00  }
0x4ad: {  	[tilespmem:s10], [sflag:$0x5] =	stream.indirect_vreg.gather [hbm4b:s4+s3], $0x80, v3, vm0, $0xb8;
	[tilespmem:$0x18400] =	vst v63  }
0x4ae: {  	s10 =	simm.s32 $0x13400  }
0x4af: {  	[tilespmem:s10], [sflag:$0x5] =	stream.indirect_vreg.gather [hbm4b:s5+s3], $0x80, v3, vm0, $0xb8;
	[tilespmem:$0x18400] =	vst v63  }
0x4b0: {  	s10 =	simm.s32 $0x13C00  }
0x4b1: {  	[tilespmem:s10], [sflag:$0x5] =	stream.indirect_vreg.gather [hbm4b:s6+s3], $0x80, v3, vm0, $0xb8;
	[tilespmem:$0x18400] =	vst v63  }
0x4b2: {  	_ =	swait.ge [sflag:s1], $0x4000  }
0x4b3: {  	s10 =	sld [smem:$0x7E1]  }
0x4b4: {  	[sflag:s1] =	ssyncset.done $0x0  }
0x4b5: {  	[sflag:s1] =	ssyncadd.s32 $0xFFFFC000  }
0x4b6: {  	[hbm4b:s10+s3] =	stream.linear.scatter [tilespmem:s18], [sflag:$0xC], $0x4000, $0x38;
	[tilespmem:$0x18400] =	vst v63  }
0x4b7: {  	_ =	swait.ge [sflag:s0], $0x4000  }
0x4b8: {  	[sflag:s0] =	ssyncset.done $0x0  }
0x4b9: {  	[sflag:s0] =	ssyncadd.s32 $0xFFFFC000  }
0x4ba: {  	v3 =	vld [tilespmem:$0x290];
	_ =	sdelay $0x4  }
0x4bb: {  	v41 =	vshll.u32 v3, $0x3  }
0x4bc: {  	v3 =	vand.u32 $0x7, v3;
	v4 =	vand.u32 $0xFFFFFFC0, v41  }
0x4bd: {  	v3 =	vor.u32 v3, v4  }
0x4be: {  	v4 =	vperm.xlane v3, v0;
	_ =	sdelay $0x1  }
0x4bf: {  	v4 =	vadd.s32 v1, v4;
	_ =	sdelay $0x4  }
0x4c0: {  	[tilespmem:s18], [sflag:$0x6] =	stream.indirect_vreg.gather [hbm4b:s2+s3], $0x80, v4, vm0, $0xb8;
	[tilespmem:$0x18400] =	vst v63  }
0x4c1: {  	s7 =	simm.s32 $0x14C00;
	v3 =	vperm.xlane v3, v2  }
0x4c2: {  	[tilespmem:s7], [sflag:$0x6] =	stream.indirect_vreg.gather [hbm4b:s4+s3], $0x80, v4, vm0, $0xb8;
	[tilespmem:$0x18400] =	vst v63  }
0x4c3: {  	s16 =	simm.s32 $0x15400;
	v3 =	vadd.s32 v1, v3  }
0x4c4: {  	[tilespmem:s16], [sflag:$0x6] =	stream.indirect_vreg.gather [hbm4b:s5+s3], $0x80, v4, vm0, $0xb8;
	[tilespmem:$0x18400] =	vst v63  }
0x4c5: {  	s10 =	simm.s32 $0x15C00  }
0x4c6: {  	[tilespmem:s10], [sflag:$0x6] =	stream.indirect_vreg.gather [hbm4b:s6+s3], $0x80, v4, vm0, $0xb8;
	[tilespmem:$0x18400] =	vst v63  }
0x4c7: {  	s10 =	simm.s32 $0x16400  }
0x4c8: {  	[tilespmem:s10], [sflag:$0x6] =	stream.indirect_vreg.gather [hbm4b:s2+s3], $0x80, v3, vm0, $0xb8;
	[tilespmem:$0x18400] =	vst v63  }
0x4c9: {  	s25 =	simm.s32 $0x16C00  }
0x4ca: {  	[tilespmem:s25], [sflag:$0x6] =	stream.indirect_vreg.gather [hbm4b:s4+s3], $0x80, v3, vm0, $0xb8;
	[tilespmem:$0x18400] =	vst v63  }
0x4cb: {  	s8 =	simm.s32 $0x17400  }
0x4cc: {  	[tilespmem:s8], [sflag:$0x6] =	stream.indirect_vreg.gather [hbm4b:s5+s3], $0x80, v3, vm0, $0xb8;
	[tilespmem:$0x18400] =	vst v63  }
0x4cd: {  	s17 =	simm.s32 $0x17C00  }
0x4ce: {  	[tilespmem:s17], [sflag:$0x6] =	stream.indirect_vreg.gather [hbm4b:s6+s3], $0x80, v3, vm0, $0xb8;
	[tilespmem:$0x18400] =	vst v63  }
0x4cf: {  	_ =	swait.ge [sflag:s20], $0x4000  }
0x4d0: {  	s25 =	sld [smem:$0x7E2]  }
0x4d1: {  	[sflag:s20] =	ssyncset.done $0x0  }
0x4d2: {  	[sflag:s20] =	ssyncadd.s32 $0xFFFFC000  }
0x4d3: {  	[hbm4b:s25+s3] =	stream.linear.scatter [tilespmem:s15], [sflag:$0x7], $0x4000, $0x38;
	[tilespmem:$0x18400] =	vst v63  }
0x4d4: {  	_ =	swait.ge [sflag:s21], $0x4000  }
0x4d5: {  	[sflag:s21] =	ssyncset.done $0x0  }
0x4d6: {  	[sflag:s21] =	ssyncadd.s32 $0xFFFFC000  }
0x4d7: {  	v3 =	vld [tilespmem:$0x2A0];
	_ =	sdelay $0x4  }
0x4d8: {  	v42 =	vshll.u32 v3, $0x3  }
0x4d9: {  	v3 =	vand.u32 $0x7, v3;
	v4 =	vand.u32 $0xFFFFFFC0, v42  }
0x4da: {  	v3 =	vor.u32 v3, v4  }
0x4db: {  	v4 =	vperm.xlane v3, v0;
	_ =	sdelay $0x1  }
0x4dc: {  	v4 =	vadd.s32 v1, v4;
	_ =	sdelay $0x4  }
0x4dd: {  	[tilespmem:s15], [sflag:$0x1] =	stream.indirect_vreg.gather [hbm4b:s2+s3], $0x80, v4, vm0, $0xb8;
	[tilespmem:$0x18400] =	vst v63  }
0x4de: {  	s25 =	simm.s32 $0xC00;
	v3 =	vperm.xlane v3, v2  }
0x4df: {  	[tilespmem:s25], [sflag:$0x1] =	stream.indirect_vreg.gather [hbm4b:s4+s3], $0x80, v4, vm0, $0xb8;
	[tilespmem:$0x18400] =	vst v63  }
0x4e0: {  	v3 =	vadd.s32 v1, v3;
	s25 =	simm.s32 $0x1400  }
0x4e1: {  	[tilespmem:s25], [sflag:$0x1] =	stream.indirect_vreg.gather [hbm4b:s5+s3], $0x80, v4, vm0, $0xb8;
	[tilespmem:$0x18400] =	vst v63  }
0x4e2: {  	s25 =	simm.s32 $0x1C00  }
0x4e3: {  	[tilespmem:s25], [sflag:$0x1] =	stream.indirect_vreg.gather [hbm4b:s6+s3], $0x80, v4, vm0, $0xb8;
	[tilespmem:$0x18400] =	vst v63  }
0x4e4: {  	s25 =	simm.s32 $0x2400  }
0x4e5: {  	[tilespmem:s25], [sflag:$0x1] =	stream.indirect_vreg.gather [hbm4b:s2+s3], $0x80, v3, vm0, $0xb8;
	[tilespmem:$0x18400] =	vst v63  }
0x4e6: {  	s25 =	simm.s32 $0x2C00  }
0x4e7: {  	[tilespmem:s25], [sflag:$0x1] =	stream.indirect_vreg.gather [hbm4b:s4+s3], $0x80, v3, vm0, $0xb8;
	[tilespmem:$0x18400] =	vst v63  }
0x4e8: {  	s25 =	simm.s32 $0x3400  }
0x4e9: {  	[tilespmem:s25], [sflag:$0x1] =	stream.indirect_vreg.gather [hbm4b:s5+s3], $0x80, v3, vm0, $0xb8;
	[tilespmem:$0x18400] =	vst v63  }
0x4ea: {  	s25 =	simm.s32 $0x3C00  }
0x4eb: {  	[tilespmem:s25], [sflag:$0x1] =	stream.indirect_vreg.gather [hbm4b:s6+s3], $0x80, v3, vm0, $0xb8;
	[tilespmem:$0x18400] =	vst v63  }
0x4ec: {  	_ =	swait.ge [sflag:s22], $0x4000  }
0x4ed: {  	s25 =	sld [smem:$0x7E3]  }
0x4ee: {  	[sflag:s22] =	ssyncset.done $0x0  }
0x4ef: {  	[sflag:s22] =	ssyncadd.s32 $0xFFFFC000  }
0x4f0: {  	[hbm4b:s25+s3] =	stream.linear.scatter [tilespmem:s9], [sflag:$0x8], $0x4000, $0x38;
	[tilespmem:$0x18400] =	vst v63  }
0x4f1: {  	_ =	swait.ge [sflag:s23], $0x4000  }
0x4f2: {  	[sflag:s23] =	ssyncset.done $0x0  }
0x4f3: {  	[sflag:s23] =	ssyncadd.s32 $0xFFFFC000  }
0x4f4: {  	v3 =	vld [tilespmem:$0x2B0];
	_ =	sdelay $0x4  }
0x4f5: {  	v43 =	vshll.u32 v3, $0x3  }
0x4f6: {  	v3 =	vand.u32 $0x7, v3;
	v4 =	vand.u32 $0xFFFFFFC0, v43  }
0x4f7: {  	v3 =	vor.u32 v3, v4  }
0x4f8: {  	v4 =	vperm.xlane v3, v0;
	_ =	sdelay $0x1  }
0x4f9: {  	v4 =	vadd.s32 v1, v4;
	_ =	sdelay $0x4  }
0x4fa: {  	[tilespmem:s9], [sflag:$0x2] =	stream.indirect_vreg.gather [hbm4b:s2+s3], $0x80, v4, vm0, $0xb8;
	[tilespmem:$0x18400] =	vst v63  }
0x4fb: {  	s25 =	simm.s32 $0x4C00;
	v3 =	vperm.xlane v3, v2  }
0x4fc: {  	[tilespmem:s25], [sflag:$0x2] =	stream.indirect_vreg.gather [hbm4b:s4+s3], $0x80, v4, vm0, $0xb8;
	[tilespmem:$0x18400] =	vst v63  }
0x4fd: {  	v3 =	vadd.s32 v1, v3;
	s25 =	simm.s32 $0x5400  }
0x4fe: {  	[tilespmem:s25], [sflag:$0x2] =	stream.indirect_vreg.gather [hbm4b:s5+s3], $0x80, v4, vm0, $0xb8;
	[tilespmem:$0x18400] =	vst v63  }
0x4ff: {  	s25 =	simm.s32 $0x5C00  }
0x500: {  	[tilespmem:s25], [sflag:$0x2] =	stream.indirect_vreg.gather [hbm4b:s6+s3], $0x80, v4, vm0, $0xb8;
	[tilespmem:$0x18400] =	vst v63  }
0x501: {  	s25 =	simm.s32 $0x6400  }
0x502: {  	[tilespmem:s25], [sflag:$0x2] =	stream.indirect_vreg.gather [hbm4b:s2+s3], $0x80, v3, vm0, $0xb8;
	[tilespmem:$0x18400] =	vst v63  }
0x503: {  	s25 =	simm.s32 $0x6C00  }
0x504: {  	[tilespmem:s25], [sflag:$0x2] =	stream.indirect_vreg.gather [hbm4b:s4+s3], $0x80, v3, vm0, $0xb8;
	[tilespmem:$0x18400] =	vst v63  }
0x505: {  	s25 =	simm.s32 $0x7400  }
0x506: {  	[tilespmem:s25], [sflag:$0x2] =	stream.indirect_vreg.gather [hbm4b:s5+s3], $0x80, v3, vm0, $0xb8;
	[tilespmem:$0x18400] =	vst v63  }
0x507: {  	s25 =	simm.s32 $0x7C00  }
0x508: {  	[tilespmem:s25], [sflag:$0x2] =	stream.indirect_vreg.gather [hbm4b:s6+s3], $0x80, v3, vm0, $0xb8;
	[tilespmem:$0x18400] =	vst v63  }
0x509: {  	_ =	swait.ge [sflag:s24], $0x4000  }
0x50a: {  	s25 =	sld [smem:$0x7E4]  }
0x50b: {  	[sflag:s24] =	ssyncset.done $0x0  }
0x50c: {  	[sflag:s24] =	ssyncadd.s32 $0xFFFFC000  }
0x50d: {  	[hbm4b:s25+s3] =	stream.linear.scatter [tilespmem:s30], [sflag:$0x9], $0x4000, $0x38;
	[tilespmem:$0x18400] =	vst v63  }
0x50e: {  	_ =	swait.ge [sflag:s26], $0x4000  }
0x50f: {  	[sflag:s26] =	ssyncset.done $0x0  }
0x510: {  	[sflag:s26] =	ssyncadd.s32 $0xFFFFC000  }
0x511: {  	v3 =	vld [tilespmem:$0x2C0];
	_ =	sdelay $0x4  }
0x512: {  	v44 =	vshll.u32 v3, $0x3  }
0x513: {  	v3 =	vand.u32 $0x7, v3;
	v4 =	vand.u32 $0xFFFFFFC0, v44  }
0x514: {  	v3 =	vor.u32 v3, v4  }
0x515: {  	v4 =	vperm.xlane v3, v0;
	_ =	sdelay $0x1  }
0x516: {  	v4 =	vadd.s32 v1, v4;
	_ =	sdelay $0x4  }
0x517: {  	[tilespmem:s30], [sflag:$0x3] =	stream.indirect_vreg.gather [hbm4b:s2+s3], $0x80, v4, vm0, $0xb8;
	[tilespmem:$0x18400] =	vst v63  }
0x518: {  	s25 =	simm.s32 $0x8C00;
	v3 =	vperm.xlane v3, v2  }
0x519: {  	[tilespmem:s25], [sflag:$0x3] =	stream.indirect_vreg.gather [hbm4b:s4+s3], $0x80, v4, vm0, $0xb8;
	[tilespmem:$0x18400] =	vst v63  }
0x51a: {  	v3 =	vadd.s32 v1, v3;
	s25 =	simm.s32 $0x9400  }
0x51b: {  	[tilespmem:s25], [sflag:$0x3] =	stream.indirect_vreg.gather [hbm4b:s5+s3], $0x80, v4, vm0, $0xb8;
	[tilespmem:$0x18400] =	vst v63  }
0x51c: {  	s25 =	simm.s32 $0x9C00  }
0x51d: {  	[tilespmem:s25], [sflag:$0x3] =	stream.indirect_vreg.gather [hbm4b:s6+s3], $0x80, v4, vm0, $0xb8;
	[tilespmem:$0x18400] =	vst v63  }
0x51e: {  	s25 =	simm.s32 $0xA400  }
0x51f: {  	[tilespmem:s25], [sflag:$0x3] =	stream.indirect_vreg.gather [hbm4b:s2+s3], $0x80, v3, vm0, $0xb8;
	[tilespmem:$0x18400] =	vst v63  }
0x520: {  	s25 =	simm.s32 $0xAC00  }
0x521: {  	[tilespmem:s25], [sflag:$0x3] =	stream.indirect_vreg.gather [hbm4b:s4+s3], $0x80, v3, vm0, $0xb8;
	[tilespmem:$0x18400] =	vst v63  }
0x522: {  	s25 =	simm.s32 $0xB400  }
0x523: {  	[tilespmem:s25], [sflag:$0x3] =	stream.indirect_vreg.gather [hbm4b:s5+s3], $0x80, v3, vm0, $0xb8;
	[tilespmem:$0x18400] =	vst v63  }
0x524: {  	s25 =	simm.s32 $0xBC00  }
0x525: {  	[tilespmem:s25], [sflag:$0x3] =	stream.indirect_vreg.gather [hbm4b:s6+s3], $0x80, v3, vm0, $0xb8;
	[tilespmem:$0x18400] =	vst v63  }
0x526: {  	_ =	swait.ge [sflag:s28], $0x4000  }
0x527: {  	s25 =	sld [smem:$0x7E5]  }
0x528: {  	[sflag:s28] =	ssyncset.done $0x0  }
0x529: {  	[sflag:s28] =	ssyncadd.s32 $0xFFFFC000  }
0x52a: {  	[hbm4b:s25+s3] =	stream.linear.scatter [tilespmem:s19], [sflag:$0xA], $0x4000, $0x38;
	[tilespmem:$0x18400] =	vst v63  }
0x52b: {  	_ =	swait.ge [sflag:s29], $0x4000  }
0x52c: {  	[sflag:s29] =	ssyncset.done $0x0  }
0x52d: {  	[sflag:s29] =	ssyncadd.s32 $0xFFFFC000  }
0x52e: {  	v3 =	vld [tilespmem:$0x2D0];
	_ =	sdelay $0x4  }
0x52f: {  	v45 =	vshll.u32 v3, $0x3  }
0x530: {  	v3 =	vand.u32 $0x7, v3;
	v4 =	vand.u32 $0xFFFFFFC0, v45  }
0x531: {  	v3 =	vor.u32 v3, v4  }
0x532: {  	v4 =	vperm.xlane v3, v0;
	_ =	sdelay $0x1  }
0x533: {  	v4 =	vadd.s32 v1, v4;
	_ =	sdelay $0x4  }
0x534: {  	[tilespmem:s19], [sflag:$0x4] =	stream.indirect_vreg.gather [hbm4b:s2+s3], $0x80, v4, vm0, $0xb8;
	[tilespmem:$0x18400] =	vst v63  }
0x535: {  	s25 =	simm.s32 $0xCC00;
	v3 =	vperm.xlane v3, v2  }
0x536: {  	[tilespmem:s25], [sflag:$0x4] =	stream.indirect_vreg.gather [hbm4b:s4+s3], $0x80, v4, vm0, $0xb8;
	[tilespmem:$0x18400] =	vst v63  }
0x537: {  	v3 =	vadd.s32 v1, v3;
	s25 =	simm.s32 $0xD400  }
0x538: {  	[tilespmem:s25], [sflag:$0x4] =	stream.indirect_vreg.gather [hbm4b:s5+s3], $0x80, v4, vm0, $0xb8;
	[tilespmem:$0x18400] =	vst v63  }
0x539: {  	s10 =	simm.s32 $0xDC00  }
0x53a: {  	[tilespmem:s10], [sflag:$0x4] =	stream.indirect_vreg.gather [hbm4b:s6+s3], $0x80, v4, vm0, $0xb8;
	[tilespmem:$0x18400] =	vst v63  }
0x53b: {  	s10 =	simm.s32 $0xE400  }
0x53c: {  	[tilespmem:s10], [sflag:$0x4] =	stream.indirect_vreg.gather [hbm4b:s2+s3], $0x80, v3, vm0, $0xb8;
	[tilespmem:$0x18400] =	vst v63  }
0x53d: {  	s10 =	simm.s32 $0xEC00  }
0x53e: {  	[tilespmem:s10], [sflag:$0x4] =	stream.indirect_vreg.gather [hbm4b:s4+s3], $0x80, v3, vm0, $0xb8;
	[tilespmem:$0x18400] =	vst v63  }
0x53f: {  	s10 =	simm.s32 $0xF400  }
0x540: {  	[tilespmem:s10], [sflag:$0x4] =	stream.indirect_vreg.gather [hbm4b:s5+s3], $0x80, v3, vm0, $0xb8;
	[tilespmem:$0x18400] =	vst v63  }
0x541: {  	s10 =	simm.s32 $0xFC00  }
0x542: {  	[tilespmem:s10], [sflag:$0x4] =	stream.indirect_vreg.gather [hbm4b:s6+s3], $0x80, v3, vm0, $0xb8;
	[tilespmem:$0x18400] =	vst v63  }
0x543: {  	_ =	swait.ge [sflag:s14], $0x4000  }
0x544: {  	s10 =	sld [smem:$0x7E6]  }
0x545: {  	[sflag:s14] =	ssyncset.done $0x0  }
0x546: {  	[sflag:s14] =	ssyncadd.s32 $0xFFFFC000  }
0x547: {  	[hbm4b:s10+s3] =	stream.linear.scatter [tilespmem:s13], [sflag:$0xB], $0x4000, $0x38;
	[tilespmem:$0x18400] =	vst v63  }
0x548: {  	_ =	swait.ge [sflag:s31], $0x4000  }
0x549: {  	[sflag:s31] =	ssyncset.done $0x0  }
0x54a: {  	[sflag:s31] =	ssyncadd.s32 $0xFFFFC000  }
0x54b: {  	v3 =	vld [tilespmem:$0x2E0];
	_ =	sdelay $0x4  }
0x54c: {  	v46 =	vshll.u32 v3, $0x3  }
0x54d: {  	v3 =	vand.u32 $0x7, v3;
	v4 =	vand.u32 $0xFFFFFFC0, v46  }
0x54e: {  	v3 =	vor.u32 v3, v4  }
0x54f: {  	v4 =	vperm.xlane v3, v0;
	_ =	sdelay $0x1  }
0x550: {  	v4 =	vadd.s32 v1, v4;
	_ =	sdelay $0x4  }
0x551: {  	[tilespmem:s13], [sflag:$0x5] =	stream.indirect_vreg.gather [hbm4b:s2+s3], $0x80, v4, vm0, $0xb8;
	[tilespmem:$0x18400] =	vst v63  }
0x552: {  	s12 =	simm.s32 $0x10C00;
	v3 =	vperm.xlane v3, v2  }
0x553: {  	[tilespmem:s12], [sflag:$0x5] =	stream.indirect_vreg.gather [hbm4b:s4+s3], $0x80, v4, vm0, $0xb8;
	[tilespmem:$0x18400] =	vst v63  }
0x554: {  	s11 =	simm.s32 $0x11400;
	v3 =	vadd.s32 v1, v3  }
0x555: {  	[tilespmem:s11], [sflag:$0x5] =	stream.indirect_vreg.gather [hbm4b:s5+s3], $0x80, v4, vm0, $0xb8;
	[tilespmem:$0x18400] =	vst v63  }
0x556: {  	s10 =	simm.s32 $0x11C00  }
0x557: {  	[tilespmem:s10], [sflag:$0x5] =	stream.indirect_vreg.gather [hbm4b:s6+s3], $0x80, v4, vm0, $0xb8;
	[tilespmem:$0x18400] =	vst v63  }
0x558: {  	s10 =	simm.s32 $0x12400  }
0x559: {  	[tilespmem:s10], [sflag:$0x5] =	stream.indirect_vreg.gather [hbm4b:s2+s3], $0x80, v3, vm0, $0xb8;
	[tilespmem:$0x18400] =	vst v63  }
0x55a: {  	s10 =	simm.s32 $0x12C00  }
0x55b: {  	[tilespmem:s10], [sflag:$0x5] =	stream.indirect_vreg.gather [hbm4b:s4+s3], $0x80, v3, vm0, $0xb8;
	[tilespmem:$0x18400] =	vst v63  }
0x55c: {  	s10 =	simm.s32 $0x13400  }
0x55d: {  	[tilespmem:s10], [sflag:$0x5] =	stream.indirect_vreg.gather [hbm4b:s5+s3], $0x80, v3, vm0, $0xb8;
	[tilespmem:$0x18400] =	vst v63  }
0x55e: {  	s10 =	simm.s32 $0x13C00  }
0x55f: {  	[tilespmem:s10], [sflag:$0x5] =	stream.indirect_vreg.gather [hbm4b:s6+s3], $0x80, v3, vm0, $0xb8;
	[tilespmem:$0x18400] =	vst v63  }
0x560: {  	_ =	swait.ge [sflag:s1], $0x4000  }
0x561: {  	s10 =	sld [smem:$0x7E7]  }
0x562: {  	[sflag:s1] =	ssyncset.done $0x0  }
0x563: {  	[sflag:s1] =	ssyncadd.s32 $0xFFFFC000  }
0x564: {  	[hbm4b:s10+s3] =	stream.linear.scatter [tilespmem:s18], [sflag:$0xC], $0x4000, $0x38;
	[tilespmem:$0x18400] =	vst v63  }
0x565: {  	_ =	swait.ge [sflag:s0], $0x4000  }
0x566: {  	[sflag:s0] =	ssyncset.done $0x0  }
0x567: {  	[sflag:s0] =	ssyncadd.s32 $0xFFFFC000  }
0x568: {  	v3 =	vld [tilespmem:$0x2F0];
	_ =	sdelay $0x4  }
0x569: {  	v47 =	vshll.u32 v3, $0x3  }
0x56a: {  	v3 =	vand.u32 $0x7, v3;
	v4 =	vand.u32 $0xFFFFFFC0, v47  }
0x56b: {  	v3 =	vor.u32 v3, v4  }
0x56c: {  	v4 =	vperm.xlane v3, v0;
	_ =	sdelay $0x1  }
0x56d: {  	v4 =	vadd.s32 v1, v4;
	_ =	sdelay $0x4  }
0x56e: {  	[tilespmem:s18], [sflag:$0x6] =	stream.indirect_vreg.gather [hbm4b:s2+s3], $0x80, v4, vm0, $0xb8;
	[tilespmem:$0x18400] =	vst v63  }
0x56f: {  	s7 =	simm.s32 $0x14C00;
	v3 =	vperm.xlane v3, v2  }
0x570: {  	[tilespmem:s7], [sflag:$0x6] =	stream.indirect_vreg.gather [hbm4b:s4+s3], $0x80, v4, vm0, $0xb8;
	[tilespmem:$0x18400] =	vst v63  }
0x571: {  	s16 =	simm.s32 $0x15400;
	v3 =	vadd.s32 v1, v3  }
0x572: {  	[tilespmem:s16], [sflag:$0x6] =	stream.indirect_vreg.gather [hbm4b:s5+s3], $0x80, v4, vm0, $0xb8;
	[tilespmem:$0x18400] =	vst v63  }
0x573: {  	s16 =	simm.s32 $0x15C00  }
0x574: {  	[tilespmem:s16], [sflag:$0x6] =	stream.indirect_vreg.gather [hbm4b:s6+s3], $0x80, v4, vm0, $0xb8;
	[tilespmem:$0x18400] =	vst v63  }
0x575: {  	s16 =	simm.s32 $0x16400  }
0x576: {  	[tilespmem:s16], [sflag:$0x6] =	stream.indirect_vreg.gather [hbm4b:s2+s3], $0x80, v3, vm0, $0xb8;
	[tilespmem:$0x18400] =	vst v63  }
0x577: {  	s16 =	simm.s32 $0x16C00  }
0x578: {  	[tilespmem:s16], [sflag:$0x6] =	stream.indirect_vreg.gather [hbm4b:s4+s3], $0x80, v3, vm0, $0xb8;
	[tilespmem:$0x18400] =	vst v63  }
0x579: {  	s8 =	simm.s32 $0x17400  }
0x57a: {  	[tilespmem:s8], [sflag:$0x6] =	stream.indirect_vreg.gather [hbm4b:s5+s3], $0x80, v3, vm0, $0xb8;
	[tilespmem:$0x18400] =	vst v63  }
0x57b: {  	s17 =	simm.s32 $0x17C00  }
0x57c: {  	[tilespmem:s17], [sflag:$0x6] =	stream.indirect_vreg.gather [hbm4b:s6+s3], $0x80, v3, vm0, $0xb8;
	[tilespmem:$0x18400] =	vst v63  }
0x57d: {  	_ =	swait.ge [sflag:s20], $0x4000  }
0x57e: {  	s8 =	sld [smem:$0x7E8]  }
0x57f: {  	[sflag:s20] =	ssyncset.done $0x0  }
0x580: {  	[sflag:s20] =	ssyncadd.s32 $0xFFFFC000  }
0x581: {  	[hbm4b:s8+s3] =	stream.linear.scatter [tilespmem:s15], [sflag:$0x7], $0x4000, $0x38;
	[tilespmem:$0x18400] =	vst v63  }
0x582: {  	_ =	swait.ge [sflag:s21], $0x4000  }
0x583: {  	[sflag:s21] =	ssyncset.done $0x0  }
0x584: {  	[sflag:s21] =	ssyncadd.s32 $0xFFFFC000  }
0x585: {  	v3 =	vld [tilespmem:$0x300];
	_ =	sdelay $0x4  }
0x586: {  	v48 =	vshll.u32 v3, $0x3  }
0x587: {  	v3 =	vand.u32 $0x7, v3;
	v4 =	vand.u32 $0xFFFFFFC0, v48  }
0x588: {  	v3 =	vor.u32 v3, v4  }
0x589: {  	v4 =	vperm.xlane v3, v0;
	_ =	sdelay $0x1  }
0x58a: {  	v4 =	vadd.s32 v1, v4;
	_ =	sdelay $0x4  }
0x58b: {  	[tilespmem:s15], [sflag:$0x1] =	stream.indirect_vreg.gather [hbm4b:s2+s3], $0x80, v4, vm0, $0xb8;
	[tilespmem:$0x18400] =	vst v63  }
0x58c: {  	s10 =	simm.s32 $0xC00;
	v3 =	vperm.xlane v3, v2  }
0x58d: {  	[tilespmem:s10], [sflag:$0x1] =	stream.indirect_vreg.gather [hbm4b:s4+s3], $0x80, v4, vm0, $0xb8;
	[tilespmem:$0x18400] =	vst v63  }
0x58e: {  	s16 =	simm.s32 $0x1400;
	v3 =	vadd.s32 v1, v3  }
0x58f: {  	[tilespmem:s16], [sflag:$0x1] =	stream.indirect_vreg.gather [hbm4b:s5+s3], $0x80, v4, vm0, $0xb8;
	[tilespmem:$0x18400] =	vst v63  }
0x590: {  	s17 =	simm.s32 $0x1C00  }
0x591: {  	[tilespmem:s17], [sflag:$0x1] =	stream.indirect_vreg.gather [hbm4b:s6+s3], $0x80, v4, vm0, $0xb8;
	[tilespmem:$0x18400] =	vst v63  }
0x592: {  	s10 =	simm.s32 $0x2400  }
0x593: {  	[tilespmem:s10], [sflag:$0x1] =	stream.indirect_vreg.gather [hbm4b:s2+s3], $0x80, v3, vm0, $0xb8;
	[tilespmem:$0x18400] =	vst v63  }
0x594: {  	s16 =	simm.s32 $0x2C00  }
0x595: {  	[tilespmem:s16], [sflag:$0x1] =	stream.indirect_vreg.gather [hbm4b:s4+s3], $0x80, v3, vm0, $0xb8;
	[tilespmem:$0x18400] =	vst v63  }
0x596: {  	s17 =	simm.s32 $0x3400  }
0x597: {  	[tilespmem:s17], [sflag:$0x1] =	stream.indirect_vreg.gather [hbm4b:s5+s3], $0x80, v3, vm0, $0xb8;
	[tilespmem:$0x18400] =	vst v63  }
0x598: {  	s10 =	simm.s32 $0x3C00  }
0x599: {  	[tilespmem:s10], [sflag:$0x1] =	stream.indirect_vreg.gather [hbm4b:s6+s3], $0x80, v3, vm0, $0xb8;
	[tilespmem:$0x18400] =	vst v63  }
0x59a: {  	_ =	swait.ge [sflag:s22], $0x4000  }
0x59b: {  	s16 =	sld [smem:$0x7E9]  }
0x59c: {  	[sflag:s22] =	ssyncset.done $0x0  }
0x59d: {  	[sflag:s22] =	ssyncadd.s32 $0xFFFFC000  }
0x59e: {  	[hbm4b:s16+s3] =	stream.linear.scatter [tilespmem:s9], [sflag:$0x8], $0x4000, $0x38;
	[tilespmem:$0x18400] =	vst v63  }
0x59f: {  	_ =	swait.ge [sflag:s23], $0x4000  }
0x5a0: {  	[sflag:s23] =	ssyncset.done $0x0  }
0x5a1: {  	[sflag:s23] =	ssyncadd.s32 $0xFFFFC000  }
0x5a2: {  	v3 =	vld [tilespmem:$0x310];
	_ =	sdelay $0x4  }
0x5a3: {  	v49 =	vshll.u32 v3, $0x3  }
0x5a4: {  	v3 =	vand.u32 $0x7, v3;
	v4 =	vand.u32 $0xFFFFFFC0, v49  }
0x5a5: {  	v3 =	vor.u32 v3, v4  }
0x5a6: {  	v4 =	vperm.xlane v3, v0;
	_ =	sdelay $0x1  }
0x5a7: {  	v4 =	vadd.s32 v1, v4;
	_ =	sdelay $0x4  }
0x5a8: {  	[tilespmem:s9], [sflag:$0x2] =	stream.indirect_vreg.gather [hbm4b:s2+s3], $0x80, v4, vm0, $0xb8;
	[tilespmem:$0x18400] =	vst v63  }
0x5a9: {  	s17 =	simm.s32 $0x4C00;
	v3 =	vperm.xlane v3, v2  }
0x5aa: {  	[tilespmem:s17], [sflag:$0x2] =	stream.indirect_vreg.gather [hbm4b:s4+s3], $0x80, v4, vm0, $0xb8;
	[tilespmem:$0x18400] =	vst v63  }
0x5ab: {  	s10 =	simm.s32 $0x5400;
	v3 =	vadd.s32 v1, v3  }
0x5ac: {  	[tilespmem:s10], [sflag:$0x2] =	stream.indirect_vreg.gather [hbm4b:s5+s3], $0x80, v4, vm0, $0xb8;
	[tilespmem:$0x18400] =	vst v63  }
0x5ad: {  	s16 =	simm.s32 $0x5C00  }
0x5ae: {  	[tilespmem:s16], [sflag:$0x2] =	stream.indirect_vreg.gather [hbm4b:s6+s3], $0x80, v4, vm0, $0xb8;
	[tilespmem:$0x18400] =	vst v63  }
0x5af: {  	s17 =	simm.s32 $0x6400  }
0x5b0: {  	[tilespmem:s17], [sflag:$0x2] =	stream.indirect_vreg.gather [hbm4b:s2+s3], $0x80, v3, vm0, $0xb8;
	[tilespmem:$0x18400] =	vst v63  }
0x5b1: {  	s10 =	simm.s32 $0x6C00  }
0x5b2: {  	[tilespmem:s10], [sflag:$0x2] =	stream.indirect_vreg.gather [hbm4b:s4+s3], $0x80, v3, vm0, $0xb8;
	[tilespmem:$0x18400] =	vst v63  }
0x5b3: {  	s16 =	simm.s32 $0x7400  }
0x5b4: {  	[tilespmem:s16], [sflag:$0x2] =	stream.indirect_vreg.gather [hbm4b:s5+s3], $0x80, v3, vm0, $0xb8;
	[tilespmem:$0x18400] =	vst v63  }
0x5b5: {  	s17 =	simm.s32 $0x7C00  }
0x5b6: {  	[tilespmem:s17], [sflag:$0x2] =	stream.indirect_vreg.gather [hbm4b:s6+s3], $0x80, v3, vm0, $0xb8;
	[tilespmem:$0x18400] =	vst v63  }
0x5b7: {  	_ =	swait.ge [sflag:s24], $0x4000  }
0x5b8: {  	s8 =	sld [smem:$0x7EA]  }
0x5b9: {  	[sflag:s24] =	ssyncset.done $0x0  }
0x5ba: {  	[sflag:s24] =	ssyncadd.s32 $0xFFFFC000  }
0x5bb: {  	[hbm4b:s8+s3] =	stream.linear.scatter [tilespmem:s30], [sflag:$0x9], $0x4000, $0x38;
	[tilespmem:$0x18400] =	vst v63  }
0x5bc: {  	_ =	swait.ge [sflag:s26], $0x4000  }
0x5bd: {  	[sflag:s26] =	ssyncset.done $0x0  }
0x5be: {  	[sflag:s26] =	ssyncadd.s32 $0xFFFFC000  }
0x5bf: {  	v3 =	vld [tilespmem:$0x320];
	_ =	sdelay $0x4  }
0x5c0: {  	v50 =	vshll.u32 v3, $0x3  }
0x5c1: {  	v3 =	vand.u32 $0x7, v3;
	v4 =	vand.u32 $0xFFFFFFC0, v50  }
0x5c2: {  	v3 =	vor.u32 v3, v4  }
0x5c3: {  	v4 =	vperm.xlane v3, v0;
	_ =	sdelay $0x1  }
0x5c4: {  	v4 =	vadd.s32 v1, v4;
	_ =	sdelay $0x4  }
0x5c5: {  	[tilespmem:s30], [sflag:$0x3] =	stream.indirect_vreg.gather [hbm4b:s2+s3], $0x80, v4, vm0, $0xb8;
	[tilespmem:$0x18400] =	vst v63  }
0x5c6: {  	s10 =	simm.s32 $0x8C00;
	v3 =	vperm.xlane v3, v2  }
0x5c7: {  	[tilespmem:s10], [sflag:$0x3] =	stream.indirect_vreg.gather [hbm4b:s4+s3], $0x80, v4, vm0, $0xb8;
	[tilespmem:$0x18400] =	vst v63  }
0x5c8: {  	s16 =	simm.s32 $0x9400;
	v3 =	vadd.s32 v1, v3  }
0x5c9: {  	[tilespmem:s16], [sflag:$0x3] =	stream.indirect_vreg.gather [hbm4b:s5+s3], $0x80, v4, vm0, $0xb8;
	[tilespmem:$0x18400] =	vst v63  }
0x5ca: {  	s17 =	simm.s32 $0x9C00  }
0x5cb: {  	[tilespmem:s17], [sflag:$0x3] =	stream.indirect_vreg.gather [hbm4b:s6+s3], $0x80, v4, vm0, $0xb8;
	[tilespmem:$0x18400] =	vst v63  }
0x5cc: {  	s10 =	simm.s32 $0xA400  }
0x5cd: {  	[tilespmem:s10], [sflag:$0x3] =	stream.indirect_vreg.gather [hbm4b:s2+s3], $0x80, v3, vm0, $0xb8;
	[tilespmem:$0x18400] =	vst v63  }
0x5ce: {  	s16 =	simm.s32 $0xAC00  }
0x5cf: {  	[tilespmem:s16], [sflag:$0x3] =	stream.indirect_vreg.gather [hbm4b:s4+s3], $0x80, v3, vm0, $0xb8;
	[tilespmem:$0x18400] =	vst v63  }
0x5d0: {  	s17 =	simm.s32 $0xB400  }
0x5d1: {  	[tilespmem:s17], [sflag:$0x3] =	stream.indirect_vreg.gather [hbm4b:s5+s3], $0x80, v3, vm0, $0xb8;
	[tilespmem:$0x18400] =	vst v63  }
0x5d2: {  	s10 =	simm.s32 $0xBC00  }
0x5d3: {  	[tilespmem:s10], [sflag:$0x3] =	stream.indirect_vreg.gather [hbm4b:s6+s3], $0x80, v3, vm0, $0xb8;
	[tilespmem:$0x18400] =	vst v63  }
0x5d4: {  	_ =	swait.ge [sflag:s28], $0x4000  }
0x5d5: {  	s16 =	sld [smem:$0x7EB]  }
0x5d6: {  	[sflag:s28] =	ssyncset.done $0x0  }
0x5d7: {  	[sflag:s28] =	ssyncadd.s32 $0xFFFFC000  }
0x5d8: {  	[hbm4b:s16+s3] =	stream.linear.scatter [tilespmem:s19], [sflag:$0xA], $0x4000, $0x38;
	[tilespmem:$0x18400] =	vst v63  }
0x5d9: {  	_ =	swait.ge [sflag:s29], $0x4000  }
0x5da: {  	[sflag:s29] =	ssyncset.done $0x0  }
0x5db: {  	[sflag:s29] =	ssyncadd.s32 $0xFFFFC000  }
0x5dc: {  	v3 =	vld [tilespmem:$0x330];
	_ =	sdelay $0x4  }
0x5dd: {  	v51 =	vshll.u32 v3, $0x3  }
0x5de: {  	v3 =	vand.u32 $0x7, v3;
	v4 =	vand.u32 $0xFFFFFFC0, v51  }
0x5df: {  	v3 =	vor.u32 v3, v4  }
0x5e0: {  	v4 =	vperm.xlane v3, v0;
	_ =	sdelay $0x1  }
0x5e1: {  	v4 =	vadd.s32 v1, v4;
	_ =	sdelay $0x4  }
0x5e2: {  	[tilespmem:s19], [sflag:$0x4] =	stream.indirect_vreg.gather [hbm4b:s2+s3], $0x80, v4, vm0, $0xb8;
	[tilespmem:$0x18400] =	vst v63  }
0x5e3: {  	s17 =	simm.s32 $0xCC00;
	v3 =	vperm.xlane v3, v2  }
0x5e4: {  	[tilespmem:s17], [sflag:$0x4] =	stream.indirect_vreg.gather [hbm4b:s4+s3], $0x80, v4, vm0, $0xb8;
	[tilespmem:$0x18400] =	vst v63  }
0x5e5: {  	s25 =	simm.s32 $0xD400;
	v3 =	vadd.s32 v1, v3  }
0x5e6: {  	[tilespmem:s25], [sflag:$0x4] =	stream.indirect_vreg.gather [hbm4b:s5+s3], $0x80, v4, vm0, $0xb8;
	[tilespmem:$0x18400] =	vst v63  }
0x5e7: {  	s10 =	simm.s32 $0xDC00  }
0x5e8: {  	[tilespmem:s10], [sflag:$0x4] =	stream.indirect_vreg.gather [hbm4b:s6+s3], $0x80, v4, vm0, $0xb8;
	[tilespmem:$0x18400] =	vst v63  }
0x5e9: {  	s16 =	simm.s32 $0xE400  }
0x5ea: {  	[tilespmem:s16], [sflag:$0x4] =	stream.indirect_vreg.gather [hbm4b:s2+s3], $0x80, v3, vm0, $0xb8;
	[tilespmem:$0x18400] =	vst v63  }
0x5eb: {  	s17 =	simm.s32 $0xEC00  }
0x5ec: {  	[tilespmem:s17], [sflag:$0x4] =	stream.indirect_vreg.gather [hbm4b:s4+s3], $0x80, v3, vm0, $0xb8;
	[tilespmem:$0x18400] =	vst v63  }
0x5ed: {  	s25 =	simm.s32 $0xF400  }
0x5ee: {  	[tilespmem:s25], [sflag:$0x4] =	stream.indirect_vreg.gather [hbm4b:s5+s3], $0x80, v3, vm0, $0xb8;
	[tilespmem:$0x18400] =	vst v63  }
0x5ef: {  	s10 =	simm.s32 $0xFC00  }
0x5f0: {  	[tilespmem:s10], [sflag:$0x4] =	stream.indirect_vreg.gather [hbm4b:s6+s3], $0x80, v3, vm0, $0xb8;
	[tilespmem:$0x18400] =	vst v63  }
0x5f1: {  	_ =	swait.ge [sflag:s14], $0x4000  }
0x5f2: {  	s16 =	sld [smem:$0x7EC]  }
0x5f3: {  	[sflag:s14] =	ssyncset.done $0x0  }
0x5f4: {  	[sflag:s14] =	ssyncadd.s32 $0xFFFFC000  }
0x5f5: {  	[hbm4b:s16+s3] =	stream.linear.scatter [tilespmem:s13], [sflag:$0xB], $0x4000, $0x38;
	[tilespmem:$0x18400] =	vst v63  }
0x5f6: {  	_ =	swait.ge [sflag:s31], $0x4000  }
0x5f7: {  	[sflag:s31] =	ssyncset.done $0x0  }
0x5f8: {  	[sflag:s31] =	ssyncadd.s32 $0xFFFFC000  }
0x5f9: {  	v3 =	vld [tilespmem:$0x340];
	_ =	sdelay $0x4  }
0x5fa: {  	v52 =	vshll.u32 v3, $0x3  }
0x5fb: {  	v3 =	vand.u32 $0x7, v3;
	v4 =	vand.u32 $0xFFFFFFC0, v52  }
0x5fc: {  	v3 =	vor.u32 v3, v4  }
0x5fd: {  	v4 =	vperm.xlane v3, v0;
	_ =	sdelay $0x1  }
0x5fe: {  	v4 =	vadd.s32 v1, v4;
	_ =	sdelay $0x4  }
0x5ff: {  	[tilespmem:s13], [sflag:$0x5] =	stream.indirect_vreg.gather [hbm4b:s2+s3], $0x80, v4, vm0, $0xb8;
	[tilespmem:$0x18400] =	vst v63  }
0x600: {  	s12 =	simm.s32 $0x10C00;
	v3 =	vperm.xlane v3, v2  }
0x601: {  	[tilespmem:s12], [sflag:$0x5] =	stream.indirect_vreg.gather [hbm4b:s4+s3], $0x80, v4, vm0, $0xb8;
	[tilespmem:$0x18400] =	vst v63  }
0x602: {  	s11 =	simm.s32 $0x11400;
	v3 =	vadd.s32 v1, v3  }
0x603: {  	[tilespmem:s11], [sflag:$0x5] =	stream.indirect_vreg.gather [hbm4b:s5+s3], $0x80, v4, vm0, $0xb8;
	[tilespmem:$0x18400] =	vst v63  }
0x604: {  	s17 =	simm.s32 $0x11C00  }
0x605: {  	[tilespmem:s17], [sflag:$0x5] =	stream.indirect_vreg.gather [hbm4b:s6+s3], $0x80, v4, vm0, $0xb8;
	[tilespmem:$0x18400] =	vst v63  }
0x606: {  	s25 =	simm.s32 $0x12400  }
0x607: {  	[tilespmem:s25], [sflag:$0x5] =	stream.indirect_vreg.gather [hbm4b:s2+s3], $0x80, v3, vm0, $0xb8;
	[tilespmem:$0x18400] =	vst v63  }
0x608: {  	s10 =	simm.s32 $0x12C00  }
0x609: {  	[tilespmem:s10], [sflag:$0x5] =	stream.indirect_vreg.gather [hbm4b:s4+s3], $0x80, v3, vm0, $0xb8;
	[tilespmem:$0x18400] =	vst v63  }
0x60a: {  	s11 =	simm.s32 $0x13400  }
0x60b: {  	[tilespmem:s11], [sflag:$0x5] =	stream.indirect_vreg.gather [hbm4b:s5+s3], $0x80, v3, vm0, $0xb8;
	[tilespmem:$0x18400] =	vst v63  }
0x60c: {  	s13 =	simm.s32 $0x13C00  }
0x60d: {  	[tilespmem:s13], [sflag:$0x5] =	stream.indirect_vreg.gather [hbm4b:s6+s3], $0x80, v3, vm0, $0xb8;
	[tilespmem:$0x18400] =	vst v63  }
0x60e: {  	_ =	swait.ge [sflag:s1], $0x4000  }
0x60f: {  	s17 =	sld [smem:$0x7ED]  }
0x610: {  	[sflag:s1] =	ssyncset.done $0x0  }
0x611: {  	[sflag:s1] =	ssyncadd.s32 $0xFFFFC000  }
0x612: {  	[hbm4b:s17+s3] =	stream.linear.scatter [tilespmem:s18], [sflag:$0xC], $0x4000, $0x38;
	[tilespmem:$0x18400] =	vst v63  }
0x613: {  	_ =	swait.ge [sflag:s0], $0x4000  }
0x614: {  	[sflag:s0] =	ssyncset.done $0x0  }
0x615: {  	[sflag:s0] =	ssyncadd.s32 $0xFFFFC000  }
0x616: {  	v3 =	vld [tilespmem:$0x350];
	_ =	sdelay $0x4  }
0x617: {  	v53 =	vshll.u32 v3, $0x3  }
0x618: {  	v3 =	vand.u32 $0x7, v3;
	v4 =	vand.u32 $0xFFFFFFC0, v53  }
0x619: {  	v3 =	vor.u32 v3, v4  }
0x61a: {  	v4 =	vperm.xlane v3, v0;
	_ =	sdelay $0x1  }
0x61b: {  	v4 =	vadd.s32 v1, v4;
	_ =	sdelay $0x4  }
0x61c: {  	[tilespmem:s18], [sflag:$0x6] =	stream.indirect_vreg.gather [hbm4b:s2+s3], $0x80, v4, vm0, $0xb8;
	[tilespmem:$0x18400] =	vst v63  }
0x61d: {  	s7 =	simm.s32 $0x14C00;
	v3 =	vperm.xlane v3, v2  }
0x61e: {  	[tilespmem:s7], [sflag:$0x6] =	stream.indirect_vreg.gather [hbm4b:s4+s3], $0x80, v4, vm0, $0xb8;
	[tilespmem:$0x18400] =	vst v63  }
0x61f: {  	s25 =	simm.s32 $0x15400;
	v3 =	vadd.s32 v1, v3  }
0x620: {  	[tilespmem:s25], [sflag:$0x6] =	stream.indirect_vreg.gather [hbm4b:s5+s3], $0x80, v4, vm0, $0xb8;
	[tilespmem:$0x18400] =	vst v63  }
0x621: {  	s8 =	simm.s32 $0x15C00  }
0x622: {  	[tilespmem:s8], [sflag:$0x6] =	stream.indirect_vreg.gather [hbm4b:s6+s3], $0x80, v4, vm0, $0xb8;
	[tilespmem:$0x18400] =	vst v63  }
0x623: {  	s13 =	simm.s32 $0x16400  }
0x624: {  	[tilespmem:s13], [sflag:$0x6] =	stream.indirect_vreg.gather [hbm4b:s2+s3], $0x80, v3, vm0, $0xb8;
	[tilespmem:$0x18400] =	vst v63  }
0x625: {  	s17 =	simm.s32 $0x16C00  }
0x626: {  	[tilespmem:s17], [sflag:$0x6] =	stream.indirect_vreg.gather [hbm4b:s4+s3], $0x80, v3, vm0, $0xb8;
	[tilespmem:$0x18400] =	vst v63  }
0x627: {  	s25 =	simm.s32 $0x17400  }
0x628: {  	[tilespmem:s25], [sflag:$0x6] =	stream.indirect_vreg.gather [hbm4b:s5+s3], $0x80, v3, vm0, $0xb8;
	[tilespmem:$0x18400] =	vst v63  }
0x629: {  	s13 =	simm.s32 $0x17C00  }
0x62a: {  	[tilespmem:s13], [sflag:$0x6] =	stream.indirect_vreg.gather [hbm4b:s6+s3], $0x80, v3, vm0, $0xb8;
	[tilespmem:$0x18400] =	vst v63  }
0x62b: {  	_ =	swait.ge [sflag:s20], $0x4000  }
0x62c: {  	s13 =	sld [smem:$0x7EE]  }
0x62d: {  	[sflag:s20] =	ssyncset.done $0x0  }
0x62e: {  	[sflag:s20] =	ssyncadd.s32 $0xFFFFC000  }
0x62f: {  	[hbm4b:s13+s3] =	stream.linear.scatter [tilespmem:s15], [sflag:$0x7], $0x4000, $0x38;
	[tilespmem:$0x18400] =	vst v63  }
0x630: {  	_ =	swait.ge [sflag:s21], $0x4000  }
0x631: {  	[sflag:s21] =	ssyncset.done $0x0  }
0x632: {  	[sflag:s21] =	ssyncadd.s32 $0xFFFFC000  }
0x633: {  	v3 =	vld [tilespmem:$0x360];
	_ =	sdelay $0x4  }
0x634: {  	v54 =	vshll.u32 v3, $0x3  }
0x635: {  	v3 =	vand.u32 $0x7, v3;
	v4 =	vand.u32 $0xFFFFFFC0, v54  }
0x636: {  	v3 =	vor.u32 v3, v4  }
0x637: {  	v4 =	vperm.xlane v3, v0;
	_ =	sdelay $0x1  }
0x638: {  	v4 =	vadd.s32 v1, v4;
	_ =	sdelay $0x4  }
0x639: {  	[tilespmem:s15], [sflag:$0x1] =	stream.indirect_vreg.gather [hbm4b:s2+s3], $0x80, v4, vm0, $0xb8;
	[tilespmem:$0x18400] =	vst v63  }
0x63a: {  	v3 =	vperm.xlane v3, v2;
	s15 =	simm.s32 $0xC00  }
0x63b: {  	[tilespmem:s15], [sflag:$0x1] =	stream.indirect_vreg.gather [hbm4b:s4+s3], $0x80, v4, vm0, $0xb8;
	[tilespmem:$0x18400] =	vst v63  }
0x63c: {  	s13 =	simm.s32 $0x1400;
	v3 =	vadd.s32 v1, v3  }
0x63d: {  	[tilespmem:s13], [sflag:$0x1] =	stream.indirect_vreg.gather [hbm4b:s5+s3], $0x80, v4, vm0, $0xb8;
	[tilespmem:$0x18400] =	vst v63  }
0x63e: {  	s15 =	simm.s32 $0x1C00  }
0x63f: {  	[tilespmem:s15], [sflag:$0x1] =	stream.indirect_vreg.gather [hbm4b:s6+s3], $0x80, v4, vm0, $0xb8;
	[tilespmem:$0x18400] =	vst v63  }
0x640: {  	s13 =	simm.s32 $0x2400  }
0x641: {  	[tilespmem:s13], [sflag:$0x1] =	stream.indirect_vreg.gather [hbm4b:s2+s3], $0x80, v3, vm0, $0xb8;
	[tilespmem:$0x18400] =	vst v63  }
0x642: {  	s15 =	simm.s32 $0x2C00  }
0x643: {  	[tilespmem:s15], [sflag:$0x1] =	stream.indirect_vreg.gather [hbm4b:s4+s3], $0x80, v3, vm0, $0xb8;
	[tilespmem:$0x18400] =	vst v63  }
0x644: {  	s13 =	simm.s32 $0x3400  }
0x645: {  	[tilespmem:s13], [sflag:$0x1] =	stream.indirect_vreg.gather [hbm4b:s5+s3], $0x80, v3, vm0, $0xb8;
	[tilespmem:$0x18400] =	vst v63  }
0x646: {  	s15 =	simm.s32 $0x3C00  }
0x647: {  	[tilespmem:s15], [sflag:$0x1] =	stream.indirect_vreg.gather [hbm4b:s6+s3], $0x80, v3, vm0, $0xb8;
	[tilespmem:$0x18400] =	vst v63  }
0x648: {  	_ =	swait.ge [sflag:s22], $0x4000  }
0x649: {  	s13 =	sld [smem:$0x7EF]  }
0x64a: {  	[sflag:s22] =	ssyncset.done $0x0  }
0x64b: {  	[sflag:s22] =	ssyncadd.s32 $0xFFFFC000  }
0x64c: {  	[hbm4b:s13+s3] =	stream.linear.scatter [tilespmem:s9], [sflag:$0x8], $0x4000, $0x38;
	[tilespmem:$0x18400] =	vst v63  }
0x64d: {  	_ =	swait.ge [sflag:s23], $0x4000  }
0x64e: {  	[sflag:s23] =	ssyncset.done $0x0  }
0x64f: {  	[sflag:s23] =	ssyncadd.s32 $0xFFFFC000  }
0x650: {  	v3 =	vld [tilespmem:$0x370];
	_ =	sdelay $0x4  }
0x651: {  	v55 =	vshll.u32 v3, $0x3  }
0x652: {  	v3 =	vand.u32 $0x7, v3;
	v4 =	vand.u32 $0xFFFFFFC0, v55  }
0x653: {  	v3 =	vor.u32 v3, v4  }
0x654: {  	v4 =	vperm.xlane v3, v0;
	_ =	sdelay $0x1  }
0x655: {  	v4 =	vadd.s32 v1, v4;
	_ =	sdelay $0x4  }
0x656: {  	[tilespmem:s9], [sflag:$0x2] =	stream.indirect_vreg.gather [hbm4b:s2+s3], $0x80, v4, vm0, $0xb8;
	[tilespmem:$0x18400] =	vst v63  }
0x657: {  	s15 =	simm.s32 $0x4C00;
	v3 =	vperm.xlane v3, v2  }
0x658: {  	[tilespmem:s15], [sflag:$0x2] =	stream.indirect_vreg.gather [hbm4b:s4+s3], $0x80, v4, vm0, $0xb8;
	[tilespmem:$0x18400] =	vst v63  }
0x659: {  	s10 =	simm.s32 $0x5400;
	v3 =	vadd.s32 v1, v3  }
0x65a: {  	[tilespmem:s10], [sflag:$0x2] =	stream.indirect_vreg.gather [hbm4b:s5+s3], $0x80, v4, vm0, $0xb8;
	[tilespmem:$0x18400] =	vst v63  }
0x65b: {  	s13 =	simm.s32 $0x5C00  }
0x65c: {  	[tilespmem:s13], [sflag:$0x2] =	stream.indirect_vreg.gather [hbm4b:s6+s3], $0x80, v4, vm0, $0xb8;
	[tilespmem:$0x18400] =	vst v63  }
0x65d: {  	s15 =	simm.s32 $0x6400  }
0x65e: {  	[tilespmem:s15], [sflag:$0x2] =	stream.indirect_vreg.gather [hbm4b:s2+s3], $0x80, v3, vm0, $0xb8;
	[tilespmem:$0x18400] =	vst v63  }
0x65f: {  	s10 =	simm.s32 $0x6C00  }
0x660: {  	[tilespmem:s10], [sflag:$0x2] =	stream.indirect_vreg.gather [hbm4b:s4+s3], $0x80, v3, vm0, $0xb8;
	[tilespmem:$0x18400] =	vst v63  }
0x661: {  	s13 =	simm.s32 $0x7400  }
0x662: {  	[tilespmem:s13], [sflag:$0x2] =	stream.indirect_vreg.gather [hbm4b:s5+s3], $0x80, v3, vm0, $0xb8;
	[tilespmem:$0x18400] =	vst v63  }
0x663: {  	s15 =	simm.s32 $0x7C00  }
0x664: {  	[tilespmem:s15], [sflag:$0x2] =	stream.indirect_vreg.gather [hbm4b:s6+s3], $0x80, v3, vm0, $0xb8;
	[tilespmem:$0x18400] =	vst v63  }
0x665: {  	_ =	swait.ge [sflag:s24], $0x4000  }
0x666: {  	s9 =	sld [smem:$0x7F0]  }
0x667: {  	[sflag:s24] =	ssyncset.done $0x0  }
0x668: {  	[sflag:s24] =	ssyncadd.s32 $0xFFFFC000  }
0x669: {  	[hbm4b:s9+s3] =	stream.linear.scatter [tilespmem:s30], [sflag:$0x9], $0x4000, $0x38;
	[tilespmem:$0x18400] =	vst v63  }
0x66a: {  	_ =	swait.ge [sflag:s26], $0x4000  }
0x66b: {  	[sflag:s26] =	ssyncset.done $0x0  }
0x66c: {  	[sflag:s26] =	ssyncadd.s32 $0xFFFFC000  }
0x66d: {  	v3 =	vld [tilespmem:$0x380];
	_ =	sdelay $0x4  }
0x66e: {  	v56 =	vshll.u32 v3, $0x3  }
0x66f: {  	v3 =	vand.u32 $0x7, v3;
	v4 =	vand.u32 $0xFFFFFFC0, v56  }
0x670: {  	v3 =	vor.u32 v3, v4  }
0x671: {  	v4 =	vperm.xlane v3, v0;
	_ =	sdelay $0x1  }
0x672: {  	v4 =	vadd.s32 v1, v4;
	_ =	sdelay $0x4  }
0x673: {  	[tilespmem:s30], [sflag:$0x3] =	stream.indirect_vreg.gather [hbm4b:s2+s3], $0x80, v4, vm0, $0xb8;
	[tilespmem:$0x18400] =	vst v63  }
0x674: {  	s10 =	simm.s32 $0x8C00;
	v3 =	vperm.xlane v3, v2  }
0x675: {  	[tilespmem:s10], [sflag:$0x3] =	stream.indirect_vreg.gather [hbm4b:s4+s3], $0x80, v4, vm0, $0xb8;
	[tilespmem:$0x18400] =	vst v63  }
0x676: {  	s13 =	simm.s32 $0x9400;
	v3 =	vadd.s32 v1, v3  }
0x677: {  	[tilespmem:s13], [sflag:$0x3] =	stream.indirect_vreg.gather [hbm4b:s5+s3], $0x80, v4, vm0, $0xb8;
	[tilespmem:$0x18400] =	vst v63  }
0x678: {  	s15 =	simm.s32 $0x9C00  }
0x679: {  	[tilespmem:s15], [sflag:$0x3] =	stream.indirect_vreg.gather [hbm4b:s6+s3], $0x80, v4, vm0, $0xb8;
	[tilespmem:$0x18400] =	vst v63  }
0x67a: {  	s10 =	simm.s32 $0xA400  }
0x67b: {  	[tilespmem:s10], [sflag:$0x3] =	stream.indirect_vreg.gather [hbm4b:s2+s3], $0x80, v3, vm0, $0xb8;
	[tilespmem:$0x18400] =	vst v63  }
0x67c: {  	s13 =	simm.s32 $0xAC00  }
0x67d: {  	[tilespmem:s13], [sflag:$0x3] =	stream.indirect_vreg.gather [hbm4b:s4+s3], $0x80, v3, vm0, $0xb8;
	[tilespmem:$0x18400] =	vst v63  }
0x67e: {  	s15 =	simm.s32 $0xB400  }
0x67f: {  	[tilespmem:s15], [sflag:$0x3] =	stream.indirect_vreg.gather [hbm4b:s5+s3], $0x80, v3, vm0, $0xb8;
	[tilespmem:$0x18400] =	vst v63  }
0x680: {  	s10 =	simm.s32 $0xBC00  }
0x681: {  	[tilespmem:s10], [sflag:$0x3] =	stream.indirect_vreg.gather [hbm4b:s6+s3], $0x80, v3, vm0, $0xb8;
	[tilespmem:$0x18400] =	vst v63  }
0x682: {  	_ =	swait.ge [sflag:s28], $0x4000  }
0x683: {  	s13 =	sld [smem:$0x7F1]  }
0x684: {  	[sflag:s28] =	ssyncset.done $0x0  }
0x685: {  	[sflag:s28] =	ssyncadd.s32 $0xFFFFC000  }
0x686: {  	[hbm4b:s13+s3] =	stream.linear.scatter [tilespmem:s19], [sflag:$0xA], $0x4000, $0x38;
	[tilespmem:$0x18400] =	vst v63  }
0x687: {  	_ =	swait.ge [sflag:s29], $0x4000  }
0x688: {  	[sflag:s29] =	ssyncset.done $0x0  }
0x689: {  	[sflag:s29] =	ssyncadd.s32 $0xFFFFC000  }
0x68a: {  	v3 =	vld [tilespmem:$0x390];
	_ =	sdelay $0x4  }
0x68b: {  	v57 =	vshll.u32 v3, $0x3  }
0x68c: {  	v3 =	vand.u32 $0x7, v3;
	v4 =	vand.u32 $0xFFFFFFC0, v57  }
0x68d: {  	v3 =	vor.u32 v3, v4  }
0x68e: {  	v4 =	vperm.xlane v3, v0;
	_ =	sdelay $0x1  }
0x68f: {  	v4 =	vadd.s32 v1, v4;
	_ =	sdelay $0x4  }
0x690: {  	[tilespmem:s19], [sflag:$0x4] =	stream.indirect_vreg.gather [hbm4b:s2+s3], $0x80, v4, vm0, $0xb8;
	[tilespmem:$0x18400] =	vst v63  }
0x691: {  	s15 =	simm.s32 $0xCC00;
	v3 =	vperm.xlane v3, v2  }
0x692: {  	[tilespmem:s15], [sflag:$0x4] =	stream.indirect_vreg.gather [hbm4b:s4+s3], $0x80, v4, vm0, $0xb8;
	[tilespmem:$0x18400] =	vst v63  }
0x693: {  	v3 =	vadd.s32 v1, v3;
	s19 =	simm.s32 $0xD400  }
0x694: {  	[tilespmem:s19], [sflag:$0x4] =	stream.indirect_vreg.gather [hbm4b:s5+s3], $0x80, v4, vm0, $0xb8;
	[tilespmem:$0x18400] =	vst v63  }
0x695: {  	s10 =	simm.s32 $0xDC00  }
0x696: {  	[tilespmem:s10], [sflag:$0x4] =	stream.indirect_vreg.gather [hbm4b:s6+s3], $0x80, v4, vm0, $0xb8;
	[tilespmem:$0x18400] =	vst v63  }
0x697: {  	s13 =	simm.s32 $0xE400  }
0x698: {  	[tilespmem:s13], [sflag:$0x4] =	stream.indirect_vreg.gather [hbm4b:s2+s3], $0x80, v3, vm0, $0xb8;
	[tilespmem:$0x18400] =	vst v63  }
0x699: {  	s10 =	simm.s32 $0xEC00  }
0x69a: {  	[tilespmem:s10], [sflag:$0x4] =	stream.indirect_vreg.gather [hbm4b:s4+s3], $0x80, v3, vm0, $0xb8;
	[tilespmem:$0x18400] =	vst v63  }
0x69b: {  	s13 =	simm.s32 $0xF400  }
0x69c: {  	[tilespmem:s13], [sflag:$0x4] =	stream.indirect_vreg.gather [hbm4b:s5+s3], $0x80, v3, vm0, $0xb8;
	[tilespmem:$0x18400] =	vst v63  }
0x69d: {  	s10 =	simm.s32 $0xFC00  }
0x69e: {  	[tilespmem:s10], [sflag:$0x4] =	stream.indirect_vreg.gather [hbm4b:s6+s3], $0x80, v3, vm0, $0xb8;
	[tilespmem:$0x18400] =	vst v63  }
0x69f: {  	_ =	swait.ge [sflag:s14], $0x4000  }
0x6a0: {  	s13 =	sld [smem:$0x7F2]  }
0x6a1: {  	[sflag:s14] =	ssyncset.done $0x0  }
0x6a2: {  	s9 =	simm.s32 $0x10400;
	[sflag:s14] =	ssyncadd.s32 $0xFFFFC000  }
0x6a3: {  	[hbm4b:s13+s3] =	stream.linear.scatter [tilespmem:s9], [sflag:$0xB], $0x4000, $0x38;
	[tilespmem:$0x18400] =	vst v63  }
0x6a4: {  	_ =	swait.ge [sflag:s31], $0x4000  }
0x6a5: {  	[sflag:s31] =	ssyncset.done $0x0  }
0x6a6: {  	[sflag:s31] =	ssyncadd.s32 $0xFFFFC000  }
0x6a7: {  	v3 =	vld [tilespmem:$0x3A0];
	_ =	sdelay $0x4  }
0x6a8: {  	v58 =	vshll.u32 v3, $0x3  }
0x6a9: {  	v3 =	vand.u32 $0x7, v3;
	v4 =	vand.u32 $0xFFFFFFC0, v58  }
0x6aa: {  	v3 =	vor.u32 v3, v4  }
0x6ab: {  	v4 =	vperm.xlane v3, v0;
	_ =	sdelay $0x1  }
0x6ac: {  	v4 =	vadd.s32 v1, v4;
	_ =	sdelay $0x4  }
0x6ad: {  	[tilespmem:s9], [sflag:$0x5] =	stream.indirect_vreg.gather [hbm4b:s2+s3], $0x80, v4, vm0, $0xb8;
	[tilespmem:$0x18400] =	vst v63  }
0x6ae: {  	s16 =	simm.s32 $0x10C00;
	v3 =	vperm.xlane v3, v2  }
0x6af: {  	[tilespmem:s16], [sflag:$0x5] =	stream.indirect_vreg.gather [hbm4b:s4+s3], $0x80, v4, vm0, $0xb8;
	[tilespmem:$0x18400] =	vst v63  }
0x6b0: {  	s12 =	simm.s32 $0x11400;
	v3 =	vadd.s32 v1, v3  }
0x6b1: {  	[tilespmem:s12], [sflag:$0x5] =	stream.indirect_vreg.gather [hbm4b:s5+s3], $0x80, v4, vm0, $0xb8;
	[tilespmem:$0x18400] =	vst v63  }
0x6b2: {  	s12 =	simm.s32 $0x11C00  }
0x6b3: {  	[tilespmem:s12], [sflag:$0x5] =	stream.indirect_vreg.gather [hbm4b:s6+s3], $0x80, v4, vm0, $0xb8;
	[tilespmem:$0x18400] =	vst v63  }
0x6b4: {  	s16 =	simm.s32 $0x12400  }
0x6b5: {  	[tilespmem:s16], [sflag:$0x5] =	stream.indirect_vreg.gather [hbm4b:s2+s3], $0x80, v3, vm0, $0xb8;
	[tilespmem:$0x18400] =	vst v63  }
0x6b6: {  	s10 =	simm.s32 $0x12C00  }
0x6b7: {  	[tilespmem:s10], [sflag:$0x5] =	stream.indirect_vreg.gather [hbm4b:s4+s3], $0x80, v3, vm0, $0xb8;
	[tilespmem:$0x18400] =	vst v63  }
0x6b8: {  	s12 =	simm.s32 $0x13400  }
0x6b9: {  	[tilespmem:s12], [sflag:$0x5] =	stream.indirect_vreg.gather [hbm4b:s5+s3], $0x80, v3, vm0, $0xb8;
	[tilespmem:$0x18400] =	vst v63  }
0x6ba: {  	s16 =	simm.s32 $0x13C00  }
0x6bb: {  	[tilespmem:s16], [sflag:$0x5] =	stream.indirect_vreg.gather [hbm4b:s6+s3], $0x80, v3, vm0, $0xb8;
	[tilespmem:$0x18400] =	vst v63  }
0x6bc: {  	_ =	swait.ge [sflag:s1], $0x4000  }
0x6bd: {  	s9 =	sld [smem:$0x7F3]  }
0x6be: {  	[sflag:s1] =	ssyncset.done $0x0  }
0x6bf: {  	s12 =	simm.s32 $0x14400;
	[sflag:s1] =	ssyncadd.s32 $0xFFFFC000  }
0x6c0: {  	[hbm4b:s9+s3] =	stream.linear.scatter [tilespmem:s12], [sflag:$0xC], $0x4000, $0x38;
	[tilespmem:$0x18400] =	vst v63  }
0x6c1: {  	_ =	swait.ge [sflag:s0], $0x4000  }
0x6c2: {  	[sflag:s0] =	ssyncset.done $0x0  }
0x6c3: {  	[sflag:s0] =	ssyncadd.s32 $0xFFFFC000  }
0x6c4: {  	v3 =	vld [tilespmem:$0x3B0];
	_ =	sdelay $0x4  }
0x6c5: {  	v59 =	vshll.u32 v3, $0x3  }
0x6c6: {  	v3 =	vand.u32 $0x7, v3;
	v4 =	vand.u32 $0xFFFFFFC0, v59  }
0x6c7: {  	v3 =	vor.u32 v3, v4  }
0x6c8: {  	v4 =	vperm.xlane v3, v0;
	_ =	sdelay $0x1  }
0x6c9: {  	v4 =	vadd.s32 v1, v4;
	_ =	sdelay $0x4  }
0x6ca: {  	[tilespmem:s12], [sflag:$0x6] =	stream.indirect_vreg.gather [hbm4b:s2+s3], $0x80, v4, vm0, $0xb8;
	[tilespmem:$0x18400] =	vst v63  }
0x6cb: {  	s11 =	simm.s32 $0x14C00;
	v3 =	vperm.xlane v3, v2  }
0x6cc: {  	[tilespmem:s11], [sflag:$0x6] =	stream.indirect_vreg.gather [hbm4b:s4+s3], $0x80, v4, vm0, $0xb8;
	[tilespmem:$0x18400] =	vst v63  }
0x6cd: {  	s7 =	simm.s32 $0x15400;
	v3 =	vadd.s32 v1, v3  }
0x6ce: {  	[tilespmem:s7], [sflag:$0x6] =	stream.indirect_vreg.gather [hbm4b:s5+s3], $0x80, v4, vm0, $0xb8;
	[tilespmem:$0x18400] =	vst v63  }
0x6cf: {  	s18 =	simm.s32 $0x15C00  }
0x6d0: {  	[tilespmem:s18], [sflag:$0x6] =	stream.indirect_vreg.gather [hbm4b:s6+s3], $0x80, v4, vm0, $0xb8;
	[tilespmem:$0x18400] =	vst v63  }
0x6d1: {  	s8 =	simm.s32 $0x16400  }
0x6d2: {  	[tilespmem:s8], [sflag:$0x6] =	stream.indirect_vreg.gather [hbm4b:s2+s3], $0x80, v3, vm0, $0xb8;
	[tilespmem:$0x18400] =	vst v63  }
0x6d3: {  	s17 =	simm.s32 $0x16C00  }
0x6d4: {  	[tilespmem:s17], [sflag:$0x6] =	stream.indirect_vreg.gather [hbm4b:s4+s3], $0x80, v3, vm0, $0xb8;
	[tilespmem:$0x18400] =	vst v63  }
0x6d5: {  	s25 =	simm.s32 $0x17400  }
0x6d6: {  	[tilespmem:s25], [sflag:$0x6] =	stream.indirect_vreg.gather [hbm4b:s5+s3], $0x80, v3, vm0, $0xb8;
	[tilespmem:$0x18400] =	vst v63  }
0x6d7: {  	s25 =	simm.s32 $0x17C00  }
0x6d8: {  	[tilespmem:s25], [sflag:$0x6] =	stream.indirect_vreg.gather [hbm4b:s6+s3], $0x80, v3, vm0, $0xb8;
	[tilespmem:$0x18400] =	vst v63  }
0x6d9: {  	_ =	swait.ge [sflag:s20], $0x4000  }
0x6da: {  	s8 =	sld [smem:$0x7F4]  }
0x6db: {  	[sflag:s20] =	ssyncset.done $0x0  }
0x6dc: {  	s9 =	simm.s32 $0x400;
	[sflag:s20] =	ssyncadd.s32 $0xFFFFC000  }
0x6dd: {  	[hbm4b:s8+s3] =	stream.linear.scatter [tilespmem:s9], [sflag:$0x7], $0x4000, $0x38;
	[tilespmem:$0x18400] =	vst v63  }
0x6de: {  	_ =	swait.ge [sflag:s21], $0x4000  }
0x6df: {  	[sflag:s21] =	ssyncset.done $0x0  }
0x6e0: {  	[sflag:s21] =	ssyncadd.s32 $0xFFFFC000  }
0x6e1: {  	v3 =	vld [tilespmem:$0x3C0];
	_ =	sdelay $0x4  }
0x6e2: {  	v60 =	vshll.u32 v3, $0x3  }
0x6e3: {  	v3 =	vand.u32 $0x7, v3;
	v4 =	vand.u32 $0xFFFFFFC0, v60  }
0x6e4: {  	v3 =	vor.u32 v3, v4  }
0x6e5: {  	v4 =	vperm.xlane v3, v0;
	_ =	sdelay $0x1  }
0x6e6: {  	v4 =	vadd.s32 v1, v4;
	_ =	sdelay $0x4  }
0x6e7: {  	[tilespmem:s9], [sflag:$0x1] =	stream.indirect_vreg.gather [hbm4b:s2+s3], $0x80, v4, vm0, $0xb8;
	[tilespmem:$0x18400] =	vst v63  }
0x6e8: {  	s11 =	simm.s32 $0xC00;
	v3 =	vperm.xlane v3, v2  }
0x6e9: {  	[tilespmem:s11], [sflag:$0x1] =	stream.indirect_vreg.gather [hbm4b:s4+s3], $0x80, v4, vm0, $0xb8;
	[tilespmem:$0x18400] =	vst v63  }
0x6ea: {  	s12 =	simm.s32 $0x1400;
	v3 =	vadd.s32 v1, v3  }
0x6eb: {  	[tilespmem:s12], [sflag:$0x1] =	stream.indirect_vreg.gather [hbm4b:s5+s3], $0x80, v4, vm0, $0xb8;
	[tilespmem:$0x18400] =	vst v63  }
0x6ec: {  	s17 =	simm.s32 $0x1C00  }
0x6ed: {  	[tilespmem:s17], [sflag:$0x1] =	stream.indirect_vreg.gather [hbm4b:s6+s3], $0x80, v4, vm0, $0xb8;
	[tilespmem:$0x18400] =	vst v63  }
0x6ee: {  	s18 =	simm.s32 $0x2400  }
0x6ef: {  	[tilespmem:s18], [sflag:$0x1] =	stream.indirect_vreg.gather [hbm4b:s2+s3], $0x80, v3, vm0, $0xb8;
	[tilespmem:$0x18400] =	vst v63  }
0x6f0: {  	s25 =	simm.s32 $0x2C00  }
0x6f1: {  	[tilespmem:s25], [sflag:$0x1] =	stream.indirect_vreg.gather [hbm4b:s4+s3], $0x80, v3, vm0, $0xb8;
	[tilespmem:$0x18400] =	vst v63  }
0x6f2: {  	s9 =	simm.s32 $0x3400  }
0x6f3: {  	[tilespmem:s9], [sflag:$0x1] =	stream.indirect_vreg.gather [hbm4b:s5+s3], $0x80, v3, vm0, $0xb8;
	[tilespmem:$0x18400] =	vst v63  }
0x6f4: {  	s10 =	simm.s32 $0x3C00  }
0x6f5: {  	[tilespmem:s10], [sflag:$0x1] =	stream.indirect_vreg.gather [hbm4b:s6+s3], $0x80, v3, vm0, $0xb8;
	[tilespmem:$0x18400] =	vst v63  }
0x6f6: {  	_ =	swait.ge [sflag:s22], $0x4000  }
0x6f7: {  	s11 =	sld [smem:$0x7F5]  }
0x6f8: {  	[sflag:s22] =	ssyncset.done $0x0  }
0x6f9: {  	s12 =	simm.s32 $0x4400;
	[sflag:s22] =	ssyncadd.s32 $0xFFFFC000  }
0x6fa: {  	[hbm4b:s11+s3] =	stream.linear.scatter [tilespmem:s12], [sflag:$0x8], $0x4000, $0x38;
	[tilespmem:$0x18400] =	vst v63  }
0x6fb: {  	_ =	swait.ge [sflag:s23], $0x4000  }
0x6fc: {  	[sflag:s23] =	ssyncset.done $0x0  }
0x6fd: {  	[sflag:s23] =	ssyncadd.s32 $0xFFFFC000  }
0x6fe: {  	v3 =	vld [tilespmem:$0x3D0];
	_ =	sdelay $0x4  }
0x6ff: {  	v61 =	vshll.u32 v3, $0x3  }
0x700: {  	v3 =	vand.u32 $0x7, v3;
	v4 =	vand.u32 $0xFFFFFFC0, v61  }
0x701: {  	v3 =	vor.u32 v3, v4  }
0x702: {  	v4 =	vperm.xlane v3, v0;
	_ =	sdelay $0x1  }
0x703: {  	v4 =	vadd.s32 v1, v4;
	_ =	sdelay $0x4  }
0x704: {  	[tilespmem:s12], [sflag:$0x2] =	stream.indirect_vreg.gather [hbm4b:s2+s3], $0x80, v4, vm0, $0xb8;
	[tilespmem:$0x18400] =	vst v63  }
0x705: {  	s17 =	simm.s32 $0x4C00;
	v3 =	vperm.xlane v3, v2  }
0x706: {  	[tilespmem:s17], [sflag:$0x2] =	stream.indirect_vreg.gather [hbm4b:s4+s3], $0x80, v4, vm0, $0xb8;
	[tilespmem:$0x18400] =	vst v63  }
0x707: {  	s18 =	simm.s32 $0x5400;
	v3 =	vadd.s32 v1, v3  }
0x708: {  	[tilespmem:s18], [sflag:$0x2] =	stream.indirect_vreg.gather [hbm4b:s5+s3], $0x80, v4, vm0, $0xb8;
	[tilespmem:$0x18400] =	vst v63  }
0x709: {  	s25 =	simm.s32 $0x5C00  }
0x70a: {  	[tilespmem:s25], [sflag:$0x2] =	stream.indirect_vreg.gather [hbm4b:s6+s3], $0x80, v4, vm0, $0xb8;
	[tilespmem:$0x18400] =	vst v63  }
0x70b: {  	s10 =	simm.s32 $0x6400  }
0x70c: {  	[tilespmem:s10], [sflag:$0x2] =	stream.indirect_vreg.gather [hbm4b:s2+s3], $0x80, v3, vm0, $0xb8;
	[tilespmem:$0x18400] =	vst v63  }
0x70d: {  	s11 =	simm.s32 $0x6C00  }
0x70e: {  	[tilespmem:s11], [sflag:$0x2] =	stream.indirect_vreg.gather [hbm4b:s4+s3], $0x80, v3, vm0, $0xb8;
	[tilespmem:$0x18400] =	vst v63  }
0x70f: {  	s12 =	simm.s32 $0x7400  }
0x710: {  	[tilespmem:s12], [sflag:$0x2] =	stream.indirect_vreg.gather [hbm4b:s5+s3], $0x80, v3, vm0, $0xb8;
	[tilespmem:$0x18400] =	vst v63  }
0x711: {  	s17 =	simm.s32 $0x7C00  }
0x712: {  	[tilespmem:s17], [sflag:$0x2] =	stream.indirect_vreg.gather [hbm4b:s6+s3], $0x80, v3, vm0, $0xb8;
	[tilespmem:$0x18400] =	vst v63  }
0x713: {  	_ =	swait.ge [sflag:s24], $0x4000  }
0x714: {  	s18 =	sld [smem:$0x7F6]  }
0x715: {  	[sflag:s24] =	ssyncset.done $0x0  }
0x716: {  	s25 =	simm.s32 $0x8400;
	[sflag:s24] =	ssyncadd.s32 $0xFFFFC000  }
0x717: {  	[hbm4b:s18+s3] =	stream.linear.scatter [tilespmem:s25], [sflag:$0x9], $0x4000, $0x38;
	[tilespmem:$0x18400] =	vst v63  }
0x718: {  	_ =	swait.ge [sflag:s26], $0x4000  }
0x719: {  	[sflag:s26] =	ssyncset.done $0x0  }
0x71a: {  	[sflag:s26] =	ssyncadd.s32 $0xFFFFC000  }
0x71b: {  	v3 =	vld [tilespmem:$0x3E0];
	_ =	sdelay $0x4  }
0x71c: {  	v62 =	vshll.u32 v3, $0x3  }
0x71d: {  	v3 =	vand.u32 $0x7, v3;
	v4 =	vand.u32 $0xFFFFFFC0, v62  }
0x71e: {  	v3 =	vor.u32 v3, v4  }
0x71f: {  	v4 =	vperm.xlane v3, v0;
	_ =	sdelay $0x1  }
0x720: {  	v4 =	vadd.s32 v1, v4;
	_ =	sdelay $0x4  }
0x721: {  	[tilespmem:s25], [sflag:$0x3] =	stream.indirect_vreg.gather [hbm4b:s2+s3], $0x80, v4, vm0, $0xb8;
	[tilespmem:$0x18400] =	vst v63  }
0x722: {  	s10 =	simm.s32 $0x8C00;
	v3 =	vperm.xlane v3, v2  }
0x723: {  	[tilespmem:s10], [sflag:$0x3] =	stream.indirect_vreg.gather [hbm4b:s4+s3], $0x80, v4, vm0, $0xb8;
	[tilespmem:$0x18400] =	vst v63  }
0x724: {  	s30 =	simm.s32 $0x9400;
	v3 =	vadd.s32 v1, v3  }
0x725: {  	[tilespmem:s30], [sflag:$0x3] =	stream.indirect_vreg.gather [hbm4b:s5+s3], $0x80, v4, vm0, $0xb8;
	[tilespmem:$0x18400] =	vst v63  }
0x726: {  	s12 =	simm.s32 $0x9C00  }
0x727: {  	[tilespmem:s12], [sflag:$0x3] =	stream.indirect_vreg.gather [hbm4b:s6+s3], $0x80, v4, vm0, $0xb8;
	[tilespmem:$0x18400] =	vst v63  }
0x728: {  	s17 =	simm.s32 $0xA400  }
0x729: {  	[tilespmem:s17], [sflag:$0x3] =	stream.indirect_vreg.gather [hbm4b:s2+s3], $0x80, v3, vm0, $0xb8;
	[tilespmem:$0x18400] =	vst v63  }
0x72a: {  	s18 =	simm.s32 $0xAC00  }
0x72b: {  	[tilespmem:s18], [sflag:$0x3] =	stream.indirect_vreg.gather [hbm4b:s4+s3], $0x80, v3, vm0, $0xb8;
	[tilespmem:$0x18400] =	vst v63  }
0x72c: {  	s25 =	simm.s32 $0xB400  }
0x72d: {  	[tilespmem:s25], [sflag:$0x3] =	stream.indirect_vreg.gather [hbm4b:s5+s3], $0x80, v3, vm0, $0xb8;
	[tilespmem:$0x18400] =	vst v63  }
0x72e: {  	s30 =	simm.s32 $0xBC00  }
0x72f: {  	[tilespmem:s30], [sflag:$0x3] =	stream.indirect_vreg.gather [hbm4b:s6+s3], $0x80, v3, vm0, $0xb8;
	[tilespmem:$0x18400] =	vst v63  }
0x730: {  	_ =	swait.ge [sflag:s28], $0x4000  }
0x731: {  	s7 =	sld [smem:$0x7F7]  }
0x732: {  	[sflag:s28] =	ssyncset.done $0x0  }
0x733: {  	s12 =	simm.s32 $0xC400;
	[sflag:s28] =	ssyncadd.s32 $0xFFFFC000  }
0x734: {  	[hbm4b:s7+s3] =	stream.linear.scatter [tilespmem:s12], [sflag:$0xA], $0x4000, $0x38;
	[tilespmem:$0x18400] =	vst v63  }
0x735: {  	_ =	swait.ge [sflag:s29], $0x4000  }
0x736: {  	[sflag:s29] =	ssyncset.done $0x0  }
0x737: {  	[sflag:s29] =	ssyncadd.s32 $0xFFFFC000  }
0x738: {  	v3 =	vld [tilespmem:$0x3F0];
	_ =	sdelay $0x4  }
0x739: {  	v63 =	vshll.u32 v3, $0x3  }
0x73a: {  	v3 =	vand.u32 $0x7, v3;
	v4 =	vand.u32 $0xFFFFFFC0, v63  }
0x73b: {  	v3 =	vor.u32 v3, v4  }
0x73c: {  	v4 =	vperm.xlane v3, v0;
	_ =	sdelay $0x1  }
0x73d: {  	v4 =	vadd.s32 v1, v4;
	_ =	sdelay $0x4  }
0x73e: {  	[tilespmem:s12], [sflag:$0x4] =	stream.indirect_vreg.gather [hbm4b:s2+s3], $0x80, v4, vm0, $0xb8;
	[tilespmem:$0x18400] =	vst v63  }
0x73f: {  	s17 =	simm.s32 $0xCC00;
	v3 =	vperm.xlane v3, v2  }
0x740: {  	[tilespmem:s17], [sflag:$0x4] =	stream.indirect_vreg.gather [hbm4b:s4+s3], $0x80, v4, vm0, $0xb8;
	[tilespmem:$0x18400] =	vst v63  }
0x741: {  	s15 =	simm.s32 $0xD400;
	v3 =	vadd.s32 v1, v3  }
0x742: {  	[tilespmem:s15], [sflag:$0x4] =	stream.indirect_vreg.gather [hbm4b:s5+s3], $0x80, v4, vm0, $0xb8;
	[tilespmem:$0x18400] =	vst v63  }
0x743: {  	s19 =	simm.s32 $0xDC00  }
0x744: {  	[tilespmem:s19], [sflag:$0x4] =	stream.indirect_vreg.gather [hbm4b:s6+s3], $0x80, v4, vm0, $0xb8;
	[tilespmem:$0x18400] =	vst v63  }
0x745: {  	s18 =	simm.s32 $0xE400  }
0x746: {  	[tilespmem:s18], [sflag:$0x4] =	stream.indirect_vreg.gather [hbm4b:s2+s3], $0x80, v3, vm0, $0xb8;
	[tilespmem:$0x18400] =	vst v63  }
0x747: {  	s19 =	simm.s32 $0xEC00  }
0x748: {  	[tilespmem:s19], [sflag:$0x4] =	stream.indirect_vreg.gather [hbm4b:s4+s3], $0x80, v3, vm0, $0xb8;
	[tilespmem:$0x18400] =	vst v63  }
0x749: {  	s25 =	simm.s32 $0xF400  }
0x74a: {  	[tilespmem:s25], [sflag:$0x4] =	stream.indirect_vreg.gather [hbm4b:s5+s3], $0x80, v3, vm0, $0xb8;
	[tilespmem:$0x18400] =	vst v63  }
0x74b: {  	s30 =	simm.s32 $0xFC00  }
0x74c: {  	[tilespmem:s30], [sflag:$0x4] =	stream.indirect_vreg.gather [hbm4b:s6+s3], $0x80, v3, vm0, $0xb8;
	[tilespmem:$0x18400] =	vst v63  }
0x74d: {  	s7 =	sld [smem:$0x7D9];
	_ =	swait.ge [sflag:s14], $0x4000  }
0x74e: {  	s15 =	sld [smem:$0x7F8]  }
0x74f: {  	[sflag:s14] =	ssyncset.done $0x0  }
0x750: {  	s13 =	simm.s32 $0x10400;
	[sflag:s14] =	ssyncadd.s32 $0xFFFFC000  }
0x751: {  	[hbm4b:s15+s3] =	stream.linear.scatter [tilespmem:s13], [sflag:$0xB], $0x4000, $0x38;
	[tilespmem:$0x18400] =	vst v63  }
0x752: {  	_ =	swait.ge [sflag:s1], $0x4000  }
0x753: {  	s17 =	sld [smem:$0x7F9]  }
0x754: {  	[sflag:s1] =	ssyncset.done $0x0  }
0x755: {  	s16 =	simm.s32 $0x14400;
	[sflag:s1] =	ssyncadd.s32 $0xFFFFC000  }
0x756: {  	[hbm4b:s17+s3] =	stream.linear.scatter [tilespmem:s16], [sflag:$0xC], $0x4000, $0x38;
	[tilespmem:$0x18400] =	vst v63  }
0x757: {  	_ =	swait.ge [sflag:s20], $0x4000  }
0x758: {  	s18 =	sld [smem:$0x7FA]  }
0x759: {  	[sflag:s20] =	ssyncset.done $0x0  }
0x75a: {  	s8 =	simm.s32 $0x400;
	[sflag:s20] =	ssyncadd.s32 $0xFFFFC000  }
0x75b: {  	[hbm4b:s18+s3] =	stream.linear.scatter [tilespmem:s8], [sflag:$0x7], $0x4000, $0x38;
	[tilespmem:$0x18400] =	vst v63  }
0x75c: {  	_ =	swait.ge [sflag:s22], $0x4000  }
0x75d: {  	s19 =	sld [smem:$0x7FB]  }
0x75e: {  	[sflag:s22] =	ssyncset.done $0x0  }
0x75f: {  	s9 =	simm.s32 $0x4400;
	[sflag:s22] =	ssyncadd.s32 $0xFFFFC000  }
0x760: {  	[hbm4b:s19+s3] =	stream.linear.scatter [tilespmem:s9], [sflag:$0x8], $0x4000, $0x38;
	[tilespmem:$0x18400] =	vst v63  }
0x761: {  	_ =	swait.ge [sflag:s24], $0x4000  }
0x762: {  	s25 =	sld [smem:$0x7FC]  }
0x763: {  	[sflag:s24] =	ssyncset.done $0x0  }
0x764: {  	s11 =	simm.s32 $0x8400;
	[sflag:s24] =	ssyncadd.s32 $0xFFFFC000  }
0x765: {  	[hbm4b:s25+s3] =	stream.linear.scatter [tilespmem:s11], [sflag:$0x9], $0x4000, $0x38;
	[tilespmem:$0x18400] =	vst v63  }
0x766: {  	_ =	swait.ge [sflag:s28], $0x4000  }
0x767: {  	s30 =	sld [smem:$0x7FD]  }
0x768: {  	[sflag:s28] =	ssyncset.done $0x0  }
0x769: {  	s12 =	simm.s32 $0xC400;
	[sflag:s28] =	ssyncadd.s32 $0xFFFFC000  }
0x76a: {  	[hbm4b:s30+s3] =	stream.linear.scatter [tilespmem:s12], [sflag:$0xA], $0x4000, $0x38;
	[tilespmem:$0x18400] =	vst v63  }
0x76b: {  	_ =	swait.ge [sflag:s31], $0x4000  }
0x76c: {  	[sflag:s31] =	ssyncset.done $0x0  }
0x76d: {  	[sflag:s31] =	ssyncadd.s32 $0xFFFFC000  }
0x76e: {  	_ =	swait.ge [sflag:s0], $0x4000  }
0x76f: {  	[sflag:s0] =	ssyncset.done $0x0  }
0x770: {  	[sflag:s0] =	ssyncadd.s32 $0xFFFFC000  }
0x771: {  	_ =	swait.ge [sflag:s21], $0x4000  }
0x772: {  	[sflag:s21] =	ssyncset.done $0x0  }
0x773: {  	[sflag:s21] =	ssyncadd.s32 $0xFFFFC000  }
0x774: {  	_ =	swait.ge [sflag:s23], $0x4000  }
0x775: {  	[sflag:s23] =	ssyncset.done $0x0  }
0x776: {  	[sflag:s23] =	ssyncadd.s32 $0xFFFFC000  }
0x777: {  	p0 =	sne.s32 s7, $0x1;
	_ =	swait.ge [sflag:s26], $0x4000  }
.Ltmp0:
0x778: {  	[sflag:s26] =	ssyncset.done $0x0;
	(pc) =	sbr.rel @p0 .LBB2_1-.Ltmp0, $4  }
0x779: {  	[sflag:s26] =	ssyncadd.s32 $0xFFFFC000  }
0x77a: {  	_ =	swait.ge [sflag:s29], $0x4000  }
0x77b: {  	[sflag:s29] =	ssyncset.done $0x0  }
0x77c: {  	s7 =	sadd.s32 $0xFFFFFFFF, s7;
	[sflag:s29] =	ssyncadd.s32 $0xFFFFC000  }
0x77d: {  	_ =	sfence.sel $0x180000  }
0x77e: {  	[bflag:$0x0] =	sbarrier.arrive $0xFFFF  }
0x77f: {  	_ =	strace $0x90000047  }
0x780: {  	s0 =	stileid.u32;
	[bflag:$0x2] =	sbarrier.arrive $0xFFFF  }
0x781: {  	p0 =	sne.s32 s0, $0x0;
	s0 =	rddreg [dreg:$0x2]  }
0x782: {  	s0 =	sadd.s32 @!p0 $0x100000, s0  }
0x783: {  	[sflag:s0] =	ssyncadd.tile.s32 @!p0 $0x1;
	_ =	shalt  }
.Lfunc_end2:
_tile_overlayer_lowered:
.L_overlay_start_2:
0x784: {  	(tag) =	ssettag $0x2  }
0x785: {  	s0 =	rddreg [dreg:$0x0];
	s2 =	stileid.u32  }
0x786: {  	s1 =	rddreg [dreg:$0x1];
	p0 =	sne.s32 s2, $0x0  }
0x787: {  	s3 =	rddreg [dreg:$0x2];
	[bflag:$0x3] =	sbarrier.arrive $0xFFFF;
	s2 =	simm.s32 @!p0 $0x1C0D  }
0x788: {  	[timem:s3], [sflag:s2] =	dma.local @!p0 [hbm:s0], s1  }
0x789: {  	s0 =	simm.s32 @!p0 $0xD  }
0x78a: {  	_ =	swait.ge @!p0 [sflag:s0], s1  }
0x78b: {  	s1 =	ssub.s32 @!p0 $0x0, s1;
	[sflag:s0] =	ssyncset.done @!p0 $0x0  }
0x78c: {  	[sflag:s0] =	ssyncadd.s32 @!p0 s1  }
0x78d: {  	[bflag:$0x3] =	sbarrier.arrive $0xFFFF  }
0x78e: {  	_ =	shalt  }

// kernel: sparse-core-data-format-call.cloned.1.call-start
scs
called_computation_lowered:
.L_overlay_start_0:
0x0: {  	s2 =	sld [smem:$0x3FD9]  }
0x1: {  	s3 =	sld [smem:$0x3FFE];
	_ =	sdelay $0x1  }
0x2: {  	s1 =	srdreg.scid  }
0x3: {  	s0 =	sand.u32 $0x1, s1  }
0x4: {  	s18 =	sshll.u32 s0, $0xA;
	s2 =	sadd.s32 s3, s2  }
0x5: {  	s2 =	sadd.s32 s2, s18  }
0x6: {  	[smem:$0x3FC6] =	sst s2  }
0x7: {  	_ = 	snop  }
0x8: {  	s2 =	sld [smem:$0x3FD0];
	(tm) =	ssettm $0x1  }
0x9: {  	s19 =	sld [smem:$0x3FFB];
	_ =	sdelay $0x3  }
0xa: {  	_ =	strace s19  }
0xb: {  	s3 =	sld [smem:$0x3FFC];
	_ =	sdelay $0x3  }
0xc: {  	_ =	strace s3  }
0xd: {  	s3 =	sld [smem:$0x3FFD];
	_ =	sdelay $0x3  }
0xe: {  	_ =	strace s3  }
0xf: {  	_ =	strace $0x8FFFFFFF  }
0x10: {  	s20 =	sld [smem:$0x3FDB];
	_ =	sdelay $0x1  }
0x11: {  	s4 =	simm.s32 $_scs_section_size  }
0x12: {  	s5 =	simm.s32 $_size__tile_overlayer_lowered;
	s6 =	simm.s32 $_tile_overlayer_lowered  }
0x13: {  	s23 =	simm.s32 $0x1BFF;
	s22 =	sshll.u32 s6, $0x1;
	s3 =	sadd.s32 s4, s20  }
0x14: {  	s7 =	simm.s32 $0x0;
	s21 =	sshll.u32 s5, $0x1;
	s5 =	sadd.s32 s22, s3  }
0x15: {  	[timem:s7], [sflag:s23] =	dma.local [hbm:s5], s21  }
0x16: {  	_ =	swait.ge [sflag:s23], s21  }
0x17: {  	s4 =	ssub.s32 $0x0, s21;
	[sflag:s23] =	ssyncset.done $0x0  }
0x18: {  	[sflag:s23] =	ssyncadd.s32 s4;
	_ =	sdelay $0x1  }
0x19: {  	s24 =	simm.s32 $0x1B8B  }
0x1a: {  	_ =	swait.ge [sflag:s24], $0x1  }
0x1b: {  	[sflag:s24] =	ssyncset.done $0x0  }
0x1c: {  	s26 =	simm.s32 $0x1B8E;
	s25 =	sld [smem:$0x3FFE];
	[sflag:s24] =	ssyncadd.s32 $0xFFFFFFFF  }
0x1d: {  	s27 =	simm.s32 $execute0_lowered;
	[smem:$0x3FD2] =	sst s26  }
0x1e: {  	s5 =	sshll.u32 s27, $0x1;
	_ =	strace $0x80000049;
	[dreg:$0x1] =	wrdreg $0xFFFFFFFF  }
0x1f: {  	s28 =	simm.s32 $_size_execute0_lowered;
	s3 =	sadd.s32 s3, s5;
	[dreg:$0x0] =	wrdreg $0x0  }
0x20: {  	s5 =	sshll.u32 s28, $0x1;
	[dreg:$0x2] =	wrdreg s3  }
0x21: {  	[dreg:$0x3] =	wrdreg s5  }
0x22: {  	[dreg:$0x4] =	wrdreg $0xC0  }
0x23: {  	_ =	task [dreg:s7], $0x5FFFF  }
0x24: {  	[dreg:$0x1] =	wrdreg $0xFFFFFFFF  }
0x25: {  	[dreg:$0x0] =	wrdreg $0x60  }
0x26: {  	[dreg:$0x2] =	wrdreg s25  }
0x27: {  	[dreg:$0x3] =	wrdreg s2  }
0x28: {  	[dreg:$0x4] =	wrdreg $0x9  }
0x29: {  	_ =	task.clear_ibuf [dreg:s7], $0x5FFFF;
	_ =	strace $0x90000049  }
0x2a: {  	s29 =	simm.s32 $0x9;
	_ =	strace $0x8000004B  }
0x2b: {  	_ =	swait.ge [sflag:s29], $0x1  }
0x2c: {  	[sflag:s29] =	ssyncadd.s32 $0xFFFFFFFF  }
0x2d: {  	_ =	strace $0x9000004B  }
0x2e: {  	_ =	sfence  }
0x2f: {  	s30 =	sld [smem:$0x0];
	_ =	sdelay $0x2  }
0x30: {  	s31 =	sshll.u32 s1, $0xD;
	s1 =	sshrl.u32 s1, $0x2  }
0x31: {  	s3 =	sand.u32 $0x4000, s31;
	s1 =	sadd.s32 s1, s30  }
0x32: {  	s0 =	sor.u32 s3, s0;
	s1 =	sshll.u32 s1, $0x11  }
0x33: {  	s0 =	sor.u32 s1, s0  }
0x34: {  	s0 =	sadd.s32 $0x8F2B, s0  }
0x35: {  	[sflag:s0] =	ssyncadd.remote.s32 $0x1  }
0x36: {  	_ =	sfence.sel $0xFFFF  }
0x37: {  	[dreg:$0x0] =	wrdreg $0xFFFFFFFF;
	(pc) =	sbr.abs _section_cstart, $3  }
0x38: {  	[dreg:$0x1] =	wrdreg $0xFFFFFFFF  }
0x39: {  	_ =	task.clear_ibuf [dreg:s7], $0x2FFFF;
	_ =	strace $0x9FFFFFFF  }
0x3a: {  	(tm) =	ssettm $0x7FFFFFFF  }
0x3b: {  	_ =	shalt  }
tec
execute0_lowered:
.L_overlay_start_1:
0x0: {  	(tag) =	ssettag $0x1  }
0x1: {  	s5 =	rddreg [dreg:$0x0]  }
0x2: {  	s0 =	srdreg.scid;
	s3 =	rddreg [dreg:$0x1];
	s7 =	simm.s32 $0x1  }
0x3: {  	s8 =	simm.s32 $0x2;
	s16 =	simm.s32 $0x0;
	s1 =	sshll.u32 s0, $0x4  }
0x4: {  	s18 =	simm.s32 $0x0;
	s0 =	stileid.u32;
	s1 =	sand.u32 $0x10, s1  }
0x5: {  	s17 =	simm.s32 $0x0;
	s9 =	simm.s32 $0x0;
	s1 =	sor.u32 s0, s1  }
0x6: {  	s10 =	simm.s32 $0x0;
	s11 =	simm.s32 $0x0;
	s2 =	sshll.u32 s1, $0x7  }
0x7: {  	s12 =	simm.s32 $0x0;
	s13 =	simm.s32 $0x0;
	s6 =	ssub.s32 $0x1000, s2  }
0x8: {  	s15 =	simm.s32 $0x0;
	s5 =	sadd.s32 $0x401800, s5;
	s4 =	sand.u32 $0xF80, s6  }
.Ltmp0:
0x9: {  	s1 =	rddreg [dreg:$0x2];
	p0 =	sne.s32 s4, $0x0;
	(pc) =	sbr.rel .LBB1_1-.Ltmp0, $4  }
0xa: {  	_ =	strace $0x8000004A;
	s6 =	sshrl.u32 s6, $0xC;
	s7 =	simm.s32 @!p0 $0x0  }
0xb: {  	s14 =	smov.u32 s2;
	s4 =	simm.s32 $0x1;
	s6 =	sadd.s32 s7, s6  }
0xc: {  	[sflag:s4] =	ssyncpa.u1 $0x0;
	p0 =	por $0x0, $0x0;
	s6 =	sshll.u32 s6, $0x6  }
0xd: {  	[sflag:s8] =	ssyncpa.u1 $0x0;
	s8 =	simm.s32 $0x8000;
	s7 =	sor.u32 $0x1, s6  }
.LBB1_4:
0xe: {  	s23 =	sshra.s32 s23, $0x2;
	s30 =	sshll.u32 s9, $0xC  }
0xf: {  	p1 =	sgt.s32 s10, $0x7;
	s24 =	smov.u32 s10;
	s25 =	sshra.s32 s10, $0x1F  }
0x10: {  	s26 =	sshll.u32 s11, $0x3;
	s28 =	smov.u32 s11;
	s29 =	sshra.s32 s11, $0x1F  }
0x11: {  	s22 =	sadd.s32 s23, s22;
	s24 =	simm.s32 @!p1 $0x7;
	s25 =	sand.u32 s25, s10  }
0x12: {  	s23 =	sand.u32 $0xFFFF8000, s30;
	s27 =	sand.u32 $0xFFFFFC00, s26;
	p1 =	sgt.s32 s9, $0x368  }
0x13: {  	s31 =	sand.u32 s29, s11;
	s29 =	sshll.u32 s9, $0x7;
	s30 =	sshra.s32 s9, $0x1F  }
0x14: {  	[tilespmem:s21+$0x2040 ss:$0x81] =	vst.msk $0xffff, v4;
	s24 =	ssub.s32 s24, s25;
	s23 =	sadd.s32 s27, s23;
	s27 =	smov.u32 s9  }
0x15: {  	[tilespmem:s21+$0x2850 ss:$0x81] =	vst.msk $0xffff, v3;
	s29 =	sand.u32 $0x380, s29;
	s25 =	sadd.s32 $0xFFFFFFF9, s24;
	s27 =	simm.s32 @!p1 $0x368  }
0x16: {  	v5 =	vld [tilespmem:s20+$0xFFFFFFD0];
	[tilespmem:s21+$0x3060 ss:$0x81] =	vst.msk $0xffff, v2;
	p1 =	sgt.s32 s11, $0xF80;
	s23 =	sshrl.u32 s23, $0xC;
	s24 =	ssub.s32 $0x8, s24  }
0x17: {  	v58 =	vld [tilespmem:s20+$0xFFFFFFE0];
	[tilespmem:s21+$0x0 ss:$0x81] =	vst.msk $0xffff, v1;
	s28 =	simm.s32 @!p1 $0xF80;
	p1 =	sgt.s32 s25, $0x0;
	s21 =	smulhi.u32 $0x418938, s23  }
0x18: {  	v59 =	vld [tilespmem:s20+$0xFFFFFFF0];
	s25 =	ssub.s32 s28, s31;
	s28 =	sand.u32 s30, s9;
	s24 =	simm.s32 @p1 $0x0  }
0x19: {  	v60 =	vld [tilespmem:s20+$0x0];
	s27 =	ssub.s32 s27, s28;
	s31 =	sadd.s32 $0xFFFFF080, s25;
	s25 =	ssub.s32 $0x1000, s25  }
0x1a: {  	v61 =	vld [tilespmem:s20+$0x10];
	[tilespmem:s22+$0x3870 ss:$0x81] =	vst.msk $0xffff, v0;
	s21 =	smul.u32 $0x3E8, s21;
	s28 =	sand.u32 $0x7, s11;
	p1 =	sgt.s32 s31, $0x7F  }
0x1b: {  	v62 =	vld [tilespmem:s20+$0x20];
	[tilespmem:s22+$0x810 ss:$0x81] =	vst.msk $0xffff, v5;
	s30 =	sadd.s32 $0xFFFFFC98, s27;
	s31 =	sand.u32 $0x78, s11;
	s25 =	simm.s32 @p1 $0x0  }
0x1c: {  	v63 =	vld [tilespmem:s20+$0xFFFFFFC0];
	[tilespmem:s22+$0x1020 ss:$0x81] =	vst.msk $0xffff, v58;
	p1 =	sgt.s32 s30, $0x7F;
	s30 =	sand.u32 $0xC00, s26;
	s24 =	smul.u32 s25, s24  }
0x1d: {  	[tilespmem:s22+$0x1830 ss:$0x81] =	vst.msk $0xffff, v59;
	s26 =	ssub.s32 $0x3E8, s27;
	s20 =	sor.u32 s31, s30;
	s31 =	smul.u32 $0x7D000, s10  }
0x1e: {  	[tilespmem:s22+$0x2040 ss:$0x81] =	vst.msk $0xffff, v60;
	s21 =	ssub.s32 s23, s21;
	s26 =	simm.s32 @p1 $0x0;
	s20 =	sor.u32 s29, s20  }
0x1f: {  	[tilespmem:s22+$0x2850 ss:$0x81] =	vst.msk $0xffff, v61;
	s26 =	smul.u32 s26, s24;
	s20 =	sshrl.u32 s20, $0x3;
	s27 =	sadd.s32 s3, s31  }
0x20: {  	[tilespmem:s22+$0x3060 ss:$0x81] =	vst.msk $0xffff, v62;
	s21 =	sshll.u32 s21, $0x9;
	s29 =	sshll.u32 s28, $0x12;
	s20 =	sadd.s32 s20, s27  }
0x21: {  	[tilespmem:s22+$0x0 ss:$0x81] =	vst.msk $0xffff, v63;
	s31 =	sor.u32 $0x400, s29;
	s30 =	sand.u32 $0x3FFFFFFF, s26;
	s20 =	sadd.s32 s21, s20  }
0x22: {  	[hbm4b:s20+s31] =	stream.strided.scatter [tilespmem:s19], [sflag:$0x2], s30, s8, s31, $0x20;
	[tilespmem:$0x10100] =	vst v63  }
.LBB1_5:
0x23: {  	p1 =	slt.u32 s15, $0x2  }
0x24: {  	p2 =	sgt.s32 @!p1 s18, $0x7  }
0x25: {  	s19 =	smov.u32 s18;
	s20 =	sshra.s32 @!p1 s18, $0x1F;
	p2 =	por !p2, p1  }
0x26: {  	s18 =	sand.u32 @!p1 s20, s18;
	s19 =	simm.s32 @p2 $0x7  }
0x27: {  	p3 =	sgt.s32 @!p1 s16, $0x368;
	s18 =	ssub.s32 @!p1 s19, s18  }
0x28: {  	p4 =	sgt.s32 @!p1 s17, $0xF80;
	s21 =	sshra.s32 @!p1 s17, $0x1F;
	s19 =	sadd.s32 @!p1 $0xFFFFFFF9, s18  }
0x29: {  	s20 =	smov.u32 s16;
	p2 =	sgt.s32 @!p1 s19, $0x0;
	s19 =	sshra.s32 @!p1 s16, $0x1F  }
0x2a: {  	p4 =	por !p4, p1;
	s16 =	sand.u32 @!p1 s19, s16;
	s19 =	smov.u32 s17  }
0x2b: {  	p3 =	por !p3, p1;
	s17 =	sand.u32 @!p1 s21, s17;
	s19 =	simm.s32 @p4 $0xF80  }
0x2c: {  	s20 =	simm.s32 @p3 $0x368;
	s18 =	ssub.s32 @!p1 $0x8, s18;
	s17 =	ssub.s32 @!p1 s19, s17  }
0x2d: {  	p2 =	por !p2, p1;
	s16 =	ssub.s32 @!p1 s20, s16;
	s20 =	sadd.s32 @!p1 $0xFFFFF080, s17  }
0x2e: {  	s18 =	simm.s32 @!p2 $0x0;
	p3 =	sgt.s32 @!p1 s20, $0x7F  }
0x2f: {  	s19 =	sadd.s32 @!p1 $0xFFFFFC98, s16;
	s17 =	ssub.s32 @!p1 $0x1000, s17;
	p3 =	por !p3, p1  }
0x30: {  	p2 =	sgt.s32 @!p1 s19, $0x7F;
	s19 =	sadd.s32 $0x80, s12;
	s17 =	simm.s32 @!p3 $0x0  }
0x31: {  	p3 =	sgt.s32 s19, $0x3E7;
	s17 =	smul.u32 @!p1 s17, s18;
	s18 =	simm.s32 $0x1  }
0x32: {  	s16 =	ssub.s32 @!p1 $0x3E8, s16;
	p2 =	por !p2, p1;
	s18 =	simm.s32 @!p3 $0x0  }
0x33: {  	s21 =	smov.u32 s14;
	s16 =	simm.s32 @!p2 $0x0;
	s20 =	sadd.s32 s18, s13  }
0x34: {  	s16 =	smul.u32 @!p1 s16, s17;
	s17 =	sadd.s32 $0x1000, s14;
	p2 =	sgt.s32 s20, $0x7  }
0x35: {  	p0 =	por !p0, !p0;
	s22 =	simm.s32 @!p1 $0x2;
	s21 =	smov.u32 @p2 s17  }
0x36: {  	s19 =	simm.s32 @p3 $0x0;
	s20 =	simm.s32 @p2 $0x0;
	p2 =	sgt.s32 s21, $0xFFF  }
0x37: {  	s18 =	smov.u32 s10;
	s21 =	smov.u32 @p2 s2;
	p2 =	sne.s32 s15, s7  }
.Ltmp1:
0x38: {  	s10 =	smov.u32 s13;
	s16 =	sand.u32 @!p1 $0x3FFFFFFF, s16;
	(pc) =	sbr.rel @!p2 .LBB1_6-.Ltmp1, $4  }
0x39: {  	s17 =	smov.u32 s11;
	s11 =	smov.u32 s14;
	_ =	swait.ge @!p1 [sflag:s22], s16  }
0x3a: {  	s23 =	ssub.s32 @!p1 $0x0, s16;
	s16 =	smov.u32 s9;
	s9 =	smov.u32 s12  }
0x3b: {  	s12 =	smov.u32 s19;
	s13 =	smov.u32 s20;
	[sflag:s22] =	ssyncset.done @!p1 $0x0  }
0x3c: {  	s15 =	sadd.s32 $0x1, s15;
	[sflag:s22] =	ssyncadd.s32 @!p1 s23;
	s14 =	smov.u32 s21  }
.LBB1_1:
0x3d: {  	p1 =	sge.u32 s15, s6  }
0x3e: {  	s31 =	sadd.s32 $0xFFFFFFFF, s15;
	s19 =	sxor.u32 @!p1 $0xFFFFFFFF, s15;
	s20 =	sshll.u32 @!p1 s13, $0x7  }
0x3f: {  	s21 =	sand.u32 @!p1 $0x78, s12;
	s22 =	sshll.u32 @!p1 s14, $0xA;
	s20 =	sand.u32 @!p1 $0x380, s20  }
0x40: {  	s22 =	sadd.s32 @!p1 s5, s22;
	s20 =	sor.u32 @!p1 s21, s20;
	s21 =	sand.u32 @!p1 $0x380, s12  }
0x41: {  	s19 =	sshll.u32 @!p1 s19, $0xE;
	s21 =	sadd.s32 @!p1 s21, s22;
	s22 =	sand.u32 @!p1 $0x7, s12  }
0x42: {  	s19 =	sand.u32 @!p1 $0x4000, s19;
	s20 =	sshrl.u32 @!p1 s20, $0x3;
	s22 =	sshll.u32 @!p1 s22, $0x12  }
0x43: {  	s20 =	sadd.s32 @!p1 s20, s21;
	s21 =	sor.u32 @!p1 $0x80, s22;
	s22 =	simm.s32 @!p1 $0x2000  }
0x44: {  	[tilespmem:s19], [sflag:$0x1] =	stream.strided.gather @!p1 [hbm4b:s20+s21], $0x4000, s22, s21, $0x38;
	[tilespmem:$0x10100] =	vst v63  }
0x45: {  	p1 =	sge.u32 s31, s6  }
.Ltmp2:
0x46: {  	_ = 	snop;
	(pc) =	sbr.rel @p1 .LBB1_5-.Ltmp2, $1  }
0x47: {  	_ =	sdelay $0x3  }
0x48: {  	s19 =	simm.s32 $0x1  }
0x49: {  	_ =	swait.ge [sflag:s4], $0x4000;
	s19 =	simm.s32 @!p0 $0x0  }
0x4a: {  	[sflag:s4] =	ssyncset.done $0x0;
	s20 =	sshll.u32 s19, $0xE  }
0x4b: {  	[sflag:s4] =	ssyncadd.s32 $0xFFFFC000;
	s20 =	sor.u32 $0x40, s20  }
0x4c: {  	s19 =	smul.u32 $0x10200, s19;
	v0 =	vld [tilespmem:s20+$0x30]  }
0x4d: {  	v1 =	vld [tilespmem:s20+$0xFFFFFFD0]  }
0x4e: {  	s19 =	sshrl.u32 s19, $0x2;
	v5 =	vld [tilespmem:s20+$0xFFFFFFE0]  }
0x4f: {  	v6 =	vld [tilespmem:s20+$0xFFFFFFF0];
	s22 =	sor.u32 $0x8000, s19  }
0x50: {  	s31 =	sand.u32 $0x1, s15;
	v4 =	vld [tilespmem:s20+$0x0];
	s21 =	sadd.s32 $0x0, s22  }
0x51: {  	v3 =	vld [tilespmem:s20+$0x10];
	s19 =	smul.u32 $0x10200, s31;
	[tilespmem:s21+$0x3870 ss:$0x81] =	vst.msk $0xffff, v0  }
0x52: {  	v2 =	vld [tilespmem:s20+$0x20];
	[tilespmem:s21+$0x810 ss:$0x81] =	vst.msk $0xffff, v1  }
0x53: {  	s19 =	sshrl.u32 s19, $0x2;
	v1 =	vld [tilespmem:s20+$0xFFFFFFC0];
	[tilespmem:s21+$0x1020 ss:$0x81] =	vst.msk $0xffff, v5;
	s20 =	sadd.s32 $0x80, s20  }
0x54: {  	s23 =	simm.s32 $0x4;
	s24 =	simm.s32 $0x8;
	s19 =	sor.u32 $0x8000, s19;
	[tilespmem:s21+$0x1830 ss:$0x81] =	vst.msk $0xffff, v6;
	v0 =	vld [tilespmem:s20+$0x30]  }
.LBB1_3:
0x55: {  	p1 =	sne.s32 s24, $0x1FC;
	v5 =	vld [tilespmem:s20+$0xFFFFFFD0];
	[tilespmem:s21+$0x2040 ss:$0x81] =	vst.msk $0xffff, v4  }
0x56: {  	v6 =	vld [tilespmem:s20+$0xFFFFFFE0];
	[tilespmem:s21+$0x2850 ss:$0x81] =	vst.msk $0xffff, v3  }
0x57: {  	s25 =	sshra.s32 s23, $0x2;
	s23 =	smov.u32 s24;
	v7 =	vld [tilespmem:s20+$0xFFFFFFF0];
	[tilespmem:s21+$0x3060 ss:$0x81] =	vst.msk $0xffff, v2  }
.Ltmp3:
0x58: {  	v4 =	vld [tilespmem:s20+$0x0];
	[tilespmem:s21+$0x0 ss:$0x81] =	vst.msk $0xffff, v1;
	s21 =	sadd.s32 s25, s22;
	(pc) =	sbr.rel @p1 .LBB1_3-.Ltmp3, $4  }
0x59: {  	v3 =	vld [tilespmem:s20+$0x10];
	[tilespmem:s21+$0x3870 ss:$0x81] =	vst.msk $0xffff, v0  }
0x5a: {  	[tilespmem:s21+$0x810 ss:$0x81] =	vst.msk $0xffff, v5;
	v2 =	vld [tilespmem:s20+$0x20]  }
0x5b: {  	v1 =	vld [tilespmem:s20+$0xFFFFFFC0];
	[tilespmem:s21+$0x1020 ss:$0x81] =	vst.msk $0xffff, v6;
	s20 =	sadd.s32 $0x80, s20  }
0x5c: {  	s24 =	sadd.s32 $0x4, s24;
	v0 =	vld [tilespmem:s20+$0x30];
	[tilespmem:s21+$0x1830 ss:$0x81] =	vst.msk $0xffff, v7  }
.Ltmp4:
0x5d: {  	_ = 	snop;
	(pc) =	sbr.rel .LBB1_4-.Ltmp4, $1  }
0x5e: {  	_ =	sdelay $0x3  }
.LBB1_6:
0x5f: {  	_ =	sfence.sel $0x180000  }
0x60: {  	s2 =	simm.s32 $0x1;
	[bflag:$0x0] =	sbarrier.arrive $0xFFFF  }
0x61: {  	s31 =	simm.s32 $0x2;
	[sflag:s2] =	ssyncpa.u1 $0x1  }
0x62: {  	[sflag:s31] =	ssyncpa.u1 $0x1  }
0x63: {  	p0 =	sne.s32 s0, $0x0;
	_ =	strace $0x9000004A  }
0x64: {  	s0 =	sadd.s32 @!p0 $0x100000, s1;
	[bflag:$0x2] =	sbarrier.arrive $0xFFFF  }
0x65: {  	[sflag:s0] =	ssyncadd.tile.s32 @!p0 $0x1;
	_ =	shalt  }
.Lfunc_end1:
_tile_overlayer_lowered:
.L_overlay_start_2:
0x66: {  	(tag) =	ssettag $0x2  }
0x67: {  	s0 =	rddreg [dreg:$0x0];
	s2 =	stileid.u32  }
0x68: {  	s1 =	rddreg [dreg:$0x1];
	p0 =	sne.s32 s2, $0x0  }
0x69: {  	s3 =	rddreg [dreg:$0x2];
	[bflag:$0x3] =	sbarrier.arrive $0xFFFF;
	s2 =	simm.s32 @!p0 $0x1C01  }
0x6a: {  	[timem:s3], [sflag:s2] =	dma.local @!p0 [hbm:s0], s1  }
0x6b: {  	s0 =	simm.s32 @!p0 $0x1  }
0x6c: {  	_ =	swait.ge @!p0 [sflag:s0], s1  }
0x6d: {  	s1 =	ssub.s32 @!p0 $0x0, s1;
	[sflag:s0] =	ssyncset.done @!p0 $0x0  }
0x6e: {  	[sflag:s0] =	ssyncadd.s32 @!p0 s1  }
0x6f: {  	[bflag:$0x3] =	sbarrier.arrive $0xFFFF  }
0x70: {  	_ =	shalt  }

</sc_bundles>
